<compile_context>
chip_gen: v7x
topology: tpu7x:2x2x1
jax: 0.10.2.dev20260603
libtpu: 0.0.44.dev20260713+nightly
codegen_flags: <defaults>
</compile_context>

<pallas_src>
import functools

import jax
import jax.numpy as jnp
from jax import lax
from jax.experimental import pallas as pl
from jax.experimental.pallas import tpu as pltpu
from jax.experimental.pallas import tpu_sc as plsc

N = 10000
E = 320000
DF = 128
G = 64
A_OUT = 32

NC, NS = 2, 16
NW = NC * NS
CB = 128
NBUF = 8
CH = 80
EP = NW * CH * CB
NP = 10240
RPT = NP // NS
DEGW = 8



def _make_edge_scatter(width):
    mesh = plsc.VectorSubcoreMesh(core_axis_name="c", subcore_axis_name="s")

    @functools.partial(
        pl.kernel,
        out_type=jax.ShapeDtypeStruct((NC, NP, width), jnp.float32),
        mesh=mesh,
        compiler_params=pltpu.CompilerParams(use_tc_tiling_on_sc=False),
        scratch_types=(
            [pltpu.VMEM((CH, CB), jnp.int32),
             pltpu.VMEM((CH, CB), jnp.int32),
             pltpu.VMEM_SHARED((NP, width), jnp.float32)]
            + [pltpu.VMEM((CB, width), jnp.float32) for _ in range(NBUF)]
            + [pltpu.SemaphoreType.DMA for _ in range(2 * NBUF)]
        ),
    )
    def scat(table_hbm, src_hbm, dst_hbm, zeros_hbm, out_hbm,
             sidx, didx, acc, *bufs_and_sems):
        rows = bufs_and_sems[:NBUF]
        gsem = bufs_and_sems[NBUF:2 * NBUF]
        ssem = bufs_and_sems[2 * NBUF:]
        c = lax.axis_index("c")
        s = lax.axis_index("s")
        wid = c * NS + s
        d0 = pltpu.async_copy(src_hbm.at[wid], sidx, gsem[0])
        d1 = pltpu.async_copy(dst_hbm.at[wid], didx, gsem[1])
        d2 = pltpu.async_copy(zeros_hbm.at[pl.ds(s * RPT, RPT)],
                              acc.at[pl.ds(s * RPT, RPT)], gsem[2])
        d0.wait()
        d1.wait()
        d2.wait()
        plsc.subcore_barrier()

        for b in range(NBUF):
            pltpu.async_copy(table_hbm.at[sidx.at[b]], rows[b], gsem[b])

        def body(t, carry):
            for b in range(NBUF):
                j = t * NBUF + b
                pltpu.make_async_copy(
                    table_hbm.at[sidx.at[j]], rows[b], gsem[b]).wait()
                pltpu.async_copy(rows[b], acc.at[didx.at[j]], ssem[b],
                                 add=True)
            for b in range(NBUF):
                j = t * NBUF + b
                pltpu.make_async_copy(
                    rows[b], acc.at[didx.at[j]], ssem[b]).wait()

                @pl.when(j + NBUF < CH)
                def _():
                    pltpu.async_copy(
                        table_hbm.at[sidx.at[j + NBUF]], rows[b], gsem[b])
            return carry

        lax.fori_loop(0, CH // NBUF, body, 0)
        plsc.subcore_barrier()
        pltpu.sync_copy(acc.at[pl.ds(s * RPT, RPT)],
                        out_hbm.at[c, pl.ds(s * RPT, RPT)])

    return scat


_scat16 = _make_edge_scatter(16)
_scat64 = _make_edge_scatter(64)
_scat32 = _make_edge_scatter(32)


def _make_deg_kernel():
    mesh = plsc.VectorSubcoreMesh(core_axis_name="c", subcore_axis_name="s")

    @functools.partial(
        pl.kernel,
        out_type=jax.ShapeDtypeStruct((NC, NP, DEGW), jnp.float32),
        mesh=mesh,
        compiler_params=pltpu.CompilerParams(use_tc_tiling_on_sc=False),
        scratch_types=[
            pltpu.VMEM((CH, CB), jnp.int32),
            pltpu.VMEM((CB, DEGW), jnp.float32),
            pltpu.VMEM_SHARED((NP, DEGW), jnp.float32),
            pltpu.SemaphoreType.DMA,
        ],
    )
    def degk(dst_hbm, ones_hbm, zeros_hbm, out_hbm, didx, ones_v, acc, sem):
        c = lax.axis_index("c")
        s = lax.axis_index("s")
        wid = c * NS + s
        d0 = pltpu.async_copy(dst_hbm.at[wid], didx, sem)
        pltpu.sync_copy(ones_hbm, ones_v)
        pltpu.sync_copy(zeros_hbm.at[pl.ds(s * RPT, RPT)],
                        acc.at[pl.ds(s * RPT, RPT)])
        d0.wait()
        plsc.subcore_barrier()

        def body(t, carry):
            for b in range(8):
                pltpu.async_copy(ones_v, acc.at[didx.at[t * 8 + b]], sem,
                                 add=True)
            for b in range(8):
                pltpu.make_async_copy(ones_v, acc.at[didx.at[t * 8 + b]],
                                      sem).wait()
            return carry

        lax.fori_loop(0, CH // 8, body, 0)
        plsc.subcore_barrier()
        pltpu.sync_copy(acc.at[pl.ds(s * RPT, RPT)],
                        out_hbm.at[c, pl.ds(s * RPT, RPT)])

    return degk


_degk = _make_deg_kernel()



BN = 2048
NBLK = NP // BN


def _tc1(xp, w1, degp):
    def body(x_ref, w_ref, d_ref, m_ref, dinv_ref):
        deg = d_ref[0][:, 0:1] + d_ref[1][:, 0:1] + 1.0
        dinv = lax.rsqrt(jnp.maximum(deg, 1.0))
        hw = jnp.dot(x_ref[...], w_ref[...], preferred_element_type=jnp.float32)
        m_ref[...] = dinv * hw
        dinv_ref[...] = dinv

    return pl.pallas_call(
        body,
        grid=(NBLK,),
        in_specs=[pl.BlockSpec((BN, DF), lambda i: (i, 0)),
                  pl.BlockSpec((DF, 16), lambda i: (0, 0)),
                  pl.BlockSpec((NC, BN, DEGW), lambda i: (0, i, 0))],
        out_specs=(pl.BlockSpec((BN, 16), lambda i: (i, 0)),
                   pl.BlockSpec((BN, 1), lambda i: (i, 0))),
        out_shape=(jax.ShapeDtypeStruct((NP, 16), jnp.float32),
                   jax.ShapeDtypeStruct((NP, 1), jnp.float32)),
    )(xp, w1, degp)


def _tc_mid(s_part, m, dinv, b, w_next, width, width_next):
    def body(s_ref, m_ref, dinv_ref, b_ref, w_ref, o_ref):
        h = dinv_ref[...] * (s_ref[0] + s_ref[1] + m_ref[...]) + b_ref[...]
        h = jnp.maximum(h, 0.0)
        o_ref[...] = dinv_ref[...] * jnp.dot(
            h, w_ref[...], preferred_element_type=jnp.float32)

    return pl.pallas_call(
        body,
        grid=(NBLK,),
        in_specs=[pl.BlockSpec((NC, BN, width), lambda i: (0, i, 0)),
                  pl.BlockSpec((BN, width), lambda i: (i, 0)),
                  pl.BlockSpec((BN, 1), lambda i: (i, 0)),
                  pl.BlockSpec((1, width), lambda i: (0, 0)),
                  pl.BlockSpec((width, width_next), lambda i: (0, 0))],
        out_specs=pl.BlockSpec((BN, width_next), lambda i: (i, 0)),
        out_shape=jax.ShapeDtypeStruct((NP, width_next), jnp.float32),
    )(s_part, m, dinv, b, w_next)


def _tc_tail(s_part, m, dinv, b, batch_row, wa1, ba1, wa2, ba2):
    def body(s_ref, m_ref, dinv_ref, b_ref, batch_ref,
             wa1_ref, ba1_ref, wa2_ref, ba2_ref, o_ref, sums, cnt):
        i = pl.program_id(0)
        h3 = dinv_ref[...] * (s_ref[0] + s_ref[1] + m_ref[...]) + b_ref[...]
        iota = lax.broadcasted_iota(jnp.int32, (G, BN), 0)
        mask_t = (iota == batch_ref[...]).astype(jnp.float32)
        p_sums = jnp.dot(mask_t, h3, preferred_element_type=jnp.float32)
        p_cnt = jnp.sum(mask_t, axis=1, keepdims=True)

        @pl.when(i == 0)
        def _():
            sums[...] = p_sums
            cnt[...] = p_cnt

        @pl.when(i > 0)
        def _():
            sums[...] += p_sums
            cnt[...] += p_cnt

        @pl.when(i == NBLK - 1)
        def _():
            pooled = sums[...] / jnp.maximum(cnt[...], 1.0)
            a = jnp.dot(pooled, wa1_ref[...],
                        preferred_element_type=jnp.float32)
            a = jnp.maximum(a + ba1_ref[...], 0.0)
            a = jnp.dot(a, wa2_ref[...], preferred_element_type=jnp.float32)
            o_ref[...] = jnp.tanh(a + ba2_ref[...])

    return pl.pallas_call(
        body,
        grid=(NBLK,),
        in_specs=[pl.BlockSpec((NC, BN, A_OUT), lambda i: (0, i, 0)),
                  pl.BlockSpec((BN, A_OUT), lambda i: (i, 0)),
                  pl.BlockSpec((BN, 1), lambda i: (i, 0)),
                  pl.BlockSpec((1, A_OUT), lambda i: (0, 0)),
                  pl.BlockSpec((1, BN), lambda i: (0, i)),
                  pl.BlockSpec((A_OUT, G), lambda i: (0, 0)),
                  pl.BlockSpec((1, G), lambda i: (0, 0)),
                  pl.BlockSpec((G, A_OUT), lambda i: (0, 0)),
                  pl.BlockSpec((1, A_OUT), lambda i: (0, 0))],
        out_specs=pl.BlockSpec((G, A_OUT), lambda i: (0, 0)),
        out_shape=jax.ShapeDtypeStruct((G, A_OUT), jnp.float32),
        scratch_shapes=[pltpu.VMEM((G, A_OUT), jnp.float32),
                        pltpu.VMEM((G, 1), jnp.float32)],
    )(s_part, m, dinv, b, batch_row, wa1, ba1, wa2, ba2)



def kernel(x, edge_index, batch, W1, b1, W2, b2, W3, b3, Wa1, ba1, Wa2, ba2):
    src = edge_index[0]
    dst = edge_index[1]
    pad = EP - E
    ar = jnp.arange(pad, dtype=jnp.int32)
    srcp = jnp.concatenate([src, ar % N]).reshape(NW, CH, CB)
    dstp = jnp.concatenate([dst, N + ar % (NP - N)]).reshape(NW, CH, CB)
    xp = jnp.zeros((NP, DF), jnp.float32).at[:N].set(x)
    batch_row = jnp.full((1, NP), G, jnp.int32).at[0, :N].set(batch)

    ones_deg = jnp.ones((CB, DEGW), jnp.float32)
    zdeg = jnp.zeros((NP, DEGW), jnp.float32)
    z16 = jnp.zeros((NP, 16), jnp.float32)
    z32 = jnp.zeros((NP, 32), jnp.float32)
    z64 = jnp.zeros((NP, 64), jnp.float32)

    degp = _degk(dstp, ones_deg, zdeg)
    m1, dinv = _tc1(xp, W1, degp)
    s1 = _scat16(m1, srcp, dstp, z16)
    m2 = _tc_mid(s1, m1, dinv, b1.reshape(1, 16), W2, 16, 64)
    s2 = _scat64(m2, srcp, dstp, z64)
    m3 = _tc_mid(s2, m2, dinv, b2.reshape(1, 64), W3, 64, 32)
    s3 = _scat32(m3, srcp, dstp, z32)
    return _tc_tail(s3, m3, dinv, b3.reshape(1, 32), batch_row,
                    Wa1, ba1.reshape(1, 64), Wa2, ba2.reshape(1, A_OUT))

# --- scband reference (transcript-rebuilt; emitter-appended) ---
"""Pipeline reference for scband-actor-gnn-4715874091890 (READ-ONLY COPY).

The authoritative reference and input builder live on the scoring server;
editing this copy changes nothing except your own understanding.
"""

import jax, jax.numpy as jnp
import numpy as np

N = 10000
E = 320000
DF = 128
G = 64
A = 32


def _fanin(key, shape, fanin=None):
    fanin = fanin or shape[0]
    v = 1.0 / np.sqrt(fanin)
    return jax.random.uniform(key, shape, dtype=jnp.float32, minval=-v, maxval=v)


def setup_inputs(seed: int = 0) -> dict:
    key = jax.random.key(seed)
    ks = jax.random.split(key, 16)
    x = jax.random.normal(ks[0], (N, DF), dtype=jnp.float32)
    edge_index = jax.random.randint(ks[1], (2, E), 0, N, dtype=jnp.int32)
    batch = jnp.sort(jax.random.randint(ks[2], (N,), 0, G, dtype=jnp.int32))
    W1 = _fanin(ks[3], (DF, 16))
    b1 = jnp.zeros((16,), jnp.float32)
    W2 = _fanin(ks[4], (16, 64))
    b2 = jnp.zeros((64,), jnp.float32)
    W3 = _fanin(ks[5], (64, 32))
    b3 = jnp.zeros((32,), jnp.float32)
    Wa1 = _fanin(ks[6], (32, 64))
    ba1 = jnp.zeros((64,), jnp.float32)
    Wa2 = jax.random.uniform(ks[7], (64, A), dtype=jnp.float32, minval=-0.003, maxval=0.003)
    ba2 = jnp.zeros((A,), jnp.float32)
    return {"x": x, "edge_index": edge_index, "batch": batch,
            "W1": W1, "b1": b1, "W2": W2, "b2": b2, "W3": W3, "b3": b3,
            "Wa1": Wa1, "ba1": ba1, "Wa2": Wa2, "ba2": ba2}


def reference(x, edge_index, batch, W1, b1, W2, b2, W3, b3, Wa1, ba1, Wa2, ba2):
    src = edge_index[0]
    dst = edge_index[1]
    loop = jnp.arange(N, dtype=src.dtype)
    s = jnp.concatenate([src, loop])
    d = jnp.concatenate([dst, loop])
    # GCN symmetric normalization with self-loops (PyG GCNConv semantics)
    deg = jnp.zeros((N,), jnp.float32).at[d].add(1.0)
    dinv = jax.lax.rsqrt(jnp.maximum(deg, 1.0))
    norm = dinv[s] * dinv[d]

    def gcn(h, W, b):
        hw = h @ W
        out = jnp.zeros((N, W.shape[1]), hw.dtype).at[d].add(norm[:, None] * hw[s])
        return out + b

    h = jax.nn.relu(gcn(x, W1, b1))
    # dropout is identity in eval mode
    h = jax.nn.relu(gcn(h, W2, b2))
    h = gcn(h, W3, b3)
    sums = jax.ops.segment_sum(h, batch, num_segments=G)
    cnt = jax.ops.segment_sum(jnp.ones((N, 1), h.dtype), batch, num_segments=G)
    pooled = sums / jnp.maximum(cnt, 1.0)
    a = jax.nn.relu(pooled @ Wa1 + ba1)
    a = jnp.tanh(a @ Wa2 + ba2)
    return a

if __name__ == "__main__":
    import jax
    _d = setup_inputs()
    print(jax.jit(kernel)(*tuple(_d.values())))

</pallas_src>

<mosaic_0001>
#map = affine_map<(d0, d1) -> (0, 0)>
#map1 = affine_map<(d0, d1) -> (0, 0, 0)>
module attributes {stable_mosaic.version = 14 : i64} {
  func.func @scat(%arg0: i32, %arg1: i32, %arg2: memref<10240x16xf32, #tpu.memory_space<hbm>>, %arg3: memref<32x80x128xi32, #tpu.memory_space<hbm>>, %arg4: memref<32x80x128xi32, #tpu.memory_space<hbm>>, %arg5: memref<10240x16xf32, #tpu.memory_space<hbm>>, %arg6: memref<2x10240x16xf32, #tpu.memory_space<hbm>>, %arg7: memref<80x128xi32, #tpu.memory_space<vmem>>, %arg8: memref<80x128xi32, #tpu.memory_space<vmem>>, %arg9: memref<10240x16xf32, #tpu.memory_space<vmem_shared>>, %arg10: memref<128x16xf32, #tpu.memory_space<vmem>>, %arg11: memref<128x16xf32, #tpu.memory_space<vmem>>, %arg12: memref<128x16xf32, #tpu.memory_space<vmem>>, %arg13: memref<128x16xf32, #tpu.memory_space<vmem>>, %arg14: memref<128x16xf32, #tpu.memory_space<vmem>>, %arg15: memref<128x16xf32, #tpu.memory_space<vmem>>, %arg16: memref<128x16xf32, #tpu.memory_space<vmem>>, %arg17: memref<128x16xf32, #tpu.memory_space<vmem>>, %arg18: memref<!tpu.dma_semaphore, #tpu.memory_space<semaphore_mem>>, %arg19: memref<!tpu.dma_semaphore, #tpu.memory_space<semaphore_mem>>, %arg20: memref<!tpu.dma_semaphore, #tpu.memory_space<semaphore_mem>>, %arg21: memref<!tpu.dma_semaphore, #tpu.memory_space<semaphore_mem>>, %arg22: memref<!tpu.dma_semaphore, #tpu.memory_space<semaphore_mem>>, %arg23: memref<!tpu.dma_semaphore, #tpu.memory_space<semaphore_mem>>, %arg24: memref<!tpu.dma_semaphore, #tpu.memory_space<semaphore_mem>>, %arg25: memref<!tpu.dma_semaphore, #tpu.memory_space<semaphore_mem>>, %arg26: memref<!tpu.dma_semaphore, #tpu.memory_space<semaphore_mem>>, %arg27: memref<!tpu.dma_semaphore, #tpu.memory_space<semaphore_mem>>, %arg28: memref<!tpu.dma_semaphore, #tpu.memory_space<semaphore_mem>>, %arg29: memref<!tpu.dma_semaphore, #tpu.memory_space<semaphore_mem>>, %arg30: memref<!tpu.dma_semaphore, #tpu.memory_space<semaphore_mem>>, %arg31: memref<!tpu.dma_semaphore, #tpu.memory_space<semaphore_mem>>, %arg32: memref<!tpu.dma_semaphore, #tpu.memory_space<semaphore_mem>>, %arg33: memref<!tpu.dma_semaphore, #tpu.memory_space<semaphore_mem>>) attributes {dimension_semantics = [#tpu.dimension_semantics<core_parallel>, #tpu.dimension_semantics<subcore_parallel>], iteration_bounds = array<i64: 2, 16>, scalar_prefetch = 0 : i64, scratch_operands = 27 : i64, tpu.core_type = #tpu.core_type<sc_vector_subcore>, window_params = [{transform_indices = #map}, {transform_indices = #map1}, {transform_indices = #map1}, {transform_indices = #map}, {transform_indices = #map1}]} {
    %mul3A = arith.constant 16 : i32
    %mul3A_0 = arith.muli %arg0, %mul3A : i32
    %add3A = arith.addi %mul3A_0, %arg1 : i32
    %dma_start3A = arith.constant 0 : i32
    %dma_start3A_1 = arith.constant 0 : i32
    %dma_start3A_2 = tpu.memref_slice %arg3[%add3A, %dma_start3A, %dma_start3A_1] : memref<32x80x128xi32, #tpu.memory_space<hbm>> -> memref<1x80x128xi32, #tpu.memory_space<hbm>>
    %dma_start3A_3 = tpu.memref_squeeze %dma_start3A_2 : memref<1x80x128xi32, #tpu.memory_space<hbm>> -> memref<80x128xi32, #tpu.memory_space<hbm>>
    %dma_start3A_4 = arith.constant 0 : i32
    %dma_start3A_5 = arith.constant 0 : i32
    %dma_start3A_6 = tpu.memref_slice %arg3[%add3A, %dma_start3A_4, %dma_start3A_5] : memref<32x80x128xi32, #tpu.memory_space<hbm>> -> memref<1x80x128xi32, #tpu.memory_space<hbm>>
    %dma_start3A_7 = tpu.memref_squeeze %dma_start3A_6 : memref<1x80x128xi32, #tpu.memory_space<hbm>> -> memref<80x128xi32, #tpu.memory_space<hbm>>
    tpu.enqueue_dma source(%dma_start3A_7 : memref<80x128xi32, #tpu.memory_space<hbm>>) target(%arg7 : memref<80x128xi32, #tpu.memory_space<vmem>>) target_semaphore(%arg18 : memref<!tpu.dma_semaphore, #tpu.memory_space<semaphore_mem>>)
    %dma_start3A_8 = arith.constant 0 : i32
    %dma_start3A_9 = arith.constant 0 : i32
    %dma_start3A_10 = tpu.memref_slice %arg4[%add3A, %dma_start3A_8, %dma_start3A_9] : memref<32x80x128xi32, #tpu.memory_space<hbm>> -> memref<1x80x128xi32, #tpu.memory_space<hbm>>
    %dma_start3A_11 = tpu.memref_squeeze %dma_start3A_10 : memref<1x80x128xi32, #tpu.memory_space<hbm>> -> memref<80x128xi32, #tpu.memory_space<hbm>>
    %dma_start3A_12 = arith.constant 0 : i32
    %dma_start3A_13 = arith.constant 0 : i32
    %dma_start3A_14 = tpu.memref_slice %arg4[%add3A, %dma_start3A_12, %dma_start3A_13] : memref<32x80x128xi32, #tpu.memory_space<hbm>> -> memref<1x80x128xi32, #tpu.memory_space<hbm>>
    %dma_start3A_15 = tpu.memref_squeeze %dma_start3A_14 : memref<1x80x128xi32, #tpu.memory_space<hbm>> -> memref<80x128xi32, #tpu.memory_space<hbm>>
    tpu.enqueue_dma source(%dma_start3A_15 : memref<80x128xi32, #tpu.memory_space<hbm>>) target(%arg8 : memref<80x128xi32, #tpu.memory_space<vmem>>) target_semaphore(%arg19 : memref<!tpu.dma_semaphore, #tpu.memory_space<semaphore_mem>>)
    %mul3A_16 = arith.constant 640 : i32
    %mul3A_17 = arith.muli %arg1, %mul3A_16 : i32
    %mul3A_18 = arith.constant 640 : i32
    %mul3A_19 = arith.muli %arg1, %mul3A_18 : i32
    %dma_start3A_20 = arith.constant 0 : i32
    %dma_start3A_21 = tpu.memref_slice %arg9[%mul3A_19, %dma_start3A_20] : memref<10240x16xf32, #tpu.memory_space<vmem_shared>> -> memref<640x16xf32, #tpu.memory_space<vmem_shared>>
    %dma_start3A_22 = arith.constant 0 : i32
    %dma_start3A_23 = tpu.memref_slice %arg5[%mul3A_17, %dma_start3A_22] : memref<10240x16xf32, #tpu.memory_space<hbm>> -> memref<640x16xf32, #tpu.memory_space<hbm>>
    tpu.enqueue_dma source(%dma_start3A_23 : memref<640x16xf32, #tpu.memory_space<hbm>>) target(%dma_start3A_21 : memref<640x16xf32, #tpu.memory_space<vmem_shared>>) target_semaphore(%arg20 : memref<!tpu.dma_semaphore, #tpu.memory_space<semaphore_mem>>)
    %dma_wait3A = arith.constant 0 : i32
    %dma_wait3A_24 = arith.constant 0 : i32
    %dma_wait3A_25 = tpu.memref_slice %arg3[%add3A, %dma_wait3A, %dma_wait3A_24] : memref<32x80x128xi32, #tpu.memory_space<hbm>> -> memref<1x80x128xi32, #tpu.memory_space<hbm>>
    %dma_wait3A_26 = tpu.memref_squeeze %dma_wait3A_25 : memref<1x80x128xi32, #tpu.memory_space<hbm>> -> memref<80x128xi32, #tpu.memory_space<hbm>>
    %dma_wait3A_27 = arith.constant 0 : i32
    %dma_wait3A_28 = arith.constant 0 : i32
    %dma_wait3A_29 = tpu.memref_slice %arg3[%add3A, %dma_wait3A_27, %dma_wait3A_28] : memref<32x80x128xi32, #tpu.memory_space<hbm>> -> memref<1x80x128xi32, #tpu.memory_space<hbm>>
    %dma_wait3A_30 = tpu.memref_squeeze %dma_wait3A_29 : memref<1x80x128xi32, #tpu.memory_space<hbm>> -> memref<80x128xi32, #tpu.memory_space<hbm>>
    tpu.wait_dma2 semaphore(%arg18 : memref<!tpu.dma_semaphore, #tpu.memory_space<semaphore_mem>>) src(%dma_wait3A_30 : memref<80x128xi32, #tpu.memory_space<hbm>>) dst(%arg7 : memref<80x128xi32, #tpu.memory_space<vmem>>)
    %dma_wait3A_31 = arith.constant 0 : i32
    %dma_wait3A_32 = arith.constant 0 : i32
    %dma_wait3A_33 = tpu.memref_slice %arg4[%add3A, %dma_wait3A_31, %dma_wait3A_32] : memref<32x80x128xi32, #tpu.memory_space<hbm>> -> memref<1x80x128xi32, #tpu.memory_space<hbm>>
    %dma_wait3A_34 = tpu.memref_squeeze %dma_wait3A_33 : memref<1x80x128xi32, #tpu.memory_space<hbm>> -> memref<80x128xi32, #tpu.memory_space<hbm>>
    %dma_wait3A_35 = arith.constant 0 : i32
    %dma_wait3A_36 = arith.constant 0 : i32
    %dma_wait3A_37 = tpu.memref_slice %arg4[%add3A, %dma_wait3A_35, %dma_wait3A_36] : memref<32x80x128xi32, #tpu.memory_space<hbm>> -> memref<1x80x128xi32, #tpu.memory_space<hbm>>
    %dma_wait3A_38 = tpu.memref_squeeze %dma_wait3A_37 : memref<1x80x128xi32, #tpu.memory_space<hbm>> -> memref<80x128xi32, #tpu.memory_space<hbm>>
    tpu.wait_dma2 semaphore(%arg19 : memref<!tpu.dma_semaphore, #tpu.memory_space<semaphore_mem>>) src(%dma_wait3A_38 : memref<80x128xi32, #tpu.memory_space<hbm>>) dst(%arg8 : memref<80x128xi32, #tpu.memory_space<vmem>>)
    %dma_wait3A_39 = arith.constant 0 : i32
    %dma_wait3A_40 = tpu.memref_slice %arg9[%mul3A_19, %dma_wait3A_39] : memref<10240x16xf32, #tpu.memory_space<vmem_shared>> -> memref<640x16xf32, #tpu.memory_space<vmem_shared>>
    %dma_wait3A_41 = arith.constant 0 : i32
    %dma_wait3A_42 = tpu.memref_slice %arg5[%mul3A_17, %dma_wait3A_41] : memref<10240x16xf32, #tpu.memory_space<hbm>> -> memref<640x16xf32, #tpu.memory_space<hbm>>
    tpu.wait_dma2 semaphore(%arg20 : memref<!tpu.dma_semaphore, #tpu.memory_space<semaphore_mem>>) src(%dma_wait3A_42 : memref<640x16xf32, #tpu.memory_space<hbm>>) dst(%dma_wait3A_40 : memref<640x16xf32, #tpu.memory_space<vmem_shared>>)
    %barrier3A = arith.constant 0 : index
    tpu.barrier barrier_id(%barrier3A)
    %dma_start3A_43 = arith.constant 0 : i32
    %dma_start3A_44 = arith.constant 0 : i32
    %dma_start3A_45 = tpu.memref_slice %arg7[%dma_start3A_43, %dma_start3A_44] : memref<80x128xi32, #tpu.memory_space<vmem>> -> memref<1x128xi32, #tpu.memory_space<vmem>>
    %dma_start3A_46 = tpu.memref_squeeze %dma_start3A_45 : memref<1x128xi32, #tpu.memory_space<vmem>> -> memref<128xi32, #tpu.memory_space<vmem>>
    %dma_start3A_47 = arith.constant 0 : i32
    %dma_start3A_48 = arith.constant 0 : i32
    %dma_start3A_49 = tpu.memref_slice %arg2[%dma_start3A_47, %dma_start3A_48] : memref<10240x16xf32, #tpu.memory_space<hbm>> -> memref<10240x16xf32, #tpu.memory_space<hbm>>
    tpu.enqueue_indirect_dma source(%dma_start3A_49 : memref<10240x16xf32, #tpu.memory_space<hbm>>) target(%arg10 : memref<128x16xf32, #tpu.memory_space<vmem>>) offsets(%dma_start3A_46 : memref<128xi32, #tpu.memory_space<vmem>>) semaphore(%arg18 : memref<!tpu.dma_semaphore, #tpu.memory_space<semaphore_mem>>)
    %dma_start3A_50 = arith.constant 1 : i32
    %dma_start3A_51 = arith.constant 0 : i32
    %dma_start3A_52 = tpu.memref_slice %arg7[%dma_start3A_50, %dma_start3A_51] : memref<80x128xi32, #tpu.memory_space<vmem>> -> memref<1x128xi32, #tpu.memory_space<vmem>>
    %dma_start3A_53 = tpu.memref_squeeze %dma_start3A_52 : memref<1x128xi32, #tpu.memory_space<vmem>> -> memref<128xi32, #tpu.memory_space<vmem>>
    %dma_start3A_54 = arith.constant 0 : i32
    %dma_start3A_55 = arith.constant 0 : i32
    %dma_start3A_56 = tpu.memref_slice %arg2[%dma_start3A_54, %dma_start3A_55] : memref<10240x16xf32, #tpu.memory_space<hbm>> -> memref<10240x16xf32, #tpu.memory_space<hbm>>
    tpu.enqueue_indirect_dma source(%dma_start3A_56 : memref<10240x16xf32, #tpu.memory_space<hbm>>) target(%arg11 : memref<128x16xf32, #tpu.memory_space<vmem>>) offsets(%dma_start3A_53 : memref<128xi32, #tpu.memory_space<vmem>>) semaphore(%arg19 : memref<!tpu.dma_semaphore, #tpu.memory_space<semaphore_mem>>)
    %dma_start3A_57 = arith.constant 2 : i32
    %dma_start3A_58 = arith.constant 0 : i32
    %dma_start3A_59 = tpu.memref_slice %arg7[%dma_start3A_57, %dma_start3A_58] : memref<80x128xi32, #tpu.memory_space<vmem>> -> memref<1x128xi32, #tpu.memory_space<vmem>>
    %dma_start3A_60 = tpu.memref_squeeze %dma_start3A_59 : memref<1x128xi32, #tpu.memory_space<vmem>> -> memref<128xi32, #tpu.memory_space<vmem>>
    %dma_start3A_61 = arith.constant 0 : i32
    %dma_start3A_62 = arith.constant 0 : i32
    %dma_start3A_63 = tpu.memref_slice %arg2[%dma_start3A_61, %dma_start3A_62] : memref<10240x16xf32, #tpu.memory_space<hbm>> -> memref<10240x16xf32, #tpu.memory_space<hbm>>
    tpu.enqueue_indirect_dma source(%dma_start3A_63 : memref<10240x16xf32, #tpu.memory_space<hbm>>) target(%arg12 : memref<128x16xf32, #tpu.memory_space<vmem>>) offsets(%dma_start3A_60 : memref<128xi32, #tpu.memory_space<vmem>>) semaphore(%arg20 : memref<!tpu.dma_semaphore, #tpu.memory_space<semaphore_mem>>)
    %dma_start3A_64 = arith.constant 3 : i32
    %dma_start3A_65 = arith.constant 0 : i32
    %dma_start3A_66 = tpu.memref_slice %arg7[%dma_start3A_64, %dma_start3A_65] : memref<80x128xi32, #tpu.memory_space<vmem>> -> memref<1x128xi32, #tpu.memory_space<vmem>>
    %dma_start3A_67 = tpu.memref_squeeze %dma_start3A_66 : memref<1x128xi32, #tpu.memory_space<vmem>> -> memref<128xi32, #tpu.memory_space<vmem>>
    %dma_start3A_68 = arith.constant 0 : i32
    %dma_start3A_69 = arith.constant 0 : i32
    %dma_start3A_70 = tpu.memref_slice %arg2[%dma_start3A_68, %dma_start3A_69] : memref<10240x16xf32, #tpu.memory_space<hbm>> -> memref<10240x16xf32, #tpu.memory_space<hbm>>
    tpu.enqueue_indirect_dma source(%dma_start3A_70 : memref<10240x16xf32, #tpu.memory_space<hbm>>) target(%arg13 : memref<128x16xf32, #tpu.memory_space<vmem>>) offsets(%dma_start3A_67 : memref<128xi32, #tpu.memory_space<vmem>>) semaphore(%arg21 : memref<!tpu.dma_semaphore, #tpu.memory_space<semaphore_mem>>)
    %dma_start3A_71 = arith.constant 4 : i32
    %dma_start3A_72 = arith.constant 0 : i32
    %dma_start3A_73 = tpu.memref_slice %arg7[%dma_start3A_71, %dma_start3A_72] : memref<80x128xi32, #tpu.memory_space<vmem>> -> memref<1x128xi32, #tpu.memory_space<vmem>>
    %dma_start3A_74 = tpu.memref_squeeze %dma_start3A_73 : memref<1x128xi32, #tpu.memory_space<vmem>> -> memref<128xi32, #tpu.memory_space<vmem>>
    %dma_start3A_75 = arith.constant 0 : i32
    %dma_start3A_76 = arith.constant 0 : i32
    %dma_start3A_77 = tpu.memref_slice %arg2[%dma_start3A_75, %dma_start3A_76] : memref<10240x16xf32, #tpu.memory_space<hbm>> -> memref<10240x16xf32, #tpu.memory_space<hbm>>
    tpu.enqueue_indirect_dma source(%dma_start3A_77 : memref<10240x16xf32, #tpu.memory_space<hbm>>) target(%arg14 : memref<128x16xf32, #tpu.memory_space<vmem>>) offsets(%dma_start3A_74 : memref<128xi32, #tpu.memory_space<vmem>>) semaphore(%arg22 : memref<!tpu.dma_semaphore, #tpu.memory_space<semaphore_mem>>)
    %dma_start3A_78 = arith.constant 5 : i32
    %dma_start3A_79 = arith.constant 0 : i32
    %dma_start3A_80 = tpu.memref_slice %arg7[%dma_start3A_78, %dma_start3A_79] : memref<80x128xi32, #tpu.memory_space<vmem>> -> memref<1x128xi32, #tpu.memory_space<vmem>>
    %dma_start3A_81 = tpu.memref_squeeze %dma_start3A_80 : memref<1x128xi32, #tpu.memory_space<vmem>> -> memref<128xi32, #tpu.memory_space<vmem>>
    %dma_start3A_82 = arith.constant 0 : i32
    %dma_start3A_83 = arith.constant 0 : i32
    %dma_start3A_84 = tpu.memref_slice %arg2[%dma_start3A_82, %dma_start3A_83] : memref<10240x16xf32, #tpu.memory_space<hbm>> -> memref<10240x16xf32, #tpu.memory_space<hbm>>
    tpu.enqueue_indirect_dma source(%dma_start3A_84 : memref<10240x16xf32, #tpu.memory_space<hbm>>) target(%arg15 : memref<128x16xf32, #tpu.memory_space<vmem>>) offsets(%dma_start3A_81 : memref<128xi32, #tpu.memory_space<vmem>>) semaphore(%arg23 : memref<!tpu.dma_semaphore, #tpu.memory_space<semaphore_mem>>)
    %dma_start3A_85 = arith.constant 6 : i32
    %dma_start3A_86 = arith.constant 0 : i32
    %dma_start3A_87 = tpu.memref_slice %arg7[%dma_start3A_85, %dma_start3A_86] : memref<80x128xi32, #tpu.memory_space<vmem>> -> memref<1x128xi32, #tpu.memory_space<vmem>>
    %dma_start3A_88 = tpu.memref_squeeze %dma_start3A_87 : memref<1x128xi32, #tpu.memory_space<vmem>> -> memref<128xi32, #tpu.memory_space<vmem>>
    %dma_start3A_89 = arith.constant 0 : i32
    %dma_start3A_90 = arith.constant 0 : i32
    %dma_start3A_91 = tpu.memref_slice %arg2[%dma_start3A_89, %dma_start3A_90] : memref<10240x16xf32, #tpu.memory_space<hbm>> -> memref<10240x16xf32, #tpu.memory_space<hbm>>
    tpu.enqueue_indirect_dma source(%dma_start3A_91 : memref<10240x16xf32, #tpu.memory_space<hbm>>) target(%arg16 : memref<128x16xf32, #tpu.memory_space<vmem>>) offsets(%dma_start3A_88 : memref<128xi32, #tpu.memory_space<vmem>>) semaphore(%arg24 : memref<!tpu.dma_semaphore, #tpu.memory_space<semaphore_mem>>)
    %dma_start3A_92 = arith.constant 7 : i32
    %dma_start3A_93 = arith.constant 0 : i32
    %dma_start3A_94 = tpu.memref_slice %arg7[%dma_start3A_92, %dma_start3A_93] : memref<80x128xi32, #tpu.memory_space<vmem>> -> memref<1x128xi32, #tpu.memory_space<vmem>>
    %dma_start3A_95 = tpu.memref_squeeze %dma_start3A_94 : memref<1x128xi32, #tpu.memory_space<vmem>> -> memref<128xi32, #tpu.memory_space<vmem>>
    %dma_start3A_96 = arith.constant 0 : i32
    %dma_start3A_97 = arith.constant 0 : i32
    %dma_start3A_98 = tpu.memref_slice %arg2[%dma_start3A_96, %dma_start3A_97] : memref<10240x16xf32, #tpu.memory_space<hbm>> -> memref<10240x16xf32, #tpu.memory_space<hbm>>
    tpu.enqueue_indirect_dma source(%dma_start3A_98 : memref<10240x16xf32, #tpu.memory_space<hbm>>) target(%arg17 : memref<128x16xf32, #tpu.memory_space<vmem>>) offsets(%dma_start3A_95 : memref<128xi32, #tpu.memory_space<vmem>>) semaphore(%arg25 : memref<!tpu.dma_semaphore, #tpu.memory_space<semaphore_mem>>)
    %scan3A = arith.constant 0 : i32
    %scan3A_99 = arith.constant 0 : i32
    %scan3A_100 = arith.constant 10 : i32
    %scan3A_101 = arith.addi %scan3A_99, %scan3A_100 : i32
    %scan3A_102 = arith.constant 1 : i32
    scf.for %scan3A_109 = %scan3A_99 to %scan3A_101 step %scan3A_102  : i32 {
      %mul3A_110 = arith.constant 8 : i32
      %mul3A_111 = arith.muli %scan3A_109, %mul3A_110 : i32
      %add3A_112 = arith.constant 0 : i32
      %add3A_113 = arith.addi %mul3A_111, %add3A_112 : i32
      %dma_wait3A_114 = arith.constant 0 : i32
      %dma_wait3A_115 = tpu.memref_slice %arg7[%add3A_113, %dma_wait3A_114] : memref<80x128xi32, #tpu.memory_space<vmem>> -> memref<1x128xi32, #tpu.memory_space<vmem>>
      %dma_wait3A_116 = tpu.memref_squeeze %dma_wait3A_115 : memref<1x128xi32, #tpu.memory_space<vmem>> -> memref<128xi32, #tpu.memory_space<vmem>>
      %dma_wait3A_117 = arith.constant 0 : i32
      %dma_wait3A_118 = arith.constant 0 : i32
      %dma_wait3A_119 = tpu.memref_slice %arg2[%dma_wait3A_117, %dma_wait3A_118] : memref<10240x16xf32, #tpu.memory_space<hbm>> -> memref<10240x16xf32, #tpu.memory_space<hbm>>
      tpu.wait_indirect_dma semaphore(%arg18 : memref<!tpu.dma_semaphore, #tpu.memory_space<semaphore_mem>>) src(%dma_wait3A_119 : memref<10240x16xf32, #tpu.memory_space<hbm>>) dst(%arg10 : memref<128x16xf32, #tpu.memory_space<vmem>>)
      %dma_start3A_120 = arith.constant 0 : i32
      %dma_start3A_121 = tpu.memref_slice %arg8[%add3A_113, %dma_start3A_120] : memref<80x128xi32, #tpu.memory_space<vmem>> -> memref<1x128xi32, #tpu.memory_space<vmem>>
      %dma_start3A_122 = tpu.memref_squeeze %dma_start3A_121 : memref<1x128xi32, #tpu.memory_space<vmem>> -> memref<128xi32, #tpu.memory_space<vmem>>
      %dma_start3A_123 = arith.constant 0 : i32
      %dma_start3A_124 = arith.constant 0 : i32
      %dma_start3A_125 = tpu.memref_slice %arg9[%dma_start3A_123, %dma_start3A_124] : memref<10240x16xf32, #tpu.memory_space<vmem_shared>> -> memref<10240x16xf32, #tpu.memory_space<vmem_shared>>
      tpu.enqueue_indirect_dma source(%arg10 : memref<128x16xf32, #tpu.memory_space<vmem>>) target(%dma_start3A_125 : memref<10240x16xf32, #tpu.memory_space<vmem_shared>>) offsets(%dma_start3A_122 : memref<128xi32, #tpu.memory_space<vmem>>) semaphore(%arg26 : memref<!tpu.dma_semaphore, #tpu.memory_space<semaphore_mem>>) {add = true}
      %mul3A_126 = arith.constant 8 : i32
      %mul3A_127 = arith.muli %scan3A_109, %mul3A_126 : i32
      %add3A_128 = arith.constant 1 : i32
      %add3A_129 = arith.addi %mul3A_127, %add3A_128 : i32
      %dma_wait3A_130 = arith.constant 0 : i32
      %dma_wait3A_131 = tpu.memref_slice %arg7[%add3A_129, %dma_wait3A_130] : memref<80x128xi32, #tpu.memory_space<vmem>> -> memref<1x128xi32, #tpu.memory_space<vmem>>
      %dma_wait3A_132 = tpu.memref_squeeze %dma_wait3A_131 : memref<1x128xi32, #tpu.memory_space<vmem>> -> memref<128xi32, #tpu.memory_space<vmem>>
      %dma_wait3A_133 = arith.constant 0 : i32
      %dma_wait3A_134 = arith.constant 0 : i32
      %dma_wait3A_135 = tpu.memref_slice %arg2[%dma_wait3A_133, %dma_wait3A_134] : memref<10240x16xf32, #tpu.memory_space<hbm>> -> memref<10240x16xf32, #tpu.memory_space<hbm>>
      tpu.wait_indirect_dma semaphore(%arg19 : memref<!tpu.dma_semaphore, #tpu.memory_space<semaphore_mem>>) src(%dma_wait3A_135 : memref<10240x16xf32, #tpu.memory_space<hbm>>) dst(%arg11 : memref<128x16xf32, #tpu.memory_space<vmem>>)
      %dma_start3A_136 = arith.constant 0 : i32
      %dma_start3A_137 = tpu.memref_slice %arg8[%add3A_129, %dma_start3A_136] : memref<80x128xi32, #tpu.memory_space<vmem>> -> memref<1x128xi32, #tpu.memory_space<vmem>>
      %dma_start3A_138 = tpu.memref_squeeze %dma_start3A_137 : memref<1x128xi32, #tpu.memory_space<vmem>> -> memref<128xi32, #tpu.memory_space<vmem>>
      %dma_start3A_139 = arith.constant 0 : i32
      %dma_start3A_140 = arith.constant 0 : i32
      %dma_start3A_141 = tpu.memref_slice %arg9[%dma_start3A_139, %dma_start3A_140] : memref<10240x16xf32, #tpu.memory_space<vmem_shared>> -> memref<10240x16xf32, #tpu.memory_space<vmem_shared>>
      tpu.enqueue_indirect_dma source(%arg11 : memref<128x16xf32, #tpu.memory_space<vmem>>) target(%dma_start3A_141 : memref<10240x16xf32, #tpu.memory_space<vmem_shared>>) offsets(%dma_start3A_138 : memref<128xi32, #tpu.memory_space<vmem>>) semaphore(%arg27 : memref<!tpu.dma_semaphore, #tpu.memory_space<semaphore_mem>>) {add = true}
      %mul3A_142 = arith.constant 8 : i32
      %mul3A_143 = arith.muli %scan3A_109, %mul3A_142 : i32
      %add3A_144 = arith.constant 2 : i32
      %add3A_145 = arith.addi %mul3A_143, %add3A_144 : i32
      %dma_wait3A_146 = arith.constant 0 : i32
      %dma_wait3A_147 = tpu.memref_slice %arg7[%add3A_145, %dma_wait3A_146] : memref<80x128xi32, #tpu.memory_space<vmem>> -> memref<1x128xi32, #tpu.memory_space<vmem>>
      %dma_wait3A_148 = tpu.memref_squeeze %dma_wait3A_147 : memref<1x128xi32, #tpu.memory_space<vmem>> -> memref<128xi32, #tpu.memory_space<vmem>>
      %dma_wait3A_149 = arith.constant 0 : i32
      %dma_wait3A_150 = arith.constant 0 : i32
      %dma_wait3A_151 = tpu.memref_slice %arg2[%dma_wait3A_149, %dma_wait3A_150] : memref<10240x16xf32, #tpu.memory_space<hbm>> -> memref<10240x16xf32, #tpu.memory_space<hbm>>
      tpu.wait_indirect_dma semaphore(%arg20 : memref<!tpu.dma_semaphore, #tpu.memory_space<semaphore_mem>>) src(%dma_wait3A_151 : memref<10240x16xf32, #tpu.memory_space<hbm>>) dst(%arg12 : memref<128x16xf32, #tpu.memory_space<vmem>>)
      %dma_start3A_152 = arith.constant 0 : i32
      %dma_start3A_153 = tpu.memref_slice %arg8[%add3A_145, %dma_start3A_152] : memref<80x128xi32, #tpu.memory_space<vmem>> -> memref<1x128xi32, #tpu.memory_space<vmem>>
      %dma_start3A_154 = tpu.memref_squeeze %dma_start3A_153 : memref<1x128xi32, #tpu.memory_space<vmem>> -> memref<128xi32, #tpu.memory_space<vmem>>
      %dma_start3A_155 = arith.constant 0 : i32
      %dma_start3A_156 = arith.constant 0 : i32
      %dma_start3A_157 = tpu.memref_slice %arg9[%dma_start3A_155, %dma_start3A_156] : memref<10240x16xf32, #tpu.memory_space<vmem_shared>> -> memref<10240x16xf32, #tpu.memory_space<vmem_shared>>
      tpu.enqueue_indirect_dma source(%arg12 : memref<128x16xf32, #tpu.memory_space<vmem>>) target(%dma_start3A_157 : memref<10240x16xf32, #tpu.memory_space<vmem_shared>>) offsets(%dma_start3A_154 : memref<128xi32, #tpu.memory_space<vmem>>) semaphore(%arg28 : memref<!tpu.dma_semaphore, #tpu.memory_space<semaphore_mem>>) {add = true}
      %mul3A_158 = arith.constant 8 : i32
      %mul3A_159 = arith.muli %scan3A_109, %mul3A_158 : i32
      %add3A_160 = arith.constant 3 : i32
      %add3A_161 = arith.addi %mul3A_159, %add3A_160 : i32
      %dma_wait3A_162 = arith.constant 0 : i32
      %dma_wait3A_163 = tpu.memref_slice %arg7[%add3A_161, %dma_wait3A_162] : memref<80x128xi32, #tpu.memory_space<vmem>> -> memref<1x128xi32, #tpu.memory_space<vmem>>
      %dma_wait3A_164 = tpu.memref_squeeze %dma_wait3A_163 : memref<1x128xi32, #tpu.memory_space<vmem>> -> memref<128xi32, #tpu.memory_space<vmem>>
      %dma_wait3A_165 = arith.constant 0 : i32
      %dma_wait3A_166 = arith.constant 0 : i32
      %dma_wait3A_167 = tpu.memref_slice %arg2[%dma_wait3A_165, %dma_wait3A_166] : memref<10240x16xf32, #tpu.memory_space<hbm>> -> memref<10240x16xf32, #tpu.memory_space<hbm>>
      tpu.wait_indirect_dma semaphore(%arg21 : memref<!tpu.dma_semaphore, #tpu.memory_space<semaphore_mem>>) src(%dma_wait3A_167 : memref<10240x16xf32, #tpu.memory_space<hbm>>) dst(%arg13 : memref<128x16xf32, #tpu.memory_space<vmem>>)
      %dma_start3A_168 = arith.constant 0 : i32
      %dma_start3A_169 = tpu.memref_slice %arg8[%add3A_161, %dma_start3A_168] : memref<80x128xi32, #tpu.memory_space<vmem>> -> memref<1x128xi32, #tpu.memory_space<vmem>>
      %dma_start3A_170 = tpu.memref_squeeze %dma_start3A_169 : memref<1x128xi32, #tpu.memory_space<vmem>> -> memref<128xi32, #tpu.memory_space<vmem>>
      %dma_start3A_171 = arith.constant 0 : i32
      %dma_start3A_172 = arith.constant 0 : i32
      %dma_start3A_173 = tpu.memref_slice %arg9[%dma_start3A_171, %dma_start3A_172] : memref<10240x16xf32, #tpu.memory_space<vmem_shared>> -> memref<10240x16xf32, #tpu.memory_space<vmem_shared>>
      tpu.enqueue_indirect_dma source(%arg13 : memref<128x16xf32, #tpu.memory_space<vmem>>) target(%dma_start3A_173 : memref<10240x16xf32, #tpu.memory_space<vmem_shared>>) offsets(%dma_start3A_170 : memref<128xi32, #tpu.memory_space<vmem>>) semaphore(%arg29 : memref<!tpu.dma_semaphore, #tpu.memory_space<semaphore_mem>>) {add = true}
      %mul3A_174 = arith.constant 8 : i32
      %mul3A_175 = arith.muli %scan3A_109, %mul3A_174 : i32
      %add3A_176 = arith.constant 4 : i32
      %add3A_177 = arith.addi %mul3A_175, %add3A_176 : i32
      %dma_wait3A_178 = arith.constant 0 : i32
      %dma_wait3A_179 = tpu.memref_slice %arg7[%add3A_177, %dma_wait3A_178] : memref<80x128xi32, #tpu.memory_space<vmem>> -> memref<1x128xi32, #tpu.memory_space<vmem>>
      %dma_wait3A_180 = tpu.memref_squeeze %dma_wait3A_179 : memref<1x128xi32, #tpu.memory_space<vmem>> -> memref<128xi32, #tpu.memory_space<vmem>>
      %dma_wait3A_181 = arith.constant 0 : i32
      %dma_wait3A_182 = arith.constant 0 : i32
      %dma_wait3A_183 = tpu.memref_slice %arg2[%dma_wait3A_181, %dma_wait3A_182] : memref<10240x16xf32, #tpu.memory_space<hbm>> -> memref<10240x16xf32, #tpu.memory_space<hbm>>
      tpu.wait_indirect_dma semaphore(%arg22 : memref<!tpu.dma_semaphore, #tpu.memory_space<semaphore_mem>>) src(%dma_wait3A_183 : memref<10240x16xf32, #tpu.memory_space<hbm>>) dst(%arg14 : memref<128x16xf32, #tpu.memory_space<vmem>>)
      %dma_start3A_184 = arith.constant 0 : i32
      %dma_start3A_185 = tpu.memref_slice %arg8[%add3A_177, %dma_start3A_184] : memref<80x128xi32, #tpu.memory_space<vmem>> -> memref<1x128xi32, #tpu.memory_space<vmem>>
      %dma_start3A_186 = tpu.memref_squeeze %dma_start3A_185 : memref<1x128xi32, #tpu.memory_space<vmem>> -> memref<128xi32, #tpu.memory_space<vmem>>
      %dma_start3A_187 = arith.constant 0 : i32
      %dma_start3A_188 = arith.constant 0 : i32
      %dma_start3A_189 = tpu.memref_slice %arg9[%dma_start3A_187, %dma_start3A_188] : memref<10240x16xf32, #tpu.memory_space<vmem_shared>> -> memref<10240x16xf32, #tpu.memory_space<vmem_shared>>
      tpu.enqueue_indirect_dma source(%arg14 : memref<128x16xf32, #tpu.memory_space<vmem>>) target(%dma_start3A_189 : memref<10240x16xf32, #tpu.memory_space<vmem_shared>>) offsets(%dma_start3A_186 : memref<128xi32, #tpu.memory_space<vmem>>) semaphore(%arg30 : memref<!tpu.dma_semaphore, #tpu.memory_space<semaphore_mem>>) {add = true}
      %mul3A_190 = arith.constant 8 : i32
      %mul3A_191 = arith.muli %scan3A_109, %mul3A_190 : i32
      %add3A_192 = arith.constant 5 : i32
      %add3A_193 = arith.addi %mul3A_191, %add3A_192 : i32
      %dma_wait3A_194 = arith.constant 0 : i32
      %dma_wait3A_195 = tpu.memref_slice %arg7[%add3A_193, %dma_wait3A_194] : memref<80x128xi32, #tpu.memory_space<vmem>> -> memref<1x128xi32, #tpu.memory_space<vmem>>
      %dma_wait3A_196 = tpu.memref_squeeze %dma_wait3A_195 : memref<1x128xi32, #tpu.memory_space<vmem>> -> memref<128xi32, #tpu.memory_space<vmem>>
      %dma_wait3A_197 = arith.constant 0 : i32
      %dma_wait3A_198 = arith.constant 0 : i32
      %dma_wait3A_199 = tpu.memref_slice %arg2[%dma_wait3A_197, %dma_wait3A_198] : memref<10240x16xf32, #tpu.memory_space<hbm>> -> memref<10240x16xf32, #tpu.memory_space<hbm>>
      tpu.wait_indirect_dma semaphore(%arg23 : memref<!tpu.dma_semaphore, #tpu.memory_space<semaphore_mem>>) src(%dma_wait3A_199 : memref<10240x16xf32, #tpu.memory_space<hbm>>) dst(%arg15 : memref<128x16xf32, #tpu.memory_space<vmem>>)
      %dma_start3A_200 = arith.constant 0 : i32
      %dma_start3A_201 = tpu.memref_slice %arg8[%add3A_193, %dma_start3A_200] : memref<80x128xi32, #tpu.memory_space<vmem>> -> memref<1x128xi32, #tpu.memory_space<vmem>>
      %dma_start3A_202 = tpu.memref_squeeze %dma_start3A_201 : memref<1x128xi32, #tpu.memory_space<vmem>> -> memref<128xi32, #tpu.memory_space<vmem>>
      %dma_start3A_203 = arith.constant 0 : i32
      %dma_start3A_204 = arith.constant 0 : i32
      %dma_start3A_205 = tpu.memref_slice %arg9[%dma_start3A_203, %dma_start3A_204] : memref<10240x16xf32, #tpu.memory_space<vmem_shared>> -> memref<10240x16xf32, #tpu.memory_space<vmem_shared>>
      tpu.enqueue_indirect_dma source(%arg15 : memref<128x16xf32, #tpu.memory_space<vmem>>) target(%dma_start3A_205 : memref<10240x16xf32, #tpu.memory_space<vmem_shared>>) offsets(%dma_start3A_202 : memref<128xi32, #tpu.memory_space<vmem>>) semaphore(%arg31 : memref<!tpu.dma_semaphore, #tpu.memory_space<semaphore_mem>>) {add = true}
      %mul3A_206 = arith.constant 8 : i32
      %mul3A_207 = arith.muli %scan3A_109, %mul3A_206 : i32
      %add3A_208 = arith.constant 6 : i32
      %add3A_209 = arith.addi %mul3A_207, %add3A_208 : i32
      %dma_wait3A_210 = arith.constant 0 : i32
      %dma_wait3A_211 = tpu.memref_slice %arg7[%add3A_209, %dma_wait3A_210] : memref<80x128xi32, #tpu.memory_space<vmem>> -> memref<1x128xi32, #tpu.memory_space<vmem>>
      %dma_wait3A_212 = tpu.memref_squeeze %dma_wait3A_211 : memref<1x128xi32, #tpu.memory_space<vmem>> -> memref<128xi32, #tpu.memory_space<vmem>>
      %dma_wait3A_213 = arith.constant 0 : i32
      %dma_wait3A_214 = arith.constant 0 : i32
      %dma_wait3A_215 = tpu.memref_slice %arg2[%dma_wait3A_213, %dma_wait3A_214] : memref<10240x16xf32, #tpu.memory_space<hbm>> -> memref<10240x16xf32, #tpu.memory_space<hbm>>
      tpu.wait_indirect_dma semaphore(%arg24 : memref<!tpu.dma_semaphore, #tpu.memory_space<semaphore_mem>>) src(%dma_wait3A_215 : memref<10240x16xf32, #tpu.memory_space<hbm>>) dst(%arg16 : memref<128x16xf32, #tpu.memory_space<vmem>>)
      %dma_start3A_216 = arith.constant 0 : i32
      %dma_start3A_217 = tpu.memref_slice %arg8[%add3A_209, %dma_start3A_216] : memref<80x128xi32, #tpu.memory_space<vmem>> -> memref<1x128xi32, #tpu.memory_space<vmem>>
      %dma_start3A_218 = tpu.memref_squeeze %dma_start3A_217 : memref<1x128xi32, #tpu.memory_space<vmem>> -> memref<128xi32, #tpu.memory_space<vmem>>
      %dma_start3A_219 = arith.constant 0 : i32
      %dma_start3A_220 = arith.constant 0 : i32
      %dma_start3A_221 = tpu.memref_slice %arg9[%dma_start3A_219, %dma_start3A_220] : memref<10240x16xf32, #tpu.memory_space<vmem_shared>> -> memref<10240x16xf32, #tpu.memory_space<vmem_shared>>
      tpu.enqueue_indirect_dma source(%arg16 : memref<128x16xf32, #tpu.memory_space<vmem>>) target(%dma_start3A_221 : memref<10240x16xf32, #tpu.memory_space<vmem_shared>>) offsets(%dma_start3A_218 : memref<128xi32, #tpu.memory_space<vmem>>) semaphore(%arg32 : memref<!tpu.dma_semaphore, #tpu.memory_space<semaphore_mem>>) {add = true}
      %mul3A_222 = arith.constant 8 : i32
      %mul3A_223 = arith.muli %scan3A_109, %mul3A_222 : i32
      %add3A_224 = arith.constant 7 : i32
      %add3A_225 = arith.addi %mul3A_223, %add3A_224 : i32
      %dma_wait3A_226 = arith.constant 0 : i32
      %dma_wait3A_227 = tpu.memref_slice %arg7[%add3A_225, %dma_wait3A_226] : memref<80x128xi32, #tpu.memory_space<vmem>> -> memref<1x128xi32, #tpu.memory_space<vmem>>
      %dma_wait3A_228 = tpu.memref_squeeze %dma_wait3A_227 : memref<1x128xi32, #tpu.memory_space<vmem>> -> memref<128xi32, #tpu.memory_space<vmem>>
      %dma_wait3A_229 = arith.constant 0 : i32
      %dma_wait3A_230 = arith.constant 0 : i32
      %dma_wait3A_231 = tpu.memref_slice %arg2[%dma_wait3A_229, %dma_wait3A_230] : memref<10240x16xf32, #tpu.memory_space<hbm>> -> memref<10240x16xf32, #tpu.memory_space<hbm>>
      tpu.wait_indirect_dma semaphore(%arg25 : memref<!tpu.dma_semaphore, #tpu.memory_space<semaphore_mem>>) src(%dma_wait3A_231 : memref<10240x16xf32, #tpu.memory_space<hbm>>) dst(%arg17 : memref<128x16xf32, #tpu.memory_space<vmem>>)
      %dma_start3A_232 = arith.constant 0 : i32
      %dma_start3A_233 = tpu.memref_slice %arg8[%add3A_225, %dma_start3A_232] : memref<80x128xi32, #tpu.memory_space<vmem>> -> memref<1x128xi32, #tpu.memory_space<vmem>>
      %dma_start3A_234 = tpu.memref_squeeze %dma_start3A_233 : memref<1x128xi32, #tpu.memory_space<vmem>> -> memref<128xi32, #tpu.memory_space<vmem>>
      %dma_start3A_235 = arith.constant 0 : i32
      %dma_start3A_236 = arith.constant 0 : i32
      %dma_start3A_237 = tpu.memref_slice %arg9[%dma_start3A_235, %dma_start3A_236] : memref<10240x16xf32, #tpu.memory_space<vmem_shared>> -> memref<10240x16xf32, #tpu.memory_space<vmem_shared>>
      tpu.enqueue_indirect_dma source(%arg17 : memref<128x16xf32, #tpu.memory_space<vmem>>) target(%dma_start3A_237 : memref<10240x16xf32, #tpu.memory_space<vmem_shared>>) offsets(%dma_start3A_234 : memref<128xi32, #tpu.memory_space<vmem>>) semaphore(%arg33 : memref<!tpu.dma_semaphore, #tpu.memory_space<semaphore_mem>>) {add = true}
      %mul3A_238 = arith.constant 8 : i32
      %mul3A_239 = arith.muli %scan3A_109, %mul3A_238 : i32
      %add3A_240 = arith.constant 0 : i32
      %add3A_241 = arith.addi %mul3A_239, %add3A_240 : i32
      %dma_wait3A_242 = arith.constant 0 : i32
      %dma_wait3A_243 = tpu.memref_slice %arg8[%add3A_241, %dma_wait3A_242] : memref<80x128xi32, #tpu.memory_space<vmem>> -> memref<1x128xi32, #tpu.memory_space<vmem>>
      %dma_wait3A_244 = tpu.memref_squeeze %dma_wait3A_243 : memref<1x128xi32, #tpu.memory_space<vmem>> -> memref<128xi32, #tpu.memory_space<vmem>>
      %dma_wait3A_245 = arith.constant 0 : i32
      %dma_wait3A_246 = arith.constant 0 : i32
      %dma_wait3A_247 = tpu.memref_slice %arg9[%dma_wait3A_245, %dma_wait3A_246] : memref<10240x16xf32, #tpu.memory_space<vmem_shared>> -> memref<10240x16xf32, #tpu.memory_space<vmem_shared>>
      tpu.wait_indirect_dma semaphore(%arg26 : memref<!tpu.dma_semaphore, #tpu.memory_space<semaphore_mem>>) src(%arg10 : memref<128x16xf32, #tpu.memory_space<vmem>>) dst(%dma_wait3A_247 : memref<10240x16xf32, #tpu.memory_space<vmem_shared>>)
      %add3A_248 = arith.constant 8 : i32
      %add3A_249 = arith.addi %add3A_241, %add3A_248 : i32
      %lt3A = arith.constant 80 : i32
      %lt3A_250 = arith.cmpi slt, %add3A_249, %lt3A : i32
      %convert_element_type3A = arith.extui %lt3A_250 : i1 to i32
      %cond3A = arith.constant 0 : i32
      %cond3A_251 = arith.cmpi ne, %convert_element_type3A, %cond3A : i32
      scf.if %cond3A_251 {
        %add3A_371 = arith.constant 8 : i32
        %add3A_372 = arith.addi %add3A_241, %add3A_371 : i32
        %dma_start3A_373 = arith.constant 0 : i32
        %dma_start3A_374 = tpu.memref_slice %arg7[%add3A_372, %dma_start3A_373] : memref<80x128xi32, #tpu.memory_space<vmem>> -> memref<1x128xi32, #tpu.memory_space<vmem>>
        %dma_start3A_375 = tpu.memref_squeeze %dma_start3A_374 : memref<1x128xi32, #tpu.memory_space<vmem>> -> memref<128xi32, #tpu.memory_space<vmem>>
        %dma_start3A_376 = arith.constant 0 : i32
        %dma_start3A_377 = arith.constant 0 : i32
        %dma_start3A_378 = tpu.memref_slice %arg2[%dma_start3A_376, %dma_start3A_377] : memref<10240x16xf32, #tpu.memory_space<hbm>> -> memref<10240x16xf32, #tpu.memory_space<hbm>>
        tpu.enqueue_indirect_dma source(%dma_start3A_378 : memref<10240x16xf32, #tpu.memory_space<hbm>>) target(%arg10 : memref<128x16xf32, #tpu.memory_space<vmem>>) offsets(%dma_start3A_375 : memref<128xi32, #tpu.memory_space<vmem>>) semaphore(%arg18 : memref<!tpu.dma_semaphore, #tpu.memory_space<semaphore_mem>>)
      } else {
      }
      %mul3A_252 = arith.constant 8 : i32
      %mul3A_253 = arith.muli %scan3A_109, %mul3A_252 : i32
      %add3A_254 = arith.constant 1 : i32
      %add3A_255 = arith.addi %mul3A_253, %add3A_254 : i32
      %dma_wait3A_256 = arith.constant 0 : i32
      %dma_wait3A_257 = tpu.memref_slice %arg8[%add3A_255, %dma_wait3A_256] : memref<80x128xi32, #tpu.memory_space<vmem>> -> memref<1x128xi32, #tpu.memory_space<vmem>>
      %dma_wait3A_258 = tpu.memref_squeeze %dma_wait3A_257 : memref<1x128xi32, #tpu.memory_space<vmem>> -> memref<128xi32, #tpu.memory_space<vmem>>
      %dma_wait3A_259 = arith.constant 0 : i32
      %dma_wait3A_260 = arith.constant 0 : i32
      %dma_wait3A_261 = tpu.memref_slice %arg9[%dma_wait3A_259, %dma_wait3A_260] : memref<10240x16xf32, #tpu.memory_space<vmem_shared>> -> memref<10240x16xf32, #tpu.memory_space<vmem_shared>>
      tpu.wait_indirect_dma semaphore(%arg27 : memref<!tpu.dma_semaphore, #tpu.memory_space<semaphore_mem>>) src(%arg11 : memref<128x16xf32, #tpu.memory_space<vmem>>) dst(%dma_wait3A_261 : memref<10240x16xf32, #tpu.memory_space<vmem_shared>>)
      %add3A_262 = arith.constant 8 : i32
      %add3A_263 = arith.addi %add3A_255, %add3A_262 : i32
      %lt3A_264 = arith.constant 80 : i32
      %lt3A_265 = arith.cmpi slt, %add3A_263, %lt3A_264 : i32
      %convert_element_type3A_266 = arith.extui %lt3A_265 : i1 to i32
      %cond3A_267 = arith.constant 0 : i32
      %cond3A_268 = arith.cmpi ne, %convert_element_type3A_266, %cond3A_267 : i32
      scf.if %cond3A_268 {
        %add3A_371 = arith.constant 8 : i32
        %add3A_372 = arith.addi %add3A_255, %add3A_371 : i32
        %dma_start3A_373 = arith.constant 0 : i32
        %dma_start3A_374 = tpu.memref_slice %arg7[%add3A_372, %dma_start3A_373] : memref<80x128xi32, #tpu.memory_space<vmem>> -> memref<1x128xi32, #tpu.memory_space<vmem>>
        %dma_start3A_375 = tpu.memref_squeeze %dma_start3A_374 : memref<1x128xi32, #tpu.memory_space<vmem>> -> memref<128xi32, #tpu.memory_space<vmem>>
        %dma_start3A_376 = arith.constant 0 : i32
        %dma_start3A_377 = arith.constant 0 : i32
        %dma_start3A_378 = tpu.memref_slice %arg2[%dma_start3A_376, %dma_start3A_377] : memref<10240x16xf32, #tpu.memory_space<hbm>> -> memref<10240x16xf32, #tpu.memory_space<hbm>>
        tpu.enqueue_indirect_dma source(%dma_start3A_378 : memref<10240x16xf32, #tpu.memory_space<hbm>>) target(%arg11 : memref<128x16xf32, #tpu.memory_space<vmem>>) offsets(%dma_start3A_375 : memref<128xi32, #tpu.memory_space<vmem>>) semaphore(%arg19 : memref<!tpu.dma_semaphore, #tpu.memory_space<semaphore_mem>>)
      } else {
      }
      %mul3A_269 = arith.constant 8 : i32
      %mul3A_270 = arith.muli %scan3A_109, %mul3A_269 : i32
      %add3A_271 = arith.constant 2 : i32
      %add3A_272 = arith.addi %mul3A_270, %add3A_271 : i32
      %dma_wait3A_273 = arith.constant 0 : i32
      %dma_wait3A_274 = tpu.memref_slice %arg8[%add3A_272, %dma_wait3A_273] : memref<80x128xi32, #tpu.memory_space<vmem>> -> memref<1x128xi32, #tpu.memory_space<vmem>>
      %dma_wait3A_275 = tpu.memref_squeeze %dma_wait3A_274 : memref<1x128xi32, #tpu.memory_space<vmem>> -> memref<128xi32, #tpu.memory_space<vmem>>
      %dma_wait3A_276 = arith.constant 0 : i32
      %dma_wait3A_277 = arith.constant 0 : i32
      %dma_wait3A_278 = tpu.memref_slice %arg9[%dma_wait3A_276, %dma_wait3A_277] : memref<10240x16xf32, #tpu.memory_space<vmem_shared>> -> memref<10240x16xf32, #tpu.memory_space<vmem_shared>>
      tpu.wait_indirect_dma semaphore(%arg28 : memref<!tpu.dma_semaphore, #tpu.memory_space<semaphore_mem>>) src(%arg12 : memref<128x16xf32, #tpu.memory_space<vmem>>) dst(%dma_wait3A_278 : memref<10240x16xf32, #tpu.memory_space<vmem_shared>>)
      %add3A_279 = arith.constant 8 : i32
      %add3A_280 = arith.addi %add3A_272, %add3A_279 : i32
      %lt3A_281 = arith.constant 80 : i32
      %lt3A_282 = arith.cmpi slt, %add3A_280, %lt3A_281 : i32
      %convert_element_type3A_283 = arith.extui %lt3A_282 : i1 to i32
      %cond3A_284 = arith.constant 0 : i32
      %cond3A_285 = arith.cmpi ne, %convert_element_type3A_283, %cond3A_284 : i32
      scf.if %cond3A_285 {
        %add3A_371 = arith.constant 8 : i32
        %add3A_372 = arith.addi %add3A_272, %add3A_371 : i32
        %dma_start3A_373 = arith.constant 0 : i32
        %dma_start3A_374 = tpu.memref_slice %arg7[%add3A_372, %dma_start3A_373] : memref<80x128xi32, #tpu.memory_space<vmem>> -> memref<1x128xi32, #tpu.memory_space<vmem>>
        %dma_start3A_375 = tpu.memref_squeeze %dma_start3A_374 : memref<1x128xi32, #tpu.memory_space<vmem>> -> memref<128xi32, #tpu.memory_space<vmem>>
        %dma_start3A_376 = arith.constant 0 : i32
        %dma_start3A_377 = arith.constant 0 : i32
        %dma_start3A_378 = tpu.memref_slice %arg2[%dma_start3A_376, %dma_start3A_377] : memref<10240x16xf32, #tpu.memory_space<hbm>> -> memref<10240x16xf32, #tpu.memory_space<hbm>>
        tpu.enqueue_indirect_dma source(%dma_start3A_378 : memref<10240x16xf32, #tpu.memory_space<hbm>>) target(%arg12 : memref<128x16xf32, #tpu.memory_space<vmem>>) offsets(%dma_start3A_375 : memref<128xi32, #tpu.memory_space<vmem>>) semaphore(%arg20 : memref<!tpu.dma_semaphore, #tpu.memory_space<semaphore_mem>>)
      } else {
      }
      %mul3A_286 = arith.constant 8 : i32
      %mul3A_287 = arith.muli %scan3A_109, %mul3A_286 : i32
      %add3A_288 = arith.constant 3 : i32
      %add3A_289 = arith.addi %mul3A_287, %add3A_288 : i32
      %dma_wait3A_290 = arith.constant 0 : i32
      %dma_wait3A_291 = tpu.memref_slice %arg8[%add3A_289, %dma_wait3A_290] : memref<80x128xi32, #tpu.memory_space<vmem>> -> memref<1x128xi32, #tpu.memory_space<vmem>>
      %dma_wait3A_292 = tpu.memref_squeeze %dma_wait3A_291 : memref<1x128xi32, #tpu.memory_space<vmem>> -> memref<128xi32, #tpu.memory_space<vmem>>
      %dma_wait3A_293 = arith.constant 0 : i32
      %dma_wait3A_294 = arith.constant 0 : i32
      %dma_wait3A_295 = tpu.memref_slice %arg9[%dma_wait3A_293, %dma_wait3A_294] : memref<10240x16xf32, #tpu.memory_space<vmem_shared>> -> memref<10240x16xf32, #tpu.memory_space<vmem_shared>>
      tpu.wait_indirect_dma semaphore(%arg29 : memref<!tpu.dma_semaphore, #tpu.memory_space<semaphore_mem>>) src(%arg13 : memref<128x16xf32, #tpu.memory_space<vmem>>) dst(%dma_wait3A_295 : memref<10240x16xf32, #tpu.memory_space<vmem_shared>>)
      %add3A_296 = arith.constant 8 : i32
      %add3A_297 = arith.addi %add3A_289, %add3A_296 : i32
      %lt3A_298 = arith.constant 80 : i32
      %lt3A_299 = arith.cmpi slt, %add3A_297, %lt3A_298 : i32
      %convert_element_type3A_300 = arith.extui %lt3A_299 : i1 to i32
      %cond3A_301 = arith.constant 0 : i32
      %cond3A_302 = arith.cmpi ne, %convert_element_type3A_300, %cond3A_301 : i32
      scf.if %cond3A_302 {
        %add3A_371 = arith.constant 8 : i32
        %add3A_372 = arith.addi %add3A_289, %add3A_371 : i32
        %dma_start3A_373 = arith.constant 0 : i32
        %dma_start3A_374 = tpu.memref_slice %arg7[%add3A_372, %dma_start3A_373] : memref<80x128xi32, #tpu.memory_space<vmem>> -> memref<1x128xi32, #tpu.memory_space<vmem>>
        %dma_start3A_375 = tpu.memref_squeeze %dma_start3A_374 : memref<1x128xi32, #tpu.memory_space<vmem>> -> memref<128xi32, #tpu.memory_space<vmem>>
        %dma_start3A_376 = arith.constant 0 : i32
        %dma_start3A_377 = arith.constant 0 : i32
        %dma_start3A_378 = tpu.memref_slice %arg2[%dma_start3A_376, %dma_start3A_377] : memref<10240x16xf32, #tpu.memory_space<hbm>> -> memref<10240x16xf32, #tpu.memory_space<hbm>>
        tpu.enqueue_indirect_dma source(%dma_start3A_378 : memref<10240x16xf32, #tpu.memory_space<hbm>>) target(%arg13 : memref<128x16xf32, #tpu.memory_space<vmem>>) offsets(%dma_start3A_375 : memref<128xi32, #tpu.memory_space<vmem>>) semaphore(%arg21 : memref<!tpu.dma_semaphore, #tpu.memory_space<semaphore_mem>>)
      } else {
      }
      %mul3A_303 = arith.constant 8 : i32
      %mul3A_304 = arith.muli %scan3A_109, %mul3A_303 : i32
      %add3A_305 = arith.constant 4 : i32
      %add3A_306 = arith.addi %mul3A_304, %add3A_305 : i32
      %dma_wait3A_307 = arith.constant 0 : i32
      %dma_wait3A_308 = tpu.memref_slice %arg8[%add3A_306, %dma_wait3A_307] : memref<80x128xi32, #tpu.memory_space<vmem>> -> memref<1x128xi32, #tpu.memory_space<vmem>>
      %dma_wait3A_309 = tpu.memref_squeeze %dma_wait3A_308 : memref<1x128xi32, #tpu.memory_space<vmem>> -> memref<128xi32, #tpu.memory_space<vmem>>
      %dma_wait3A_310 = arith.constant 0 : i32
      %dma_wait3A_311 = arith.constant 0 : i32
      %dma_wait3A_312 = tpu.memref_slice %arg9[%dma_wait3A_310, %dma_wait3A_311] : memref<10240x16xf32, #tpu.memory_space<vmem_shared>> -> memref<10240x16xf32, #tpu.memory_space<vmem_shared>>
      tpu.wait_indirect_dma semaphore(%arg30 : memref<!tpu.dma_semaphore, #tpu.memory_space<semaphore_mem>>) src(%arg14 : memref<128x16xf32, #tpu.memory_space<vmem>>) dst(%dma_wait3A_312 : memref<10240x16xf32, #tpu.memory_space<vmem_shared>>)
      %add3A_313 = arith.constant 8 : i32
      %add3A_314 = arith.addi %add3A_306, %add3A_313 : i32
      %lt3A_315 = arith.constant 80 : i32
      %lt3A_316 = arith.cmpi slt, %add3A_314, %lt3A_315 : i32
      %convert_element_type3A_317 = arith.extui %lt3A_316 : i1 to i32
      %cond3A_318 = arith.constant 0 : i32
      %cond3A_319 = arith.cmpi ne, %convert_element_type3A_317, %cond3A_318 : i32
      scf.if %cond3A_319 {
        %add3A_371 = arith.constant 8 : i32
        %add3A_372 = arith.addi %add3A_306, %add3A_371 : i32
        %dma_start3A_373 = arith.constant 0 : i32
        %dma_start3A_374 = tpu.memref_slice %arg7[%add3A_372, %dma_start3A_373] : memref<80x128xi32, #tpu.memory_space<vmem>> -> memref<1x128xi32, #tpu.memory_space<vmem>>
        %dma_start3A_375 = tpu.memref_squeeze %dma_start3A_374 : memref<1x128xi32, #tpu.memory_space<vmem>> -> memref<128xi32, #tpu.memory_space<vmem>>
        %dma_start3A_376 = arith.constant 0 : i32
        %dma_start3A_377 = arith.constant 0 : i32
        %dma_start3A_378 = tpu.memref_slice %arg2[%dma_start3A_376, %dma_start3A_377] : memref<10240x16xf32, #tpu.memory_space<hbm>> -> memref<10240x16xf32, #tpu.memory_space<hbm>>
        tpu.enqueue_indirect_dma source(%dma_start3A_378 : memref<10240x16xf32, #tpu.memory_space<hbm>>) target(%arg14 : memref<128x16xf32, #tpu.memory_space<vmem>>) offsets(%dma_start3A_375 : memref<128xi32, #tpu.memory_space<vmem>>) semaphore(%arg22 : memref<!tpu.dma_semaphore, #tpu.memory_space<semaphore_mem>>)
      } else {
      }
      %mul3A_320 = arith.constant 8 : i32
      %mul3A_321 = arith.muli %scan3A_109, %mul3A_320 : i32
      %add3A_322 = arith.constant 5 : i32
      %add3A_323 = arith.addi %mul3A_321, %add3A_322 : i32
      %dma_wait3A_324 = arith.constant 0 : i32
      %dma_wait3A_325 = tpu.memref_slice %arg8[%add3A_323, %dma_wait3A_324] : memref<80x128xi32, #tpu.memory_space<vmem>> -> memref<1x128xi32, #tpu.memory_space<vmem>>
      %dma_wait3A_326 = tpu.memref_squeeze %dma_wait3A_325 : memref<1x128xi32, #tpu.memory_space<vmem>> -> memref<128xi32, #tpu.memory_space<vmem>>
      %dma_wait3A_327 = arith.constant 0 : i32
      %dma_wait3A_328 = arith.constant 0 : i32
      %dma_wait3A_329 = tpu.memref_slice %arg9[%dma_wait3A_327, %dma_wait3A_328] : memref<10240x16xf32, #tpu.memory_space<vmem_shared>> -> memref<10240x16xf32, #tpu.memory_space<vmem_shared>>
      tpu.wait_indirect_dma semaphore(%arg31 : memref<!tpu.dma_semaphore, #tpu.memory_space<semaphore_mem>>) src(%arg15 : memref<128x16xf32, #tpu.memory_space<vmem>>) dst(%dma_wait3A_329 : memref<10240x16xf32, #tpu.memory_space<vmem_shared>>)
      %add3A_330 = arith.constant 8 : i32
      %add3A_331 = arith.addi %add3A_323, %add3A_330 : i32
      %lt3A_332 = arith.constant 80 : i32
      %lt3A_333 = arith.cmpi slt, %add3A_331, %lt3A_332 : i32
      %convert_element_type3A_334 = arith.extui %lt3A_333 : i1 to i32
      %cond3A_335 = arith.constant 0 : i32
      %cond3A_336 = arith.cmpi ne, %convert_element_type3A_334, %cond3A_335 : i32
      scf.if %cond3A_336 {
        %add3A_371 = arith.constant 8 : i32
        %add3A_372 = arith.addi %add3A_323, %add3A_371 : i32
        %dma_start3A_373 = arith.constant 0 : i32
        %dma_start3A_374 = tpu.memref_slice %arg7[%add3A_372, %dma_start3A_373] : memref<80x128xi32, #tpu.memory_space<vmem>> -> memref<1x128xi32, #tpu.memory_space<vmem>>
        %dma_start3A_375 = tpu.memref_squeeze %dma_start3A_374 : memref<1x128xi32, #tpu.memory_space<vmem>> -> memref<128xi32, #tpu.memory_space<vmem>>
        %dma_start3A_376 = arith.constant 0 : i32
        %dma_start3A_377 = arith.constant 0 : i32
        %dma_start3A_378 = tpu.memref_slice %arg2[%dma_start3A_376, %dma_start3A_377] : memref<10240x16xf32, #tpu.memory_space<hbm>> -> memref<10240x16xf32, #tpu.memory_space<hbm>>
        tpu.enqueue_indirect_dma source(%dma_start3A_378 : memref<10240x16xf32, #tpu.memory_space<hbm>>) target(%arg15 : memref<128x16xf32, #tpu.memory_space<vmem>>) offsets(%dma_start3A_375 : memref<128xi32, #tpu.memory_space<vmem>>) semaphore(%arg23 : memref<!tpu.dma_semaphore, #tpu.memory_space<semaphore_mem>>)
      } else {
      }
      %mul3A_337 = arith.constant 8 : i32
      %mul3A_338 = arith.muli %scan3A_109, %mul3A_337 : i32
      %add3A_339 = arith.constant 6 : i32
      %add3A_340 = arith.addi %mul3A_338, %add3A_339 : i32
      %dma_wait3A_341 = arith.constant 0 : i32
      %dma_wait3A_342 = tpu.memref_slice %arg8[%add3A_340, %dma_wait3A_341] : memref<80x128xi32, #tpu.memory_space<vmem>> -> memref<1x128xi32, #tpu.memory_space<vmem>>
      %dma_wait3A_343 = tpu.memref_squeeze %dma_wait3A_342 : memref<1x128xi32, #tpu.memory_space<vmem>> -> memref<128xi32, #tpu.memory_space<vmem>>
      %dma_wait3A_344 = arith.constant 0 : i32
      %dma_wait3A_345 = arith.constant 0 : i32
      %dma_wait3A_346 = tpu.memref_slice %arg9[%dma_wait3A_344, %dma_wait3A_345] : memref<10240x16xf32, #tpu.memory_space<vmem_shared>> -> memref<10240x16xf32, #tpu.memory_space<vmem_shared>>
      tpu.wait_indirect_dma semaphore(%arg32 : memref<!tpu.dma_semaphore, #tpu.memory_space<semaphore_mem>>) src(%arg16 : memref<128x16xf32, #tpu.memory_space<vmem>>) dst(%dma_wait3A_346 : memref<10240x16xf32, #tpu.memory_space<vmem_shared>>)
      %add3A_347 = arith.constant 8 : i32
      %add3A_348 = arith.addi %add3A_340, %add3A_347 : i32
      %lt3A_349 = arith.constant 80 : i32
      %lt3A_350 = arith.cmpi slt, %add3A_348, %lt3A_349 : i32
      %convert_element_type3A_351 = arith.extui %lt3A_350 : i1 to i32
      %cond3A_352 = arith.constant 0 : i32
      %cond3A_353 = arith.cmpi ne, %convert_element_type3A_351, %cond3A_352 : i32
      scf.if %cond3A_353 {
        %add3A_371 = arith.constant 8 : i32
        %add3A_372 = arith.addi %add3A_340, %add3A_371 : i32
        %dma_start3A_373 = arith.constant 0 : i32
        %dma_start3A_374 = tpu.memref_slice %arg7[%add3A_372, %dma_start3A_373] : memref<80x128xi32, #tpu.memory_space<vmem>> -> memref<1x128xi32, #tpu.memory_space<vmem>>
        %dma_start3A_375 = tpu.memref_squeeze %dma_start3A_374 : memref<1x128xi32, #tpu.memory_space<vmem>> -> memref<128xi32, #tpu.memory_space<vmem>>
        %dma_start3A_376 = arith.constant 0 : i32
        %dma_start3A_377 = arith.constant 0 : i32
        %dma_start3A_378 = tpu.memref_slice %arg2[%dma_start3A_376, %dma_start3A_377] : memref<10240x16xf32, #tpu.memory_space<hbm>> -> memref<10240x16xf32, #tpu.memory_space<hbm>>
        tpu.enqueue_indirect_dma source(%dma_start3A_378 : memref<10240x16xf32, #tpu.memory_space<hbm>>) target(%arg16 : memref<128x16xf32, #tpu.memory_space<vmem>>) offsets(%dma_start3A_375 : memref<128xi32, #tpu.memory_space<vmem>>) semaphore(%arg24 : memref<!tpu.dma_semaphore, #tpu.memory_space<semaphore_mem>>)
      } else {
      }
      %mul3A_354 = arith.constant 8 : i32
      %mul3A_355 = arith.muli %scan3A_109, %mul3A_354 : i32
      %add3A_356 = arith.constant 7 : i32
      %add3A_357 = arith.addi %mul3A_355, %add3A_356 : i32
      %dma_wait3A_358 = arith.constant 0 : i32
      %dma_wait3A_359 = tpu.memref_slice %arg8[%add3A_357, %dma_wait3A_358] : memref<80x128xi32, #tpu.memory_space<vmem>> -> memref<1x128xi32, #tpu.memory_space<vmem>>
      %dma_wait3A_360 = tpu.memref_squeeze %dma_wait3A_359 : memref<1x128xi32, #tpu.memory_space<vmem>> -> memref<128xi32, #tpu.memory_space<vmem>>
      %dma_wait3A_361 = arith.constant 0 : i32
      %dma_wait3A_362 = arith.constant 0 : i32
      %dma_wait3A_363 = tpu.memref_slice %arg9[%dma_wait3A_361, %dma_wait3A_362] : memref<10240x16xf32, #tpu.memory_space<vmem_shared>> -> memref<10240x16xf32, #tpu.memory_space<vmem_shared>>
      tpu.wait_indirect_dma semaphore(%arg33 : memref<!tpu.dma_semaphore, #tpu.memory_space<semaphore_mem>>) src(%arg17 : memref<128x16xf32, #tpu.memory_space<vmem>>) dst(%dma_wait3A_363 : memref<10240x16xf32, #tpu.memory_space<vmem_shared>>)
      %add3A_364 = arith.constant 8 : i32
      %add3A_365 = arith.addi %add3A_357, %add3A_364 : i32
      %lt3A_366 = arith.constant 80 : i32
      %lt3A_367 = arith.cmpi slt, %add3A_365, %lt3A_366 : i32
      %convert_element_type3A_368 = arith.extui %lt3A_367 : i1 to i32
      %cond3A_369 = arith.constant 0 : i32
      %cond3A_370 = arith.cmpi ne, %convert_element_type3A_368, %cond3A_369 : i32
      scf.if %cond3A_370 {
        %add3A_371 = arith.constant 8 : i32
        %add3A_372 = arith.addi %add3A_357, %add3A_371 : i32
        %dma_start3A_373 = arith.constant 0 : i32
        %dma_start3A_374 = tpu.memref_slice %arg7[%add3A_372, %dma_start3A_373] : memref<80x128xi32, #tpu.memory_space<vmem>> -> memref<1x128xi32, #tpu.memory_space<vmem>>
        %dma_start3A_375 = tpu.memref_squeeze %dma_start3A_374 : memref<1x128xi32, #tpu.memory_space<vmem>> -> memref<128xi32, #tpu.memory_space<vmem>>
        %dma_start3A_376 = arith.constant 0 : i32
        %dma_start3A_377 = arith.constant 0 : i32
        %dma_start3A_378 = tpu.memref_slice %arg2[%dma_start3A_376, %dma_start3A_377] : memref<10240x16xf32, #tpu.memory_space<hbm>> -> memref<10240x16xf32, #tpu.memory_space<hbm>>
        tpu.enqueue_indirect_dma source(%dma_start3A_378 : memref<10240x16xf32, #tpu.memory_space<hbm>>) target(%arg17 : memref<128x16xf32, #tpu.memory_space<vmem>>) offsets(%dma_start3A_375 : memref<128xi32, #tpu.memory_space<vmem>>) semaphore(%arg25 : memref<!tpu.dma_semaphore, #tpu.memory_space<semaphore_mem>>)
      } else {
      }
    }
    %scan3A_103 = arith.constant 10 : i32
    %barrier3A_104 = arith.constant 0 : index
    tpu.barrier barrier_id(%barrier3A_104)
    %mul3A_105 = arith.constant 640 : i32
    %mul3A_106 = arith.muli %arg1, %mul3A_105 : i32
    %mul3A_107 = arith.constant 640 : i32
    %mul3A_108 = arith.muli %arg1, %mul3A_107 : i32
    "tpu.region"() ({
      %run_scoped3A = tpu.sem_alloc : memref<!tpu.dma_semaphore, #tpu.memory_space<semaphore_mem>>
      %dma_start3A_109 = arith.constant 0 : i32
      %dma_start3A_110 = tpu.memref_slice %arg6[%arg0, %mul3A_108, %dma_start3A_109] : memref<2x10240x16xf32, #tpu.memory_space<hbm>> -> memref<1x640x16xf32, #tpu.memory_space<hbm>>
      %dma_start3A_111 = tpu.memref_squeeze %dma_start3A_110 : memref<1x640x16xf32, #tpu.memory_space<hbm>> -> memref<640x16xf32, #tpu.memory_space<hbm>>
      %dma_start3A_112 = arith.constant 0 : i32
      %dma_start3A_113 = tpu.memref_slice %arg9[%mul3A_106, %dma_start3A_112] : memref<10240x16xf32, #tpu.memory_space<vmem_shared>> -> memref<640x16xf32, #tpu.memory_space<vmem_shared>>
      tpu.enqueue_dma source(%dma_start3A_113 : memref<640x16xf32, #tpu.memory_space<vmem_shared>>) target(%dma_start3A_111 : memref<640x16xf32, #tpu.memory_space<hbm>>) target_semaphore(%run_scoped3A : memref<!tpu.dma_semaphore, #tpu.memory_space<semaphore_mem>>)
      %dma_wait3A_114 = arith.constant 0 : i32
      %dma_wait3A_115 = tpu.memref_slice %arg6[%arg0, %mul3A_108, %dma_wait3A_114] : memref<2x10240x16xf32, #tpu.memory_space<hbm>> -> memref<1x640x16xf32, #tpu.memory_space<hbm>>
      %dma_wait3A_116 = tpu.memref_squeeze %dma_wait3A_115 : memref<1x640x16xf32, #tpu.memory_space<hbm>> -> memref<640x16xf32, #tpu.memory_space<hbm>>
      %dma_wait3A_117 = arith.constant 0 : i32
      %dma_wait3A_118 = tpu.memref_slice %arg9[%mul3A_106, %dma_wait3A_117] : memref<10240x16xf32, #tpu.memory_space<vmem_shared>> -> memref<640x16xf32, #tpu.memory_space<vmem_shared>>
      tpu.wait_dma2 semaphore(%run_scoped3A : memref<!tpu.dma_semaphore, #tpu.memory_space<semaphore_mem>>) src(%dma_wait3A_118 : memref<640x16xf32, #tpu.memory_space<vmem_shared>>) dst(%dma_wait3A_116 : memref<640x16xf32, #tpu.memory_space<hbm>>)
      tpu.yield
    }) : () -> ()
    return
  }
}

#map = affine_map<(d0, d1) -> (0, 0)>
#map1 = affine_map<(d0, d1) -> (0, 0, 0)>
module attributes {stable_mosaic.version = 14 : i64} {
  func.func @scat(%arg0: i32, %arg1: i32, %arg2: memref<10240x32xf32, #tpu.memory_space<hbm>>, %arg3: memref<32x80x128xi32, #tpu.memory_space<hbm>>, %arg4: memref<32x80x128xi32, #tpu.memory_space<hbm>>, %arg5: memref<10240x32xf32, #tpu.memory_space<hbm>>, %arg6: memref<2x10240x32xf32, #tpu.memory_space<hbm>>, %arg7: memref<80x128xi32, #tpu.memory_space<vmem>>, %arg8: memref<80x128xi32, #tpu.memory_space<vmem>>, %arg9: memref<10240x32xf32, #tpu.memory_space<vmem_shared>>, %arg10: memref<128x32xf32, #tpu.memory_space<vmem>>, %arg11: memref<128x32xf32, #tpu.memory_space<vmem>>, %arg12: memref<128x32xf32, #tpu.memory_space<vmem>>, %arg13: memref<128x32xf32, #tpu.memory_space<vmem>>, %arg14: memref<128x32xf32, #tpu.memory_space<vmem>>, %arg15: memref<128x32xf32, #tpu.memory_space<vmem>>, %arg16: memref<128x32xf32, #tpu.memory_space<vmem>>, %arg17: memref<128x32xf32, #tpu.memory_space<vmem>>, %arg18: memref<!tpu.dma_semaphore, #tpu.memory_space<semaphore_mem>>, %arg19: memref<!tpu.dma_semaphore, #tpu.memory_space<semaphore_mem>>, %arg20: memref<!tpu.dma_semaphore, #tpu.memory_space<semaphore_mem>>, %arg21: memref<!tpu.dma_semaphore, #tpu.memory_space<semaphore_mem>>, %arg22: memref<!tpu.dma_semaphore, #tpu.memory_space<semaphore_mem>>, %arg23: memref<!tpu.dma_semaphore, #tpu.memory_space<semaphore_mem>>, %arg24: memref<!tpu.dma_semaphore, #tpu.memory_space<semaphore_mem>>, %arg25: memref<!tpu.dma_semaphore, #tpu.memory_space<semaphore_mem>>, %arg26: memref<!tpu.dma_semaphore, #tpu.memory_space<semaphore_mem>>, %arg27: memref<!tpu.dma_semaphore, #tpu.memory_space<semaphore_mem>>, %arg28: memref<!tpu.dma_semaphore, #tpu.memory_space<semaphore_mem>>, %arg29: memref<!tpu.dma_semaphore, #tpu.memory_space<semaphore_mem>>, %arg30: memref<!tpu.dma_semaphore, #tpu.memory_space<semaphore_mem>>, %arg31: memref<!tpu.dma_semaphore, #tpu.memory_space<semaphore_mem>>, %arg32: memref<!tpu.dma_semaphore, #tpu.memory_space<semaphore_mem>>, %arg33: memref<!tpu.dma_semaphore, #tpu.memory_space<semaphore_mem>>) attributes {dimension_semantics = [#tpu.dimension_semantics<core_parallel>, #tpu.dimension_semantics<subcore_parallel>], iteration_bounds = array<i64: 2, 16>, scalar_prefetch = 0 : i64, scratch_operands = 27 : i64, tpu.core_type = #tpu.core_type<sc_vector_subcore>, window_params = [{transform_indices = #map}, {transform_indices = #map1}, {transform_indices = #map1}, {transform_indices = #map}, {transform_indices = #map1}]} {
    %mul3A = arith.constant 16 : i32
    %mul3A_0 = arith.muli %arg0, %mul3A : i32
    %add3A = arith.addi %mul3A_0, %arg1 : i32
    %dma_start3A = arith.constant 0 : i32
    %dma_start3A_1 = arith.constant 0 : i32
    %dma_start3A_2 = tpu.memref_slice %arg3[%add3A, %dma_start3A, %dma_start3A_1] : memref<32x80x128xi32, #tpu.memory_space<hbm>> -> memref<1x80x128xi32, #tpu.memory_space<hbm>>
    %dma_start3A_3 = tpu.memref_squeeze %dma_start3A_2 : memref<1x80x128xi32, #tpu.memory_space<hbm>> -> memref<80x128xi32, #tpu.memory_space<hbm>>
    %dma_start3A_4 = arith.constant 0 : i32
    %dma_start3A_5 = arith.constant 0 : i32
    %dma_start3A_6 = tpu.memref_slice %arg3[%add3A, %dma_start3A_4, %dma_start3A_5] : memref<32x80x128xi32, #tpu.memory_space<hbm>> -> memref<1x80x128xi32, #tpu.memory_space<hbm>>
    %dma_start3A_7 = tpu.memref_squeeze %dma_start3A_6 : memref<1x80x128xi32, #tpu.memory_space<hbm>> -> memref<80x128xi32, #tpu.memory_space<hbm>>
    tpu.enqueue_dma source(%dma_start3A_7 : memref<80x128xi32, #tpu.memory_space<hbm>>) target(%arg7 : memref<80x128xi32, #tpu.memory_space<vmem>>) target_semaphore(%arg18 : memref<!tpu.dma_semaphore, #tpu.memory_space<semaphore_mem>>)
    %dma_start3A_8 = arith.constant 0 : i32
    %dma_start3A_9 = arith.constant 0 : i32
    %dma_start3A_10 = tpu.memref_slice %arg4[%add3A, %dma_start3A_8, %dma_start3A_9] : memref<32x80x128xi32, #tpu.memory_space<hbm>> -> memref<1x80x128xi32, #tpu.memory_space<hbm>>
    %dma_start3A_11 = tpu.memref_squeeze %dma_start3A_10 : memref<1x80x128xi32, #tpu.memory_space<hbm>> -> memref<80x128xi32, #tpu.memory_space<hbm>>
    %dma_start3A_12 = arith.constant 0 : i32
    %dma_start3A_13 = arith.constant 0 : i32
    %dma_start3A_14 = tpu.memref_slice %arg4[%add3A, %dma_start3A_12, %dma_start3A_13] : memref<32x80x128xi32, #tpu.memory_space<hbm>> -> memref<1x80x128xi32, #tpu.memory_space<hbm>>
    %dma_start3A_15 = tpu.memref_squeeze %dma_start3A_14 : memref<1x80x128xi32, #tpu.memory_space<hbm>> -> memref<80x128xi32, #tpu.memory_space<hbm>>
    tpu.enqueue_dma source(%dma_start3A_15 : memref<80x128xi32, #tpu.memory_space<hbm>>) target(%arg8 : memref<80x128xi32, #tpu.memory_space<vmem>>) target_semaphore(%arg19 : memref<!tpu.dma_semaphore, #tpu.memory_space<semaphore_mem>>)
    %mul3A_16 = arith.constant 640 : i32
    %mul3A_17 = arith.muli %arg1, %mul3A_16 : i32
    %mul3A_18 = arith.constant 640 : i32
    %mul3A_19 = arith.muli %arg1, %mul3A_18 : i32
    %dma_start3A_20 = arith.constant 0 : i32
    %dma_start3A_21 = tpu.memref_slice %arg9[%mul3A_19, %dma_start3A_20] : memref<10240x32xf32, #tpu.memory_space<vmem_shared>> -> memref<640x32xf32, #tpu.memory_space<vmem_shared>>
    %dma_start3A_22 = arith.constant 0 : i32
    %dma_start3A_23 = tpu.memref_slice %arg5[%mul3A_17, %dma_start3A_22] : memref<10240x32xf32, #tpu.memory_space<hbm>> -> memref<640x32xf32, #tpu.memory_space<hbm>>
    tpu.enqueue_dma source(%dma_start3A_23 : memref<640x32xf32, #tpu.memory_space<hbm>>) target(%dma_start3A_21 : memref<640x32xf32, #tpu.memory_space<vmem_shared>>) target_semaphore(%arg20 : memref<!tpu.dma_semaphore, #tpu.memory_space<semaphore_mem>>)
    %dma_wait3A = arith.constant 0 : i32
    %dma_wait3A_24 = arith.constant 0 : i32
    %dma_wait3A_25 = tpu.memref_slice %arg3[%add3A, %dma_wait3A, %dma_wait3A_24] : memref<32x80x128xi32, #tpu.memory_space<hbm>> -> memref<1x80x128xi32, #tpu.memory_space<hbm>>
    %dma_wait3A_26 = tpu.memref_squeeze %dma_wait3A_25 : memref<1x80x128xi32, #tpu.memory_space<hbm>> -> memref<80x128xi32, #tpu.memory_space<hbm>>
    %dma_wait3A_27 = arith.constant 0 : i32
    %dma_wait3A_28 = arith.constant 0 : i32
    %dma_wait3A_29 = tpu.memref_slice %arg3[%add3A, %dma_wait3A_27, %dma_wait3A_28] : memref<32x80x128xi32, #tpu.memory_space<hbm>> -> memref<1x80x128xi32, #tpu.memory_space<hbm>>
    %dma_wait3A_30 = tpu.memref_squeeze %dma_wait3A_29 : memref<1x80x128xi32, #tpu.memory_space<hbm>> -> memref<80x128xi32, #tpu.memory_space<hbm>>
    tpu.wait_dma2 semaphore(%arg18 : memref<!tpu.dma_semaphore, #tpu.memory_space<semaphore_mem>>) src(%dma_wait3A_30 : memref<80x128xi32, #tpu.memory_space<hbm>>) dst(%arg7 : memref<80x128xi32, #tpu.memory_space<vmem>>)
    %dma_wait3A_31 = arith.constant 0 : i32
    %dma_wait3A_32 = arith.constant 0 : i32
    %dma_wait3A_33 = tpu.memref_slice %arg4[%add3A, %dma_wait3A_31, %dma_wait3A_32] : memref<32x80x128xi32, #tpu.memory_space<hbm>> -> memref<1x80x128xi32, #tpu.memory_space<hbm>>
    %dma_wait3A_34 = tpu.memref_squeeze %dma_wait3A_33 : memref<1x80x128xi32, #tpu.memory_space<hbm>> -> memref<80x128xi32, #tpu.memory_space<hbm>>
    %dma_wait3A_35 = arith.constant 0 : i32
    %dma_wait3A_36 = arith.constant 0 : i32
    %dma_wait3A_37 = tpu.memref_slice %arg4[%add3A, %dma_wait3A_35, %dma_wait3A_36] : memref<32x80x128xi32, #tpu.memory_space<hbm>> -> memref<1x80x128xi32, #tpu.memory_space<hbm>>
    %dma_wait3A_38 = tpu.memref_squeeze %dma_wait3A_37 : memref<1x80x128xi32, #tpu.memory_space<hbm>> -> memref<80x128xi32, #tpu.memory_space<hbm>>
    tpu.wait_dma2 semaphore(%arg19 : memref<!tpu.dma_semaphore, #tpu.memory_space<semaphore_mem>>) src(%dma_wait3A_38 : memref<80x128xi32, #tpu.memory_space<hbm>>) dst(%arg8 : memref<80x128xi32, #tpu.memory_space<vmem>>)
    %dma_wait3A_39 = arith.constant 0 : i32
    %dma_wait3A_40 = tpu.memref_slice %arg9[%mul3A_19, %dma_wait3A_39] : memref<10240x32xf32, #tpu.memory_space<vmem_shared>> -> memref<640x32xf32, #tpu.memory_space<vmem_shared>>
    %dma_wait3A_41 = arith.constant 0 : i32
    %dma_wait3A_42 = tpu.memref_slice %arg5[%mul3A_17, %dma_wait3A_41] : memref<10240x32xf32, #tpu.memory_space<hbm>> -> memref<640x32xf32, #tpu.memory_space<hbm>>
    tpu.wait_dma2 semaphore(%arg20 : memref<!tpu.dma_semaphore, #tpu.memory_space<semaphore_mem>>) src(%dma_wait3A_42 : memref<640x32xf32, #tpu.memory_space<hbm>>) dst(%dma_wait3A_40 : memref<640x32xf32, #tpu.memory_space<vmem_shared>>)
    %barrier3A = arith.constant 0 : index
    tpu.barrier barrier_id(%barrier3A)
    %dma_start3A_43 = arith.constant 0 : i32
    %dma_start3A_44 = arith.constant 0 : i32
    %dma_start3A_45 = tpu.memref_slice %arg7[%dma_start3A_43, %dma_start3A_44] : memref<80x128xi32, #tpu.memory_space<vmem>> -> memref<1x128xi32, #tpu.memory_space<vmem>>
    %dma_start3A_46 = tpu.memref_squeeze %dma_start3A_45 : memref<1x128xi32, #tpu.memory_space<vmem>> -> memref<128xi32, #tpu.memory_space<vmem>>
    %dma_start3A_47 = arith.constant 0 : i32
    %dma_start3A_48 = arith.constant 0 : i32
    %dma_start3A_49 = tpu.memref_slice %arg2[%dma_start3A_47, %dma_start3A_48] : memref<10240x32xf32, #tpu.memory_space<hbm>> -> memref<10240x32xf32, #tpu.memory_space<hbm>>
    tpu.enqueue_indirect_dma source(%dma_start3A_49 : memref<10240x32xf32, #tpu.memory_space<hbm>>) target(%arg10 : memref<128x32xf32, #tpu.memory_space<vmem>>) offsets(%dma_start3A_46 : memref<128xi32, #tpu.memory_space<vmem>>) semaphore(%arg18 : memref<!tpu.dma_semaphore, #tpu.memory_space<semaphore_mem>>)
    %dma_start3A_50 = arith.constant 1 : i32
    %dma_start3A_51 = arith.constant 0 : i32
    %dma_start3A_52 = tpu.memref_slice %arg7[%dma_start3A_50, %dma_start3A_51] : memref<80x128xi32, #tpu.memory_space<vmem>> -> memref<1x128xi32, #tpu.memory_space<vmem>>
    %dma_start3A_53 = tpu.memref_squeeze %dma_start3A_52 : memref<1x128xi32, #tpu.memory_space<vmem>> -> memref<128xi32, #tpu.memory_space<vmem>>
    %dma_start3A_54 = arith.constant 0 : i32
    %dma_start3A_55 = arith.constant 0 : i32
    %dma_start3A_56 = tpu.memref_slice %arg2[%dma_start3A_54, %dma_start3A_55] : memref<10240x32xf32, #tpu.memory_space<hbm>> -> memref<10240x32xf32, #tpu.memory_space<hbm>>
    tpu.enqueue_indirect_dma source(%dma_start3A_56 : memref<10240x32xf32, #tpu.memory_space<hbm>>) target(%arg11 : memref<128x32xf32, #tpu.memory_space<vmem>>) offsets(%dma_start3A_53 : memref<128xi32, #tpu.memory_space<vmem>>) semaphore(%arg19 : memref<!tpu.dma_semaphore, #tpu.memory_space<semaphore_mem>>)
    %dma_start3A_57 = arith.constant 2 : i32
    %dma_start3A_58 = arith.constant 0 : i32
    %dma_start3A_59 = tpu.memref_slice %arg7[%dma_start3A_57, %dma_start3A_58] : memref<80x128xi32, #tpu.memory_space<vmem>> -> memref<1x128xi32, #tpu.memory_space<vmem>>
    %dma_start3A_60 = tpu.memref_squeeze %dma_start3A_59 : memref<1x128xi32, #tpu.memory_space<vmem>> -> memref<128xi32, #tpu.memory_space<vmem>>
    %dma_start3A_61 = arith.constant 0 : i32
    %dma_start3A_62 = arith.constant 0 : i32
    %dma_start3A_63 = tpu.memref_slice %arg2[%dma_start3A_61, %dma_start3A_62] : memref<10240x32xf32, #tpu.memory_space<hbm>> -> memref<10240x32xf32, #tpu.memory_space<hbm>>
    tpu.enqueue_indirect_dma source(%dma_start3A_63 : memref<10240x32xf32, #tpu.memory_space<hbm>>) target(%arg12 : memref<128x32xf32, #tpu.memory_space<vmem>>) offsets(%dma_start3A_60 : memref<128xi32, #tpu.memory_space<vmem>>) semaphore(%arg20 : memref<!tpu.dma_semaphore, #tpu.memory_space<semaphore_mem>>)
    %dma_start3A_64 = arith.constant 3 : i32
    %dma_start3A_65 = arith.constant 0 : i32
    %dma_start3A_66 = tpu.memref_slice %arg7[%dma_start3A_64, %dma_start3A_65] : memref<80x128xi32, #tpu.memory_space<vmem>> -> memref<1x128xi32, #tpu.memory_space<vmem>>
    %dma_start3A_67 = tpu.memref_squeeze %dma_start3A_66 : memref<1x128xi32, #tpu.memory_space<vmem>> -> memref<128xi32, #tpu.memory_space<vmem>>
    %dma_start3A_68 = arith.constant 0 : i32
    %dma_start3A_69 = arith.constant 0 : i32
    %dma_start3A_70 = tpu.memref_slice %arg2[%dma_start3A_68, %dma_start3A_69] : memref<10240x32xf32, #tpu.memory_space<hbm>> -> memref<10240x32xf32, #tpu.memory_space<hbm>>
    tpu.enqueue_indirect_dma source(%dma_start3A_70 : memref<10240x32xf32, #tpu.memory_space<hbm>>) target(%arg13 : memref<128x32xf32, #tpu.memory_space<vmem>>) offsets(%dma_start3A_67 : memref<128xi32, #tpu.memory_space<vmem>>) semaphore(%arg21 : memref<!tpu.dma_semaphore, #tpu.memory_space<semaphore_mem>>)
    %dma_start3A_71 = arith.constant 4 : i32
    %dma_start3A_72 = arith.constant 0 : i32
    %dma_start3A_73 = tpu.memref_slice %arg7[%dma_start3A_71, %dma_start3A_72] : memref<80x128xi32, #tpu.memory_space<vmem>> -> memref<1x128xi32, #tpu.memory_space<vmem>>
    %dma_start3A_74 = tpu.memref_squeeze %dma_start3A_73 : memref<1x128xi32, #tpu.memory_space<vmem>> -> memref<128xi32, #tpu.memory_space<vmem>>
    %dma_start3A_75 = arith.constant 0 : i32
    %dma_start3A_76 = arith.constant 0 : i32
    %dma_start3A_77 = tpu.memref_slice %arg2[%dma_start3A_75, %dma_start3A_76] : memref<10240x32xf32, #tpu.memory_space<hbm>> -> memref<10240x32xf32, #tpu.memory_space<hbm>>
    tpu.enqueue_indirect_dma source(%dma_start3A_77 : memref<10240x32xf32, #tpu.memory_space<hbm>>) target(%arg14 : memref<128x32xf32, #tpu.memory_space<vmem>>) offsets(%dma_start3A_74 : memref<128xi32, #tpu.memory_space<vmem>>) semaphore(%arg22 : memref<!tpu.dma_semaphore, #tpu.memory_space<semaphore_mem>>)
    %dma_start3A_78 = arith.constant 5 : i32
    %dma_start3A_79 = arith.constant 0 : i32
    %dma_start3A_80 = tpu.memref_slice %arg7[%dma_start3A_78, %dma_start3A_79] : memref<80x128xi32, #tpu.memory_space<vmem>> -> memref<1x128xi32, #tpu.memory_space<vmem>>
    %dma_start3A_81 = tpu.memref_squeeze %dma_start3A_80 : memref<1x128xi32, #tpu.memory_space<vmem>> -> memref<128xi32, #tpu.memory_space<vmem>>
    %dma_start3A_82 = arith.constant 0 : i32
    %dma_start3A_83 = arith.constant 0 : i32
    %dma_start3A_84 = tpu.memref_slice %arg2[%dma_start3A_82, %dma_start3A_83] : memref<10240x32xf32, #tpu.memory_space<hbm>> -> memref<10240x32xf32, #tpu.memory_space<hbm>>
    tpu.enqueue_indirect_dma source(%dma_start3A_84 : memref<10240x32xf32, #tpu.memory_space<hbm>>) target(%arg15 : memref<128x32xf32, #tpu.memory_space<vmem>>) offsets(%dma_start3A_81 : memref<128xi32, #tpu.memory_space<vmem>>) semaphore(%arg23 : memref<!tpu.dma_semaphore, #tpu.memory_space<semaphore_mem>>)
    %dma_start3A_85 = arith.constant 6 : i32
    %dma_start3A_86 = arith.constant 0 : i32
    %dma_start3A_87 = tpu.memref_slice %arg7[%dma_start3A_85, %dma_start3A_86] : memref<80x128xi32, #tpu.memory_space<vmem>> -> memref<1x128xi32, #tpu.memory_space<vmem>>
    %dma_start3A_88 = tpu.memref_squeeze %dma_start3A_87 : memref<1x128xi32, #tpu.memory_space<vmem>> -> memref<128xi32, #tpu.memory_space<vmem>>
    %dma_start3A_89 = arith.constant 0 : i32
    %dma_start3A_90 = arith.constant 0 : i32
    %dma_start3A_91 = tpu.memref_slice %arg2[%dma_start3A_89, %dma_start3A_90] : memref<10240x32xf32, #tpu.memory_space<hbm>> -> memref<10240x32xf32, #tpu.memory_space<hbm>>
    tpu.enqueue_indirect_dma source(%dma_start3A_91 : memref<10240x32xf32, #tpu.memory_space<hbm>>) target(%arg16 : memref<128x32xf32, #tpu.memory_space<vmem>>) offsets(%dma_start3A_88 : memref<128xi32, #tpu.memory_space<vmem>>) semaphore(%arg24 : memref<!tpu.dma_semaphore, #tpu.memory_space<semaphore_mem>>)
    %dma_start3A_92 = arith.constant 7 : i32
    %dma_start3A_93 = arith.constant 0 : i32
    %dma_start3A_94 = tpu.memref_slice %arg7[%dma_start3A_92, %dma_start3A_93] : memref<80x128xi32, #tpu.memory_space<vmem>> -> memref<1x128xi32, #tpu.memory_space<vmem>>
    %dma_start3A_95 = tpu.memref_squeeze %dma_start3A_94 : memref<1x128xi32, #tpu.memory_space<vmem>> -> memref<128xi32, #tpu.memory_space<vmem>>
    %dma_start3A_96 = arith.constant 0 : i32
    %dma_start3A_97 = arith.constant 0 : i32
    %dma_start3A_98 = tpu.memref_slice %arg2[%dma_start3A_96, %dma_start3A_97] : memref<10240x32xf32, #tpu.memory_space<hbm>> -> memref<10240x32xf32, #tpu.memory_space<hbm>>
    tpu.enqueue_indirect_dma source(%dma_start3A_98 : memref<10240x32xf32, #tpu.memory_space<hbm>>) target(%arg17 : memref<128x32xf32, #tpu.memory_space<vmem>>) offsets(%dma_start3A_95 : memref<128xi32, #tpu.memory_space<vmem>>) semaphore(%arg25 : memref<!tpu.dma_semaphore, #tpu.memory_space<semaphore_mem>>)
    %scan3A = arith.constant 0 : i32
    %scan3A_99 = arith.constant 0 : i32
    %scan3A_100 = arith.constant 10 : i32
    %scan3A_101 = arith.addi %scan3A_99, %scan3A_100 : i32
    %scan3A_102 = arith.constant 1 : i32
    scf.for %scan3A_109 = %scan3A_99 to %scan3A_101 step %scan3A_102  : i32 {
      %mul3A_110 = arith.constant 8 : i32
      %mul3A_111 = arith.muli %scan3A_109, %mul3A_110 : i32
      %add3A_112 = arith.constant 0 : i32
      %add3A_113 = arith.addi %mul3A_111, %add3A_112 : i32
      %dma_wait3A_114 = arith.constant 0 : i32
      %dma_wait3A_115 = tpu.memref_slice %arg7[%add3A_113, %dma_wait3A_114] : memref<80x128xi32, #tpu.memory_space<vmem>> -> memref<1x128xi32, #tpu.memory_space<vmem>>
      %dma_wait3A_116 = tpu.memref_squeeze %dma_wait3A_115 : memref<1x128xi32, #tpu.memory_space<vmem>> -> memref<128xi32, #tpu.memory_space<vmem>>
      %dma_wait3A_117 = arith.constant 0 : i32
      %dma_wait3A_118 = arith.constant 0 : i32
      %dma_wait3A_119 = tpu.memref_slice %arg2[%dma_wait3A_117, %dma_wait3A_118] : memref<10240x32xf32, #tpu.memory_space<hbm>> -> memref<10240x32xf32, #tpu.memory_space<hbm>>
      tpu.wait_indirect_dma semaphore(%arg18 : memref<!tpu.dma_semaphore, #tpu.memory_space<semaphore_mem>>) src(%dma_wait3A_119 : memref<10240x32xf32, #tpu.memory_space<hbm>>) dst(%arg10 : memref<128x32xf32, #tpu.memory_space<vmem>>)
      %dma_start3A_120 = arith.constant 0 : i32
      %dma_start3A_121 = tpu.memref_slice %arg8[%add3A_113, %dma_start3A_120] : memref<80x128xi32, #tpu.memory_space<vmem>> -> memref<1x128xi32, #tpu.memory_space<vmem>>
      %dma_start3A_122 = tpu.memref_squeeze %dma_start3A_121 : memref<1x128xi32, #tpu.memory_space<vmem>> -> memref<128xi32, #tpu.memory_space<vmem>>
      %dma_start3A_123 = arith.constant 0 : i32
      %dma_start3A_124 = arith.constant 0 : i32
      %dma_start3A_125 = tpu.memref_slice %arg9[%dma_start3A_123, %dma_start3A_124] : memref<10240x32xf32, #tpu.memory_space<vmem_shared>> -> memref<10240x32xf32, #tpu.memory_space<vmem_shared>>
      tpu.enqueue_indirect_dma source(%arg10 : memref<128x32xf32, #tpu.memory_space<vmem>>) target(%dma_start3A_125 : memref<10240x32xf32, #tpu.memory_space<vmem_shared>>) offsets(%dma_start3A_122 : memref<128xi32, #tpu.memory_space<vmem>>) semaphore(%arg26 : memref<!tpu.dma_semaphore, #tpu.memory_space<semaphore_mem>>) {add = true}
      %mul3A_126 = arith.constant 8 : i32
      %mul3A_127 = arith.muli %scan3A_109, %mul3A_126 : i32
      %add3A_128 = arith.constant 1 : i32
      %add3A_129 = arith.addi %mul3A_127, %add3A_128 : i32
      %dma_wait3A_130 = arith.constant 0 : i32
      %dma_wait3A_131 = tpu.memref_slice %arg7[%add3A_129, %dma_wait3A_130] : memref<80x128xi32, #tpu.memory_space<vmem>> -> memref<1x128xi32, #tpu.memory_space<vmem>>
      %dma_wait3A_132 = tpu.memref_squeeze %dma_wait3A_131 : memref<1x128xi32, #tpu.memory_space<vmem>> -> memref<128xi32, #tpu.memory_space<vmem>>
      %dma_wait3A_133 = arith.constant 0 : i32
      %dma_wait3A_134 = arith.constant 0 : i32
      %dma_wait3A_135 = tpu.memref_slice %arg2[%dma_wait3A_133, %dma_wait3A_134] : memref<10240x32xf32, #tpu.memory_space<hbm>> -> memref<10240x32xf32, #tpu.memory_space<hbm>>
      tpu.wait_indirect_dma semaphore(%arg19 : memref<!tpu.dma_semaphore, #tpu.memory_space<semaphore_mem>>) src(%dma_wait3A_135 : memref<10240x32xf32, #tpu.memory_space<hbm>>) dst(%arg11 : memref<128x32xf32, #tpu.memory_space<vmem>>)
      %dma_start3A_136 = arith.constant 0 : i32
      %dma_start3A_137 = tpu.memref_slice %arg8[%add3A_129, %dma_start3A_136] : memref<80x128xi32, #tpu.memory_space<vmem>> -> memref<1x128xi32, #tpu.memory_space<vmem>>
      %dma_start3A_138 = tpu.memref_squeeze %dma_start3A_137 : memref<1x128xi32, #tpu.memory_space<vmem>> -> memref<128xi32, #tpu.memory_space<vmem>>
      %dma_start3A_139 = arith.constant 0 : i32
      %dma_start3A_140 = arith.constant 0 : i32
      %dma_start3A_141 = tpu.memref_slice %arg9[%dma_start3A_139, %dma_start3A_140] : memref<10240x32xf32, #tpu.memory_space<vmem_shared>> -> memref<10240x32xf32, #tpu.memory_space<vmem_shared>>
      tpu.enqueue_indirect_dma source(%arg11 : memref<128x32xf32, #tpu.memory_space<vmem>>) target(%dma_start3A_141 : memref<10240x32xf32, #tpu.memory_space<vmem_shared>>) offsets(%dma_start3A_138 : memref<128xi32, #tpu.memory_space<vmem>>) semaphore(%arg27 : memref<!tpu.dma_semaphore, #tpu.memory_space<semaphore_mem>>) {add = true}
      %mul3A_142 = arith.constant 8 : i32
      %mul3A_143 = arith.muli %scan3A_109, %mul3A_142 : i32
      %add3A_144 = arith.constant 2 : i32
      %add3A_145 = arith.addi %mul3A_143, %add3A_144 : i32
      %dma_wait3A_146 = arith.constant 0 : i32
      %dma_wait3A_147 = tpu.memref_slice %arg7[%add3A_145, %dma_wait3A_146] : memref<80x128xi32, #tpu.memory_space<vmem>> -> memref<1x128xi32, #tpu.memory_space<vmem>>
      %dma_wait3A_148 = tpu.memref_squeeze %dma_wait3A_147 : memref<1x128xi32, #tpu.memory_space<vmem>> -> memref<128xi32, #tpu.memory_space<vmem>>
      %dma_wait3A_149 = arith.constant 0 : i32
      %dma_wait3A_150 = arith.constant 0 : i32
      %dma_wait3A_151 = tpu.memref_slice %arg2[%dma_wait3A_149, %dma_wait3A_150] : memref<10240x32xf32, #tpu.memory_space<hbm>> -> memref<10240x32xf32, #tpu.memory_space<hbm>>
      tpu.wait_indirect_dma semaphore(%arg20 : memref<!tpu.dma_semaphore, #tpu.memory_space<semaphore_mem>>) src(%dma_wait3A_151 : memref<10240x32xf32, #tpu.memory_space<hbm>>) dst(%arg12 : memref<128x32xf32, #tpu.memory_space<vmem>>)
      %dma_start3A_152 = arith.constant 0 : i32
      %dma_start3A_153 = tpu.memref_slice %arg8[%add3A_145, %dma_start3A_152] : memref<80x128xi32, #tpu.memory_space<vmem>> -> memref<1x128xi32, #tpu.memory_space<vmem>>
      %dma_start3A_154 = tpu.memref_squeeze %dma_start3A_153 : memref<1x128xi32, #tpu.memory_space<vmem>> -> memref<128xi32, #tpu.memory_space<vmem>>
      %dma_start3A_155 = arith.constant 0 : i32
      %dma_start3A_156 = arith.constant 0 : i32
      %dma_start3A_157 = tpu.memref_slice %arg9[%dma_start3A_155, %dma_start3A_156] : memref<10240x32xf32, #tpu.memory_space<vmem_shared>> -> memref<10240x32xf32, #tpu.memory_space<vmem_shared>>
      tpu.enqueue_indirect_dma source(%arg12 : memref<128x32xf32, #tpu.memory_space<vmem>>) target(%dma_start3A_157 : memref<10240x32xf32, #tpu.memory_space<vmem_shared>>) offsets(%dma_start3A_154 : memref<128xi32, #tpu.memory_space<vmem>>) semaphore(%arg28 : memref<!tpu.dma_semaphore, #tpu.memory_space<semaphore_mem>>) {add = true}
      %mul3A_158 = arith.constant 8 : i32
      %mul3A_159 = arith.muli %scan3A_109, %mul3A_158 : i32
      %add3A_160 = arith.constant 3 : i32
      %add3A_161 = arith.addi %mul3A_159, %add3A_160 : i32
      %dma_wait3A_162 = arith.constant 0 : i32
      %dma_wait3A_163 = tpu.memref_slice %arg7[%add3A_161, %dma_wait3A_162] : memref<80x128xi32, #tpu.memory_space<vmem>> -> memref<1x128xi32, #tpu.memory_space<vmem>>
      %dma_wait3A_164 = tpu.memref_squeeze %dma_wait3A_163 : memref<1x128xi32, #tpu.memory_space<vmem>> -> memref<128xi32, #tpu.memory_space<vmem>>
      %dma_wait3A_165 = arith.constant 0 : i32
      %dma_wait3A_166 = arith.constant 0 : i32
      %dma_wait3A_167 = tpu.memref_slice %arg2[%dma_wait3A_165, %dma_wait3A_166] : memref<10240x32xf32, #tpu.memory_space<hbm>> -> memref<10240x32xf32, #tpu.memory_space<hbm>>
      tpu.wait_indirect_dma semaphore(%arg21 : memref<!tpu.dma_semaphore, #tpu.memory_space<semaphore_mem>>) src(%dma_wait3A_167 : memref<10240x32xf32, #tpu.memory_space<hbm>>) dst(%arg13 : memref<128x32xf32, #tpu.memory_space<vmem>>)
      %dma_start3A_168 = arith.constant 0 : i32
      %dma_start3A_169 = tpu.memref_slice %arg8[%add3A_161, %dma_start3A_168] : memref<80x128xi32, #tpu.memory_space<vmem>> -> memref<1x128xi32, #tpu.memory_space<vmem>>
      %dma_start3A_170 = tpu.memref_squeeze %dma_start3A_169 : memref<1x128xi32, #tpu.memory_space<vmem>> -> memref<128xi32, #tpu.memory_space<vmem>>
      %dma_start3A_171 = arith.constant 0 : i32
      %dma_start3A_172 = arith.constant 0 : i32
      %dma_start3A_173 = tpu.memref_slice %arg9[%dma_start3A_171, %dma_start3A_172] : memref<10240x32xf32, #tpu.memory_space<vmem_shared>> -> memref<10240x32xf32, #tpu.memory_space<vmem_shared>>
      tpu.enqueue_indirect_dma source(%arg13 : memref<128x32xf32, #tpu.memory_space<vmem>>) target(%dma_start3A_173 : memref<10240x32xf32, #tpu.memory_space<vmem_shared>>) offsets(%dma_start3A_170 : memref<128xi32, #tpu.memory_space<vmem>>) semaphore(%arg29 : memref<!tpu.dma_semaphore, #tpu.memory_space<semaphore_mem>>) {add = true}
      %mul3A_174 = arith.constant 8 : i32
      %mul3A_175 = arith.muli %scan3A_109, %mul3A_174 : i32
      %add3A_176 = arith.constant 4 : i32
      %add3A_177 = arith.addi %mul3A_175, %add3A_176 : i32
      %dma_wait3A_178 = arith.constant 0 : i32
      %dma_wait3A_179 = tpu.memref_slice %arg7[%add3A_177, %dma_wait3A_178] : memref<80x128xi32, #tpu.memory_space<vmem>> -> memref<1x128xi32, #tpu.memory_space<vmem>>
      %dma_wait3A_180 = tpu.memref_squeeze %dma_wait3A_179 : memref<1x128xi32, #tpu.memory_space<vmem>> -> memref<128xi32, #tpu.memory_space<vmem>>
      %dma_wait3A_181 = arith.constant 0 : i32
      %dma_wait3A_182 = arith.constant 0 : i32
      %dma_wait3A_183 = tpu.memref_slice %arg2[%dma_wait3A_181, %dma_wait3A_182] : memref<10240x32xf32, #tpu.memory_space<hbm>> -> memref<10240x32xf32, #tpu.memory_space<hbm>>
      tpu.wait_indirect_dma semaphore(%arg22 : memref<!tpu.dma_semaphore, #tpu.memory_space<semaphore_mem>>) src(%dma_wait3A_183 : memref<10240x32xf32, #tpu.memory_space<hbm>>) dst(%arg14 : memref<128x32xf32, #tpu.memory_space<vmem>>)
      %dma_start3A_184 = arith.constant 0 : i32
      %dma_start3A_185 = tpu.memref_slice %arg8[%add3A_177, %dma_start3A_184] : memref<80x128xi32, #tpu.memory_space<vmem>> -> memref<1x128xi32, #tpu.memory_space<vmem>>
      %dma_start3A_186 = tpu.memref_squeeze %dma_start3A_185 : memref<1x128xi32, #tpu.memory_space<vmem>> -> memref<128xi32, #tpu.memory_space<vmem>>
      %dma_start3A_187 = arith.constant 0 : i32
      %dma_start3A_188 = arith.constant 0 : i32
      %dma_start3A_189 = tpu.memref_slice %arg9[%dma_start3A_187, %dma_start3A_188] : memref<10240x32xf32, #tpu.memory_space<vmem_shared>> -> memref<10240x32xf32, #tpu.memory_space<vmem_shared>>
      tpu.enqueue_indirect_dma source(%arg14 : memref<128x32xf32, #tpu.memory_space<vmem>>) target(%dma_start3A_189 : memref<10240x32xf32, #tpu.memory_space<vmem_shared>>) offsets(%dma_start3A_186 : memref<128xi32, #tpu.memory_space<vmem>>) semaphore(%arg30 : memref<!tpu.dma_semaphore, #tpu.memory_space<semaphore_mem>>) {add = true}
      %mul3A_190 = arith.constant 8 : i32
      %mul3A_191 = arith.muli %scan3A_109, %mul3A_190 : i32
      %add3A_192 = arith.constant 5 : i32
      %add3A_193 = arith.addi %mul3A_191, %add3A_192 : i32
      %dma_wait3A_194 = arith.constant 0 : i32
      %dma_wait3A_195 = tpu.memref_slice %arg7[%add3A_193, %dma_wait3A_194] : memref<80x128xi32, #tpu.memory_space<vmem>> -> memref<1x128xi32, #tpu.memory_space<vmem>>
      %dma_wait3A_196 = tpu.memref_squeeze %dma_wait3A_195 : memref<1x128xi32, #tpu.memory_space<vmem>> -> memref<128xi32, #tpu.memory_space<vmem>>
      %dma_wait3A_197 = arith.constant 0 : i32
      %dma_wait3A_198 = arith.constant 0 : i32
      %dma_wait3A_199 = tpu.memref_slice %arg2[%dma_wait3A_197, %dma_wait3A_198] : memref<10240x32xf32, #tpu.memory_space<hbm>> -> memref<10240x32xf32, #tpu.memory_space<hbm>>
      tpu.wait_indirect_dma semaphore(%arg23 : memref<!tpu.dma_semaphore, #tpu.memory_space<semaphore_mem>>) src(%dma_wait3A_199 : memref<10240x32xf32, #tpu.memory_space<hbm>>) dst(%arg15 : memref<128x32xf32, #tpu.memory_space<vmem>>)
      %dma_start3A_200 = arith.constant 0 : i32
      %dma_start3A_201 = tpu.memref_slice %arg8[%add3A_193, %dma_start3A_200] : memref<80x128xi32, #tpu.memory_space<vmem>> -> memref<1x128xi32, #tpu.memory_space<vmem>>
      %dma_start3A_202 = tpu.memref_squeeze %dma_start3A_201 : memref<1x128xi32, #tpu.memory_space<vmem>> -> memref<128xi32, #tpu.memory_space<vmem>>
      %dma_start3A_203 = arith.constant 0 : i32
      %dma_start3A_204 = arith.constant 0 : i32
      %dma_start3A_205 = tpu.memref_slice %arg9[%dma_start3A_203, %dma_start3A_204] : memref<10240x32xf32, #tpu.memory_space<vmem_shared>> -> memref<10240x32xf32, #tpu.memory_space<vmem_shared>>
      tpu.enqueue_indirect_dma source(%arg15 : memref<128x32xf32, #tpu.memory_space<vmem>>) target(%dma_start3A_205 : memref<10240x32xf32, #tpu.memory_space<vmem_shared>>) offsets(%dma_start3A_202 : memref<128xi32, #tpu.memory_space<vmem>>) semaphore(%arg31 : memref<!tpu.dma_semaphore, #tpu.memory_space<semaphore_mem>>) {add = true}
      %mul3A_206 = arith.constant 8 : i32
      %mul3A_207 = arith.muli %scan3A_109, %mul3A_206 : i32
      %add3A_208 = arith.constant 6 : i32
      %add3A_209 = arith.addi %mul3A_207, %add3A_208 : i32
      %dma_wait3A_210 = arith.constant 0 : i32
      %dma_wait3A_211 = tpu.memref_slice %arg7[%add3A_209, %dma_wait3A_210] : memref<80x128xi32, #tpu.memory_space<vmem>> -> memref<1x128xi32, #tpu.memory_space<vmem>>
      %dma_wait3A_212 = tpu.memref_squeeze %dma_wait3A_211 : memref<1x128xi32, #tpu.memory_space<vmem>> -> memref<128xi32, #tpu.memory_space<vmem>>
      %dma_wait3A_213 = arith.constant 0 : i32
      %dma_wait3A_214 = arith.constant 0 : i32
      %dma_wait3A_215 = tpu.memref_slice %arg2[%dma_wait3A_213, %dma_wait3A_214] : memref<10240x32xf32, #tpu.memory_space<hbm>> -> memref<10240x32xf32, #tpu.memory_space<hbm>>
      tpu.wait_indirect_dma semaphore(%arg24 : memref<!tpu.dma_semaphore, #tpu.memory_space<semaphore_mem>>) src(%dma_wait3A_215 : memref<10240x32xf32, #tpu.memory_space<hbm>>) dst(%arg16 : memref<128x32xf32, #tpu.memory_space<vmem>>)
      %dma_start3A_216 = arith.constant 0 : i32
      %dma_start3A_217 = tpu.memref_slice %arg8[%add3A_209, %dma_start3A_216] : memref<80x128xi32, #tpu.memory_space<vmem>> -> memref<1x128xi32, #tpu.memory_space<vmem>>
      %dma_start3A_218 = tpu.memref_squeeze %dma_start3A_217 : memref<1x128xi32, #tpu.memory_space<vmem>> -> memref<128xi32, #tpu.memory_space<vmem>>
      %dma_start3A_219 = arith.constant 0 : i32
      %dma_start3A_220 = arith.constant 0 : i32
      %dma_start3A_221 = tpu.memref_slice %arg9[%dma_start3A_219, %dma_start3A_220] : memref<10240x32xf32, #tpu.memory_space<vmem_shared>> -> memref<10240x32xf32, #tpu.memory_space<vmem_shared>>
      tpu.enqueue_indirect_dma source(%arg16 : memref<128x32xf32, #tpu.memory_space<vmem>>) target(%dma_start3A_221 : memref<10240x32xf32, #tpu.memory_space<vmem_shared>>) offsets(%dma_start3A_218 : memref<128xi32, #tpu.memory_space<vmem>>) semaphore(%arg32 : memref<!tpu.dma_semaphore, #tpu.memory_space<semaphore_mem>>) {add = true}
      %mul3A_222 = arith.constant 8 : i32
      %mul3A_223 = arith.muli %scan3A_109, %mul3A_222 : i32
      %add3A_224 = arith.constant 7 : i32
      %add3A_225 = arith.addi %mul3A_223, %add3A_224 : i32
      %dma_wait3A_226 = arith.constant 0 : i32
      %dma_wait3A_227 = tpu.memref_slice %arg7[%add3A_225, %dma_wait3A_226] : memref<80x128xi32, #tpu.memory_space<vmem>> -> memref<1x128xi32, #tpu.memory_space<vmem>>
      %dma_wait3A_228 = tpu.memref_squeeze %dma_wait3A_227 : memref<1x128xi32, #tpu.memory_space<vmem>> -> memref<128xi32, #tpu.memory_space<vmem>>
      %dma_wait3A_229 = arith.constant 0 : i32
      %dma_wait3A_230 = arith.constant 0 : i32
      %dma_wait3A_231 = tpu.memref_slice %arg2[%dma_wait3A_229, %dma_wait3A_230] : memref<10240x32xf32, #tpu.memory_space<hbm>> -> memref<10240x32xf32, #tpu.memory_space<hbm>>
      tpu.wait_indirect_dma semaphore(%arg25 : memref<!tpu.dma_semaphore, #tpu.memory_space<semaphore_mem>>) src(%dma_wait3A_231 : memref<10240x32xf32, #tpu.memory_space<hbm>>) dst(%arg17 : memref<128x32xf32, #tpu.memory_space<vmem>>)
      %dma_start3A_232 = arith.constant 0 : i32
      %dma_start3A_233 = tpu.memref_slice %arg8[%add3A_225, %dma_start3A_232] : memref<80x128xi32, #tpu.memory_space<vmem>> -> memref<1x128xi32, #tpu.memory_space<vmem>>
      %dma_start3A_234 = tpu.memref_squeeze %dma_start3A_233 : memref<1x128xi32, #tpu.memory_space<vmem>> -> memref<128xi32, #tpu.memory_space<vmem>>
      %dma_start3A_235 = arith.constant 0 : i32
      %dma_start3A_236 = arith.constant 0 : i32
      %dma_start3A_237 = tpu.memref_slice %arg9[%dma_start3A_235, %dma_start3A_236] : memref<10240x32xf32, #tpu.memory_space<vmem_shared>> -> memref<10240x32xf32, #tpu.memory_space<vmem_shared>>
      tpu.enqueue_indirect_dma source(%arg17 : memref<128x32xf32, #tpu.memory_space<vmem>>) target(%dma_start3A_237 : memref<10240x32xf32, #tpu.memory_space<vmem_shared>>) offsets(%dma_start3A_234 : memref<128xi32, #tpu.memory_space<vmem>>) semaphore(%arg33 : memref<!tpu.dma_semaphore, #tpu.memory_space<semaphore_mem>>) {add = true}
      %mul3A_238 = arith.constant 8 : i32
      %mul3A_239 = arith.muli %scan3A_109, %mul3A_238 : i32
      %add3A_240 = arith.constant 0 : i32
      %add3A_241 = arith.addi %mul3A_239, %add3A_240 : i32
      %dma_wait3A_242 = arith.constant 0 : i32
      %dma_wait3A_243 = tpu.memref_slice %arg8[%add3A_241, %dma_wait3A_242] : memref<80x128xi32, #tpu.memory_space<vmem>> -> memref<1x128xi32, #tpu.memory_space<vmem>>
      %dma_wait3A_244 = tpu.memref_squeeze %dma_wait3A_243 : memref<1x128xi32, #tpu.memory_space<vmem>> -> memref<128xi32, #tpu.memory_space<vmem>>
      %dma_wait3A_245 = arith.constant 0 : i32
      %dma_wait3A_246 = arith.constant 0 : i32
      %dma_wait3A_247 = tpu.memref_slice %arg9[%dma_wait3A_245, %dma_wait3A_246] : memref<10240x32xf32, #tpu.memory_space<vmem_shared>> -> memref<10240x32xf32, #tpu.memory_space<vmem_shared>>
      tpu.wait_indirect_dma semaphore(%arg26 : memref<!tpu.dma_semaphore, #tpu.memory_space<semaphore_mem>>) src(%arg10 : memref<128x32xf32, #tpu.memory_space<vmem>>) dst(%dma_wait3A_247 : memref<10240x32xf32, #tpu.memory_space<vmem_shared>>)
      %add3A_248 = arith.constant 8 : i32
      %add3A_249 = arith.addi %add3A_241, %add3A_248 : i32
      %lt3A = arith.constant 80 : i32
      %lt3A_250 = arith.cmpi slt, %add3A_249, %lt3A : i32
      %convert_element_type3A = arith.extui %lt3A_250 : i1 to i32
      %cond3A = arith.constant 0 : i32
      %cond3A_251 = arith.cmpi ne, %convert_element_type3A, %cond3A : i32
      scf.if %cond3A_251 {
        %add3A_371 = arith.constant 8 : i32
        %add3A_372 = arith.addi %add3A_241, %add3A_371 : i32
        %dma_start3A_373 = arith.constant 0 : i32
        %dma_start3A_374 = tpu.memref_slice %arg7[%add3A_372, %dma_start3A_373] : memref<80x128xi32, #tpu.memory_space<vmem>> -> memref<1x128xi32, #tpu.memory_space<vmem>>
        %dma_start3A_375 = tpu.memref_squeeze %dma_start3A_374 : memref<1x128xi32, #tpu.memory_space<vmem>> -> memref<128xi32, #tpu.memory_space<vmem>>
        %dma_start3A_376 = arith.constant 0 : i32
        %dma_start3A_377 = arith.constant 0 : i32
        %dma_start3A_378 = tpu.memref_slice %arg2[%dma_start3A_376, %dma_start3A_377] : memref<10240x32xf32, #tpu.memory_space<hbm>> -> memref<10240x32xf32, #tpu.memory_space<hbm>>
        tpu.enqueue_indirect_dma source(%dma_start3A_378 : memref<10240x32xf32, #tpu.memory_space<hbm>>) target(%arg10 : memref<128x32xf32, #tpu.memory_space<vmem>>) offsets(%dma_start3A_375 : memref<128xi32, #tpu.memory_space<vmem>>) semaphore(%arg18 : memref<!tpu.dma_semaphore, #tpu.memory_space<semaphore_mem>>)
      } else {
      }
      %mul3A_252 = arith.constant 8 : i32
      %mul3A_253 = arith.muli %scan3A_109, %mul3A_252 : i32
      %add3A_254 = arith.constant 1 : i32
      %add3A_255 = arith.addi %mul3A_253, %add3A_254 : i32
      %dma_wait3A_256 = arith.constant 0 : i32
      %dma_wait3A_257 = tpu.memref_slice %arg8[%add3A_255, %dma_wait3A_256] : memref<80x128xi32, #tpu.memory_space<vmem>> -> memref<1x128xi32, #tpu.memory_space<vmem>>
      %dma_wait3A_258 = tpu.memref_squeeze %dma_wait3A_257 : memref<1x128xi32, #tpu.memory_space<vmem>> -> memref<128xi32, #tpu.memory_space<vmem>>
      %dma_wait3A_259 = arith.constant 0 : i32
      %dma_wait3A_260 = arith.constant 0 : i32
      %dma_wait3A_261 = tpu.memref_slice %arg9[%dma_wait3A_259, %dma_wait3A_260] : memref<10240x32xf32, #tpu.memory_space<vmem_shared>> -> memref<10240x32xf32, #tpu.memory_space<vmem_shared>>
      tpu.wait_indirect_dma semaphore(%arg27 : memref<!tpu.dma_semaphore, #tpu.memory_space<semaphore_mem>>) src(%arg11 : memref<128x32xf32, #tpu.memory_space<vmem>>) dst(%dma_wait3A_261 : memref<10240x32xf32, #tpu.memory_space<vmem_shared>>)
      %add3A_262 = arith.constant 8 : i32
      %add3A_263 = arith.addi %add3A_255, %add3A_262 : i32
      %lt3A_264 = arith.constant 80 : i32
      %lt3A_265 = arith.cmpi slt, %add3A_263, %lt3A_264 : i32
      %convert_element_type3A_266 = arith.extui %lt3A_265 : i1 to i32
      %cond3A_267 = arith.constant 0 : i32
      %cond3A_268 = arith.cmpi ne, %convert_element_type3A_266, %cond3A_267 : i32
      scf.if %cond3A_268 {
        %add3A_371 = arith.constant 8 : i32
        %add3A_372 = arith.addi %add3A_255, %add3A_371 : i32
        %dma_start3A_373 = arith.constant 0 : i32
        %dma_start3A_374 = tpu.memref_slice %arg7[%add3A_372, %dma_start3A_373] : memref<80x128xi32, #tpu.memory_space<vmem>> -> memref<1x128xi32, #tpu.memory_space<vmem>>
        %dma_start3A_375 = tpu.memref_squeeze %dma_start3A_374 : memref<1x128xi32, #tpu.memory_space<vmem>> -> memref<128xi32, #tpu.memory_space<vmem>>
        %dma_start3A_376 = arith.constant 0 : i32
        %dma_start3A_377 = arith.constant 0 : i32
        %dma_start3A_378 = tpu.memref_slice %arg2[%dma_start3A_376, %dma_start3A_377] : memref<10240x32xf32, #tpu.memory_space<hbm>> -> memref<10240x32xf32, #tpu.memory_space<hbm>>
        tpu.enqueue_indirect_dma source(%dma_start3A_378 : memref<10240x32xf32, #tpu.memory_space<hbm>>) target(%arg11 : memref<128x32xf32, #tpu.memory_space<vmem>>) offsets(%dma_start3A_375 : memref<128xi32, #tpu.memory_space<vmem>>) semaphore(%arg19 : memref<!tpu.dma_semaphore, #tpu.memory_space<semaphore_mem>>)
      } else {
      }
      %mul3A_269 = arith.constant 8 : i32
      %mul3A_270 = arith.muli %scan3A_109, %mul3A_269 : i32
      %add3A_271 = arith.constant 2 : i32
      %add3A_272 = arith.addi %mul3A_270, %add3A_271 : i32
      %dma_wait3A_273 = arith.constant 0 : i32
      %dma_wait3A_274 = tpu.memref_slice %arg8[%add3A_272, %dma_wait3A_273] : memref<80x128xi32, #tpu.memory_space<vmem>> -> memref<1x128xi32, #tpu.memory_space<vmem>>
      %dma_wait3A_275 = tpu.memref_squeeze %dma_wait3A_274 : memref<1x128xi32, #tpu.memory_space<vmem>> -> memref<128xi32, #tpu.memory_space<vmem>>
      %dma_wait3A_276 = arith.constant 0 : i32
      %dma_wait3A_277 = arith.constant 0 : i32
      %dma_wait3A_278 = tpu.memref_slice %arg9[%dma_wait3A_276, %dma_wait3A_277] : memref<10240x32xf32, #tpu.memory_space<vmem_shared>> -> memref<10240x32xf32, #tpu.memory_space<vmem_shared>>
      tpu.wait_indirect_dma semaphore(%arg28 : memref<!tpu.dma_semaphore, #tpu.memory_space<semaphore_mem>>) src(%arg12 : memref<128x32xf32, #tpu.memory_space<vmem>>) dst(%dma_wait3A_278 : memref<10240x32xf32, #tpu.memory_space<vmem_shared>>)
      %add3A_279 = arith.constant 8 : i32
      %add3A_280 = arith.addi %add3A_272, %add3A_279 : i32
      %lt3A_281 = arith.constant 80 : i32
      %lt3A_282 = arith.cmpi slt, %add3A_280, %lt3A_281 : i32
      %convert_element_type3A_283 = arith.extui %lt3A_282 : i1 to i32
      %cond3A_284 = arith.constant 0 : i32
      %cond3A_285 = arith.cmpi ne, %convert_element_type3A_283, %cond3A_284 : i32
      scf.if %cond3A_285 {
        %add3A_371 = arith.constant 8 : i32
        %add3A_372 = arith.addi %add3A_272, %add3A_371 : i32
        %dma_start3A_373 = arith.constant 0 : i32
        %dma_start3A_374 = tpu.memref_slice %arg7[%add3A_372, %dma_start3A_373] : memref<80x128xi32, #tpu.memory_space<vmem>> -> memref<1x128xi32, #tpu.memory_space<vmem>>
        %dma_start3A_375 = tpu.memref_squeeze %dma_start3A_374 : memref<1x128xi32, #tpu.memory_space<vmem>> -> memref<128xi32, #tpu.memory_space<vmem>>
        %dma_start3A_376 = arith.constant 0 : i32
        %dma_start3A_377 = arith.constant 0 : i32
        %dma_start3A_378 = tpu.memref_slice %arg2[%dma_start3A_376, %dma_start3A_377] : memref<10240x32xf32, #tpu.memory_space<hbm>> -> memref<10240x32xf32, #tpu.memory_space<hbm>>
        tpu.enqueue_indirect_dma source(%dma_start3A_378 : memref<10240x32xf32, #tpu.memory_space<hbm>>) target(%arg12 : memref<128x32xf32, #tpu.memory_space<vmem>>) offsets(%dma_start3A_375 : memref<128xi32, #tpu.memory_space<vmem>>) semaphore(%arg20 : memref<!tpu.dma_semaphore, #tpu.memory_space<semaphore_mem>>)
      } else {
      }
      %mul3A_286 = arith.constant 8 : i32
      %mul3A_287 = arith.muli %scan3A_109, %mul3A_286 : i32
      %add3A_288 = arith.constant 3 : i32
      %add3A_289 = arith.addi %mul3A_287, %add3A_288 : i32
      %dma_wait3A_290 = arith.constant 0 : i32
      %dma_wait3A_291 = tpu.memref_slice %arg8[%add3A_289, %dma_wait3A_290] : memref<80x128xi32, #tpu.memory_space<vmem>> -> memref<1x128xi32, #tpu.memory_space<vmem>>
      %dma_wait3A_292 = tpu.memref_squeeze %dma_wait3A_291 : memref<1x128xi32, #tpu.memory_space<vmem>> -> memref<128xi32, #tpu.memory_space<vmem>>
      %dma_wait3A_293 = arith.constant 0 : i32
      %dma_wait3A_294 = arith.constant 0 : i32
      %dma_wait3A_295 = tpu.memref_slice %arg9[%dma_wait3A_293, %dma_wait3A_294] : memref<10240x32xf32, #tpu.memory_space<vmem_shared>> -> memref<10240x32xf32, #tpu.memory_space<vmem_shared>>
      tpu.wait_indirect_dma semaphore(%arg29 : memref<!tpu.dma_semaphore, #tpu.memory_space<semaphore_mem>>) src(%arg13 : memref<128x32xf32, #tpu.memory_space<vmem>>) dst(%dma_wait3A_295 : memref<10240x32xf32, #tpu.memory_space<vmem_shared>>)
      %add3A_296 = arith.constant 8 : i32
      %add3A_297 = arith.addi %add3A_289, %add3A_296 : i32
      %lt3A_298 = arith.constant 80 : i32
      %lt3A_299 = arith.cmpi slt, %add3A_297, %lt3A_298 : i32
      %convert_element_type3A_300 = arith.extui %lt3A_299 : i1 to i32
      %cond3A_301 = arith.constant 0 : i32
      %cond3A_302 = arith.cmpi ne, %convert_element_type3A_300, %cond3A_301 : i32
      scf.if %cond3A_302 {
        %add3A_371 = arith.constant 8 : i32
        %add3A_372 = arith.addi %add3A_289, %add3A_371 : i32
        %dma_start3A_373 = arith.constant 0 : i32
        %dma_start3A_374 = tpu.memref_slice %arg7[%add3A_372, %dma_start3A_373] : memref<80x128xi32, #tpu.memory_space<vmem>> -> memref<1x128xi32, #tpu.memory_space<vmem>>
        %dma_start3A_375 = tpu.memref_squeeze %dma_start3A_374 : memref<1x128xi32, #tpu.memory_space<vmem>> -> memref<128xi32, #tpu.memory_space<vmem>>
        %dma_start3A_376 = arith.constant 0 : i32
        %dma_start3A_377 = arith.constant 0 : i32
        %dma_start3A_378 = tpu.memref_slice %arg2[%dma_start3A_376, %dma_start3A_377] : memref<10240x32xf32, #tpu.memory_space<hbm>> -> memref<10240x32xf32, #tpu.memory_space<hbm>>
        tpu.enqueue_indirect_dma source(%dma_start3A_378 : memref<10240x32xf32, #tpu.memory_space<hbm>>) target(%arg13 : memref<128x32xf32, #tpu.memory_space<vmem>>) offsets(%dma_start3A_375 : memref<128xi32, #tpu.memory_space<vmem>>) semaphore(%arg21 : memref<!tpu.dma_semaphore, #tpu.memory_space<semaphore_mem>>)
      } else {
      }
      %mul3A_303 = arith.constant 8 : i32
      %mul3A_304 = arith.muli %scan3A_109, %mul3A_303 : i32
      %add3A_305 = arith.constant 4 : i32
      %add3A_306 = arith.addi %mul3A_304, %add3A_305 : i32
      %dma_wait3A_307 = arith.constant 0 : i32
      %dma_wait3A_308 = tpu.memref_slice %arg8[%add3A_306, %dma_wait3A_307] : memref<80x128xi32, #tpu.memory_space<vmem>> -> memref<1x128xi32, #tpu.memory_space<vmem>>
      %dma_wait3A_309 = tpu.memref_squeeze %dma_wait3A_308 : memref<1x128xi32, #tpu.memory_space<vmem>> -> memref<128xi32, #tpu.memory_space<vmem>>
      %dma_wait3A_310 = arith.constant 0 : i32
      %dma_wait3A_311 = arith.constant 0 : i32
      %dma_wait3A_312 = tpu.memref_slice %arg9[%dma_wait3A_310, %dma_wait3A_311] : memref<10240x32xf32, #tpu.memory_space<vmem_shared>> -> memref<10240x32xf32, #tpu.memory_space<vmem_shared>>
      tpu.wait_indirect_dma semaphore(%arg30 : memref<!tpu.dma_semaphore, #tpu.memory_space<semaphore_mem>>) src(%arg14 : memref<128x32xf32, #tpu.memory_space<vmem>>) dst(%dma_wait3A_312 : memref<10240x32xf32, #tpu.memory_space<vmem_shared>>)
      %add3A_313 = arith.constant 8 : i32
      %add3A_314 = arith.addi %add3A_306, %add3A_313 : i32
      %lt3A_315 = arith.constant 80 : i32
      %lt3A_316 = arith.cmpi slt, %add3A_314, %lt3A_315 : i32
      %convert_element_type3A_317 = arith.extui %lt3A_316 : i1 to i32
      %cond3A_318 = arith.constant 0 : i32
      %cond3A_319 = arith.cmpi ne, %convert_element_type3A_317, %cond3A_318 : i32
      scf.if %cond3A_319 {
        %add3A_371 = arith.constant 8 : i32
        %add3A_372 = arith.addi %add3A_306, %add3A_371 : i32
        %dma_start3A_373 = arith.constant 0 : i32
        %dma_start3A_374 = tpu.memref_slice %arg7[%add3A_372, %dma_start3A_373] : memref<80x128xi32, #tpu.memory_space<vmem>> -> memref<1x128xi32, #tpu.memory_space<vmem>>
        %dma_start3A_375 = tpu.memref_squeeze %dma_start3A_374 : memref<1x128xi32, #tpu.memory_space<vmem>> -> memref<128xi32, #tpu.memory_space<vmem>>
        %dma_start3A_376 = arith.constant 0 : i32
        %dma_start3A_377 = arith.constant 0 : i32
        %dma_start3A_378 = tpu.memref_slice %arg2[%dma_start3A_376, %dma_start3A_377] : memref<10240x32xf32, #tpu.memory_space<hbm>> -> memref<10240x32xf32, #tpu.memory_space<hbm>>
        tpu.enqueue_indirect_dma source(%dma_start3A_378 : memref<10240x32xf32, #tpu.memory_space<hbm>>) target(%arg14 : memref<128x32xf32, #tpu.memory_space<vmem>>) offsets(%dma_start3A_375 : memref<128xi32, #tpu.memory_space<vmem>>) semaphore(%arg22 : memref<!tpu.dma_semaphore, #tpu.memory_space<semaphore_mem>>)
      } else {
      }
      %mul3A_320 = arith.constant 8 : i32
      %mul3A_321 = arith.muli %scan3A_109, %mul3A_320 : i32
      %add3A_322 = arith.constant 5 : i32
      %add3A_323 = arith.addi %mul3A_321, %add3A_322 : i32
      %dma_wait3A_324 = arith.constant 0 : i32
      %dma_wait3A_325 = tpu.memref_slice %arg8[%add3A_323, %dma_wait3A_324] : memref<80x128xi32, #tpu.memory_space<vmem>> -> memref<1x128xi32, #tpu.memory_space<vmem>>
      %dma_wait3A_326 = tpu.memref_squeeze %dma_wait3A_325 : memref<1x128xi32, #tpu.memory_space<vmem>> -> memref<128xi32, #tpu.memory_space<vmem>>
      %dma_wait3A_327 = arith.constant 0 : i32
      %dma_wait3A_328 = arith.constant 0 : i32
      %dma_wait3A_329 = tpu.memref_slice %arg9[%dma_wait3A_327, %dma_wait3A_328] : memref<10240x32xf32, #tpu.memory_space<vmem_shared>> -> memref<10240x32xf32, #tpu.memory_space<vmem_shared>>
      tpu.wait_indirect_dma semaphore(%arg31 : memref<!tpu.dma_semaphore, #tpu.memory_space<semaphore_mem>>) src(%arg15 : memref<128x32xf32, #tpu.memory_space<vmem>>) dst(%dma_wait3A_329 : memref<10240x32xf32, #tpu.memory_space<vmem_shared>>)
      %add3A_330 = arith.constant 8 : i32
      %add3A_331 = arith.addi %add3A_323, %add3A_330 : i32
      %lt3A_332 = arith.constant 80 : i32
      %lt3A_333 = arith.cmpi slt, %add3A_331, %lt3A_332 : i32
      %convert_element_type3A_334 = arith.extui %lt3A_333 : i1 to i32
      %cond3A_335 = arith.constant 0 : i32
      %cond3A_336 = arith.cmpi ne, %convert_element_type3A_334, %cond3A_335 : i32
      scf.if %cond3A_336 {
        %add3A_371 = arith.constant 8 : i32
        %add3A_372 = arith.addi %add3A_323, %add3A_371 : i32
        %dma_start3A_373 = arith.constant 0 : i32
        %dma_start3A_374 = tpu.memref_slice %arg7[%add3A_372, %dma_start3A_373] : memref<80x128xi32, #tpu.memory_space<vmem>> -> memref<1x128xi32, #tpu.memory_space<vmem>>
        %dma_start3A_375 = tpu.memref_squeeze %dma_start3A_374 : memref<1x128xi32, #tpu.memory_space<vmem>> -> memref<128xi32, #tpu.memory_space<vmem>>
        %dma_start3A_376 = arith.constant 0 : i32
        %dma_start3A_377 = arith.constant 0 : i32
        %dma_start3A_378 = tpu.memref_slice %arg2[%dma_start3A_376, %dma_start3A_377] : memref<10240x32xf32, #tpu.memory_space<hbm>> -> memref<10240x32xf32, #tpu.memory_space<hbm>>
        tpu.enqueue_indirect_dma source(%dma_start3A_378 : memref<10240x32xf32, #tpu.memory_space<hbm>>) target(%arg15 : memref<128x32xf32, #tpu.memory_space<vmem>>) offsets(%dma_start3A_375 : memref<128xi32, #tpu.memory_space<vmem>>) semaphore(%arg23 : memref<!tpu.dma_semaphore, #tpu.memory_space<semaphore_mem>>)
      } else {
      }
      %mul3A_337 = arith.constant 8 : i32
      %mul3A_338 = arith.muli %scan3A_109, %mul3A_337 : i32
      %add3A_339 = arith.constant 6 : i32
      %add3A_340 = arith.addi %mul3A_338, %add3A_339 : i32
      %dma_wait3A_341 = arith.constant 0 : i32
      %dma_wait3A_342 = tpu.memref_slice %arg8[%add3A_340, %dma_wait3A_341] : memref<80x128xi32, #tpu.memory_space<vmem>> -> memref<1x128xi32, #tpu.memory_space<vmem>>
      %dma_wait3A_343 = tpu.memref_squeeze %dma_wait3A_342 : memref<1x128xi32, #tpu.memory_space<vmem>> -> memref<128xi32, #tpu.memory_space<vmem>>
      %dma_wait3A_344 = arith.constant 0 : i32
      %dma_wait3A_345 = arith.constant 0 : i32
      %dma_wait3A_346 = tpu.memref_slice %arg9[%dma_wait3A_344, %dma_wait3A_345] : memref<10240x32xf32, #tpu.memory_space<vmem_shared>> -> memref<10240x32xf32, #tpu.memory_space<vmem_shared>>
      tpu.wait_indirect_dma semaphore(%arg32 : memref<!tpu.dma_semaphore, #tpu.memory_space<semaphore_mem>>) src(%arg16 : memref<128x32xf32, #tpu.memory_space<vmem>>) dst(%dma_wait3A_346 : memref<10240x32xf32, #tpu.memory_space<vmem_shared>>)
      %add3A_347 = arith.constant 8 : i32
      %add3A_348 = arith.addi %add3A_340, %add3A_347 : i32
      %lt3A_349 = arith.constant 80 : i32
      %lt3A_350 = arith.cmpi slt, %add3A_348, %lt3A_349 : i32
      %convert_element_type3A_351 = arith.extui %lt3A_350 : i1 to i32
      %cond3A_352 = arith.constant 0 : i32
      %cond3A_353 = arith.cmpi ne, %convert_element_type3A_351, %cond3A_352 : i32
      scf.if %cond3A_353 {
        %add3A_371 = arith.constant 8 : i32
        %add3A_372 = arith.addi %add3A_340, %add3A_371 : i32
        %dma_start3A_373 = arith.constant 0 : i32
        %dma_start3A_374 = tpu.memref_slice %arg7[%add3A_372, %dma_start3A_373] : memref<80x128xi32, #tpu.memory_space<vmem>> -> memref<1x128xi32, #tpu.memory_space<vmem>>
        %dma_start3A_375 = tpu.memref_squeeze %dma_start3A_374 : memref<1x128xi32, #tpu.memory_space<vmem>> -> memref<128xi32, #tpu.memory_space<vmem>>
        %dma_start3A_376 = arith.constant 0 : i32
        %dma_start3A_377 = arith.constant 0 : i32
        %dma_start3A_378 = tpu.memref_slice %arg2[%dma_start3A_376, %dma_start3A_377] : memref<10240x32xf32, #tpu.memory_space<hbm>> -> memref<10240x32xf32, #tpu.memory_space<hbm>>
        tpu.enqueue_indirect_dma source(%dma_start3A_378 : memref<10240x32xf32, #tpu.memory_space<hbm>>) target(%arg16 : memref<128x32xf32, #tpu.memory_space<vmem>>) offsets(%dma_start3A_375 : memref<128xi32, #tpu.memory_space<vmem>>) semaphore(%arg24 : memref<!tpu.dma_semaphore, #tpu.memory_space<semaphore_mem>>)
      } else {
      }
      %mul3A_354 = arith.constant 8 : i32
      %mul3A_355 = arith.muli %scan3A_109, %mul3A_354 : i32
      %add3A_356 = arith.constant 7 : i32
      %add3A_357 = arith.addi %mul3A_355, %add3A_356 : i32
      %dma_wait3A_358 = arith.constant 0 : i32
      %dma_wait3A_359 = tpu.memref_slice %arg8[%add3A_357, %dma_wait3A_358] : memref<80x128xi32, #tpu.memory_space<vmem>> -> memref<1x128xi32, #tpu.memory_space<vmem>>
      %dma_wait3A_360 = tpu.memref_squeeze %dma_wait3A_359 : memref<1x128xi32, #tpu.memory_space<vmem>> -> memref<128xi32, #tpu.memory_space<vmem>>
      %dma_wait3A_361 = arith.constant 0 : i32
      %dma_wait3A_362 = arith.constant 0 : i32
      %dma_wait3A_363 = tpu.memref_slice %arg9[%dma_wait3A_361, %dma_wait3A_362] : memref<10240x32xf32, #tpu.memory_space<vmem_shared>> -> memref<10240x32xf32, #tpu.memory_space<vmem_shared>>
      tpu.wait_indirect_dma semaphore(%arg33 : memref<!tpu.dma_semaphore, #tpu.memory_space<semaphore_mem>>) src(%arg17 : memref<128x32xf32, #tpu.memory_space<vmem>>) dst(%dma_wait3A_363 : memref<10240x32xf32, #tpu.memory_space<vmem_shared>>)
      %add3A_364 = arith.constant 8 : i32
      %add3A_365 = arith.addi %add3A_357, %add3A_364 : i32
      %lt3A_366 = arith.constant 80 : i32
      %lt3A_367 = arith.cmpi slt, %add3A_365, %lt3A_366 : i32
      %convert_element_type3A_368 = arith.extui %lt3A_367 : i1 to i32
      %cond3A_369 = arith.constant 0 : i32
      %cond3A_370 = arith.cmpi ne, %convert_element_type3A_368, %cond3A_369 : i32
      scf.if %cond3A_370 {
        %add3A_371 = arith.constant 8 : i32
        %add3A_372 = arith.addi %add3A_357, %add3A_371 : i32
        %dma_start3A_373 = arith.constant 0 : i32
        %dma_start3A_374 = tpu.memref_slice %arg7[%add3A_372, %dma_start3A_373] : memref<80x128xi32, #tpu.memory_space<vmem>> -> memref<1x128xi32, #tpu.memory_space<vmem>>
        %dma_start3A_375 = tpu.memref_squeeze %dma_start3A_374 : memref<1x128xi32, #tpu.memory_space<vmem>> -> memref<128xi32, #tpu.memory_space<vmem>>
        %dma_start3A_376 = arith.constant 0 : i32
        %dma_start3A_377 = arith.constant 0 : i32
        %dma_start3A_378 = tpu.memref_slice %arg2[%dma_start3A_376, %dma_start3A_377] : memref<10240x32xf32, #tpu.memory_space<hbm>> -> memref<10240x32xf32, #tpu.memory_space<hbm>>
        tpu.enqueue_indirect_dma source(%dma_start3A_378 : memref<10240x32xf32, #tpu.memory_space<hbm>>) target(%arg17 : memref<128x32xf32, #tpu.memory_space<vmem>>) offsets(%dma_start3A_375 : memref<128xi32, #tpu.memory_space<vmem>>) semaphore(%arg25 : memref<!tpu.dma_semaphore, #tpu.memory_space<semaphore_mem>>)
      } else {
      }
    }
    %scan3A_103 = arith.constant 10 : i32
    %barrier3A_104 = arith.constant 0 : index
    tpu.barrier barrier_id(%barrier3A_104)
    %mul3A_105 = arith.constant 640 : i32
    %mul3A_106 = arith.muli %arg1, %mul3A_105 : i32
    %mul3A_107 = arith.constant 640 : i32
    %mul3A_108 = arith.muli %arg1, %mul3A_107 : i32
    "tpu.region"() ({
      %run_scoped3A = tpu.sem_alloc : memref<!tpu.dma_semaphore, #tpu.memory_space<semaphore_mem>>
      %dma_start3A_109 = arith.constant 0 : i32
      %dma_start3A_110 = tpu.memref_slice %arg6[%arg0, %mul3A_108, %dma_start3A_109] : memref<2x10240x32xf32, #tpu.memory_space<hbm>> -> memref<1x640x32xf32, #tpu.memory_space<hbm>>
      %dma_start3A_111 = tpu.memref_squeeze %dma_start3A_110 : memref<1x640x32xf32, #tpu.memory_space<hbm>> -> memref<640x32xf32, #tpu.memory_space<hbm>>
      %dma_start3A_112 = arith.constant 0 : i32
      %dma_start3A_113 = tpu.memref_slice %arg9[%mul3A_106, %dma_start3A_112] : memref<10240x32xf32, #tpu.memory_space<vmem_shared>> -> memref<640x32xf32, #tpu.memory_space<vmem_shared>>
      tpu.enqueue_dma source(%dma_start3A_113 : memref<640x32xf32, #tpu.memory_space<vmem_shared>>) target(%dma_start3A_111 : memref<640x32xf32, #tpu.memory_space<hbm>>) target_semaphore(%run_scoped3A : memref<!tpu.dma_semaphore, #tpu.memory_space<semaphore_mem>>)
      %dma_wait3A_114 = arith.constant 0 : i32
      %dma_wait3A_115 = tpu.memref_slice %arg6[%arg0, %mul3A_108, %dma_wait3A_114] : memref<2x10240x32xf32, #tpu.memory_space<hbm>> -> memref<1x640x32xf32, #tpu.memory_space<hbm>>
      %dma_wait3A_116 = tpu.memref_squeeze %dma_wait3A_115 : memref<1x640x32xf32, #tpu.memory_space<hbm>> -> memref<640x32xf32, #tpu.memory_space<hbm>>
      %dma_wait3A_117 = arith.constant 0 : i32
      %dma_wait3A_118 = tpu.memref_slice %arg9[%mul3A_106, %dma_wait3A_117] : memref<10240x32xf32, #tpu.memory_space<vmem_shared>> -> memref<640x32xf32, #tpu.memory_space<vmem_shared>>
      tpu.wait_dma2 semaphore(%run_scoped3A : memref<!tpu.dma_semaphore, #tpu.memory_space<semaphore_mem>>) src(%dma_wait3A_118 : memref<640x32xf32, #tpu.memory_space<vmem_shared>>) dst(%dma_wait3A_116 : memref<640x32xf32, #tpu.memory_space<hbm>>)
      tpu.yield
    }) : () -> ()
    return
  }
}

#map = affine_map<(d0, d1) -> (0, 0, 0)>
#map1 = affine_map<(d0, d1) -> (0, 0)>
module attributes {stable_mosaic.version = 14 : i64} {
  func.func @degk(%arg0: i32, %arg1: i32, %arg2: memref<32x80x128xi32, #tpu.memory_space<hbm>>, %arg3: memref<128x8xf32, #tpu.memory_space<hbm>>, %arg4: memref<10240x8xf32, #tpu.memory_space<hbm>>, %arg5: memref<2x10240x8xf32, #tpu.memory_space<hbm>>, %arg6: memref<80x128xi32, #tpu.memory_space<vmem>>, %arg7: memref<128x8xf32, #tpu.memory_space<vmem>>, %arg8: memref<10240x8xf32, #tpu.memory_space<vmem_shared>>, %arg9: memref<!tpu.dma_semaphore, #tpu.memory_space<semaphore_mem>>) attributes {dimension_semantics = [#tpu.dimension_semantics<core_parallel>, #tpu.dimension_semantics<subcore_parallel>], iteration_bounds = array<i64: 2, 16>, scalar_prefetch = 0 : i64, scratch_operands = 4 : i64, tpu.core_type = #tpu.core_type<sc_vector_subcore>, window_params = [{transform_indices = #map}, {transform_indices = #map1}, {transform_indices = #map1}, {transform_indices = #map}]} {
    %mul3A = arith.constant 16 : i32
    %mul3A_0 = arith.muli %arg0, %mul3A : i32
    %add3A = arith.addi %mul3A_0, %arg1 : i32
    %dma_start3A = arith.constant 0 : i32
    %dma_start3A_1 = arith.constant 0 : i32
    %dma_start3A_2 = tpu.memref_slice %arg2[%add3A, %dma_start3A, %dma_start3A_1] : memref<32x80x128xi32, #tpu.memory_space<hbm>> -> memref<1x80x128xi32, #tpu.memory_space<hbm>>
    %dma_start3A_3 = tpu.memref_squeeze %dma_start3A_2 : memref<1x80x128xi32, #tpu.memory_space<hbm>> -> memref<80x128xi32, #tpu.memory_space<hbm>>
    %dma_start3A_4 = arith.constant 0 : i32
    %dma_start3A_5 = arith.constant 0 : i32
    %dma_start3A_6 = tpu.memref_slice %arg2[%add3A, %dma_start3A_4, %dma_start3A_5] : memref<32x80x128xi32, #tpu.memory_space<hbm>> -> memref<1x80x128xi32, #tpu.memory_space<hbm>>
    %dma_start3A_7 = tpu.memref_squeeze %dma_start3A_6 : memref<1x80x128xi32, #tpu.memory_space<hbm>> -> memref<80x128xi32, #tpu.memory_space<hbm>>
    tpu.enqueue_dma source(%dma_start3A_7 : memref<80x128xi32, #tpu.memory_space<hbm>>) target(%arg6 : memref<80x128xi32, #tpu.memory_space<vmem>>) target_semaphore(%arg9 : memref<!tpu.dma_semaphore, #tpu.memory_space<semaphore_mem>>)
    "tpu.region"() ({
      %run_scoped3A = tpu.sem_alloc : memref<!tpu.dma_semaphore, #tpu.memory_space<semaphore_mem>>
      tpu.enqueue_dma source(%arg3 : memref<128x8xf32, #tpu.memory_space<hbm>>) target(%arg7 : memref<128x8xf32, #tpu.memory_space<vmem>>) target_semaphore(%run_scoped3A : memref<!tpu.dma_semaphore, #tpu.memory_space<semaphore_mem>>)
      tpu.wait_dma2 semaphore(%run_scoped3A : memref<!tpu.dma_semaphore, #tpu.memory_space<semaphore_mem>>) src(%arg3 : memref<128x8xf32, #tpu.memory_space<hbm>>) dst(%arg7 : memref<128x8xf32, #tpu.memory_space<vmem>>)
      tpu.yield
    }) : () -> ()
    %mul3A_8 = arith.constant 640 : i32
    %mul3A_9 = arith.muli %arg1, %mul3A_8 : i32
    %mul3A_10 = arith.constant 640 : i32
    %mul3A_11 = arith.muli %arg1, %mul3A_10 : i32
    "tpu.region"() ({
      %run_scoped3A = tpu.sem_alloc : memref<!tpu.dma_semaphore, #tpu.memory_space<semaphore_mem>>
      %dma_start3A_29 = arith.constant 0 : i32
      %dma_start3A_30 = tpu.memref_slice %arg8[%mul3A_11, %dma_start3A_29] : memref<10240x8xf32, #tpu.memory_space<vmem_shared>> -> memref<640x8xf32, #tpu.memory_space<vmem_shared>>
      %dma_start3A_31 = arith.constant 0 : i32
      %dma_start3A_32 = tpu.memref_slice %arg4[%mul3A_9, %dma_start3A_31] : memref<10240x8xf32, #tpu.memory_space<hbm>> -> memref<640x8xf32, #tpu.memory_space<hbm>>
      tpu.enqueue_dma source(%dma_start3A_32 : memref<640x8xf32, #tpu.memory_space<hbm>>) target(%dma_start3A_30 : memref<640x8xf32, #tpu.memory_space<vmem_shared>>) target_semaphore(%run_scoped3A : memref<!tpu.dma_semaphore, #tpu.memory_space<semaphore_mem>>)
      %dma_wait3A_33 = arith.constant 0 : i32
      %dma_wait3A_34 = tpu.memref_slice %arg8[%mul3A_11, %dma_wait3A_33] : memref<10240x8xf32, #tpu.memory_space<vmem_shared>> -> memref<640x8xf32, #tpu.memory_space<vmem_shared>>
      %dma_wait3A_35 = arith.constant 0 : i32
      %dma_wait3A_36 = tpu.memref_slice %arg4[%mul3A_9, %dma_wait3A_35] : memref<10240x8xf32, #tpu.memory_space<hbm>> -> memref<640x8xf32, #tpu.memory_space<hbm>>
      tpu.wait_dma2 semaphore(%run_scoped3A : memref<!tpu.dma_semaphore, #tpu.memory_space<semaphore_mem>>) src(%dma_wait3A_36 : memref<640x8xf32, #tpu.memory_space<hbm>>) dst(%dma_wait3A_34 : memref<640x8xf32, #tpu.memory_space<vmem_shared>>)
      tpu.yield
    }) : () -> ()
    %dma_wait3A = arith.constant 0 : i32
    %dma_wait3A_12 = arith.constant 0 : i32
    %dma_wait3A_13 = tpu.memref_slice %arg2[%add3A, %dma_wait3A, %dma_wait3A_12] : memref<32x80x128xi32, #tpu.memory_space<hbm>> -> memref<1x80x128xi32, #tpu.memory_space<hbm>>
    %dma_wait3A_14 = tpu.memref_squeeze %dma_wait3A_13 : memref<1x80x128xi32, #tpu.memory_space<hbm>> -> memref<80x128xi32, #tpu.memory_space<hbm>>
    %dma_wait3A_15 = arith.constant 0 : i32
    %dma_wait3A_16 = arith.constant 0 : i32
    %dma_wait3A_17 = tpu.memref_slice %arg2[%add3A, %dma_wait3A_15, %dma_wait3A_16] : memref<32x80x128xi32, #tpu.memory_space<hbm>> -> memref<1x80x128xi32, #tpu.memory_space<hbm>>
    %dma_wait3A_18 = tpu.memref_squeeze %dma_wait3A_17 : memref<1x80x128xi32, #tpu.memory_space<hbm>> -> memref<80x128xi32, #tpu.memory_space<hbm>>
    tpu.wait_dma2 semaphore(%arg9 : memref<!tpu.dma_semaphore, #tpu.memory_space<semaphore_mem>>) src(%dma_wait3A_18 : memref<80x128xi32, #tpu.memory_space<hbm>>) dst(%arg6 : memref<80x128xi32, #tpu.memory_space<vmem>>)
    %barrier3A = arith.constant 0 : index
    tpu.barrier barrier_id(%barrier3A)
    %scan3A = arith.constant 0 : i32
    %scan3A_19 = arith.constant 0 : i32
    %scan3A_20 = arith.constant 10 : i32
    %scan3A_21 = arith.addi %scan3A_19, %scan3A_20 : i32
    %scan3A_22 = arith.constant 1 : i32
    scf.for %scan3A_29 = %scan3A_19 to %scan3A_21 step %scan3A_22  : i32 {
      %mul3A_30 = arith.constant 8 : i32
      %mul3A_31 = arith.muli %scan3A_29, %mul3A_30 : i32
      %add3A_32 = arith.constant 0 : i32
      %add3A_33 = arith.addi %mul3A_31, %add3A_32 : i32
      %dma_start3A_34 = arith.constant 0 : i32
      %dma_start3A_35 = tpu.memref_slice %arg6[%add3A_33, %dma_start3A_34] : memref<80x128xi32, #tpu.memory_space<vmem>> -> memref<1x128xi32, #tpu.memory_space<vmem>>
      %dma_start3A_36 = tpu.memref_squeeze %dma_start3A_35 : memref<1x128xi32, #tpu.memory_space<vmem>> -> memref<128xi32, #tpu.memory_space<vmem>>
      %dma_start3A_37 = arith.constant 0 : i32
      %dma_start3A_38 = arith.constant 0 : i32
      %dma_start3A_39 = tpu.memref_slice %arg8[%dma_start3A_37, %dma_start3A_38] : memref<10240x8xf32, #tpu.memory_space<vmem_shared>> -> memref<10240x8xf32, #tpu.memory_space<vmem_shared>>
      tpu.enqueue_indirect_dma source(%arg7 : memref<128x8xf32, #tpu.memory_space<vmem>>) target(%dma_start3A_39 : memref<10240x8xf32, #tpu.memory_space<vmem_shared>>) offsets(%dma_start3A_36 : memref<128xi32, #tpu.memory_space<vmem>>) semaphore(%arg9 : memref<!tpu.dma_semaphore, #tpu.memory_space<semaphore_mem>>) {add = true}
      %mul3A_40 = arith.constant 8 : i32
      %mul3A_41 = arith.muli %scan3A_29, %mul3A_40 : i32
      %add3A_42 = arith.constant 1 : i32
      %add3A_43 = arith.addi %mul3A_41, %add3A_42 : i32
      %dma_start3A_44 = arith.constant 0 : i32
      %dma_start3A_45 = tpu.memref_slice %arg6[%add3A_43, %dma_start3A_44] : memref<80x128xi32, #tpu.memory_space<vmem>> -> memref<1x128xi32, #tpu.memory_space<vmem>>
      %dma_start3A_46 = tpu.memref_squeeze %dma_start3A_45 : memref<1x128xi32, #tpu.memory_space<vmem>> -> memref<128xi32, #tpu.memory_space<vmem>>
      %dma_start3A_47 = arith.constant 0 : i32
      %dma_start3A_48 = arith.constant 0 : i32
      %dma_start3A_49 = tpu.memref_slice %arg8[%dma_start3A_47, %dma_start3A_48] : memref<10240x8xf32, #tpu.memory_space<vmem_shared>> -> memref<10240x8xf32, #tpu.memory_space<vmem_shared>>
      tpu.enqueue_indirect_dma source(%arg7 : memref<128x8xf32, #tpu.memory_space<vmem>>) target(%dma_start3A_49 : memref<10240x8xf32, #tpu.memory_space<vmem_shared>>) offsets(%dma_start3A_46 : memref<128xi32, #tpu.memory_space<vmem>>) semaphore(%arg9 : memref<!tpu.dma_semaphore, #tpu.memory_space<semaphore_mem>>) {add = true}
      %mul3A_50 = arith.constant 8 : i32
      %mul3A_51 = arith.muli %scan3A_29, %mul3A_50 : i32
      %add3A_52 = arith.constant 2 : i32
      %add3A_53 = arith.addi %mul3A_51, %add3A_52 : i32
      %dma_start3A_54 = arith.constant 0 : i32
      %dma_start3A_55 = tpu.memref_slice %arg6[%add3A_53, %dma_start3A_54] : memref<80x128xi32, #tpu.memory_space<vmem>> -> memref<1x128xi32, #tpu.memory_space<vmem>>
      %dma_start3A_56 = tpu.memref_squeeze %dma_start3A_55 : memref<1x128xi32, #tpu.memory_space<vmem>> -> memref<128xi32, #tpu.memory_space<vmem>>
      %dma_start3A_57 = arith.constant 0 : i32
      %dma_start3A_58 = arith.constant 0 : i32
      %dma_start3A_59 = tpu.memref_slice %arg8[%dma_start3A_57, %dma_start3A_58] : memref<10240x8xf32, #tpu.memory_space<vmem_shared>> -> memref<10240x8xf32, #tpu.memory_space<vmem_shared>>
      tpu.enqueue_indirect_dma source(%arg7 : memref<128x8xf32, #tpu.memory_space<vmem>>) target(%dma_start3A_59 : memref<10240x8xf32, #tpu.memory_space<vmem_shared>>) offsets(%dma_start3A_56 : memref<128xi32, #tpu.memory_space<vmem>>) semaphore(%arg9 : memref<!tpu.dma_semaphore, #tpu.memory_space<semaphore_mem>>) {add = true}
      %mul3A_60 = arith.constant 8 : i32
      %mul3A_61 = arith.muli %scan3A_29, %mul3A_60 : i32
      %add3A_62 = arith.constant 3 : i32
      %add3A_63 = arith.addi %mul3A_61, %add3A_62 : i32
      %dma_start3A_64 = arith.constant 0 : i32
      %dma_start3A_65 = tpu.memref_slice %arg6[%add3A_63, %dma_start3A_64] : memref<80x128xi32, #tpu.memory_space<vmem>> -> memref<1x128xi32, #tpu.memory_space<vmem>>
      %dma_start3A_66 = tpu.memref_squeeze %dma_start3A_65 : memref<1x128xi32, #tpu.memory_space<vmem>> -> memref<128xi32, #tpu.memory_space<vmem>>
      %dma_start3A_67 = arith.constant 0 : i32
      %dma_start3A_68 = arith.constant 0 : i32
      %dma_start3A_69 = tpu.memref_slice %arg8[%dma_start3A_67, %dma_start3A_68] : memref<10240x8xf32, #tpu.memory_space<vmem_shared>> -> memref<10240x8xf32, #tpu.memory_space<vmem_shared>>
      tpu.enqueue_indirect_dma source(%arg7 : memref<128x8xf32, #tpu.memory_space<vmem>>) target(%dma_start3A_69 : memref<10240x8xf32, #tpu.memory_space<vmem_shared>>) offsets(%dma_start3A_66 : memref<128xi32, #tpu.memory_space<vmem>>) semaphore(%arg9 : memref<!tpu.dma_semaphore, #tpu.memory_space<semaphore_mem>>) {add = true}
      %mul3A_70 = arith.constant 8 : i32
      %mul3A_71 = arith.muli %scan3A_29, %mul3A_70 : i32
      %add3A_72 = arith.constant 4 : i32
      %add3A_73 = arith.addi %mul3A_71, %add3A_72 : i32
      %dma_start3A_74 = arith.constant 0 : i32
      %dma_start3A_75 = tpu.memref_slice %arg6[%add3A_73, %dma_start3A_74] : memref<80x128xi32, #tpu.memory_space<vmem>> -> memref<1x128xi32, #tpu.memory_space<vmem>>
      %dma_start3A_76 = tpu.memref_squeeze %dma_start3A_75 : memref<1x128xi32, #tpu.memory_space<vmem>> -> memref<128xi32, #tpu.memory_space<vmem>>
      %dma_start3A_77 = arith.constant 0 : i32
      %dma_start3A_78 = arith.constant 0 : i32
      %dma_start3A_79 = tpu.memref_slice %arg8[%dma_start3A_77, %dma_start3A_78] : memref<10240x8xf32, #tpu.memory_space<vmem_shared>> -> memref<10240x8xf32, #tpu.memory_space<vmem_shared>>
      tpu.enqueue_indirect_dma source(%arg7 : memref<128x8xf32, #tpu.memory_space<vmem>>) target(%dma_start3A_79 : memref<10240x8xf32, #tpu.memory_space<vmem_shared>>) offsets(%dma_start3A_76 : memref<128xi32, #tpu.memory_space<vmem>>) semaphore(%arg9 : memref<!tpu.dma_semaphore, #tpu.memory_space<semaphore_mem>>) {add = true}
      %mul3A_80 = arith.constant 8 : i32
      %mul3A_81 = arith.muli %scan3A_29, %mul3A_80 : i32
      %add3A_82 = arith.constant 5 : i32
      %add3A_83 = arith.addi %mul3A_81, %add3A_82 : i32
      %dma_start3A_84 = arith.constant 0 : i32
      %dma_start3A_85 = tpu.memref_slice %arg6[%add3A_83, %dma_start3A_84] : memref<80x128xi32, #tpu.memory_space<vmem>> -> memref<1x128xi32, #tpu.memory_space<vmem>>
      %dma_start3A_86 = tpu.memref_squeeze %dma_start3A_85 : memref<1x128xi32, #tpu.memory_space<vmem>> -> memref<128xi32, #tpu.memory_space<vmem>>
      %dma_start3A_87 = arith.constant 0 : i32
      %dma_start3A_88 = arith.constant 0 : i32
      %dma_start3A_89 = tpu.memref_slice %arg8[%dma_start3A_87, %dma_start3A_88] : memref<10240x8xf32, #tpu.memory_space<vmem_shared>> -> memref<10240x8xf32, #tpu.memory_space<vmem_shared>>
      tpu.enqueue_indirect_dma source(%arg7 : memref<128x8xf32, #tpu.memory_space<vmem>>) target(%dma_start3A_89 : memref<10240x8xf32, #tpu.memory_space<vmem_shared>>) offsets(%dma_start3A_86 : memref<128xi32, #tpu.memory_space<vmem>>) semaphore(%arg9 : memref<!tpu.dma_semaphore, #tpu.memory_space<semaphore_mem>>) {add = true}
      %mul3A_90 = arith.constant 8 : i32
      %mul3A_91 = arith.muli %scan3A_29, %mul3A_90 : i32
      %add3A_92 = arith.constant 6 : i32
      %add3A_93 = arith.addi %mul3A_91, %add3A_92 : i32
      %dma_start3A_94 = arith.constant 0 : i32
      %dma_start3A_95 = tpu.memref_slice %arg6[%add3A_93, %dma_start3A_94] : memref<80x128xi32, #tpu.memory_space<vmem>> -> memref<1x128xi32, #tpu.memory_space<vmem>>
      %dma_start3A_96 = tpu.memref_squeeze %dma_start3A_95 : memref<1x128xi32, #tpu.memory_space<vmem>> -> memref<128xi32, #tpu.memory_space<vmem>>
      %dma_start3A_97 = arith.constant 0 : i32
      %dma_start3A_98 = arith.constant 0 : i32
      %dma_start3A_99 = tpu.memref_slice %arg8[%dma_start3A_97, %dma_start3A_98] : memref<10240x8xf32, #tpu.memory_space<vmem_shared>> -> memref<10240x8xf32, #tpu.memory_space<vmem_shared>>
      tpu.enqueue_indirect_dma source(%arg7 : memref<128x8xf32, #tpu.memory_space<vmem>>) target(%dma_start3A_99 : memref<10240x8xf32, #tpu.memory_space<vmem_shared>>) offsets(%dma_start3A_96 : memref<128xi32, #tpu.memory_space<vmem>>) semaphore(%arg9 : memref<!tpu.dma_semaphore, #tpu.memory_space<semaphore_mem>>) {add = true}
      %mul3A_100 = arith.constant 8 : i32
      %mul3A_101 = arith.muli %scan3A_29, %mul3A_100 : i32
      %add3A_102 = arith.constant 7 : i32
      %add3A_103 = arith.addi %mul3A_101, %add3A_102 : i32
      %dma_start3A_104 = arith.constant 0 : i32
      %dma_start3A_105 = tpu.memref_slice %arg6[%add3A_103, %dma_start3A_104] : memref<80x128xi32, #tpu.memory_space<vmem>> -> memref<1x128xi32, #tpu.memory_space<vmem>>
      %dma_start3A_106 = tpu.memref_squeeze %dma_start3A_105 : memref<1x128xi32, #tpu.memory_space<vmem>> -> memref<128xi32, #tpu.memory_space<vmem>>
      %dma_start3A_107 = arith.constant 0 : i32
      %dma_start3A_108 = arith.constant 0 : i32
      %dma_start3A_109 = tpu.memref_slice %arg8[%dma_start3A_107, %dma_start3A_108] : memref<10240x8xf32, #tpu.memory_space<vmem_shared>> -> memref<10240x8xf32, #tpu.memory_space<vmem_shared>>
      tpu.enqueue_indirect_dma source(%arg7 : memref<128x8xf32, #tpu.memory_space<vmem>>) target(%dma_start3A_109 : memref<10240x8xf32, #tpu.memory_space<vmem_shared>>) offsets(%dma_start3A_106 : memref<128xi32, #tpu.memory_space<vmem>>) semaphore(%arg9 : memref<!tpu.dma_semaphore, #tpu.memory_space<semaphore_mem>>) {add = true}
      %mul3A_110 = arith.constant 8 : i32
      %mul3A_111 = arith.muli %scan3A_29, %mul3A_110 : i32
      %add3A_112 = arith.constant 0 : i32
      %add3A_113 = arith.addi %mul3A_111, %add3A_112 : i32
      %dma_wait3A_114 = arith.constant 0 : i32
      %dma_wait3A_115 = tpu.memref_slice %arg6[%add3A_113, %dma_wait3A_114] : memref<80x128xi32, #tpu.memory_space<vmem>> -> memref<1x128xi32, #tpu.memory_space<vmem>>
      %dma_wait3A_116 = tpu.memref_squeeze %dma_wait3A_115 : memref<1x128xi32, #tpu.memory_space<vmem>> -> memref<128xi32, #tpu.memory_space<vmem>>
      %dma_wait3A_117 = arith.constant 0 : i32
      %dma_wait3A_118 = arith.constant 0 : i32
      %dma_wait3A_119 = tpu.memref_slice %arg8[%dma_wait3A_117, %dma_wait3A_118] : memref<10240x8xf32, #tpu.memory_space<vmem_shared>> -> memref<10240x8xf32, #tpu.memory_space<vmem_shared>>
      tpu.wait_indirect_dma semaphore(%arg9 : memref<!tpu.dma_semaphore, #tpu.memory_space<semaphore_mem>>) src(%arg7 : memref<128x8xf32, #tpu.memory_space<vmem>>) dst(%dma_wait3A_119 : memref<10240x8xf32, #tpu.memory_space<vmem_shared>>)
      %mul3A_120 = arith.constant 8 : i32
      %mul3A_121 = arith.muli %scan3A_29, %mul3A_120 : i32
      %add3A_122 = arith.constant 1 : i32
      %add3A_123 = arith.addi %mul3A_121, %add3A_122 : i32
      %dma_wait3A_124 = arith.constant 0 : i32
      %dma_wait3A_125 = tpu.memref_slice %arg6[%add3A_123, %dma_wait3A_124] : memref<80x128xi32, #tpu.memory_space<vmem>> -> memref<1x128xi32, #tpu.memory_space<vmem>>
      %dma_wait3A_126 = tpu.memref_squeeze %dma_wait3A_125 : memref<1x128xi32, #tpu.memory_space<vmem>> -> memref<128xi32, #tpu.memory_space<vmem>>
      %dma_wait3A_127 = arith.constant 0 : i32
      %dma_wait3A_128 = arith.constant 0 : i32
      %dma_wait3A_129 = tpu.memref_slice %arg8[%dma_wait3A_127, %dma_wait3A_128] : memref<10240x8xf32, #tpu.memory_space<vmem_shared>> -> memref<10240x8xf32, #tpu.memory_space<vmem_shared>>
      tpu.wait_indirect_dma semaphore(%arg9 : memref<!tpu.dma_semaphore, #tpu.memory_space<semaphore_mem>>) src(%arg7 : memref<128x8xf32, #tpu.memory_space<vmem>>) dst(%dma_wait3A_129 : memref<10240x8xf32, #tpu.memory_space<vmem_shared>>)
      %mul3A_130 = arith.constant 8 : i32
      %mul3A_131 = arith.muli %scan3A_29, %mul3A_130 : i32
      %add3A_132 = arith.constant 2 : i32
      %add3A_133 = arith.addi %mul3A_131, %add3A_132 : i32
      %dma_wait3A_134 = arith.constant 0 : i32
      %dma_wait3A_135 = tpu.memref_slice %arg6[%add3A_133, %dma_wait3A_134] : memref<80x128xi32, #tpu.memory_space<vmem>> -> memref<1x128xi32, #tpu.memory_space<vmem>>
      %dma_wait3A_136 = tpu.memref_squeeze %dma_wait3A_135 : memref<1x128xi32, #tpu.memory_space<vmem>> -> memref<128xi32, #tpu.memory_space<vmem>>
      %dma_wait3A_137 = arith.constant 0 : i32
      %dma_wait3A_138 = arith.constant 0 : i32
      %dma_wait3A_139 = tpu.memref_slice %arg8[%dma_wait3A_137, %dma_wait3A_138] : memref<10240x8xf32, #tpu.memory_space<vmem_shared>> -> memref<10240x8xf32, #tpu.memory_space<vmem_shared>>
      tpu.wait_indirect_dma semaphore(%arg9 : memref<!tpu.dma_semaphore, #tpu.memory_space<semaphore_mem>>) src(%arg7 : memref<128x8xf32, #tpu.memory_space<vmem>>) dst(%dma_wait3A_139 : memref<10240x8xf32, #tpu.memory_space<vmem_shared>>)
      %mul3A_140 = arith.constant 8 : i32
      %mul3A_141 = arith.muli %scan3A_29, %mul3A_140 : i32
      %add3A_142 = arith.constant 3 : i32
      %add3A_143 = arith.addi %mul3A_141, %add3A_142 : i32
      %dma_wait3A_144 = arith.constant 0 : i32
      %dma_wait3A_145 = tpu.memref_slice %arg6[%add3A_143, %dma_wait3A_144] : memref<80x128xi32, #tpu.memory_space<vmem>> -> memref<1x128xi32, #tpu.memory_space<vmem>>
      %dma_wait3A_146 = tpu.memref_squeeze %dma_wait3A_145 : memref<1x128xi32, #tpu.memory_space<vmem>> -> memref<128xi32, #tpu.memory_space<vmem>>
      %dma_wait3A_147 = arith.constant 0 : i32
      %dma_wait3A_148 = arith.constant 0 : i32
      %dma_wait3A_149 = tpu.memref_slice %arg8[%dma_wait3A_147, %dma_wait3A_148] : memref<10240x8xf32, #tpu.memory_space<vmem_shared>> -> memref<10240x8xf32, #tpu.memory_space<vmem_shared>>
      tpu.wait_indirect_dma semaphore(%arg9 : memref<!tpu.dma_semaphore, #tpu.memory_space<semaphore_mem>>) src(%arg7 : memref<128x8xf32, #tpu.memory_space<vmem>>) dst(%dma_wait3A_149 : memref<10240x8xf32, #tpu.memory_space<vmem_shared>>)
      %mul3A_150 = arith.constant 8 : i32
      %mul3A_151 = arith.muli %scan3A_29, %mul3A_150 : i32
      %add3A_152 = arith.constant 4 : i32
      %add3A_153 = arith.addi %mul3A_151, %add3A_152 : i32
      %dma_wait3A_154 = arith.constant 0 : i32
      %dma_wait3A_155 = tpu.memref_slice %arg6[%add3A_153, %dma_wait3A_154] : memref<80x128xi32, #tpu.memory_space<vmem>> -> memref<1x128xi32, #tpu.memory_space<vmem>>
      %dma_wait3A_156 = tpu.memref_squeeze %dma_wait3A_155 : memref<1x128xi32, #tpu.memory_space<vmem>> -> memref<128xi32, #tpu.memory_space<vmem>>
      %dma_wait3A_157 = arith.constant 0 : i32
      %dma_wait3A_158 = arith.constant 0 : i32
      %dma_wait3A_159 = tpu.memref_slice %arg8[%dma_wait3A_157, %dma_wait3A_158] : memref<10240x8xf32, #tpu.memory_space<vmem_shared>> -> memref<10240x8xf32, #tpu.memory_space<vmem_shared>>
      tpu.wait_indirect_dma semaphore(%arg9 : memref<!tpu.dma_semaphore, #tpu.memory_space<semaphore_mem>>) src(%arg7 : memref<128x8xf32, #tpu.memory_space<vmem>>) dst(%dma_wait3A_159 : memref<10240x8xf32, #tpu.memory_space<vmem_shared>>)
      %mul3A_160 = arith.constant 8 : i32
      %mul3A_161 = arith.muli %scan3A_29, %mul3A_160 : i32
      %add3A_162 = arith.constant 5 : i32
      %add3A_163 = arith.addi %mul3A_161, %add3A_162 : i32
      %dma_wait3A_164 = arith.constant 0 : i32
      %dma_wait3A_165 = tpu.memref_slice %arg6[%add3A_163, %dma_wait3A_164] : memref<80x128xi32, #tpu.memory_space<vmem>> -> memref<1x128xi32, #tpu.memory_space<vmem>>
      %dma_wait3A_166 = tpu.memref_squeeze %dma_wait3A_165 : memref<1x128xi32, #tpu.memory_space<vmem>> -> memref<128xi32, #tpu.memory_space<vmem>>
      %dma_wait3A_167 = arith.constant 0 : i32
      %dma_wait3A_168 = arith.constant 0 : i32
      %dma_wait3A_169 = tpu.memref_slice %arg8[%dma_wait3A_167, %dma_wait3A_168] : memref<10240x8xf32, #tpu.memory_space<vmem_shared>> -> memref<10240x8xf32, #tpu.memory_space<vmem_shared>>
      tpu.wait_indirect_dma semaphore(%arg9 : memref<!tpu.dma_semaphore, #tpu.memory_space<semaphore_mem>>) src(%arg7 : memref<128x8xf32, #tpu.memory_space<vmem>>) dst(%dma_wait3A_169 : memref<10240x8xf32, #tpu.memory_space<vmem_shared>>)
      %mul3A_170 = arith.constant 8 : i32
      %mul3A_171 = arith.muli %scan3A_29, %mul3A_170 : i32
      %add3A_172 = arith.constant 6 : i32
      %add3A_173 = arith.addi %mul3A_171, %add3A_172 : i32
      %dma_wait3A_174 = arith.constant 0 : i32
      %dma_wait3A_175 = tpu.memref_slice %arg6[%add3A_173, %dma_wait3A_174] : memref<80x128xi32, #tpu.memory_space<vmem>> -> memref<1x128xi32, #tpu.memory_space<vmem>>
      %dma_wait3A_176 = tpu.memref_squeeze %dma_wait3A_175 : memref<1x128xi32, #tpu.memory_space<vmem>> -> memref<128xi32, #tpu.memory_space<vmem>>
      %dma_wait3A_177 = arith.constant 0 : i32
      %dma_wait3A_178 = arith.constant 0 : i32
      %dma_wait3A_179 = tpu.memref_slice %arg8[%dma_wait3A_177, %dma_wait3A_178] : memref<10240x8xf32, #tpu.memory_space<vmem_shared>> -> memref<10240x8xf32, #tpu.memory_space<vmem_shared>>
      tpu.wait_indirect_dma semaphore(%arg9 : memref<!tpu.dma_semaphore, #tpu.memory_space<semaphore_mem>>) src(%arg7 : memref<128x8xf32, #tpu.memory_space<vmem>>) dst(%dma_wait3A_179 : memref<10240x8xf32, #tpu.memory_space<vmem_shared>>)
      %mul3A_180 = arith.constant 8 : i32
      %mul3A_181 = arith.muli %scan3A_29, %mul3A_180 : i32
      %add3A_182 = arith.constant 7 : i32
      %add3A_183 = arith.addi %mul3A_181, %add3A_182 : i32
      %dma_wait3A_184 = arith.constant 0 : i32
      %dma_wait3A_185 = tpu.memref_slice %arg6[%add3A_183, %dma_wait3A_184] : memref<80x128xi32, #tpu.memory_space<vmem>> -> memref<1x128xi32, #tpu.memory_space<vmem>>
      %dma_wait3A_186 = tpu.memref_squeeze %dma_wait3A_185 : memref<1x128xi32, #tpu.memory_space<vmem>> -> memref<128xi32, #tpu.memory_space<vmem>>
      %dma_wait3A_187 = arith.constant 0 : i32
      %dma_wait3A_188 = arith.constant 0 : i32
      %dma_wait3A_189 = tpu.memref_slice %arg8[%dma_wait3A_187, %dma_wait3A_188] : memref<10240x8xf32, #tpu.memory_space<vmem_shared>> -> memref<10240x8xf32, #tpu.memory_space<vmem_shared>>
      tpu.wait_indirect_dma semaphore(%arg9 : memref<!tpu.dma_semaphore, #tpu.memory_space<semaphore_mem>>) src(%arg7 : memref<128x8xf32, #tpu.memory_space<vmem>>) dst(%dma_wait3A_189 : memref<10240x8xf32, #tpu.memory_space<vmem_shared>>)
    }
    %scan3A_23 = arith.constant 10 : i32
    %barrier3A_24 = arith.constant 0 : index
    tpu.barrier barrier_id(%barrier3A_24)
    %mul3A_25 = arith.constant 640 : i32
    %mul3A_26 = arith.muli %arg1, %mul3A_25 : i32
    %mul3A_27 = arith.constant 640 : i32
    %mul3A_28 = arith.muli %arg1, %mul3A_27 : i32
    "tpu.region"() ({
      %run_scoped3A = tpu.sem_alloc : memref<!tpu.dma_semaphore, #tpu.memory_space<semaphore_mem>>
      %dma_start3A_29 = arith.constant 0 : i32
      %dma_start3A_30 = tpu.memref_slice %arg5[%arg0, %mul3A_28, %dma_start3A_29] : memref<2x10240x8xf32, #tpu.memory_space<hbm>> -> memref<1x640x8xf32, #tpu.memory_space<hbm>>
      %dma_start3A_31 = tpu.memref_squeeze %dma_start3A_30 : memref<1x640x8xf32, #tpu.memory_space<hbm>> -> memref<640x8xf32, #tpu.memory_space<hbm>>
      %dma_start3A_32 = arith.constant 0 : i32
      %dma_start3A_33 = tpu.memref_slice %arg8[%mul3A_26, %dma_start3A_32] : memref<10240x8xf32, #tpu.memory_space<vmem_shared>> -> memref<640x8xf32, #tpu.memory_space<vmem_shared>>
      tpu.enqueue_dma source(%dma_start3A_33 : memref<640x8xf32, #tpu.memory_space<vmem_shared>>) target(%dma_start3A_31 : memref<640x8xf32, #tpu.memory_space<hbm>>) target_semaphore(%run_scoped3A : memref<!tpu.dma_semaphore, #tpu.memory_space<semaphore_mem>>)
      %dma_wait3A_34 = arith.constant 0 : i32
      %dma_wait3A_35 = tpu.memref_slice %arg5[%arg0, %mul3A_28, %dma_wait3A_34] : memref<2x10240x8xf32, #tpu.memory_space<hbm>> -> memref<1x640x8xf32, #tpu.memory_space<hbm>>
      %dma_wait3A_36 = tpu.memref_squeeze %dma_wait3A_35 : memref<1x640x8xf32, #tpu.memory_space<hbm>> -> memref<640x8xf32, #tpu.memory_space<hbm>>
      %dma_wait3A_37 = arith.constant 0 : i32
      %dma_wait3A_38 = tpu.memref_slice %arg8[%mul3A_26, %dma_wait3A_37] : memref<10240x8xf32, #tpu.memory_space<vmem_shared>> -> memref<640x8xf32, #tpu.memory_space<vmem_shared>>
      tpu.wait_dma2 semaphore(%run_scoped3A : memref<!tpu.dma_semaphore, #tpu.memory_space<semaphore_mem>>) src(%dma_wait3A_38 : memref<640x8xf32, #tpu.memory_space<vmem_shared>>) dst(%dma_wait3A_36 : memref<640x8xf32, #tpu.memory_space<hbm>>)
      tpu.yield
    }) : () -> ()
    return
  }
}

#map = affine_map<(d0, d1) -> (0, 0)>
#map1 = affine_map<(d0, d1) -> (0, 0, 0)>
module attributes {stable_mosaic.version = 14 : i64} {
  func.func @scat(%arg0: i32, %arg1: i32, %arg2: memref<10240x64xf32, #tpu.memory_space<hbm>>, %arg3: memref<32x80x128xi32, #tpu.memory_space<hbm>>, %arg4: memref<32x80x128xi32, #tpu.memory_space<hbm>>, %arg5: memref<10240x64xf32, #tpu.memory_space<hbm>>, %arg6: memref<2x10240x64xf32, #tpu.memory_space<hbm>>, %arg7: memref<80x128xi32, #tpu.memory_space<vmem>>, %arg8: memref<80x128xi32, #tpu.memory_space<vmem>>, %arg9: memref<10240x64xf32, #tpu.memory_space<vmem_shared>>, %arg10: memref<128x64xf32, #tpu.memory_space<vmem>>, %arg11: memref<128x64xf32, #tpu.memory_space<vmem>>, %arg12: memref<128x64xf32, #tpu.memory_space<vmem>>, %arg13: memref<128x64xf32, #tpu.memory_space<vmem>>, %arg14: memref<128x64xf32, #tpu.memory_space<vmem>>, %arg15: memref<128x64xf32, #tpu.memory_space<vmem>>, %arg16: memref<128x64xf32, #tpu.memory_space<vmem>>, %arg17: memref<128x64xf32, #tpu.memory_space<vmem>>, %arg18: memref<!tpu.dma_semaphore, #tpu.memory_space<semaphore_mem>>, %arg19: memref<!tpu.dma_semaphore, #tpu.memory_space<semaphore_mem>>, %arg20: memref<!tpu.dma_semaphore, #tpu.memory_space<semaphore_mem>>, %arg21: memref<!tpu.dma_semaphore, #tpu.memory_space<semaphore_mem>>, %arg22: memref<!tpu.dma_semaphore, #tpu.memory_space<semaphore_mem>>, %arg23: memref<!tpu.dma_semaphore, #tpu.memory_space<semaphore_mem>>, %arg24: memref<!tpu.dma_semaphore, #tpu.memory_space<semaphore_mem>>, %arg25: memref<!tpu.dma_semaphore, #tpu.memory_space<semaphore_mem>>, %arg26: memref<!tpu.dma_semaphore, #tpu.memory_space<semaphore_mem>>, %arg27: memref<!tpu.dma_semaphore, #tpu.memory_space<semaphore_mem>>, %arg28: memref<!tpu.dma_semaphore, #tpu.memory_space<semaphore_mem>>, %arg29: memref<!tpu.dma_semaphore, #tpu.memory_space<semaphore_mem>>, %arg30: memref<!tpu.dma_semaphore, #tpu.memory_space<semaphore_mem>>, %arg31: memref<!tpu.dma_semaphore, #tpu.memory_space<semaphore_mem>>, %arg32: memref<!tpu.dma_semaphore, #tpu.memory_space<semaphore_mem>>, %arg33: memref<!tpu.dma_semaphore, #tpu.memory_space<semaphore_mem>>) attributes {dimension_semantics = [#tpu.dimension_semantics<core_parallel>, #tpu.dimension_semantics<subcore_parallel>], iteration_bounds = array<i64: 2, 16>, scalar_prefetch = 0 : i64, scratch_operands = 27 : i64, tpu.core_type = #tpu.core_type<sc_vector_subcore>, window_params = [{transform_indices = #map}, {transform_indices = #map1}, {transform_indices = #map1}, {transform_indices = #map}, {transform_indices = #map1}]} {
    %mul3A = arith.constant 16 : i32
    %mul3A_0 = arith.muli %arg0, %mul3A : i32
    %add3A = arith.addi %mul3A_0, %arg1 : i32
    %dma_start3A = arith.constant 0 : i32
    %dma_start3A_1 = arith.constant 0 : i32
    %dma_start3A_2 = tpu.memref_slice %arg3[%add3A, %dma_start3A, %dma_start3A_1] : memref<32x80x128xi32, #tpu.memory_space<hbm>> -> memref<1x80x128xi32, #tpu.memory_space<hbm>>
    %dma_start3A_3 = tpu.memref_squeeze %dma_start3A_2 : memref<1x80x128xi32, #tpu.memory_space<hbm>> -> memref<80x128xi32, #tpu.memory_space<hbm>>
    %dma_start3A_4 = arith.constant 0 : i32
    %dma_start3A_5 = arith.constant 0 : i32
    %dma_start3A_6 = tpu.memref_slice %arg3[%add3A, %dma_start3A_4, %dma_start3A_5] : memref<32x80x128xi32, #tpu.memory_space<hbm>> -> memref<1x80x128xi32, #tpu.memory_space<hbm>>
    %dma_start3A_7 = tpu.memref_squeeze %dma_start3A_6 : memref<1x80x128xi32, #tpu.memory_space<hbm>> -> memref<80x128xi32, #tpu.memory_space<hbm>>
    tpu.enqueue_dma source(%dma_start3A_7 : memref<80x128xi32, #tpu.memory_space<hbm>>) target(%arg7 : memref<80x128xi32, #tpu.memory_space<vmem>>) target_semaphore(%arg18 : memref<!tpu.dma_semaphore, #tpu.memory_space<semaphore_mem>>)
    %dma_start3A_8 = arith.constant 0 : i32
    %dma_start3A_9 = arith.constant 0 : i32
    %dma_start3A_10 = tpu.memref_slice %arg4[%add3A, %dma_start3A_8, %dma_start3A_9] : memref<32x80x128xi32, #tpu.memory_space<hbm>> -> memref<1x80x128xi32, #tpu.memory_space<hbm>>
    %dma_start3A_11 = tpu.memref_squeeze %dma_start3A_10 : memref<1x80x128xi32, #tpu.memory_space<hbm>> -> memref<80x128xi32, #tpu.memory_space<hbm>>
    %dma_start3A_12 = arith.constant 0 : i32
    %dma_start3A_13 = arith.constant 0 : i32
    %dma_start3A_14 = tpu.memref_slice %arg4[%add3A, %dma_start3A_12, %dma_start3A_13] : memref<32x80x128xi32, #tpu.memory_space<hbm>> -> memref<1x80x128xi32, #tpu.memory_space<hbm>>
    %dma_start3A_15 = tpu.memref_squeeze %dma_start3A_14 : memref<1x80x128xi32, #tpu.memory_space<hbm>> -> memref<80x128xi32, #tpu.memory_space<hbm>>
    tpu.enqueue_dma source(%dma_start3A_15 : memref<80x128xi32, #tpu.memory_space<hbm>>) target(%arg8 : memref<80x128xi32, #tpu.memory_space<vmem>>) target_semaphore(%arg19 : memref<!tpu.dma_semaphore, #tpu.memory_space<semaphore_mem>>)
    %mul3A_16 = arith.constant 640 : i32
    %mul3A_17 = arith.muli %arg1, %mul3A_16 : i32
    %mul3A_18 = arith.constant 640 : i32
    %mul3A_19 = arith.muli %arg1, %mul3A_18 : i32
    %dma_start3A_20 = arith.constant 0 : i32
    %dma_start3A_21 = tpu.memref_slice %arg9[%mul3A_19, %dma_start3A_20] : memref<10240x64xf32, #tpu.memory_space<vmem_shared>> -> memref<640x64xf32, #tpu.memory_space<vmem_shared>>
    %dma_start3A_22 = arith.constant 0 : i32
    %dma_start3A_23 = tpu.memref_slice %arg5[%mul3A_17, %dma_start3A_22] : memref<10240x64xf32, #tpu.memory_space<hbm>> -> memref<640x64xf32, #tpu.memory_space<hbm>>
    tpu.enqueue_dma source(%dma_start3A_23 : memref<640x64xf32, #tpu.memory_space<hbm>>) target(%dma_start3A_21 : memref<640x64xf32, #tpu.memory_space<vmem_shared>>) target_semaphore(%arg20 : memref<!tpu.dma_semaphore, #tpu.memory_space<semaphore_mem>>)
    %dma_wait3A = arith.constant 0 : i32
    %dma_wait3A_24 = arith.constant 0 : i32
    %dma_wait3A_25 = tpu.memref_slice %arg3[%add3A, %dma_wait3A, %dma_wait3A_24] : memref<32x80x128xi32, #tpu.memory_space<hbm>> -> memref<1x80x128xi32, #tpu.memory_space<hbm>>
    %dma_wait3A_26 = tpu.memref_squeeze %dma_wait3A_25 : memref<1x80x128xi32, #tpu.memory_space<hbm>> -> memref<80x128xi32, #tpu.memory_space<hbm>>
    %dma_wait3A_27 = arith.constant 0 : i32
    %dma_wait3A_28 = arith.constant 0 : i32
    %dma_wait3A_29 = tpu.memref_slice %arg3[%add3A, %dma_wait3A_27, %dma_wait3A_28] : memref<32x80x128xi32, #tpu.memory_space<hbm>> -> memref<1x80x128xi32, #tpu.memory_space<hbm>>
    %dma_wait3A_30 = tpu.memref_squeeze %dma_wait3A_29 : memref<1x80x128xi32, #tpu.memory_space<hbm>> -> memref<80x128xi32, #tpu.memory_space<hbm>>
    tpu.wait_dma2 semaphore(%arg18 : memref<!tpu.dma_semaphore, #tpu.memory_space<semaphore_mem>>) src(%dma_wait3A_30 : memref<80x128xi32, #tpu.memory_space<hbm>>) dst(%arg7 : memref<80x128xi32, #tpu.memory_space<vmem>>)
    %dma_wait3A_31 = arith.constant 0 : i32
    %dma_wait3A_32 = arith.constant 0 : i32
    %dma_wait3A_33 = tpu.memref_slice %arg4[%add3A, %dma_wait3A_31, %dma_wait3A_32] : memref<32x80x128xi32, #tpu.memory_space<hbm>> -> memref<1x80x128xi32, #tpu.memory_space<hbm>>
    %dma_wait3A_34 = tpu.memref_squeeze %dma_wait3A_33 : memref<1x80x128xi32, #tpu.memory_space<hbm>> -> memref<80x128xi32, #tpu.memory_space<hbm>>
    %dma_wait3A_35 = arith.constant 0 : i32
    %dma_wait3A_36 = arith.constant 0 : i32
    %dma_wait3A_37 = tpu.memref_slice %arg4[%add3A, %dma_wait3A_35, %dma_wait3A_36] : memref<32x80x128xi32, #tpu.memory_space<hbm>> -> memref<1x80x128xi32, #tpu.memory_space<hbm>>
    %dma_wait3A_38 = tpu.memref_squeeze %dma_wait3A_37 : memref<1x80x128xi32, #tpu.memory_space<hbm>> -> memref<80x128xi32, #tpu.memory_space<hbm>>
    tpu.wait_dma2 semaphore(%arg19 : memref<!tpu.dma_semaphore, #tpu.memory_space<semaphore_mem>>) src(%dma_wait3A_38 : memref<80x128xi32, #tpu.memory_space<hbm>>) dst(%arg8 : memref<80x128xi32, #tpu.memory_space<vmem>>)
    %dma_wait3A_39 = arith.constant 0 : i32
    %dma_wait3A_40 = tpu.memref_slice %arg9[%mul3A_19, %dma_wait3A_39] : memref<10240x64xf32, #tpu.memory_space<vmem_shared>> -> memref<640x64xf32, #tpu.memory_space<vmem_shared>>
    %dma_wait3A_41 = arith.constant 0 : i32
    %dma_wait3A_42 = tpu.memref_slice %arg5[%mul3A_17, %dma_wait3A_41] : memref<10240x64xf32, #tpu.memory_space<hbm>> -> memref<640x64xf32, #tpu.memory_space<hbm>>
    tpu.wait_dma2 semaphore(%arg20 : memref<!tpu.dma_semaphore, #tpu.memory_space<semaphore_mem>>) src(%dma_wait3A_42 : memref<640x64xf32, #tpu.memory_space<hbm>>) dst(%dma_wait3A_40 : memref<640x64xf32, #tpu.memory_space<vmem_shared>>)
    %barrier3A = arith.constant 0 : index
    tpu.barrier barrier_id(%barrier3A)
    %dma_start3A_43 = arith.constant 0 : i32
    %dma_start3A_44 = arith.constant 0 : i32
    %dma_start3A_45 = tpu.memref_slice %arg7[%dma_start3A_43, %dma_start3A_44] : memref<80x128xi32, #tpu.memory_space<vmem>> -> memref<1x128xi32, #tpu.memory_space<vmem>>
    %dma_start3A_46 = tpu.memref_squeeze %dma_start3A_45 : memref<1x128xi32, #tpu.memory_space<vmem>> -> memref<128xi32, #tpu.memory_space<vmem>>
    %dma_start3A_47 = arith.constant 0 : i32
    %dma_start3A_48 = arith.constant 0 : i32
    %dma_start3A_49 = tpu.memref_slice %arg2[%dma_start3A_47, %dma_start3A_48] : memref<10240x64xf32, #tpu.memory_space<hbm>> -> memref<10240x64xf32, #tpu.memory_space<hbm>>
    tpu.enqueue_indirect_dma source(%dma_start3A_49 : memref<10240x64xf32, #tpu.memory_space<hbm>>) target(%arg10 : memref<128x64xf32, #tpu.memory_space<vmem>>) offsets(%dma_start3A_46 : memref<128xi32, #tpu.memory_space<vmem>>) semaphore(%arg18 : memref<!tpu.dma_semaphore, #tpu.memory_space<semaphore_mem>>)
    %dma_start3A_50 = arith.constant 1 : i32
    %dma_start3A_51 = arith.constant 0 : i32
    %dma_start3A_52 = tpu.memref_slice %arg7[%dma_start3A_50, %dma_start3A_51] : memref<80x128xi32, #tpu.memory_space<vmem>> -> memref<1x128xi32, #tpu.memory_space<vmem>>
    %dma_start3A_53 = tpu.memref_squeeze %dma_start3A_52 : memref<1x128xi32, #tpu.memory_space<vmem>> -> memref<128xi32, #tpu.memory_space<vmem>>
    %dma_start3A_54 = arith.constant 0 : i32
    %dma_start3A_55 = arith.constant 0 : i32
    %dma_start3A_56 = tpu.memref_slice %arg2[%dma_start3A_54, %dma_start3A_55] : memref<10240x64xf32, #tpu.memory_space<hbm>> -> memref<10240x64xf32, #tpu.memory_space<hbm>>
    tpu.enqueue_indirect_dma source(%dma_start3A_56 : memref<10240x64xf32, #tpu.memory_space<hbm>>) target(%arg11 : memref<128x64xf32, #tpu.memory_space<vmem>>) offsets(%dma_start3A_53 : memref<128xi32, #tpu.memory_space<vmem>>) semaphore(%arg19 : memref<!tpu.dma_semaphore, #tpu.memory_space<semaphore_mem>>)
    %dma_start3A_57 = arith.constant 2 : i32
    %dma_start3A_58 = arith.constant 0 : i32
    %dma_start3A_59 = tpu.memref_slice %arg7[%dma_start3A_57, %dma_start3A_58] : memref<80x128xi32, #tpu.memory_space<vmem>> -> memref<1x128xi32, #tpu.memory_space<vmem>>
    %dma_start3A_60 = tpu.memref_squeeze %dma_start3A_59 : memref<1x128xi32, #tpu.memory_space<vmem>> -> memref<128xi32, #tpu.memory_space<vmem>>
    %dma_start3A_61 = arith.constant 0 : i32
    %dma_start3A_62 = arith.constant 0 : i32
    %dma_start3A_63 = tpu.memref_slice %arg2[%dma_start3A_61, %dma_start3A_62] : memref<10240x64xf32, #tpu.memory_space<hbm>> -> memref<10240x64xf32, #tpu.memory_space<hbm>>
    tpu.enqueue_indirect_dma source(%dma_start3A_63 : memref<10240x64xf32, #tpu.memory_space<hbm>>) target(%arg12 : memref<128x64xf32, #tpu.memory_space<vmem>>) offsets(%dma_start3A_60 : memref<128xi32, #tpu.memory_space<vmem>>) semaphore(%arg20 : memref<!tpu.dma_semaphore, #tpu.memory_space<semaphore_mem>>)
    %dma_start3A_64 = arith.constant 3 : i32
    %dma_start3A_65 = arith.constant 0 : i32
    %dma_start3A_66 = tpu.memref_slice %arg7[%dma_start3A_64, %dma_start3A_65] : memref<80x128xi32, #tpu.memory_space<vmem>> -> memref<1x128xi32, #tpu.memory_space<vmem>>
    %dma_start3A_67 = tpu.memref_squeeze %dma_start3A_66 : memref<1x128xi32, #tpu.memory_space<vmem>> -> memref<128xi32, #tpu.memory_space<vmem>>
    %dma_start3A_68 = arith.constant 0 : i32
    %dma_start3A_69 = arith.constant 0 : i32
    %dma_start3A_70 = tpu.memref_slice %arg2[%dma_start3A_68, %dma_start3A_69] : memref<10240x64xf32, #tpu.memory_space<hbm>> -> memref<10240x64xf32, #tpu.memory_space<hbm>>
    tpu.enqueue_indirect_dma source(%dma_start3A_70 : memref<10240x64xf32, #tpu.memory_space<hbm>>) target(%arg13 : memref<128x64xf32, #tpu.memory_space<vmem>>) offsets(%dma_start3A_67 : memref<128xi32, #tpu.memory_space<vmem>>) semaphore(%arg21 : memref<!tpu.dma_semaphore, #tpu.memory_space<semaphore_mem>>)
    %dma_start3A_71 = arith.constant 4 : i32
    %dma_start3A_72 = arith.constant 0 : i32
    %dma_start3A_73 = tpu.memref_slice %arg7[%dma_start3A_71, %dma_start3A_72] : memref<80x128xi32, #tpu.memory_space<vmem>> -> memref<1x128xi32, #tpu.memory_space<vmem>>
    %dma_start3A_74 = tpu.memref_squeeze %dma_start3A_73 : memref<1x128xi32, #tpu.memory_space<vmem>> -> memref<128xi32, #tpu.memory_space<vmem>>
    %dma_start3A_75 = arith.constant 0 : i32
    %dma_start3A_76 = arith.constant 0 : i32
    %dma_start3A_77 = tpu.memref_slice %arg2[%dma_start3A_75, %dma_start3A_76] : memref<10240x64xf32, #tpu.memory_space<hbm>> -> memref<10240x64xf32, #tpu.memory_space<hbm>>
    tpu.enqueue_indirect_dma source(%dma_start3A_77 : memref<10240x64xf32, #tpu.memory_space<hbm>>) target(%arg14 : memref<128x64xf32, #tpu.memory_space<vmem>>) offsets(%dma_start3A_74 : memref<128xi32, #tpu.memory_space<vmem>>) semaphore(%arg22 : memref<!tpu.dma_semaphore, #tpu.memory_space<semaphore_mem>>)
    %dma_start3A_78 = arith.constant 5 : i32
    %dma_start3A_79 = arith.constant 0 : i32
    %dma_start3A_80 = tpu.memref_slice %arg7[%dma_start3A_78, %dma_start3A_79] : memref<80x128xi32, #tpu.memory_space<vmem>> -> memref<1x128xi32, #tpu.memory_space<vmem>>
    %dma_start3A_81 = tpu.memref_squeeze %dma_start3A_80 : memref<1x128xi32, #tpu.memory_space<vmem>> -> memref<128xi32, #tpu.memory_space<vmem>>
    %dma_start3A_82 = arith.constant 0 : i32
    %dma_start3A_83 = arith.constant 0 : i32
    %dma_start3A_84 = tpu.memref_slice %arg2[%dma_start3A_82, %dma_start3A_83] : memref<10240x64xf32, #tpu.memory_space<hbm>> -> memref<10240x64xf32, #tpu.memory_space<hbm>>
    tpu.enqueue_indirect_dma source(%dma_start3A_84 : memref<10240x64xf32, #tpu.memory_space<hbm>>) target(%arg15 : memref<128x64xf32, #tpu.memory_space<vmem>>) offsets(%dma_start3A_81 : memref<128xi32, #tpu.memory_space<vmem>>) semaphore(%arg23 : memref<!tpu.dma_semaphore, #tpu.memory_space<semaphore_mem>>)
    %dma_start3A_85 = arith.constant 6 : i32
    %dma_start3A_86 = arith.constant 0 : i32
    %dma_start3A_87 = tpu.memref_slice %arg7[%dma_start3A_85, %dma_start3A_86] : memref<80x128xi32, #tpu.memory_space<vmem>> -> memref<1x128xi32, #tpu.memory_space<vmem>>
    %dma_start3A_88 = tpu.memref_squeeze %dma_start3A_87 : memref<1x128xi32, #tpu.memory_space<vmem>> -> memref<128xi32, #tpu.memory_space<vmem>>
    %dma_start3A_89 = arith.constant 0 : i32
    %dma_start3A_90 = arith.constant 0 : i32
    %dma_start3A_91 = tpu.memref_slice %arg2[%dma_start3A_89, %dma_start3A_90] : memref<10240x64xf32, #tpu.memory_space<hbm>> -> memref<10240x64xf32, #tpu.memory_space<hbm>>
    tpu.enqueue_indirect_dma source(%dma_start3A_91 : memref<10240x64xf32, #tpu.memory_space<hbm>>) target(%arg16 : memref<128x64xf32, #tpu.memory_space<vmem>>) offsets(%dma_start3A_88 : memref<128xi32, #tpu.memory_space<vmem>>) semaphore(%arg24 : memref<!tpu.dma_semaphore, #tpu.memory_space<semaphore_mem>>)
    %dma_start3A_92 = arith.constant 7 : i32
    %dma_start3A_93 = arith.constant 0 : i32
    %dma_start3A_94 = tpu.memref_slice %arg7[%dma_start3A_92, %dma_start3A_93] : memref<80x128xi32, #tpu.memory_space<vmem>> -> memref<1x128xi32, #tpu.memory_space<vmem>>
    %dma_start3A_95 = tpu.memref_squeeze %dma_start3A_94 : memref<1x128xi32, #tpu.memory_space<vmem>> -> memref<128xi32, #tpu.memory_space<vmem>>
    %dma_start3A_96 = arith.constant 0 : i32
    %dma_start3A_97 = arith.constant 0 : i32
    %dma_start3A_98 = tpu.memref_slice %arg2[%dma_start3A_96, %dma_start3A_97] : memref<10240x64xf32, #tpu.memory_space<hbm>> -> memref<10240x64xf32, #tpu.memory_space<hbm>>
    tpu.enqueue_indirect_dma source(%dma_start3A_98 : memref<10240x64xf32, #tpu.memory_space<hbm>>) target(%arg17 : memref<128x64xf32, #tpu.memory_space<vmem>>) offsets(%dma_start3A_95 : memref<128xi32, #tpu.memory_space<vmem>>) semaphore(%arg25 : memref<!tpu.dma_semaphore, #tpu.memory_space<semaphore_mem>>)
    %scan3A = arith.constant 0 : i32
    %scan3A_99 = arith.constant 0 : i32
    %scan3A_100 = arith.constant 10 : i32
    %scan3A_101 = arith.addi %scan3A_99, %scan3A_100 : i32
    %scan3A_102 = arith.constant 1 : i32
    scf.for %scan3A_109 = %scan3A_99 to %scan3A_101 step %scan3A_102  : i32 {
      %mul3A_110 = arith.constant 8 : i32
      %mul3A_111 = arith.muli %scan3A_109, %mul3A_110 : i32
      %add3A_112 = arith.constant 0 : i32
      %add3A_113 = arith.addi %mul3A_111, %add3A_112 : i32
      %dma_wait3A_114 = arith.constant 0 : i32
      %dma_wait3A_115 = tpu.memref_slice %arg7[%add3A_113, %dma_wait3A_114] : memref<80x128xi32, #tpu.memory_space<vmem>> -> memref<1x128xi32, #tpu.memory_space<vmem>>
      %dma_wait3A_116 = tpu.memref_squeeze %dma_wait3A_115 : memref<1x128xi32, #tpu.memory_space<vmem>> -> memref<128xi32, #tpu.memory_space<vmem>>
      %dma_wait3A_117 = arith.constant 0 : i32
      %dma_wait3A_118 = arith.constant 0 : i32
      %dma_wait3A_119 = tpu.memref_slice %arg2[%dma_wait3A_117, %dma_wait3A_118] : memref<10240x64xf32, #tpu.memory_space<hbm>> -> memref<10240x64xf32, #tpu.memory_space<hbm>>
      tpu.wait_indirect_dma semaphore(%arg18 : memref<!tpu.dma_semaphore, #tpu.memory_space<semaphore_mem>>) src(%dma_wait3A_119 : memref<10240x64xf32, #tpu.memory_space<hbm>>) dst(%arg10 : memref<128x64xf32, #tpu.memory_space<vmem>>)
      %dma_start3A_120 = arith.constant 0 : i32
      %dma_start3A_121 = tpu.memref_slice %arg8[%add3A_113, %dma_start3A_120] : memref<80x128xi32, #tpu.memory_space<vmem>> -> memref<1x128xi32, #tpu.memory_space<vmem>>
      %dma_start3A_122 = tpu.memref_squeeze %dma_start3A_121 : memref<1x128xi32, #tpu.memory_space<vmem>> -> memref<128xi32, #tpu.memory_space<vmem>>
      %dma_start3A_123 = arith.constant 0 : i32
      %dma_start3A_124 = arith.constant 0 : i32
      %dma_start3A_125 = tpu.memref_slice %arg9[%dma_start3A_123, %dma_start3A_124] : memref<10240x64xf32, #tpu.memory_space<vmem_shared>> -> memref<10240x64xf32, #tpu.memory_space<vmem_shared>>
      tpu.enqueue_indirect_dma source(%arg10 : memref<128x64xf32, #tpu.memory_space<vmem>>) target(%dma_start3A_125 : memref<10240x64xf32, #tpu.memory_space<vmem_shared>>) offsets(%dma_start3A_122 : memref<128xi32, #tpu.memory_space<vmem>>) semaphore(%arg26 : memref<!tpu.dma_semaphore, #tpu.memory_space<semaphore_mem>>) {add = true}
      %mul3A_126 = arith.constant 8 : i32
      %mul3A_127 = arith.muli %scan3A_109, %mul3A_126 : i32
      %add3A_128 = arith.constant 1 : i32
      %add3A_129 = arith.addi %mul3A_127, %add3A_128 : i32
      %dma_wait3A_130 = arith.constant 0 : i32
      %dma_wait3A_131 = tpu.memref_slice %arg7[%add3A_129, %dma_wait3A_130] : memref<80x128xi32, #tpu.memory_space<vmem>> -> memref<1x128xi32, #tpu.memory_space<vmem>>
      %dma_wait3A_132 = tpu.memref_squeeze %dma_wait3A_131 : memref<1x128xi32, #tpu.memory_space<vmem>> -> memref<128xi32, #tpu.memory_space<vmem>>
      %dma_wait3A_133 = arith.constant 0 : i32
      %dma_wait3A_134 = arith.constant 0 : i32
      %dma_wait3A_135 = tpu.memref_slice %arg2[%dma_wait3A_133, %dma_wait3A_134] : memref<10240x64xf32, #tpu.memory_space<hbm>> -> memref<10240x64xf32, #tpu.memory_space<hbm>>
      tpu.wait_indirect_dma semaphore(%arg19 : memref<!tpu.dma_semaphore, #tpu.memory_space<semaphore_mem>>) src(%dma_wait3A_135 : memref<10240x64xf32, #tpu.memory_space<hbm>>) dst(%arg11 : memref<128x64xf32, #tpu.memory_space<vmem>>)
      %dma_start3A_136 = arith.constant 0 : i32
      %dma_start3A_137 = tpu.memref_slice %arg8[%add3A_129, %dma_start3A_136] : memref<80x128xi32, #tpu.memory_space<vmem>> -> memref<1x128xi32, #tpu.memory_space<vmem>>
      %dma_start3A_138 = tpu.memref_squeeze %dma_start3A_137 : memref<1x128xi32, #tpu.memory_space<vmem>> -> memref<128xi32, #tpu.memory_space<vmem>>
      %dma_start3A_139 = arith.constant 0 : i32
      %dma_start3A_140 = arith.constant 0 : i32
      %dma_start3A_141 = tpu.memref_slice %arg9[%dma_start3A_139, %dma_start3A_140] : memref<10240x64xf32, #tpu.memory_space<vmem_shared>> -> memref<10240x64xf32, #tpu.memory_space<vmem_shared>>
      tpu.enqueue_indirect_dma source(%arg11 : memref<128x64xf32, #tpu.memory_space<vmem>>) target(%dma_start3A_141 : memref<10240x64xf32, #tpu.memory_space<vmem_shared>>) offsets(%dma_start3A_138 : memref<128xi32, #tpu.memory_space<vmem>>) semaphore(%arg27 : memref<!tpu.dma_semaphore, #tpu.memory_space<semaphore_mem>>) {add = true}
      %mul3A_142 = arith.constant 8 : i32
      %mul3A_143 = arith.muli %scan3A_109, %mul3A_142 : i32
      %add3A_144 = arith.constant 2 : i32
      %add3A_145 = arith.addi %mul3A_143, %add3A_144 : i32
      %dma_wait3A_146 = arith.constant 0 : i32
      %dma_wait3A_147 = tpu.memref_slice %arg7[%add3A_145, %dma_wait3A_146] : memref<80x128xi32, #tpu.memory_space<vmem>> -> memref<1x128xi32, #tpu.memory_space<vmem>>
      %dma_wait3A_148 = tpu.memref_squeeze %dma_wait3A_147 : memref<1x128xi32, #tpu.memory_space<vmem>> -> memref<128xi32, #tpu.memory_space<vmem>>
      %dma_wait3A_149 = arith.constant 0 : i32
      %dma_wait3A_150 = arith.constant 0 : i32
      %dma_wait3A_151 = tpu.memref_slice %arg2[%dma_wait3A_149, %dma_wait3A_150] : memref<10240x64xf32, #tpu.memory_space<hbm>> -> memref<10240x64xf32, #tpu.memory_space<hbm>>
      tpu.wait_indirect_dma semaphore(%arg20 : memref<!tpu.dma_semaphore, #tpu.memory_space<semaphore_mem>>) src(%dma_wait3A_151 : memref<10240x64xf32, #tpu.memory_space<hbm>>) dst(%arg12 : memref<128x64xf32, #tpu.memory_space<vmem>>)
      %dma_start3A_152 = arith.constant 0 : i32
      %dma_start3A_153 = tpu.memref_slice %arg8[%add3A_145, %dma_start3A_152] : memref<80x128xi32, #tpu.memory_space<vmem>> -> memref<1x128xi32, #tpu.memory_space<vmem>>
      %dma_start3A_154 = tpu.memref_squeeze %dma_start3A_153 : memref<1x128xi32, #tpu.memory_space<vmem>> -> memref<128xi32, #tpu.memory_space<vmem>>
      %dma_start3A_155 = arith.constant 0 : i32
      %dma_start3A_156 = arith.constant 0 : i32
      %dma_start3A_157 = tpu.memref_slice %arg9[%dma_start3A_155, %dma_start3A_156] : memref<10240x64xf32, #tpu.memory_space<vmem_shared>> -> memref<10240x64xf32, #tpu.memory_space<vmem_shared>>
      tpu.enqueue_indirect_dma source(%arg12 : memref<128x64xf32, #tpu.memory_space<vmem>>) target(%dma_start3A_157 : memref<10240x64xf32, #tpu.memory_space<vmem_shared>>) offsets(%dma_start3A_154 : memref<128xi32, #tpu.memory_space<vmem>>) semaphore(%arg28 : memref<!tpu.dma_semaphore, #tpu.memory_space<semaphore_mem>>) {add = true}
      %mul3A_158 = arith.constant 8 : i32
      %mul3A_159 = arith.muli %scan3A_109, %mul3A_158 : i32
      %add3A_160 = arith.constant 3 : i32
      %add3A_161 = arith.addi %mul3A_159, %add3A_160 : i32
      %dma_wait3A_162 = arith.constant 0 : i32
      %dma_wait3A_163 = tpu.memref_slice %arg7[%add3A_161, %dma_wait3A_162] : memref<80x128xi32, #tpu.memory_space<vmem>> -> memref<1x128xi32, #tpu.memory_space<vmem>>
      %dma_wait3A_164 = tpu.memref_squeeze %dma_wait3A_163 : memref<1x128xi32, #tpu.memory_space<vmem>> -> memref<128xi32, #tpu.memory_space<vmem>>
      %dma_wait3A_165 = arith.constant 0 : i32
      %dma_wait3A_166 = arith.constant 0 : i32
      %dma_wait3A_167 = tpu.memref_slice %arg2[%dma_wait3A_165, %dma_wait3A_166] : memref<10240x64xf32, #tpu.memory_space<hbm>> -> memref<10240x64xf32, #tpu.memory_space<hbm>>
      tpu.wait_indirect_dma semaphore(%arg21 : memref<!tpu.dma_semaphore, #tpu.memory_space<semaphore_mem>>) src(%dma_wait3A_167 : memref<10240x64xf32, #tpu.memory_space<hbm>>) dst(%arg13 : memref<128x64xf32, #tpu.memory_space<vmem>>)
      %dma_start3A_168 = arith.constant 0 : i32
      %dma_start3A_169 = tpu.memref_slice %arg8[%add3A_161, %dma_start3A_168] : memref<80x128xi32, #tpu.memory_space<vmem>> -> memref<1x128xi32, #tpu.memory_space<vmem>>
      %dma_start3A_170 = tpu.memref_squeeze %dma_start3A_169 : memref<1x128xi32, #tpu.memory_space<vmem>> -> memref<128xi32, #tpu.memory_space<vmem>>
      %dma_start3A_171 = arith.constant 0 : i32
      %dma_start3A_172 = arith.constant 0 : i32
      %dma_start3A_173 = tpu.memref_slice %arg9[%dma_start3A_171, %dma_start3A_172] : memref<10240x64xf32, #tpu.memory_space<vmem_shared>> -> memref<10240x64xf32, #tpu.memory_space<vmem_shared>>
      tpu.enqueue_indirect_dma source(%arg13 : memref<128x64xf32, #tpu.memory_space<vmem>>) target(%dma_start3A_173 : memref<10240x64xf32, #tpu.memory_space<vmem_shared>>) offsets(%dma_start3A_170 : memref<128xi32, #tpu.memory_space<vmem>>) semaphore(%arg29 : memref<!tpu.dma_semaphore, #tpu.memory_space<semaphore_mem>>) {add = true}
      %mul3A_174 = arith.constant 8 : i32
      %mul3A_175 = arith.muli %scan3A_109, %mul3A_174 : i32
      %add3A_176 = arith.constant 4 : i32
      %add3A_177 = arith.addi %mul3A_175, %add3A_176 : i32
      %dma_wait3A_178 = arith.constant 0 : i32
      %dma_wait3A_179 = tpu.memref_slice %arg7[%add3A_177, %dma_wait3A_178] : memref<80x128xi32, #tpu.memory_space<vmem>> -> memref<1x128xi32, #tpu.memory_space<vmem>>
      %dma_wait3A_180 = tpu.memref_squeeze %dma_wait3A_179 : memref<1x128xi32, #tpu.memory_space<vmem>> -> memref<128xi32, #tpu.memory_space<vmem>>
      %dma_wait3A_181 = arith.constant 0 : i32
      %dma_wait3A_182 = arith.constant 0 : i32
      %dma_wait3A_183 = tpu.memref_slice %arg2[%dma_wait3A_181, %dma_wait3A_182] : memref<10240x64xf32, #tpu.memory_space<hbm>> -> memref<10240x64xf32, #tpu.memory_space<hbm>>
      tpu.wait_indirect_dma semaphore(%arg22 : memref<!tpu.dma_semaphore, #tpu.memory_space<semaphore_mem>>) src(%dma_wait3A_183 : memref<10240x64xf32, #tpu.memory_space<hbm>>) dst(%arg14 : memref<128x64xf32, #tpu.memory_space<vmem>>)
      %dma_start3A_184 = arith.constant 0 : i32
      %dma_start3A_185 = tpu.memref_slice %arg8[%add3A_177, %dma_start3A_184] : memref<80x128xi32, #tpu.memory_space<vmem>> -> memref<1x128xi32, #tpu.memory_space<vmem>>
      %dma_start3A_186 = tpu.memref_squeeze %dma_start3A_185 : memref<1x128xi32, #tpu.memory_space<vmem>> -> memref<128xi32, #tpu.memory_space<vmem>>
      %dma_start3A_187 = arith.constant 0 : i32
      %dma_start3A_188 = arith.constant 0 : i32
      %dma_start3A_189 = tpu.memref_slice %arg9[%dma_start3A_187, %dma_start3A_188] : memref<10240x64xf32, #tpu.memory_space<vmem_shared>> -> memref<10240x64xf32, #tpu.memory_space<vmem_shared>>
      tpu.enqueue_indirect_dma source(%arg14 : memref<128x64xf32, #tpu.memory_space<vmem>>) target(%dma_start3A_189 : memref<10240x64xf32, #tpu.memory_space<vmem_shared>>) offsets(%dma_start3A_186 : memref<128xi32, #tpu.memory_space<vmem>>) semaphore(%arg30 : memref<!tpu.dma_semaphore, #tpu.memory_space<semaphore_mem>>) {add = true}
      %mul3A_190 = arith.constant 8 : i32
      %mul3A_191 = arith.muli %scan3A_109, %mul3A_190 : i32
      %add3A_192 = arith.constant 5 : i32
      %add3A_193 = arith.addi %mul3A_191, %add3A_192 : i32
      %dma_wait3A_194 = arith.constant 0 : i32
      %dma_wait3A_195 = tpu.memref_slice %arg7[%add3A_193, %dma_wait3A_194] : memref<80x128xi32, #tpu.memory_space<vmem>> -> memref<1x128xi32, #tpu.memory_space<vmem>>
      %dma_wait3A_196 = tpu.memref_squeeze %dma_wait3A_195 : memref<1x128xi32, #tpu.memory_space<vmem>> -> memref<128xi32, #tpu.memory_space<vmem>>
      %dma_wait3A_197 = arith.constant 0 : i32
      %dma_wait3A_198 = arith.constant 0 : i32
      %dma_wait3A_199 = tpu.memref_slice %arg2[%dma_wait3A_197, %dma_wait3A_198] : memref<10240x64xf32, #tpu.memory_space<hbm>> -> memref<10240x64xf32, #tpu.memory_space<hbm>>
      tpu.wait_indirect_dma semaphore(%arg23 : memref<!tpu.dma_semaphore, #tpu.memory_space<semaphore_mem>>) src(%dma_wait3A_199 : memref<10240x64xf32, #tpu.memory_space<hbm>>) dst(%arg15 : memref<128x64xf32, #tpu.memory_space<vmem>>)
      %dma_start3A_200 = arith.constant 0 : i32
      %dma_start3A_201 = tpu.memref_slice %arg8[%add3A_193, %dma_start3A_200] : memref<80x128xi32, #tpu.memory_space<vmem>> -> memref<1x128xi32, #tpu.memory_space<vmem>>
      %dma_start3A_202 = tpu.memref_squeeze %dma_start3A_201 : memref<1x128xi32, #tpu.memory_space<vmem>> -> memref<128xi32, #tpu.memory_space<vmem>>
      %dma_start3A_203 = arith.constant 0 : i32
      %dma_start3A_204 = arith.constant 0 : i32
      %dma_start3A_205 = tpu.memref_slice %arg9[%dma_start3A_203, %dma_start3A_204] : memref<10240x64xf32, #tpu.memory_space<vmem_shared>> -> memref<10240x64xf32, #tpu.memory_space<vmem_shared>>
      tpu.enqueue_indirect_dma source(%arg15 : memref<128x64xf32, #tpu.memory_space<vmem>>) target(%dma_start3A_205 : memref<10240x64xf32, #tpu.memory_space<vmem_shared>>) offsets(%dma_start3A_202 : memref<128xi32, #tpu.memory_space<vmem>>) semaphore(%arg31 : memref<!tpu.dma_semaphore, #tpu.memory_space<semaphore_mem>>) {add = true}
      %mul3A_206 = arith.constant 8 : i32
      %mul3A_207 = arith.muli %scan3A_109, %mul3A_206 : i32
      %add3A_208 = arith.constant 6 : i32
      %add3A_209 = arith.addi %mul3A_207, %add3A_208 : i32
      %dma_wait3A_210 = arith.constant 0 : i32
      %dma_wait3A_211 = tpu.memref_slice %arg7[%add3A_209, %dma_wait3A_210] : memref<80x128xi32, #tpu.memory_space<vmem>> -> memref<1x128xi32, #tpu.memory_space<vmem>>
      %dma_wait3A_212 = tpu.memref_squeeze %dma_wait3A_211 : memref<1x128xi32, #tpu.memory_space<vmem>> -> memref<128xi32, #tpu.memory_space<vmem>>
      %dma_wait3A_213 = arith.constant 0 : i32
      %dma_wait3A_214 = arith.constant 0 : i32
      %dma_wait3A_215 = tpu.memref_slice %arg2[%dma_wait3A_213, %dma_wait3A_214] : memref<10240x64xf32, #tpu.memory_space<hbm>> -> memref<10240x64xf32, #tpu.memory_space<hbm>>
      tpu.wait_indirect_dma semaphore(%arg24 : memref<!tpu.dma_semaphore, #tpu.memory_space<semaphore_mem>>) src(%dma_wait3A_215 : memref<10240x64xf32, #tpu.memory_space<hbm>>) dst(%arg16 : memref<128x64xf32, #tpu.memory_space<vmem>>)
      %dma_start3A_216 = arith.constant 0 : i32
      %dma_start3A_217 = tpu.memref_slice %arg8[%add3A_209, %dma_start3A_216] : memref<80x128xi32, #tpu.memory_space<vmem>> -> memref<1x128xi32, #tpu.memory_space<vmem>>
      %dma_start3A_218 = tpu.memref_squeeze %dma_start3A_217 : memref<1x128xi32, #tpu.memory_space<vmem>> -> memref<128xi32, #tpu.memory_space<vmem>>
      %dma_start3A_219 = arith.constant 0 : i32
      %dma_start3A_220 = arith.constant 0 : i32
      %dma_start3A_221 = tpu.memref_slice %arg9[%dma_start3A_219, %dma_start3A_220] : memref<10240x64xf32, #tpu.memory_space<vmem_shared>> -> memref<10240x64xf32, #tpu.memory_space<vmem_shared>>
      tpu.enqueue_indirect_dma source(%arg16 : memref<128x64xf32, #tpu.memory_space<vmem>>) target(%dma_start3A_221 : memref<10240x64xf32, #tpu.memory_space<vmem_shared>>) offsets(%dma_start3A_218 : memref<128xi32, #tpu.memory_space<vmem>>) semaphore(%arg32 : memref<!tpu.dma_semaphore, #tpu.memory_space<semaphore_mem>>) {add = true}
      %mul3A_222 = arith.constant 8 : i32
      %mul3A_223 = arith.muli %scan3A_109, %mul3A_222 : i32
      %add3A_224 = arith.constant 7 : i32
      %add3A_225 = arith.addi %mul3A_223, %add3A_224 : i32
      %dma_wait3A_226 = arith.constant 0 : i32
      %dma_wait3A_227 = tpu.memref_slice %arg7[%add3A_225, %dma_wait3A_226] : memref<80x128xi32, #tpu.memory_space<vmem>> -> memref<1x128xi32, #tpu.memory_space<vmem>>
      %dma_wait3A_228 = tpu.memref_squeeze %dma_wait3A_227 : memref<1x128xi32, #tpu.memory_space<vmem>> -> memref<128xi32, #tpu.memory_space<vmem>>
      %dma_wait3A_229 = arith.constant 0 : i32
      %dma_wait3A_230 = arith.constant 0 : i32
      %dma_wait3A_231 = tpu.memref_slice %arg2[%dma_wait3A_229, %dma_wait3A_230] : memref<10240x64xf32, #tpu.memory_space<hbm>> -> memref<10240x64xf32, #tpu.memory_space<hbm>>
      tpu.wait_indirect_dma semaphore(%arg25 : memref<!tpu.dma_semaphore, #tpu.memory_space<semaphore_mem>>) src(%dma_wait3A_231 : memref<10240x64xf32, #tpu.memory_space<hbm>>) dst(%arg17 : memref<128x64xf32, #tpu.memory_space<vmem>>)
      %dma_start3A_232 = arith.constant 0 : i32
      %dma_start3A_233 = tpu.memref_slice %arg8[%add3A_225, %dma_start3A_232] : memref<80x128xi32, #tpu.memory_space<vmem>> -> memref<1x128xi32, #tpu.memory_space<vmem>>
      %dma_start3A_234 = tpu.memref_squeeze %dma_start3A_233 : memref<1x128xi32, #tpu.memory_space<vmem>> -> memref<128xi32, #tpu.memory_space<vmem>>
      %dma_start3A_235 = arith.constant 0 : i32
      %dma_start3A_236 = arith.constant 0 : i32
      %dma_start3A_237 = tpu.memref_slice %arg9[%dma_start3A_235, %dma_start3A_236] : memref<10240x64xf32, #tpu.memory_space<vmem_shared>> -> memref<10240x64xf32, #tpu.memory_space<vmem_shared>>
      tpu.enqueue_indirect_dma source(%arg17 : memref<128x64xf32, #tpu.memory_space<vmem>>) target(%dma_start3A_237 : memref<10240x64xf32, #tpu.memory_space<vmem_shared>>) offsets(%dma_start3A_234 : memref<128xi32, #tpu.memory_space<vmem>>) semaphore(%arg33 : memref<!tpu.dma_semaphore, #tpu.memory_space<semaphore_mem>>) {add = true}
      %mul3A_238 = arith.constant 8 : i32
      %mul3A_239 = arith.muli %scan3A_109, %mul3A_238 : i32
      %add3A_240 = arith.constant 0 : i32
      %add3A_241 = arith.addi %mul3A_239, %add3A_240 : i32
      %dma_wait3A_242 = arith.constant 0 : i32
      %dma_wait3A_243 = tpu.memref_slice %arg8[%add3A_241, %dma_wait3A_242] : memref<80x128xi32, #tpu.memory_space<vmem>> -> memref<1x128xi32, #tpu.memory_space<vmem>>
      %dma_wait3A_244 = tpu.memref_squeeze %dma_wait3A_243 : memref<1x128xi32, #tpu.memory_space<vmem>> -> memref<128xi32, #tpu.memory_space<vmem>>
      %dma_wait3A_245 = arith.constant 0 : i32
      %dma_wait3A_246 = arith.constant 0 : i32
      %dma_wait3A_247 = tpu.memref_slice %arg9[%dma_wait3A_245, %dma_wait3A_246] : memref<10240x64xf32, #tpu.memory_space<vmem_shared>> -> memref<10240x64xf32, #tpu.memory_space<vmem_shared>>
      tpu.wait_indirect_dma semaphore(%arg26 : memref<!tpu.dma_semaphore, #tpu.memory_space<semaphore_mem>>) src(%arg10 : memref<128x64xf32, #tpu.memory_space<vmem>>) dst(%dma_wait3A_247 : memref<10240x64xf32, #tpu.memory_space<vmem_shared>>)
      %add3A_248 = arith.constant 8 : i32
      %add3A_249 = arith.addi %add3A_241, %add3A_248 : i32
      %lt3A = arith.constant 80 : i32
      %lt3A_250 = arith.cmpi slt, %add3A_249, %lt3A : i32
      %convert_element_type3A = arith.extui %lt3A_250 : i1 to i32
      %cond3A = arith.constant 0 : i32
      %cond3A_251 = arith.cmpi ne, %convert_element_type3A, %cond3A : i32
      scf.if %cond3A_251 {
        %add3A_371 = arith.constant 8 : i32
        %add3A_372 = arith.addi %add3A_241, %add3A_371 : i32
        %dma_start3A_373 = arith.constant 0 : i32
        %dma_start3A_374 = tpu.memref_slice %arg7[%add3A_372, %dma_start3A_373] : memref<80x128xi32, #tpu.memory_space<vmem>> -> memref<1x128xi32, #tpu.memory_space<vmem>>
        %dma_start3A_375 = tpu.memref_squeeze %dma_start3A_374 : memref<1x128xi32, #tpu.memory_space<vmem>> -> memref<128xi32, #tpu.memory_space<vmem>>
        %dma_start3A_376 = arith.constant 0 : i32
        %dma_start3A_377 = arith.constant 0 : i32
        %dma_start3A_378 = tpu.memref_slice %arg2[%dma_start3A_376, %dma_start3A_377] : memref<10240x64xf32, #tpu.memory_space<hbm>> -> memref<10240x64xf32, #tpu.memory_space<hbm>>
        tpu.enqueue_indirect_dma source(%dma_start3A_378 : memref<10240x64xf32, #tpu.memory_space<hbm>>) target(%arg10 : memref<128x64xf32, #tpu.memory_space<vmem>>) offsets(%dma_start3A_375 : memref<128xi32, #tpu.memory_space<vmem>>) semaphore(%arg18 : memref<!tpu.dma_semaphore, #tpu.memory_space<semaphore_mem>>)
      } else {
      }
      %mul3A_252 = arith.constant 8 : i32
      %mul3A_253 = arith.muli %scan3A_109, %mul3A_252 : i32
      %add3A_254 = arith.constant 1 : i32
      %add3A_255 = arith.addi %mul3A_253, %add3A_254 : i32
      %dma_wait3A_256 = arith.constant 0 : i32
      %dma_wait3A_257 = tpu.memref_slice %arg8[%add3A_255, %dma_wait3A_256] : memref<80x128xi32, #tpu.memory_space<vmem>> -> memref<1x128xi32, #tpu.memory_space<vmem>>
      %dma_wait3A_258 = tpu.memref_squeeze %dma_wait3A_257 : memref<1x128xi32, #tpu.memory_space<vmem>> -> memref<128xi32, #tpu.memory_space<vmem>>
      %dma_wait3A_259 = arith.constant 0 : i32
      %dma_wait3A_260 = arith.constant 0 : i32
      %dma_wait3A_261 = tpu.memref_slice %arg9[%dma_wait3A_259, %dma_wait3A_260] : memref<10240x64xf32, #tpu.memory_space<vmem_shared>> -> memref<10240x64xf32, #tpu.memory_space<vmem_shared>>
      tpu.wait_indirect_dma semaphore(%arg27 : memref<!tpu.dma_semaphore, #tpu.memory_space<semaphore_mem>>) src(%arg11 : memref<128x64xf32, #tpu.memory_space<vmem>>) dst(%dma_wait3A_261 : memref<10240x64xf32, #tpu.memory_space<vmem_shared>>)
      %add3A_262 = arith.constant 8 : i32
      %add3A_263 = arith.addi %add3A_255, %add3A_262 : i32
      %lt3A_264 = arith.constant 80 : i32
      %lt3A_265 = arith.cmpi slt, %add3A_263, %lt3A_264 : i32
      %convert_element_type3A_266 = arith.extui %lt3A_265 : i1 to i32
      %cond3A_267 = arith.constant 0 : i32
      %cond3A_268 = arith.cmpi ne, %convert_element_type3A_266, %cond3A_267 : i32
      scf.if %cond3A_268 {
        %add3A_371 = arith.constant 8 : i32
        %add3A_372 = arith.addi %add3A_255, %add3A_371 : i32
        %dma_start3A_373 = arith.constant 0 : i32
        %dma_start3A_374 = tpu.memref_slice %arg7[%add3A_372, %dma_start3A_373] : memref<80x128xi32, #tpu.memory_space<vmem>> -> memref<1x128xi32, #tpu.memory_space<vmem>>
        %dma_start3A_375 = tpu.memref_squeeze %dma_start3A_374 : memref<1x128xi32, #tpu.memory_space<vmem>> -> memref<128xi32, #tpu.memory_space<vmem>>
        %dma_start3A_376 = arith.constant 0 : i32
        %dma_start3A_377 = arith.constant 0 : i32
        %dma_start3A_378 = tpu.memref_slice %arg2[%dma_start3A_376, %dma_start3A_377] : memref<10240x64xf32, #tpu.memory_space<hbm>> -> memref<10240x64xf32, #tpu.memory_space<hbm>>
        tpu.enqueue_indirect_dma source(%dma_start3A_378 : memref<10240x64xf32, #tpu.memory_space<hbm>>) target(%arg11 : memref<128x64xf32, #tpu.memory_space<vmem>>) offsets(%dma_start3A_375 : memref<128xi32, #tpu.memory_space<vmem>>) semaphore(%arg19 : memref<!tpu.dma_semaphore, #tpu.memory_space<semaphore_mem>>)
      } else {
      }
      %mul3A_269 = arith.constant 8 : i32
      %mul3A_270 = arith.muli %scan3A_109, %mul3A_269 : i32
      %add3A_271 = arith.constant 2 : i32
      %add3A_272 = arith.addi %mul3A_270, %add3A_271 : i32
      %dma_wait3A_273 = arith.constant 0 : i32
      %dma_wait3A_274 = tpu.memref_slice %arg8[%add3A_272, %dma_wait3A_273] : memref<80x128xi32, #tpu.memory_space<vmem>> -> memref<1x128xi32, #tpu.memory_space<vmem>>
      %dma_wait3A_275 = tpu.memref_squeeze %dma_wait3A_274 : memref<1x128xi32, #tpu.memory_space<vmem>> -> memref<128xi32, #tpu.memory_space<vmem>>
      %dma_wait3A_276 = arith.constant 0 : i32
      %dma_wait3A_277 = arith.constant 0 : i32
      %dma_wait3A_278 = tpu.memref_slice %arg9[%dma_wait3A_276, %dma_wait3A_277] : memref<10240x64xf32, #tpu.memory_space<vmem_shared>> -> memref<10240x64xf32, #tpu.memory_space<vmem_shared>>
      tpu.wait_indirect_dma semaphore(%arg28 : memref<!tpu.dma_semaphore, #tpu.memory_space<semaphore_mem>>) src(%arg12 : memref<128x64xf32, #tpu.memory_space<vmem>>) dst(%dma_wait3A_278 : memref<10240x64xf32, #tpu.memory_space<vmem_shared>>)
      %add3A_279 = arith.constant 8 : i32
      %add3A_280 = arith.addi %add3A_272, %add3A_279 : i32
      %lt3A_281 = arith.constant 80 : i32
      %lt3A_282 = arith.cmpi slt, %add3A_280, %lt3A_281 : i32
      %convert_element_type3A_283 = arith.extui %lt3A_282 : i1 to i32
      %cond3A_284 = arith.constant 0 : i32
      %cond3A_285 = arith.cmpi ne, %convert_element_type3A_283, %cond3A_284 : i32
      scf.if %cond3A_285 {
        %add3A_371 = arith.constant 8 : i32
        %add3A_372 = arith.addi %add3A_272, %add3A_371 : i32
        %dma_start3A_373 = arith.constant 0 : i32
        %dma_start3A_374 = tpu.memref_slice %arg7[%add3A_372, %dma_start3A_373] : memref<80x128xi32, #tpu.memory_space<vmem>> -> memref<1x128xi32, #tpu.memory_space<vmem>>
        %dma_start3A_375 = tpu.memref_squeeze %dma_start3A_374 : memref<1x128xi32, #tpu.memory_space<vmem>> -> memref<128xi32, #tpu.memory_space<vmem>>
        %dma_start3A_376 = arith.constant 0 : i32
        %dma_start3A_377 = arith.constant 0 : i32
        %dma_start3A_378 = tpu.memref_slice %arg2[%dma_start3A_376, %dma_start3A_377] : memref<10240x64xf32, #tpu.memory_space<hbm>> -> memref<10240x64xf32, #tpu.memory_space<hbm>>
        tpu.enqueue_indirect_dma source(%dma_start3A_378 : memref<10240x64xf32, #tpu.memory_space<hbm>>) target(%arg12 : memref<128x64xf32, #tpu.memory_space<vmem>>) offsets(%dma_start3A_375 : memref<128xi32, #tpu.memory_space<vmem>>) semaphore(%arg20 : memref<!tpu.dma_semaphore, #tpu.memory_space<semaphore_mem>>)
      } else {
      }
      %mul3A_286 = arith.constant 8 : i32
      %mul3A_287 = arith.muli %scan3A_109, %mul3A_286 : i32
      %add3A_288 = arith.constant 3 : i32
      %add3A_289 = arith.addi %mul3A_287, %add3A_288 : i32
      %dma_wait3A_290 = arith.constant 0 : i32
      %dma_wait3A_291 = tpu.memref_slice %arg8[%add3A_289, %dma_wait3A_290] : memref<80x128xi32, #tpu.memory_space<vmem>> -> memref<1x128xi32, #tpu.memory_space<vmem>>
      %dma_wait3A_292 = tpu.memref_squeeze %dma_wait3A_291 : memref<1x128xi32, #tpu.memory_space<vmem>> -> memref<128xi32, #tpu.memory_space<vmem>>
      %dma_wait3A_293 = arith.constant 0 : i32
      %dma_wait3A_294 = arith.constant 0 : i32
      %dma_wait3A_295 = tpu.memref_slice %arg9[%dma_wait3A_293, %dma_wait3A_294] : memref<10240x64xf32, #tpu.memory_space<vmem_shared>> -> memref<10240x64xf32, #tpu.memory_space<vmem_shared>>
      tpu.wait_indirect_dma semaphore(%arg29 : memref<!tpu.dma_semaphore, #tpu.memory_space<semaphore_mem>>) src(%arg13 : memref<128x64xf32, #tpu.memory_space<vmem>>) dst(%dma_wait3A_295 : memref<10240x64xf32, #tpu.memory_space<vmem_shared>>)
      %add3A_296 = arith.constant 8 : i32
      %add3A_297 = arith.addi %add3A_289, %add3A_296 : i32
      %lt3A_298 = arith.constant 80 : i32
      %lt3A_299 = arith.cmpi slt, %add3A_297, %lt3A_298 : i32
      %convert_element_type3A_300 = arith.extui %lt3A_299 : i1 to i32
      %cond3A_301 = arith.constant 0 : i32
      %cond3A_302 = arith.cmpi ne, %convert_element_type3A_300, %cond3A_301 : i32
      scf.if %cond3A_302 {
        %add3A_371 = arith.constant 8 : i32
        %add3A_372 = arith.addi %add3A_289, %add3A_371 : i32
        %dma_start3A_373 = arith.constant 0 : i32
        %dma_start3A_374 = tpu.memref_slice %arg7[%add3A_372, %dma_start3A_373] : memref<80x128xi32, #tpu.memory_space<vmem>> -> memref<1x128xi32, #tpu.memory_space<vmem>>
        %dma_start3A_375 = tpu.memref_squeeze %dma_start3A_374 : memref<1x128xi32, #tpu.memory_space<vmem>> -> memref<128xi32, #tpu.memory_space<vmem>>
        %dma_start3A_376 = arith.constant 0 : i32
        %dma_start3A_377 = arith.constant 0 : i32
        %dma_start3A_378 = tpu.memref_slice %arg2[%dma_start3A_376, %dma_start3A_377] : memref<10240x64xf32, #tpu.memory_space<hbm>> -> memref<10240x64xf32, #tpu.memory_space<hbm>>
        tpu.enqueue_indirect_dma source(%dma_start3A_378 : memref<10240x64xf32, #tpu.memory_space<hbm>>) target(%arg13 : memref<128x64xf32, #tpu.memory_space<vmem>>) offsets(%dma_start3A_375 : memref<128xi32, #tpu.memory_space<vmem>>) semaphore(%arg21 : memref<!tpu.dma_semaphore, #tpu.memory_space<semaphore_mem>>)
      } else {
      }
      %mul3A_303 = arith.constant 8 : i32
      %mul3A_304 = arith.muli %scan3A_109, %mul3A_303 : i32
      %add3A_305 = arith.constant 4 : i32
      %add3A_306 = arith.addi %mul3A_304, %add3A_305 : i32
      %dma_wait3A_307 = arith.constant 0 : i32
      %dma_wait3A_308 = tpu.memref_slice %arg8[%add3A_306, %dma_wait3A_307] : memref<80x128xi32, #tpu.memory_space<vmem>> -> memref<1x128xi32, #tpu.memory_space<vmem>>
      %dma_wait3A_309 = tpu.memref_squeeze %dma_wait3A_308 : memref<1x128xi32, #tpu.memory_space<vmem>> -> memref<128xi32, #tpu.memory_space<vmem>>
      %dma_wait3A_310 = arith.constant 0 : i32
      %dma_wait3A_311 = arith.constant 0 : i32
      %dma_wait3A_312 = tpu.memref_slice %arg9[%dma_wait3A_310, %dma_wait3A_311] : memref<10240x64xf32, #tpu.memory_space<vmem_shared>> -> memref<10240x64xf32, #tpu.memory_space<vmem_shared>>
      tpu.wait_indirect_dma semaphore(%arg30 : memref<!tpu.dma_semaphore, #tpu.memory_space<semaphore_mem>>) src(%arg14 : memref<128x64xf32, #tpu.memory_space<vmem>>) dst(%dma_wait3A_312 : memref<10240x64xf32, #tpu.memory_space<vmem_shared>>)
      %add3A_313 = arith.constant 8 : i32
      %add3A_314 = arith.addi %add3A_306, %add3A_313 : i32
      %lt3A_315 = arith.constant 80 : i32
      %lt3A_316 = arith.cmpi slt, %add3A_314, %lt3A_315 : i32
      %convert_element_type3A_317 = arith.extui %lt3A_316 : i1 to i32
      %cond3A_318 = arith.constant 0 : i32
      %cond3A_319 = arith.cmpi ne, %convert_element_type3A_317, %cond3A_318 : i32
      scf.if %cond3A_319 {
        %add3A_371 = arith.constant 8 : i32
        %add3A_372 = arith.addi %add3A_306, %add3A_371 : i32
        %dma_start3A_373 = arith.constant 0 : i32
        %dma_start3A_374 = tpu.memref_slice %arg7[%add3A_372, %dma_start3A_373] : memref<80x128xi32, #tpu.memory_space<vmem>> -> memref<1x128xi32, #tpu.memory_space<vmem>>
        %dma_start3A_375 = tpu.memref_squeeze %dma_start3A_374 : memref<1x128xi32, #tpu.memory_space<vmem>> -> memref<128xi32, #tpu.memory_space<vmem>>
        %dma_start3A_376 = arith.constant 0 : i32
        %dma_start3A_377 = arith.constant 0 : i32
        %dma_start3A_378 = tpu.memref_slice %arg2[%dma_start3A_376, %dma_start3A_377] : memref<10240x64xf32, #tpu.memory_space<hbm>> -> memref<10240x64xf32, #tpu.memory_space<hbm>>
        tpu.enqueue_indirect_dma source(%dma_start3A_378 : memref<10240x64xf32, #tpu.memory_space<hbm>>) target(%arg14 : memref<128x64xf32, #tpu.memory_space<vmem>>) offsets(%dma_start3A_375 : memref<128xi32, #tpu.memory_space<vmem>>) semaphore(%arg22 : memref<!tpu.dma_semaphore, #tpu.memory_space<semaphore_mem>>)
      } else {
      }
      %mul3A_320 = arith.constant 8 : i32
      %mul3A_321 = arith.muli %scan3A_109, %mul3A_320 : i32
      %add3A_322 = arith.constant 5 : i32
      %add3A_323 = arith.addi %mul3A_321, %add3A_322 : i32
      %dma_wait3A_324 = arith.constant 0 : i32
      %dma_wait3A_325 = tpu.memref_slice %arg8[%add3A_323, %dma_wait3A_324] : memref<80x128xi32, #tpu.memory_space<vmem>> -> memref<1x128xi32, #tpu.memory_space<vmem>>
      %dma_wait3A_326 = tpu.memref_squeeze %dma_wait3A_325 : memref<1x128xi32, #tpu.memory_space<vmem>> -> memref<128xi32, #tpu.memory_space<vmem>>
      %dma_wait3A_327 = arith.constant 0 : i32
      %dma_wait3A_328 = arith.constant 0 : i32
      %dma_wait3A_329 = tpu.memref_slice %arg9[%dma_wait3A_327, %dma_wait3A_328] : memref<10240x64xf32, #tpu.memory_space<vmem_shared>> -> memref<10240x64xf32, #tpu.memory_space<vmem_shared>>
      tpu.wait_indirect_dma semaphore(%arg31 : memref<!tpu.dma_semaphore, #tpu.memory_space<semaphore_mem>>) src(%arg15 : memref<128x64xf32, #tpu.memory_space<vmem>>) dst(%dma_wait3A_329 : memref<10240x64xf32, #tpu.memory_space<vmem_shared>>)
      %add3A_330 = arith.constant 8 : i32
      %add3A_331 = arith.addi %add3A_323, %add3A_330 : i32
      %lt3A_332 = arith.constant 80 : i32
      %lt3A_333 = arith.cmpi slt, %add3A_331, %lt3A_332 : i32
      %convert_element_type3A_334 = arith.extui %lt3A_333 : i1 to i32
      %cond3A_335 = arith.constant 0 : i32
      %cond3A_336 = arith.cmpi ne, %convert_element_type3A_334, %cond3A_335 : i32
      scf.if %cond3A_336 {
        %add3A_371 = arith.constant 8 : i32
        %add3A_372 = arith.addi %add3A_323, %add3A_371 : i32
        %dma_start3A_373 = arith.constant 0 : i32
        %dma_start3A_374 = tpu.memref_slice %arg7[%add3A_372, %dma_start3A_373] : memref<80x128xi32, #tpu.memory_space<vmem>> -> memref<1x128xi32, #tpu.memory_space<vmem>>
        %dma_start3A_375 = tpu.memref_squeeze %dma_start3A_374 : memref<1x128xi32, #tpu.memory_space<vmem>> -> memref<128xi32, #tpu.memory_space<vmem>>
        %dma_start3A_376 = arith.constant 0 : i32
        %dma_start3A_377 = arith.constant 0 : i32
        %dma_start3A_378 = tpu.memref_slice %arg2[%dma_start3A_376, %dma_start3A_377] : memref<10240x64xf32, #tpu.memory_space<hbm>> -> memref<10240x64xf32, #tpu.memory_space<hbm>>
        tpu.enqueue_indirect_dma source(%dma_start3A_378 : memref<10240x64xf32, #tpu.memory_space<hbm>>) target(%arg15 : memref<128x64xf32, #tpu.memory_space<vmem>>) offsets(%dma_start3A_375 : memref<128xi32, #tpu.memory_space<vmem>>) semaphore(%arg23 : memref<!tpu.dma_semaphore, #tpu.memory_space<semaphore_mem>>)
      } else {
      }
      %mul3A_337 = arith.constant 8 : i32
      %mul3A_338 = arith.muli %scan3A_109, %mul3A_337 : i32
      %add3A_339 = arith.constant 6 : i32
      %add3A_340 = arith.addi %mul3A_338, %add3A_339 : i32
      %dma_wait3A_341 = arith.constant 0 : i32
      %dma_wait3A_342 = tpu.memref_slice %arg8[%add3A_340, %dma_wait3A_341] : memref<80x128xi32, #tpu.memory_space<vmem>> -> memref<1x128xi32, #tpu.memory_space<vmem>>
      %dma_wait3A_343 = tpu.memref_squeeze %dma_wait3A_342 : memref<1x128xi32, #tpu.memory_space<vmem>> -> memref<128xi32, #tpu.memory_space<vmem>>
      %dma_wait3A_344 = arith.constant 0 : i32
      %dma_wait3A_345 = arith.constant 0 : i32
      %dma_wait3A_346 = tpu.memref_slice %arg9[%dma_wait3A_344, %dma_wait3A_345] : memref<10240x64xf32, #tpu.memory_space<vmem_shared>> -> memref<10240x64xf32, #tpu.memory_space<vmem_shared>>
      tpu.wait_indirect_dma semaphore(%arg32 : memref<!tpu.dma_semaphore, #tpu.memory_space<semaphore_mem>>) src(%arg16 : memref<128x64xf32, #tpu.memory_space<vmem>>) dst(%dma_wait3A_346 : memref<10240x64xf32, #tpu.memory_space<vmem_shared>>)
      %add3A_347 = arith.constant 8 : i32
      %add3A_348 = arith.addi %add3A_340, %add3A_347 : i32
      %lt3A_349 = arith.constant 80 : i32
      %lt3A_350 = arith.cmpi slt, %add3A_348, %lt3A_349 : i32
      %convert_element_type3A_351 = arith.extui %lt3A_350 : i1 to i32
      %cond3A_352 = arith.constant 0 : i32
      %cond3A_353 = arith.cmpi ne, %convert_element_type3A_351, %cond3A_352 : i32
      scf.if %cond3A_353 {
        %add3A_371 = arith.constant 8 : i32
        %add3A_372 = arith.addi %add3A_340, %add3A_371 : i32
        %dma_start3A_373 = arith.constant 0 : i32
        %dma_start3A_374 = tpu.memref_slice %arg7[%add3A_372, %dma_start3A_373] : memref<80x128xi32, #tpu.memory_space<vmem>> -> memref<1x128xi32, #tpu.memory_space<vmem>>
        %dma_start3A_375 = tpu.memref_squeeze %dma_start3A_374 : memref<1x128xi32, #tpu.memory_space<vmem>> -> memref<128xi32, #tpu.memory_space<vmem>>
        %dma_start3A_376 = arith.constant 0 : i32
        %dma_start3A_377 = arith.constant 0 : i32
        %dma_start3A_378 = tpu.memref_slice %arg2[%dma_start3A_376, %dma_start3A_377] : memref<10240x64xf32, #tpu.memory_space<hbm>> -> memref<10240x64xf32, #tpu.memory_space<hbm>>
        tpu.enqueue_indirect_dma source(%dma_start3A_378 : memref<10240x64xf32, #tpu.memory_space<hbm>>) target(%arg16 : memref<128x64xf32, #tpu.memory_space<vmem>>) offsets(%dma_start3A_375 : memref<128xi32, #tpu.memory_space<vmem>>) semaphore(%arg24 : memref<!tpu.dma_semaphore, #tpu.memory_space<semaphore_mem>>)
      } else {
      }
      %mul3A_354 = arith.constant 8 : i32
      %mul3A_355 = arith.muli %scan3A_109, %mul3A_354 : i32
      %add3A_356 = arith.constant 7 : i32
      %add3A_357 = arith.addi %mul3A_355, %add3A_356 : i32
      %dma_wait3A_358 = arith.constant 0 : i32
      %dma_wait3A_359 = tpu.memref_slice %arg8[%add3A_357, %dma_wait3A_358] : memref<80x128xi32, #tpu.memory_space<vmem>> -> memref<1x128xi32, #tpu.memory_space<vmem>>
      %dma_wait3A_360 = tpu.memref_squeeze %dma_wait3A_359 : memref<1x128xi32, #tpu.memory_space<vmem>> -> memref<128xi32, #tpu.memory_space<vmem>>
      %dma_wait3A_361 = arith.constant 0 : i32
      %dma_wait3A_362 = arith.constant 0 : i32
      %dma_wait3A_363 = tpu.memref_slice %arg9[%dma_wait3A_361, %dma_wait3A_362] : memref<10240x64xf32, #tpu.memory_space<vmem_shared>> -> memref<10240x64xf32, #tpu.memory_space<vmem_shared>>
      tpu.wait_indirect_dma semaphore(%arg33 : memref<!tpu.dma_semaphore, #tpu.memory_space<semaphore_mem>>) src(%arg17 : memref<128x64xf32, #tpu.memory_space<vmem>>) dst(%dma_wait3A_363 : memref<10240x64xf32, #tpu.memory_space<vmem_shared>>)
      %add3A_364 = arith.constant 8 : i32
      %add3A_365 = arith.addi %add3A_357, %add3A_364 : i32
      %lt3A_366 = arith.constant 80 : i32
      %lt3A_367 = arith.cmpi slt, %add3A_365, %lt3A_366 : i32
      %convert_element_type3A_368 = arith.extui %lt3A_367 : i1 to i32
      %cond3A_369 = arith.constant 0 : i32
      %cond3A_370 = arith.cmpi ne, %convert_element_type3A_368, %cond3A_369 : i32
      scf.if %cond3A_370 {
        %add3A_371 = arith.constant 8 : i32
        %add3A_372 = arith.addi %add3A_357, %add3A_371 : i32
        %dma_start3A_373 = arith.constant 0 : i32
        %dma_start3A_374 = tpu.memref_slice %arg7[%add3A_372, %dma_start3A_373] : memref<80x128xi32, #tpu.memory_space<vmem>> -> memref<1x128xi32, #tpu.memory_space<vmem>>
        %dma_start3A_375 = tpu.memref_squeeze %dma_start3A_374 : memref<1x128xi32, #tpu.memory_space<vmem>> -> memref<128xi32, #tpu.memory_space<vmem>>
        %dma_start3A_376 = arith.constant 0 : i32
        %dma_start3A_377 = arith.constant 0 : i32
        %dma_start3A_378 = tpu.memref_slice %arg2[%dma_start3A_376, %dma_start3A_377] : memref<10240x64xf32, #tpu.memory_space<hbm>> -> memref<10240x64xf32, #tpu.memory_space<hbm>>
        tpu.enqueue_indirect_dma source(%dma_start3A_378 : memref<10240x64xf32, #tpu.memory_space<hbm>>) target(%arg17 : memref<128x64xf32, #tpu.memory_space<vmem>>) offsets(%dma_start3A_375 : memref<128xi32, #tpu.memory_space<vmem>>) semaphore(%arg25 : memref<!tpu.dma_semaphore, #tpu.memory_space<semaphore_mem>>)
      } else {
      }
    }
    %scan3A_103 = arith.constant 10 : i32
    %barrier3A_104 = arith.constant 0 : index
    tpu.barrier barrier_id(%barrier3A_104)
    %mul3A_105 = arith.constant 640 : i32
    %mul3A_106 = arith.muli %arg1, %mul3A_105 : i32
    %mul3A_107 = arith.constant 640 : i32
    %mul3A_108 = arith.muli %arg1, %mul3A_107 : i32
    "tpu.region"() ({
      %run_scoped3A = tpu.sem_alloc : memref<!tpu.dma_semaphore, #tpu.memory_space<semaphore_mem>>
      %dma_start3A_109 = arith.constant 0 : i32
      %dma_start3A_110 = tpu.memref_slice %arg6[%arg0, %mul3A_108, %dma_start3A_109] : memref<2x10240x64xf32, #tpu.memory_space<hbm>> -> memref<1x640x64xf32, #tpu.memory_space<hbm>>
      %dma_start3A_111 = tpu.memref_squeeze %dma_start3A_110 : memref<1x640x64xf32, #tpu.memory_space<hbm>> -> memref<640x64xf32, #tpu.memory_space<hbm>>
      %dma_start3A_112 = arith.constant 0 : i32
      %dma_start3A_113 = tpu.memref_slice %arg9[%mul3A_106, %dma_start3A_112] : memref<10240x64xf32, #tpu.memory_space<vmem_shared>> -> memref<640x64xf32, #tpu.memory_space<vmem_shared>>
      tpu.enqueue_dma source(%dma_start3A_113 : memref<640x64xf32, #tpu.memory_space<vmem_shared>>) target(%dma_start3A_111 : memref<640x64xf32, #tpu.memory_space<hbm>>) target_semaphore(%run_scoped3A : memref<!tpu.dma_semaphore, #tpu.memory_space<semaphore_mem>>)
      %dma_wait3A_114 = arith.constant 0 : i32
      %dma_wait3A_115 = tpu.memref_slice %arg6[%arg0, %mul3A_108, %dma_wait3A_114] : memref<2x10240x64xf32, #tpu.memory_space<hbm>> -> memref<1x640x64xf32, #tpu.memory_space<hbm>>
      %dma_wait3A_116 = tpu.memref_squeeze %dma_wait3A_115 : memref<1x640x64xf32, #tpu.memory_space<hbm>> -> memref<640x64xf32, #tpu.memory_space<hbm>>
      %dma_wait3A_117 = arith.constant 0 : i32
      %dma_wait3A_118 = tpu.memref_slice %arg9[%mul3A_106, %dma_wait3A_117] : memref<10240x64xf32, #tpu.memory_space<vmem_shared>> -> memref<640x64xf32, #tpu.memory_space<vmem_shared>>
      tpu.wait_dma2 semaphore(%run_scoped3A : memref<!tpu.dma_semaphore, #tpu.memory_space<semaphore_mem>>) src(%dma_wait3A_118 : memref<640x64xf32, #tpu.memory_space<vmem_shared>>) dst(%dma_wait3A_116 : memref<640x64xf32, #tpu.memory_space<hbm>>)
      tpu.yield
    }) : () -> ()
    return
  }
}

module attributes {stable_mosaic.version = 14 : i64} {
  func.func @body(%arg0: i32, %arg1: memref<2048x128xf32, #tpu.memory_space<vmem>>, %arg2: memref<128x16xf32, #tpu.memory_space<vmem>>, %arg3: memref<2x2048x8xf32, #tpu.memory_space<vmem>>, %arg4: memref<2048x16xf32, #tpu.memory_space<vmem>>, %arg5: memref<2048x1xf32, #tpu.memory_space<vmem>>) attributes {dimension_semantics = [#tpu.dimension_semantics<arbitrary>], iteration_bounds = array<i64: 5>, scalar_prefetch = 0 : i64, scratch_operands = 0 : i64, tpu.core_type = #tpu.core_type<tc>, window_params = [{transform_indices = @transform_0, window_bounds = array<i64: 2048, 128>}, {pipeline_mode = #tpu.pipeline_mode<synchronous>, transform_indices = @transform_1, window_bounds = array<i64: 128, 16>}, {transform_indices = @transform_2, window_bounds = array<i64: 2, 2048, 8>}, {transform_indices = @transform_3, window_bounds = array<i64: 2048, 16>}, {transform_indices = @transform_4, window_bounds = array<i64: 2048, 1>}]} {
    %get3A = arith.constant 0 : index
    %get3A_0 = arith.constant 0 : index
    %get3A_1 = arith.constant 0 : index
    %get3A_2 = vector.load %arg3[%get3A, %get3A_0, %get3A_1] : memref<2x2048x8xf32, #tpu.memory_space<vmem>>, vector<1x2048x8xf32>
    %get3A_3 = vector.shape_cast %get3A_2 : vector<1x2048x8xf32> to vector<2048x8xf32>
    %slice3A = vector.extract_strided_slice %get3A_3 {offsets = [0, 0], sizes = [2048, 1], strides = [1, 1]} : vector<2048x8xf32> to vector<2048x1xf32>
    %get3A_4 = arith.constant 1 : index
    %get3A_5 = arith.constant 0 : index
    %get3A_6 = arith.constant 0 : index
    %get3A_7 = vector.load %arg3[%get3A_4, %get3A_5, %get3A_6] : memref<2x2048x8xf32, #tpu.memory_space<vmem>>, vector<1x2048x8xf32>
    %get3A_8 = vector.shape_cast %get3A_7 : vector<1x2048x8xf32> to vector<2048x8xf32>
    %slice3A_9 = vector.extract_strided_slice %get3A_8 {offsets = [0, 0], sizes = [2048, 1], strides = [1, 1]} : vector<2048x8xf32> to vector<2048x1xf32>
    %add3A = arith.addf %slice3A, %slice3A_9 : vector<2048x1xf32>
    %add3A_10 = arith.constant 1.000000e+00 : f32
    %add3A_11 = vector.broadcast %add3A_10 : f32 to vector<2048x1xf32>
    %add3A_12 = arith.addf %add3A, %add3A_11 : vector<2048x1xf32>
    %max3A = arith.constant 1.000000e+00 : f32
    %max3A_13 = vector.broadcast %max3A : f32 to vector<2048x1xf32>
    %max3A_14 = arith.maximumf %add3A_12, %max3A_13 : vector<2048x1xf32>
    %rsqrt3A = math.rsqrt %max3A_14 : vector<2048x1xf32>
    %get3A_15 = arith.constant 0 : index
    %get3A_16 = arith.constant 0 : index
    %get3A_17 = vector.load %arg1[%get3A_15, %get3A_16] : memref<2048x128xf32, #tpu.memory_space<vmem>>, vector<2048x128xf32>
    %get3A_18 = arith.constant 0 : index
    %get3A_19 = arith.constant 0 : index
    %get3A_20 = vector.load %arg2[%get3A_18, %get3A_19] : memref<128x16xf32, #tpu.memory_space<vmem>>, vector<128x16xf32>
    %dot_general3A = arith.constant dense<0.000000e+00> : vector<2048x16xf32>
    %dot_general3A_21 = tpu.matmul %get3A_17, %get3A_20, %dot_general3A {dimension_numbers = #tpu.dot_dimension_numbers<[1], [0], [0], [1], [0, 0, 1, 1], [], []>, transpose_lhs_hint = false} : vector<2048x128xf32>, vector<128x16xf32>, vector<2048x16xf32> -> vector<2048x16xf32>
    %mul3A = vector.broadcast %rsqrt3A : vector<2048x1xf32> to vector<2048x16xf32>
    %mul3A_22 = arith.mulf %mul3A, %dot_general3A_21 : vector<2048x16xf32>
    %swap3A = arith.constant 0 : index
    %swap3A_23 = arith.constant 0 : index
    %swap3A_24 = vector.load %arg4[%swap3A, %swap3A_23] : memref<2048x16xf32, #tpu.memory_space<vmem>>, vector<2048x16xf32>
    tpu.vector_store %arg4[%swap3A, %swap3A_23], %mul3A_22 {strides = array<i32>} : memref<2048x16xf32, #tpu.memory_space<vmem>>, vector<2048x16xf32>,
    %swap3A_25 = arith.constant 0 : index
    %swap3A_26 = arith.constant 0 : index
    %swap3A_27 = vector.load %arg5[%swap3A_25, %swap3A_26] : memref<2048x1xf32, #tpu.memory_space<vmem>>, vector<2048x1xf32>
    tpu.vector_store %arg5[%swap3A_25, %swap3A_26], %rsqrt3A {strides = array<i32>} : memref<2048x1xf32, #tpu.memory_space<vmem>>, vector<2048x1xf32>,
    return
  }
  func.func @transform_0(%arg0: i32) -> (i32, i32) {
    %c0_i32 = arith.constant 0 : i32
    %c0_i32_0 = arith.constant 0 : i32
    return %arg0, %c0_i32 : i32, i32
  }
  func.func @transform_1(%arg0: i32) -> (i32, i32) {
    %c0_i32 = arith.constant 0 : i32
    %c0_i32_0 = arith.constant 0 : i32
    %c0_i32_1 = arith.constant 0 : i32
    return %c0_i32, %c0_i32_0 : i32, i32
  }
  func.func @transform_2(%arg0: i32) -> (i32, i32, i32) {
    %c0_i32 = arith.constant 0 : i32
    %c0_i32_0 = arith.constant 0 : i32
    %c0_i32_1 = arith.constant 0 : i32
    return %c0_i32, %arg0, %c0_i32_0 : i32, i32, i32
  }
  func.func @transform_3(%arg0: i32) -> (i32, i32) {
    %c0_i32 = arith.constant 0 : i32
    %c0_i32_0 = arith.constant 0 : i32
    return %arg0, %c0_i32 : i32, i32
  }
  func.func @transform_4(%arg0: i32) -> (i32, i32) {
    %c0_i32 = arith.constant 0 : i32
    %c0_i32_0 = arith.constant 0 : i32
    return %arg0, %c0_i32 : i32, i32
  }
}

module attributes {stable_mosaic.version = 14 : i64} {
  func.func @body(%arg0: i32, %arg1: memref<2x2048x16xf32, #tpu.memory_space<vmem>>, %arg2: memref<2048x16xf32, #tpu.memory_space<vmem>>, %arg3: memref<2048x1xf32, #tpu.memory_space<vmem>>, %arg4: memref<1x16xf32, #tpu.memory_space<vmem>>, %arg5: memref<16x64xf32, #tpu.memory_space<vmem>>, %arg6: memref<2048x64xf32, #tpu.memory_space<vmem>>) attributes {dimension_semantics = [#tpu.dimension_semantics<arbitrary>], iteration_bounds = array<i64: 5>, scalar_prefetch = 0 : i64, scratch_operands = 0 : i64, tpu.core_type = #tpu.core_type<tc>, window_params = [{transform_indices = @transform_0, window_bounds = array<i64: 2, 2048, 16>}, {transform_indices = @transform_1, window_bounds = array<i64: 2048, 16>}, {transform_indices = @transform_2, window_bounds = array<i64: 2048, 1>}, {pipeline_mode = #tpu.pipeline_mode<synchronous>, transform_indices = @transform_3, window_bounds = array<i64: 1, 16>}, {pipeline_mode = #tpu.pipeline_mode<synchronous>, transform_indices = @transform_4, window_bounds = array<i64: 16, 64>}, {transform_indices = @transform_5, window_bounds = array<i64: 2048, 64>}]} {
    %get3A = arith.constant 0 : index
    %get3A_0 = arith.constant 0 : index
    %get3A_1 = vector.load %arg3[%get3A, %get3A_0] : memref<2048x1xf32, #tpu.memory_space<vmem>>, vector<2048x1xf32>
    %get3A_2 = arith.constant 0 : index
    %get3A_3 = arith.constant 0 : index
    %get3A_4 = arith.constant 0 : index
    %get3A_5 = vector.load %arg1[%get3A_2, %get3A_3, %get3A_4] : memref<2x2048x16xf32, #tpu.memory_space<vmem>>, vector<1x2048x16xf32>
    %get3A_6 = vector.shape_cast %get3A_5 : vector<1x2048x16xf32> to vector<2048x16xf32>
    %get3A_7 = arith.constant 1 : index
    %get3A_8 = arith.constant 0 : index
    %get3A_9 = arith.constant 0 : index
    %get3A_10 = vector.load %arg1[%get3A_7, %get3A_8, %get3A_9] : memref<2x2048x16xf32, #tpu.memory_space<vmem>>, vector<1x2048x16xf32>
    %get3A_11 = vector.shape_cast %get3A_10 : vector<1x2048x16xf32> to vector<2048x16xf32>
    %add3A = arith.addf %get3A_6, %get3A_11 : vector<2048x16xf32>
    %get3A_12 = arith.constant 0 : index
    %get3A_13 = arith.constant 0 : index
    %get3A_14 = vector.load %arg2[%get3A_12, %get3A_13] : memref<2048x16xf32, #tpu.memory_space<vmem>>, vector<2048x16xf32>
    %add3A_15 = arith.addf %add3A, %get3A_14 : vector<2048x16xf32>
    %mul3A = vector.broadcast %get3A_1 : vector<2048x1xf32> to vector<2048x16xf32>
    %mul3A_16 = arith.mulf %mul3A, %add3A_15 : vector<2048x16xf32>
    %get3A_17 = arith.constant 0 : index
    %get3A_18 = arith.constant 0 : index
    %get3A_19 = vector.load %arg4[%get3A_17, %get3A_18] : memref<1x16xf32, #tpu.memory_space<vmem>>, vector<1x16xf32>
    %add3A_20 = vector.broadcast %get3A_19 : vector<1x16xf32> to vector<2048x16xf32>
    %add3A_21 = arith.addf %mul3A_16, %add3A_20 : vector<2048x16xf32>
    %max3A = arith.constant 0.000000e+00 : f32
    %max3A_22 = vector.broadcast %max3A : f32 to vector<2048x16xf32>
    %max3A_23 = arith.maximumf %add3A_21, %max3A_22 : vector<2048x16xf32>
    %get3A_24 = arith.constant 0 : index
    %get3A_25 = arith.constant 0 : index
    %get3A_26 = vector.load %arg3[%get3A_24, %get3A_25] : memref<2048x1xf32, #tpu.memory_space<vmem>>, vector<2048x1xf32>
    %get3A_27 = arith.constant 0 : index
    %get3A_28 = arith.constant 0 : index
    %get3A_29 = vector.load %arg5[%get3A_27, %get3A_28] : memref<16x64xf32, #tpu.memory_space<vmem>>, vector<16x64xf32>
    %dot_general3A = arith.constant dense<0.000000e+00> : vector<2048x64xf32>
    %dot_general3A_30 = tpu.matmul %max3A_23, %get3A_29, %dot_general3A {dimension_numbers = #tpu.dot_dimension_numbers<[1], [0], [0], [1], [0, 0, 1, 1], [], []>, transpose_lhs_hint = false} : vector<2048x16xf32>, vector<16x64xf32>, vector<2048x64xf32> -> vector<2048x64xf32>
    %mul3A_31 = vector.broadcast %get3A_26 : vector<2048x1xf32> to vector<2048x64xf32>
    %mul3A_32 = arith.mulf %mul3A_31, %dot_general3A_30 : vector<2048x64xf32>
    %swap3A = arith.constant 0 : index
    %swap3A_33 = arith.constant 0 : index
    %swap3A_34 = vector.load %arg6[%swap3A, %swap3A_33] : memref<2048x64xf32, #tpu.memory_space<vmem>>, vector<2048x64xf32>
    tpu.vector_store %arg6[%swap3A, %swap3A_33], %mul3A_32 {strides = array<i32>} : memref<2048x64xf32, #tpu.memory_space<vmem>>, vector<2048x64xf32>,
    return
  }
  func.func @transform_0(%arg0: i32) -> (i32, i32, i32) {
    %c0_i32 = arith.constant 0 : i32
    %c0_i32_0 = arith.constant 0 : i32
    %c0_i32_1 = arith.constant 0 : i32
    return %c0_i32, %arg0, %c0_i32_0 : i32, i32, i32
  }
  func.func @transform_1(%arg0: i32) -> (i32, i32) {
    %c0_i32 = arith.constant 0 : i32
    %c0_i32_0 = arith.constant 0 : i32
    return %arg0, %c0_i32 : i32, i32
  }
  func.func @transform_2(%arg0: i32) -> (i32, i32) {
    %c0_i32 = arith.constant 0 : i32
    %c0_i32_0 = arith.constant 0 : i32
    return %arg0, %c0_i32 : i32, i32
  }
  func.func @transform_3(%arg0: i32) -> (i32, i32) {
    %c0_i32 = arith.constant 0 : i32
    %c0_i32_0 = arith.constant 0 : i32
    %c0_i32_1 = arith.constant 0 : i32
    return %c0_i32, %c0_i32_0 : i32, i32
  }
  func.func @transform_4(%arg0: i32) -> (i32, i32) {
    %c0_i32 = arith.constant 0 : i32
    %c0_i32_0 = arith.constant 0 : i32
    %c0_i32_1 = arith.constant 0 : i32
    return %c0_i32, %c0_i32_0 : i32, i32
  }
  func.func @transform_5(%arg0: i32) -> (i32, i32) {
    %c0_i32 = arith.constant 0 : i32
    %c0_i32_0 = arith.constant 0 : i32
    return %arg0, %c0_i32 : i32, i32
  }
}

module attributes {stable_mosaic.version = 14 : i64} {
  func.func @body(%arg0: i32, %arg1: memref<2x2048x64xf32, #tpu.memory_space<vmem>>, %arg2: memref<2048x64xf32, #tpu.memory_space<vmem>>, %arg3: memref<2048x1xf32, #tpu.memory_space<vmem>>, %arg4: memref<1x64xf32, #tpu.memory_space<vmem>>, %arg5: memref<64x32xf32, #tpu.memory_space<vmem>>, %arg6: memref<2048x32xf32, #tpu.memory_space<vmem>>) attributes {dimension_semantics = [#tpu.dimension_semantics<arbitrary>], iteration_bounds = array<i64: 5>, scalar_prefetch = 0 : i64, scratch_operands = 0 : i64, tpu.core_type = #tpu.core_type<tc>, window_params = [{transform_indices = @transform_0, window_bounds = array<i64: 2, 2048, 64>}, {transform_indices = @transform_1, window_bounds = array<i64: 2048, 64>}, {transform_indices = @transform_2, window_bounds = array<i64: 2048, 1>}, {pipeline_mode = #tpu.pipeline_mode<synchronous>, transform_indices = @transform_3, window_bounds = array<i64: 1, 64>}, {pipeline_mode = #tpu.pipeline_mode<synchronous>, transform_indices = @transform_4, window_bounds = array<i64: 64, 32>}, {transform_indices = @transform_5, window_bounds = array<i64: 2048, 32>}]} {
    %get3A = arith.constant 0 : index
    %get3A_0 = arith.constant 0 : index
    %get3A_1 = vector.load %arg3[%get3A, %get3A_0] : memref<2048x1xf32, #tpu.memory_space<vmem>>, vector<2048x1xf32>
    %get3A_2 = arith.constant 0 : index
    %get3A_3 = arith.constant 0 : index
    %get3A_4 = arith.constant 0 : index
    %get3A_5 = vector.load %arg1[%get3A_2, %get3A_3, %get3A_4] : memref<2x2048x64xf32, #tpu.memory_space<vmem>>, vector<1x2048x64xf32>
    %get3A_6 = vector.shape_cast %get3A_5 : vector<1x2048x64xf32> to vector<2048x64xf32>
    %get3A_7 = arith.constant 1 : index
    %get3A_8 = arith.constant 0 : index
    %get3A_9 = arith.constant 0 : index
    %get3A_10 = vector.load %arg1[%get3A_7, %get3A_8, %get3A_9] : memref<2x2048x64xf32, #tpu.memory_space<vmem>>, vector<1x2048x64xf32>
    %get3A_11 = vector.shape_cast %get3A_10 : vector<1x2048x64xf32> to vector<2048x64xf32>
    %add3A = arith.addf %get3A_6, %get3A_11 : vector<2048x64xf32>
    %get3A_12 = arith.constant 0 : index
    %get3A_13 = arith.constant 0 : index
    %get3A_14 = vector.load %arg2[%get3A_12, %get3A_13] : memref<2048x64xf32, #tpu.memory_space<vmem>>, vector<2048x64xf32>
    %add3A_15 = arith.addf %add3A, %get3A_14 : vector<2048x64xf32>
    %mul3A = vector.broadcast %get3A_1 : vector<2048x1xf32> to vector<2048x64xf32>
    %mul3A_16 = arith.mulf %mul3A, %add3A_15 : vector<2048x64xf32>
    %get3A_17 = arith.constant 0 : index
    %get3A_18 = arith.constant 0 : index
    %get3A_19 = vector.load %arg4[%get3A_17, %get3A_18] : memref<1x64xf32, #tpu.memory_space<vmem>>, vector<1x64xf32>
    %add3A_20 = vector.broadcast %get3A_19 : vector<1x64xf32> to vector<2048x64xf32>
    %add3A_21 = arith.addf %mul3A_16, %add3A_20 : vector<2048x64xf32>
    %max3A = arith.constant 0.000000e+00 : f32
    %max3A_22 = vector.broadcast %max3A : f32 to vector<2048x64xf32>
    %max3A_23 = arith.maximumf %add3A_21, %max3A_22 : vector<2048x64xf32>
    %get3A_24 = arith.constant 0 : index
    %get3A_25 = arith.constant 0 : index
    %get3A_26 = vector.load %arg3[%get3A_24, %get3A_25] : memref<2048x1xf32, #tpu.memory_space<vmem>>, vector<2048x1xf32>
    %get3A_27 = arith.constant 0 : index
    %get3A_28 = arith.constant 0 : index
    %get3A_29 = vector.load %arg5[%get3A_27, %get3A_28] : memref<64x32xf32, #tpu.memory_space<vmem>>, vector<64x32xf32>
    %dot_general3A = arith.constant dense<0.000000e+00> : vector<2048x32xf32>
    %dot_general3A_30 = tpu.matmul %max3A_23, %get3A_29, %dot_general3A {dimension_numbers = #tpu.dot_dimension_numbers<[1], [0], [0], [1], [0, 0, 1, 1], [], []>, transpose_lhs_hint = false} : vector<2048x64xf32>, vector<64x32xf32>, vector<2048x32xf32> -> vector<2048x32xf32>
    %mul3A_31 = vector.broadcast %get3A_26 : vector<2048x1xf32> to vector<2048x32xf32>
    %mul3A_32 = arith.mulf %mul3A_31, %dot_general3A_30 : vector<2048x32xf32>
    %swap3A = arith.constant 0 : index
    %swap3A_33 = arith.constant 0 : index
    %swap3A_34 = vector.load %arg6[%swap3A, %swap3A_33] : memref<2048x32xf32, #tpu.memory_space<vmem>>, vector<2048x32xf32>
    tpu.vector_store %arg6[%swap3A, %swap3A_33], %mul3A_32 {strides = array<i32>} : memref<2048x32xf32, #tpu.memory_space<vmem>>, vector<2048x32xf32>,
    return
  }
  func.func @transform_0(%arg0: i32) -> (i32, i32, i32) {
    %c0_i32 = arith.constant 0 : i32
    %c0_i32_0 = arith.constant 0 : i32
    %c0_i32_1 = arith.constant 0 : i32
    return %c0_i32, %arg0, %c0_i32_0 : i32, i32, i32
  }
  func.func @transform_1(%arg0: i32) -> (i32, i32) {
    %c0_i32 = arith.constant 0 : i32
    %c0_i32_0 = arith.constant 0 : i32
    return %arg0, %c0_i32 : i32, i32
  }
  func.func @transform_2(%arg0: i32) -> (i32, i32) {
    %c0_i32 = arith.constant 0 : i32
    %c0_i32_0 = arith.constant 0 : i32
    return %arg0, %c0_i32 : i32, i32
  }
  func.func @transform_3(%arg0: i32) -> (i32, i32) {
    %c0_i32 = arith.constant 0 : i32
    %c0_i32_0 = arith.constant 0 : i32
    %c0_i32_1 = arith.constant 0 : i32
    return %c0_i32, %c0_i32_0 : i32, i32
  }
  func.func @transform_4(%arg0: i32) -> (i32, i32) {
    %c0_i32 = arith.constant 0 : i32
    %c0_i32_0 = arith.constant 0 : i32
    %c0_i32_1 = arith.constant 0 : i32
    return %c0_i32, %c0_i32_0 : i32, i32
  }
  func.func @transform_5(%arg0: i32) -> (i32, i32) {
    %c0_i32 = arith.constant 0 : i32
    %c0_i32_0 = arith.constant 0 : i32
    return %arg0, %c0_i32 : i32, i32
  }
}

module attributes {stable_mosaic.version = 14 : i64} {
  func.func @body(%arg0: i32, %arg1: memref<2x2048x32xf32, #tpu.memory_space<vmem>>, %arg2: memref<2048x32xf32, #tpu.memory_space<vmem>>, %arg3: memref<2048x1xf32, #tpu.memory_space<vmem>>, %arg4: memref<1x32xf32, #tpu.memory_space<vmem>>, %arg5: memref<1x2048xi32, #tpu.memory_space<vmem>>, %arg6: memref<32x64xf32, #tpu.memory_space<vmem>>, %arg7: memref<1x64xf32, #tpu.memory_space<vmem>>, %arg8: memref<64x32xf32, #tpu.memory_space<vmem>>, %arg9: memref<1x32xf32, #tpu.memory_space<vmem>>, %arg10: memref<64x32xf32, #tpu.memory_space<vmem>>, %arg11: memref<64x32xf32, #tpu.memory_space<vmem>>, %arg12: memref<64x1xf32, #tpu.memory_space<vmem>>) attributes {dimension_semantics = [#tpu.dimension_semantics<arbitrary>], iteration_bounds = array<i64: 5>, scalar_prefetch = 0 : i64, scratch_operands = 2 : i64, tpu.core_type = #tpu.core_type<tc>, window_params = [{transform_indices = @transform_0, window_bounds = array<i64: 2, 2048, 32>}, {transform_indices = @transform_1, window_bounds = array<i64: 2048, 32>}, {transform_indices = @transform_2, window_bounds = array<i64: 2048, 1>}, {pipeline_mode = #tpu.pipeline_mode<synchronous>, transform_indices = @transform_3, window_bounds = array<i64: 1, 32>}, {transform_indices = @transform_4, window_bounds = array<i64: 1, 2048>}, {pipeline_mode = #tpu.pipeline_mode<synchronous>, transform_indices = @transform_5, window_bounds = array<i64: 32, 64>}, {pipeline_mode = #tpu.pipeline_mode<synchronous>, transform_indices = @transform_6, window_bounds = array<i64: 1, 64>}, {pipeline_mode = #tpu.pipeline_mode<synchronous>, transform_indices = @transform_7, window_bounds = array<i64: 64, 32>}, {pipeline_mode = #tpu.pipeline_mode<synchronous>, transform_indices = @transform_8, window_bounds = array<i64: 1, 32>}, {pipeline_mode = #tpu.pipeline_mode<synchronous>, transform_indices = @transform_9, window_bounds = array<i64: 64, 32>}]} {
    %get3A = arith.constant 0 : index
    %get3A_0 = arith.constant 0 : index
    %get3A_1 = vector.load %arg3[%get3A, %get3A_0] : memref<2048x1xf32, #tpu.memory_space<vmem>>, vector<2048x1xf32>
    %get3A_2 = arith.constant 0 : index
    %get3A_3 = arith.constant 0 : index
    %get3A_4 = arith.constant 0 : index
    %get3A_5 = vector.load %arg1[%get3A_2, %get3A_3, %get3A_4] : memref<2x2048x32xf32, #tpu.memory_space<vmem>>, vector<1x2048x32xf32>
    %get3A_6 = vector.shape_cast %get3A_5 : vector<1x2048x32xf32> to vector<2048x32xf32>
    %get3A_7 = arith.constant 1 : index
    %get3A_8 = arith.constant 0 : index
    %get3A_9 = arith.constant 0 : index
    %get3A_10 = vector.load %arg1[%get3A_7, %get3A_8, %get3A_9] : memref<2x2048x32xf32, #tpu.memory_space<vmem>>, vector<1x2048x32xf32>
    %get3A_11 = vector.shape_cast %get3A_10 : vector<1x2048x32xf32> to vector<2048x32xf32>
    %add3A = arith.addf %get3A_6, %get3A_11 : vector<2048x32xf32>
    %get3A_12 = arith.constant 0 : index
    %get3A_13 = arith.constant 0 : index
    %get3A_14 = vector.load %arg2[%get3A_12, %get3A_13] : memref<2048x32xf32, #tpu.memory_space<vmem>>, vector<2048x32xf32>
    %add3A_15 = arith.addf %add3A, %get3A_14 : vector<2048x32xf32>
    %mul3A = vector.broadcast %get3A_1 : vector<2048x1xf32> to vector<2048x32xf32>
    %mul3A_16 = arith.mulf %mul3A, %add3A_15 : vector<2048x32xf32>
    %get3A_17 = arith.constant 0 : index
    %get3A_18 = arith.constant 0 : index
    %get3A_19 = vector.load %arg4[%get3A_17, %get3A_18] : memref<1x32xf32, #tpu.memory_space<vmem>>, vector<1x32xf32>
    %add3A_20 = vector.broadcast %get3A_19 : vector<1x32xf32> to vector<2048x32xf32>
    %add3A_21 = arith.addf %mul3A_16, %add3A_20 : vector<2048x32xf32>
    %iota3A = tpu.iota {dimensions = array<i32: 0>} : vector<64x2048xi32>
    %get3A_22 = arith.constant 0 : index
    %get3A_23 = arith.constant 0 : index
    %get3A_24 = vector.load %arg5[%get3A_22, %get3A_23] : memref<1x2048xi32, #tpu.memory_space<vmem>>, vector<1x2048xi32>
    %eq3A = vector.broadcast %get3A_24 : vector<1x2048xi32> to vector<64x2048xi32>
    %eq3A_25 = arith.cmpi eq, %iota3A, %eq3A : vector<64x2048xi32>
    %convert_element_type3A = arith.extui %eq3A_25 : vector<64x2048xi1> to vector<64x2048xi32>
    %convert_element_type3A_26 = arith.sitofp %convert_element_type3A : vector<64x2048xi32> to vector<64x2048xf32>
    %dot_general3A = arith.constant dense<0.000000e+00> : vector<64x32xf32>
    %dot_general3A_27 = tpu.matmul %convert_element_type3A_26, %add3A_21, %dot_general3A {dimension_numbers = #tpu.dot_dimension_numbers<[1], [0], [0], [1], [0, 0, 1, 1], [], []>, transpose_lhs_hint = false} : vector<64x2048xf32>, vector<2048x32xf32>, vector<64x32xf32> -> vector<64x32xf32>
    %reduce_sum3A = arith.constant dense<0.000000e+00> : vector<64xf32>
    %reduce_sum3A_28 = vector.multi_reduction <add>, %convert_element_type3A_26, %reduce_sum3A [1] : vector<64x2048xf32> to vector<64xf32>
    %broadcast_in_dim3A = vector.shape_cast %reduce_sum3A_28 : vector<64xf32> to vector<64x1xf32>
    %eq3A_29 = arith.constant 0 : i32
    %eq3A_30 = arith.cmpi eq, %arg0, %eq3A_29 : i32
    %convert_element_type3A_31 = arith.extui %eq3A_30 : i1 to i32
    %cond3A = arith.constant 0 : i32
    %cond3A_32 = arith.cmpi ne, %convert_element_type3A_31, %cond3A : i32
    scf.if %cond3A_32 {
      %swap3A = arith.constant 0 : index
      %swap3A_42 = arith.constant 0 : index
      %swap3A_43 = vector.load %arg11[%swap3A, %swap3A_42] : memref<64x32xf32, #tpu.memory_space<vmem>>, vector<64x32xf32>
      tpu.vector_store %arg11[%swap3A, %swap3A_42], %dot_general3A_27 {strides = array<i32>} : memref<64x32xf32, #tpu.memory_space<vmem>>, vector<64x32xf32>,
      %swap3A_44 = arith.constant 0 : index
      %swap3A_45 = arith.constant 0 : index
      %swap3A_46 = vector.load %arg12[%swap3A_44, %swap3A_45] : memref<64x1xf32, #tpu.memory_space<vmem>>, vector<64x1xf32>
      tpu.vector_store %arg12[%swap3A_44, %swap3A_45], %broadcast_in_dim3A {strides = array<i32>} : memref<64x1xf32, #tpu.memory_space<vmem>>, vector<64x1xf32>,
    } else {
    }
    %gt3A = arith.constant 0 : i32
    %gt3A_33 = arith.cmpi sgt, %arg0, %gt3A : i32
    %convert_element_type3A_34 = arith.extui %gt3A_33 : i1 to i32
    %cond3A_35 = arith.constant 0 : i32
    %cond3A_36 = arith.cmpi ne, %convert_element_type3A_34, %cond3A_35 : i32
    scf.if %cond3A_36 {
      %get3A_42 = arith.constant 0 : index
      %get3A_43 = arith.constant 0 : index
      %get3A_44 = vector.load %arg11[%get3A_42, %get3A_43] : memref<64x32xf32, #tpu.memory_space<vmem>>, vector<64x32xf32>
      %add3A_45 = arith.addf %get3A_44, %dot_general3A_27 : vector<64x32xf32>
      %swap3A = arith.constant 0 : index
      %swap3A_46 = arith.constant 0 : index
      %swap3A_47 = vector.load %arg11[%swap3A, %swap3A_46] : memref<64x32xf32, #tpu.memory_space<vmem>>, vector<64x32xf32>
      tpu.vector_store %arg11[%swap3A, %swap3A_46], %add3A_45 {strides = array<i32>} : memref<64x32xf32, #tpu.memory_space<vmem>>, vector<64x32xf32>,
      %get3A_48 = arith.constant 0 : index
      %get3A_49 = arith.constant 0 : index
      %get3A_50 = vector.load %arg12[%get3A_48, %get3A_49] : memref<64x1xf32, #tpu.memory_space<vmem>>, vector<64x1xf32>
      %add3A_51 = arith.addf %get3A_50, %broadcast_in_dim3A : vector<64x1xf32>
      %swap3A_52 = arith.constant 0 : index
      %swap3A_53 = arith.constant 0 : index
      %swap3A_54 = vector.load %arg12[%swap3A_52, %swap3A_53] : memref<64x1xf32, #tpu.memory_space<vmem>>, vector<64x1xf32>
      tpu.vector_store %arg12[%swap3A_52, %swap3A_53], %add3A_51 {strides = array<i32>} : memref<64x1xf32, #tpu.memory_space<vmem>>, vector<64x1xf32>,
    } else {
    }
    %eq3A_37 = arith.constant 4 : i32
    %eq3A_38 = arith.cmpi eq, %arg0, %eq3A_37 : i32
    %convert_element_type3A_39 = arith.extui %eq3A_38 : i1 to i32
    %cond3A_40 = arith.constant 0 : i32
    %cond3A_41 = arith.cmpi ne, %convert_element_type3A_39, %cond3A_40 : i32
    scf.if %cond3A_41 {
      %get3A_42 = arith.constant 0 : index
      %get3A_43 = arith.constant 0 : index
      %get3A_44 = vector.load %arg11[%get3A_42, %get3A_43] : memref<64x32xf32, #tpu.memory_space<vmem>>, vector<64x32xf32>
      %get3A_45 = arith.constant 0 : index
      %get3A_46 = arith.constant 0 : index
      %get3A_47 = vector.load %arg12[%get3A_45, %get3A_46] : memref<64x1xf32, #tpu.memory_space<vmem>>, vector<64x1xf32>
      %max3A = arith.constant 1.000000e+00 : f32
      %max3A_48 = vector.broadcast %max3A : f32 to vector<64x1xf32>
      %max3A_49 = arith.maximumf %get3A_47, %max3A_48 : vector<64x1xf32>
      %div3A = vector.broadcast %max3A_49 : vector<64x1xf32> to vector<64x32xf32>
      %div3A_50 = arith.divf %get3A_44, %div3A : vector<64x32xf32>
      %get3A_51 = arith.constant 0 : index
      %get3A_52 = arith.constant 0 : index
      %get3A_53 = vector.load %arg6[%get3A_51, %get3A_52] : memref<32x64xf32, #tpu.memory_space<vmem>>, vector<32x64xf32>
      %dot_general3A_54 = arith.constant dense<0.000000e+00> : vector<64x64xf32>
      %dot_general3A_55 = tpu.matmul %div3A_50, %get3A_53, %dot_general3A_54 {dimension_numbers = #tpu.dot_dimension_numbers<[1], [0], [0], [1], [0, 0, 1, 1], [], []>, transpose_lhs_hint = false} : vector<64x32xf32>, vector<32x64xf32>, vector<64x64xf32> -> vector<64x64xf32>
      %get3A_56 = arith.constant 0 : index
      %get3A_57 = arith.constant 0 : index
      %get3A_58 = vector.load %arg7[%get3A_56, %get3A_57] : memref<1x64xf32, #tpu.memory_space<vmem>>, vector<1x64xf32>
      %add3A_59 = vector.broadcast %get3A_58 : vector<1x64xf32> to vector<64x64xf32>
      %add3A_60 = arith.addf %dot_general3A_55, %add3A_59 : vector<64x64xf32>
      %max3A_61 = arith.constant 0.000000e+00 : f32
      %max3A_62 = vector.broadcast %max3A_61 : f32 to vector<64x64xf32>
      %max3A_63 = arith.maximumf %add3A_60, %max3A_62 : vector<64x64xf32>
      %get3A_64 = arith.constant 0 : index
      %get3A_65 = arith.constant 0 : index
      %get3A_66 = vector.load %arg8[%get3A_64, %get3A_65] : memref<64x32xf32, #tpu.memory_space<vmem>>, vector<64x32xf32>
      %dot_general3A_67 = arith.constant dense<0.000000e+00> : vector<64x32xf32>
      %dot_general3A_68 = tpu.matmul %max3A_63, %get3A_66, %dot_general3A_67 {dimension_numbers = #tpu.dot_dimension_numbers<[1], [0], [0], [1], [0, 0, 1, 1], [], []>, transpose_lhs_hint = false} : vector<64x64xf32>, vector<64x32xf32>, vector<64x32xf32> -> vector<64x32xf32>
      %get3A_69 = arith.constant 0 : index
      %get3A_70 = arith.constant 0 : index
      %get3A_71 = vector.load %arg9[%get3A_69, %get3A_70] : memref<1x32xf32, #tpu.memory_space<vmem>>, vector<1x32xf32>
      %add3A_72 = vector.broadcast %get3A_71 : vector<1x32xf32> to vector<64x32xf32>
      %add3A_73 = arith.addf %dot_general3A_68, %add3A_72 : vector<64x32xf32>
      %tanh3A = math.tanh %add3A_73 : vector<64x32xf32>
      %swap3A = arith.constant 0 : index
      %swap3A_74 = arith.constant 0 : index
      %swap3A_75 = vector.load %arg10[%swap3A, %swap3A_74] : memref<64x32xf32, #tpu.memory_space<vmem>>, vector<64x32xf32>
      tpu.vector_store %arg10[%swap3A, %swap3A_74], %tanh3A {strides = array<i32>} : memref<64x32xf32, #tpu.memory_space<vmem>>, vector<64x32xf32>,
    } else {
    }
    return
  }
  func.func @transform_0(%arg0: i32) -> (i32, i32, i32) {
    %c0_i32 = arith.constant 0 : i32
    %c0_i32_0 = arith.constant 0 : i32
    %c0_i32_1 = arith.constant 0 : i32
    return %c0_i32, %arg0, %c0_i32_0 : i32, i32, i32
  }
  func.func @transform_1(%arg0: i32) -> (i32, i32) {
    %c0_i32 = arith.constant 0 : i32
    %c0_i32_0 = arith.constant 0 : i32
    return %arg0, %c0_i32 : i32, i32
  }
  func.func @transform_2(%arg0: i32) -> (i32, i32) {
    %c0_i32 = arith.constant 0 : i32
    %c0_i32_0 = arith.constant 0 : i32
    return %arg0, %c0_i32 : i32, i32
  }
  func.func @transform_3(%arg0: i32) -> (i32, i32) {
    %c0_i32 = arith.constant 0 : i32
    %c0_i32_0 = arith.constant 0 : i32
    %c0_i32_1 = arith.constant 0 : i32
    return %c0_i32, %c0_i32_0 : i32, i32
  }
  func.func @transform_4(%arg0: i32) -> (i32, i32) {
    %c0_i32 = arith.constant 0 : i32
    %c0_i32_0 = arith.constant 0 : i32
    return %c0_i32, %arg0 : i32, i32
  }
  func.func @transform_5(%arg0: i32) -> (i32, i32) {
    %c0_i32 = arith.constant 0 : i32
    %c0_i32_0 = arith.constant 0 : i32
    %c0_i32_1 = arith.constant 0 : i32
    return %c0_i32, %c0_i32_0 : i32, i32
  }
  func.func @transform_6(%arg0: i32) -> (i32, i32) {
    %c0_i32 = arith.constant 0 : i32
    %c0_i32_0 = arith.constant 0 : i32
    %c0_i32_1 = arith.constant 0 : i32
    return %c0_i32, %c0_i32_0 : i32, i32
  }
  func.func @transform_7(%arg0: i32) -> (i32, i32) {
    %c0_i32 = arith.constant 0 : i32
    %c0_i32_0 = arith.constant 0 : i32
    %c0_i32_1 = arith.constant 0 : i32
    return %c0_i32, %c0_i32_0 : i32, i32
  }
  func.func @transform_8(%arg0: i32) -> (i32, i32) {
    %c0_i32 = arith.constant 0 : i32
    %c0_i32_0 = arith.constant 0 : i32
    %c0_i32_1 = arith.constant 0 : i32
    return %c0_i32, %c0_i32_0 : i32, i32
  }
  func.func @transform_9(%arg0: i32) -> (i32, i32) {
    %c0_i32 = arith.constant 0 : i32
    %c0_i32_0 = arith.constant 0 : i32
    %c0_i32_1 = arith.constant 0 : i32
    return %c0_i32, %c0_i32_0 : i32, i32
  }
}

</mosaic_0001>

<sc_bundles>
// kernel: kernel.10.cloned.1.call-start
scs
__scs_entry_jumppad:
0x0: {  	(pc) =	sbr.rel $0x88, $3  }
0x1: {  	(tag) =	ssettag $0x0;
	lr =	simm.s32 $0x1  }
0x2: {  	[smem:$0x3F94] =	sst lr;
	_ =	strace $0xD0000000  }
0x3: {  	_ = 	snop  }
0x4: {  	_ = 	snop  }
0x5: {  	_ = 	snop  }
0x6: {  	_ = 	snop  }
0x7: {  	_ = 	snop  }
__scs_overlays_trampoline_lowered:
0x8: {  	[smem:$0x3FA3] =	sst s0  }
0x9: {  	[smem:$0x3FA4] =	sst s1  }
0xa: {  	[smem:$0x3FA5] =	sst s2  }
0xb: {  	[smem:$0x3FA6] =	sst s3  }
0xc: {  	[smem:$0x3FA7] =	sst s4  }
0xd: {  	[smem:$0x3FA8] =	sst s5  }
0xe: {  	[smem:$0x3FA9] =	sst s6  }
0xf: {  	[smem:$0x3FAA] =	sst s7  }
0x10: {  	[smem:$0x3FAB] =	sst s8  }
0x11: {  	[smem:$0x3FAC] =	sst s9;
	s0 =	simm.s32 @!p0 $0x0  }
0x12: {  	s1 =	sld [smem:$0x3F92];
	s0 =	simm.s32 @p0 $0x1  }
0x13: {  	[smem:$0x3FAD] =	sst s0;
	s0 =	simm.s32 @!p1 $0x0  }
0x14: {  	s2 =	sld [smem:$0x3F91];
	s0 =	simm.s32 @p1 $0x1  }
0x15: {  	[smem:$0x3FAE] =	sst s0;
	s0 =	simm.s32 @!p2 $0x0  }
0x16: {  	s3 =	sld [smem:$0x3FDB];
	s0 =	simm.s32 @p2 $0x1  }
0x17: {  	s4 =	simm.s32 $0x1BF5;
	[smem:$0x3FB0] =	sst s0  }
0x18: {  	s0 =	sld [smem:$0x3F93];
	_ =	swait.ge [sflag:s4], $0x0  }
0x19: {  	s7 =	sld [smem:$0x3F94]  }
0x1a: {  	s8 =	sadd.s32 $0xFFFFE003, lr  }
0x1b: {  	s9 =	sadd.s32 $0xFFFFFEF7, lr;
	s5 =	simm.s32 $0xFFFFFFFF;
	p2 =	slt.u32 s8, $0xFFFFF086  }
0x1c: {  	p1 =	slt.u32 s9, $0xF7A;
	s5 =	simm.s32 @!p2 $0x0  }
0x1d: {  	s5 =	simm.s32 @p1 $0x1;
	p0 =	seq.s32 s7, s2  }
0x1e: {  	s7 =	smul.u32 @!p0 $0xF7A, s2;
	p2 =	seq.s32 @!p0 s5, $0x0  }
0x1f: {  	s9 =	smul.u32 $0xF7A, s1;
	s8 =	simm.s32 @!p0 $0x1BF5;
	p2 =	por !p2, p0  }
0x20: {  	[sflag:s8] =	ssyncset.s32 @!p0 $0xFFFFF086;
	s6 =	sadd.s32 @!p0 s3, s7;
	s7 =	simm.s32 @!p0 $0x108  }
0x21: {  	s3 =	sadd.s32 s3, s9;
	s6 =	sadd.s32 @!p0 $0x88, s6;
	s7 =	simm.s32 @p2 $0x1082  }
0x22: {  	[simem:s7], [sflag:s8] =	dma.local @!p0 [hbm:s6], $0xF7A  }
0x23: {  	s9 =	sor.u32 $0xD0000000, s2;
	s6 =	simm.s32 $0x108;
	_ =	swait.ge @!p0 [sflag:s8], $0x0  }
0x24: {  	s3 =	sadd.s32 $0x88, s3;
	s6 =	simm.s32 @!p1 $0x1082;
	[sflag:s4] =	ssyncset.s32 $0xFFFFF086  }
0x25: {  	[simem:s6], [sflag:s4] =	dma.local [hbm:s3], $0xF7A  }
0x26: {  	[smem:$0x3F94] =	sst s1;
	(tag) =	ssettag s2;
	_ =	strace s9  }
0x27: {  	s1 =	sld [smem:$0x3FA4]  }
0x28: {  	s2 =	sld [smem:$0x3FA5]  }
0x29: {  	s4 =	sld [smem:$0x3FA7]  }
0x2a: {  	p0 =	seq.s32 s5, $0x0;
	s5 =	sld [smem:$0x3FA8]  }
0x2b: {  	s6 =	sld [smem:$0x3FA9]  }
0x2c: {  	s7 =	sld [smem:$0x3FAA]  }
0x2d: {  	s3 =	simm.s32 $0x108;
	s8 =	sld [smem:$0x3FAB]  }
0x2e: {  	s3 =	simm.s32 @!p0 $0x1082;
	s9 =	sld [smem:$0x3FAC]  }
0x2f: {  	lr =	sadd.s32 s0, s3;
	s0 =	sld [smem:$0x3FA3]  }
0x30: {  	s3 =	sld [smem:$0x3FA6]  }
0x31: {  	[smem:$0x3FAF] =	sst s10  }
0x32: {  	s10 =	sld [smem:$0x3FAD];
	_ =	sdelay $0x3  }
0x33: {  	p0 =	seq.s32 s10, $0x1;
	s10 =	sld [smem:$0x3FAF];
	_ =	sdelay $0x3  }
0x34: {  	[smem:$0x3FAF] =	sst s10  }
0x35: {  	s10 =	sld [smem:$0x3FAE];
	_ =	sdelay $0x3  }
0x36: {  	p1 =	seq.s32 s10, $0x1;
	s10 =	sld [smem:$0x3FAF];
	_ =	sdelay $0x3  }
0x37: {  	[smem:$0x3FAF] =	sst s10  }
0x38: {  	s10 =	sld [smem:$0x3FB0]  }
0x39: {  	_ = 	snop;
	(pc) =	sbr.ind lr, $3  }
0x3a: {  	_ = 	snop  }
0x3b: {  	_ = 	snop  }
0x3c: {  	p2 =	seq.s32 s10, $0x1;
	s10 =	sld [smem:$0x3FAF]  }
0x3d: {  	_ =	shalt  }
0x3e: {  	_ =	shalt  }
0x3f: {  	_ =	shalt  }
0x40: {  	_ =	shalt  }
0x41: {  	_ =	shalt  }
0x42: {  	_ =	shalt  }
0x43: {  	_ =	shalt  }
0x44: {  	_ =	shalt  }
0x45: {  	_ =	shalt  }
0x46: {  	_ =	shalt  }
0x47: {  	_ =	shalt  }
0x48: {  	_ =	shalt  }
0x49: {  	_ =	shalt  }
0x4a: {  	_ =	shalt  }
0x4b: {  	_ =	shalt  }
0x4c: {  	_ =	shalt  }
0x4d: {  	_ =	shalt  }
0x4e: {  	_ =	shalt  }
0x4f: {  	_ =	shalt  }
0x50: {  	_ =	shalt  }
0x51: {  	_ =	shalt  }
0x52: {  	_ =	shalt  }
0x53: {  	_ =	shalt  }
0x54: {  	_ =	shalt  }
0x55: {  	_ =	shalt  }
0x56: {  	_ =	shalt  }
0x57: {  	_ =	shalt  }
0x58: {  	_ =	shalt  }
0x59: {  	_ =	shalt  }
0x5a: {  	_ =	shalt  }
0x5b: {  	_ =	shalt  }
0x5c: {  	_ =	shalt  }
0x5d: {  	_ =	shalt  }
0x5e: {  	_ =	shalt  }
0x5f: {  	_ =	shalt  }
0x60: {  	_ =	shalt  }
0x61: {  	_ =	shalt  }
0x62: {  	_ =	shalt  }
0x63: {  	_ =	shalt  }
0x64: {  	_ =	shalt  }
0x65: {  	_ =	shalt  }
0x66: {  	_ =	shalt  }
0x67: {  	_ =	shalt  }
0x68: {  	_ =	shalt  }
0x69: {  	_ =	shalt  }
0x6a: {  	_ =	shalt  }
0x6b: {  	_ =	shalt  }
0x6c: {  	_ =	shalt  }
0x6d: {  	_ =	shalt  }
0x6e: {  	_ =	shalt  }
0x6f: {  	_ =	shalt  }
0x70: {  	_ =	shalt  }
0x71: {  	_ =	shalt  }
0x72: {  	_ =	shalt  }
0x73: {  	_ =	shalt  }
0x74: {  	_ =	shalt  }
0x75: {  	_ =	shalt  }
0x76: {  	_ =	shalt  }
0x77: {  	_ =	shalt  }
0x78: {  	_ =	shalt  }
0x79: {  	_ =	shalt  }
0x7a: {  	_ =	shalt  }
0x7b: {  	_ =	shalt  }
0x7c: {  	_ =	shalt  }
0x7d: {  	_ =	shalt  }
0x7e: {  	_ =	shalt  }
0x7f: {  	_ =	shalt  }
0x80: {  	_ =	shalt  }
0x81: {  	_ =	shalt  }
0x82: {  	_ =	shalt  }
0x83: {  	_ =	shalt  }
0x84: {  	_ =	shalt  }
0x85: {  	_ =	shalt  }
0x86: {  	_ =	shalt  }
0x87: {  	_ =	shalt  }
.Lfunc_end0:
.L_simem_size_0:
called_computation_lowered:
.L_overlay_start_0:
0x88: {  	s2 =	sld [smem:$0x3FD9]  }
0x89: {  	s3 =	sld [smem:$0x3FFE];
	_ =	sdelay $0x1  }
0x8a: {  	s1 =	srdreg.scid  }
0x8b: {  	s0 =	sand.u32 $0x1, s1  }
0x8c: {  	s17 =	sshll.u32 s0, $0xA;
	s2 =	sadd.s32 s3, s2  }
0x8d: {  	s2 =	sadd.s32 s2, s17  }
0x8e: {  	[smem:$0x3FBB] =	sst s2  }
0x8f: {  	_ = 	snop  }
0x90: {  	s2 =	sld [smem:$0x3FD0];
	(tm) =	ssettm $0x1  }
0x91: {  	s18 =	sld [smem:$0x3FFB];
	_ =	sdelay $0x3  }
0x92: {  	_ =	strace s18  }
0x93: {  	s3 =	sld [smem:$0x3FFC];
	_ =	sdelay $0x3  }
0x94: {  	_ =	strace s3  }
0x95: {  	s3 =	sld [smem:$0x3FFD];
	_ =	sdelay $0x3  }
0x96: {  	_ =	strace s3  }
0x97: {  	_ =	strace $0x8FFFFFFF  }
0x98: {  	s19 =	sld [smem:$0x3FDB];
	_ =	sdelay $0x1  }
0x99: {  	s4 =	simm.s32 $_scs_section_size  }
0x9a: {  	s5 =	simm.s32 $_size__tile_overlayer_lowered;
	s6 =	simm.s32 $_tile_overlayer_lowered  }
0x9b: {  	s22 =	simm.s32 $0x1BFF;
	s21 =	sshll.u32 s6, $0x1;
	s3 =	sadd.s32 s4, s19  }
0x9c: {  	s7 =	simm.s32 $0x0;
	s20 =	sshll.u32 s5, $0x1;
	s5 =	sadd.s32 s21, s3  }
0x9d: {  	[timem:s7], [sflag:s22] =	dma.local [hbm:s5], s20  }
0x9e: {  	_ =	swait.ge [sflag:s22], s20  }
0x9f: {  	s4 =	ssub.s32 $0x0, s20;
	[sflag:s22] =	ssyncset.done $0x0  }
0xa0: {  	[sflag:s22] =	ssyncadd.s32 s4;
	_ =	sdelay $0x1  }
0xa1: {  	s23 =	simm.s32 $0x1B8B  }
0xa2: {  	_ =	swait.ge [sflag:s23], $0x1  }
0xa3: {  	[sflag:s23] =	ssyncset.done $0x0  }
0xa4: {  	s25 =	simm.s32 $0x1B8E;
	s24 =	sld [smem:$0x3FFE];
	[sflag:s23] =	ssyncadd.s32 $0xFFFFFFFF  }
0xa5: {  	s26 =	simm.s32 $execute0_lowered;
	[smem:$0x3FD2] =	sst s25  }
0xa6: {  	s5 =	sshll.u32 s26, $0x1;
	_ =	strace $0x80000046;
	[dreg:$0x1] =	wrdreg $0xFFFFFFFF  }
0xa7: {  	s28 =	simm.s32 $_size_execute0_lowered;
	s3 =	sadd.s32 s3, s5;
	[dreg:$0x0] =	wrdreg $0x0  }
0xa8: {  	s5 =	sshll.u32 s28, $0x1;
	[dreg:$0x2] =	wrdreg s3  }
0xa9: {  	[dreg:$0x3] =	wrdreg s5  }
0xaa: {  	[dreg:$0x4] =	wrdreg $0xC0  }
0xab: {  	_ =	task [dreg:s7], $0x5FFFF  }
0xac: {  	[dreg:$0x1] =	wrdreg $0xFFFFFFFF  }
0xad: {  	[dreg:$0x0] =	wrdreg $0x60  }
0xae: {  	[dreg:$0x2] =	wrdreg s24  }
0xaf: {  	[dreg:$0x3] =	wrdreg s2  }
0xb0: {  	[dreg:$0x4] =	wrdreg $0x2C000  }
0xb1: {  	[dreg:$0x5] =	wrdreg $0x9  }
0xb2: {  	_ =	task.clear_ibuf [dreg:s7], $0x6FFFF;
	_ =	strace $0x90000046  }
0xb3: {  	s29 =	simm.s32 $0x9;
	_ =	strace $0x80000048  }
0xb4: {  	_ =	swait.ge [sflag:s29], $0x1  }
0xb5: {  	[sflag:s29] =	ssyncadd.s32 $0xFFFFFFFF  }
0xb6: {  	_ =	strace $0x90000048  }
0xb7: {  	_ =	sfence  }
0xb8: {  	s30 =	sld [smem:$0x0];
	_ =	sdelay $0x2  }
0xb9: {  	s31 =	sshll.u32 s1, $0xD;
	s1 =	sshrl.u32 s1, $0x2  }
0xba: {  	s3 =	sand.u32 $0x4000, s31;
	s1 =	sadd.s32 s1, s30  }
0xbb: {  	s0 =	sor.u32 s3, s0;
	s1 =	sshll.u32 s1, $0x11  }
0xbc: {  	s0 =	sor.u32 s1, s0  }
0xbd: {  	s0 =	sadd.s32 $0x8F2B, s0  }
0xbe: {  	[sflag:s0] =	ssyncadd.remote.s32 $0x1  }
0xbf: {  	_ =	sfence.sel $0xFFFF  }
0xc0: {  	[dreg:$0x0] =	wrdreg $0xFFFFFFFF;
	(pc) =	sbr.abs _section_cstart, $3  }
0xc1: {  	[dreg:$0x1] =	wrdreg $0xFFFFFFFF  }
0xc2: {  	_ =	task.clear_ibuf [dreg:s7], $0x2FFFF;
	_ =	strace $0x9FFFFFFF  }
0xc3: {  	(tm) =	ssettm $0x7FFFFFFF  }
tec
execute0_lowered:
.L_overlay_start_1:
0x0: {  	(tag) =	ssettag $0x1  }
0x1: {  	s6 =	rddreg [dreg:$0x0]  }
0x2: {  	s2 =	rddreg [dreg:$0x1]  }
0x3: {  	s0 =	srdreg.scid;
	s3 =	rddreg [dreg:$0x2]  }
0x4: {  	s4 =	simm.s32 $0x0;
	s13 =	simm.s32 $0x1;
	s14 =	simm.s32 $0x80  }
0x5: {  	s15 =	simm.s32 $0x0;
	s5 =	sand.u32 $0x1, s0;
	s0 =	stileid.u32  }
0x6: {  	[smem:$0x7FF] =	sst s4;
	s1 =	sshll.u32 s5, $0x4;
	s8 =	smul.u32 $0x1400, s0  }
0x7: {  	s9 =	smul.u32 $0x14000, s5;
	s5 =	ssub.s32 $0x2, s5;
	s1 =	sor.u32 s0, s1  }
0x8: {  	s31 =	sshll.u32 s0, $0x6;
	s11 =	sshrl.u32 s5, $0x1;
	s7 =	smul.u32 $0x500, s1  }
0x9: {  	s1 =	rddreg [dreg:$0x3];
	_ =	strace $0x80000047;
	s10 =	sshrl.u32 s8, $0x3  }
0xa: {  	s9 =	sadd.s32 s8, s9;
	s11 =	ssub.s32 s5, s11;
	s12 =	sadd.s32 s8, s3  }
0xb: {  	s10 =	sadd.s32 s10, s6;
	s9 =	sshrl.u32 s9, $0x3;
	s8 =	smax.u32 s11, $0x1  }
0xc: {  	s11 =	sor.u32 $0x1C02, s31;
	s12 =	sshrl.u32 s12, $0x3;
	s7 =	sadd.s32 s7, s6  }
0xd: {  	s9 =	sadd.s32 s9, s6;
	s6 =	sadd.s32 $0x16400, s10;
	s10 =	simm.s32 $0x2  }
0xe: {  	s5 =	sadd.s32 $0x2400, s7;
	s7 =	sadd.s32 $0x18C00, s9;
	s9 =	simm.s32 $0x2800  }
.LBB2_1:
0xf: {  	[tilespmem:s4], [sflag:$0x1] =	stream.linear.gather [hbm4b:s5+s4], $0x2800, $0x38;
	[tilespmem:$0x4000] =	vst v63  }
0x10: {  	_ = 	snop  }
0x11: {  	[tilespmem:s9], [sflag:$0x2] =	stream.linear.gather [hbm4b:s2+s4], $0x400, $0x38;
	[tilespmem:$0x4000] =	vst v63  }
0x12: {  	_ =	swait.ge [sflag:s10], $0x400  }
0x13: {  	[sflag:s10] =	ssyncset.done $0x0  }
0x14: {  	[sflag:s10] =	ssyncadd.s32 $0xFFFFFC00  }
0x15: {  	[spmem:s12], [sflag:s11] =	dma.local [hbm:s6], $0x280  }
0x16: {  	_ =	swait.ge [sflag:s10], $0x280  }
0x17: {  	[sflag:s10] =	ssyncset.done $0x0  }
0x18: {  	[sflag:s10] =	ssyncadd.s32 $0xFFFFFD80  }
0x19: {  	_ =	swait.ge [sflag:s13], $0x2800  }
0x1a: {  	[sflag:s13] =	ssyncset.done $0x0  }
0x1b: {  	[sflag:s13] =	ssyncadd.s32 $0xFFFFD800  }
0x1c: {  	s16 =	simm.s32 $0x0;
	[bflag:$0x0] =	sbarrier.arrive $0xFFFF  }
0x1d: {  	[spmem:s3] =	stream.indirect.scatter.add.f32 [tilespmem:s9], [sflag:$0x1], $0x8, s16, s14, $0xb8;
	[tilespmem:$0x4000] =	vst v63  }
0x1e: {  	s24 =	simm.s32 $0x80  }
0x1f: {  	[spmem:s3] =	stream.indirect.scatter.add.f32 [tilespmem:s9], [sflag:$0x1], $0x8, s24, s14, $0xb8;
	[tilespmem:$0x4000] =	vst v63  }
0x20: {  	s25 =	simm.s32 $0x100  }
0x21: {  	[spmem:s3] =	stream.indirect.scatter.add.f32 [tilespmem:s9], [sflag:$0x1], $0x8, s25, s14, $0xb8;
	[tilespmem:$0x4000] =	vst v63  }
0x22: {  	s26 =	simm.s32 $0x180  }
0x23: {  	[spmem:s3] =	stream.indirect.scatter.add.f32 [tilespmem:s9], [sflag:$0x1], $0x8, s26, s14, $0xb8;
	[tilespmem:$0x4000] =	vst v63  }
0x24: {  	s28 =	simm.s32 $0x200  }
0x25: {  	[spmem:s3] =	stream.indirect.scatter.add.f32 [tilespmem:s9], [sflag:$0x1], $0x8, s28, s14, $0xb8;
	[tilespmem:$0x4000] =	vst v63  }
0x26: {  	s29 =	simm.s32 $0x280  }
0x27: {  	[spmem:s3] =	stream.indirect.scatter.add.f32 [tilespmem:s9], [sflag:$0x1], $0x8, s29, s14, $0xb8;
	[tilespmem:$0x4000] =	vst v63  }
0x28: {  	s30 =	simm.s32 $0x300  }
0x29: {  	[spmem:s3] =	stream.indirect.scatter.add.f32 [tilespmem:s9], [sflag:$0x1], $0x8, s30, s14, $0xb8;
	[tilespmem:$0x4000] =	vst v63  }
0x2a: {  	s31 =	simm.s32 $0x380  }
0x2b: {  	[spmem:s3] =	stream.indirect.scatter.add.f32 [tilespmem:s9], [sflag:$0x1], $0x8, s31, s14, $0xb8;
	[tilespmem:$0x4000] =	vst v63  }
0x2c: {  	_ =	swait.ge [sflag:s13], $0x400  }
0x2d: {  	[sflag:s13] =	ssyncset.done $0x0  }
0x2e: {  	[sflag:s13] =	ssyncadd.s32 $0xFFFFFC00  }
0x2f: {  	_ =	swait.ge [sflag:s13], $0x400  }
0x30: {  	[sflag:s13] =	ssyncset.done $0x0  }
0x31: {  	[sflag:s13] =	ssyncadd.s32 $0xFFFFFC00  }
0x32: {  	_ =	swait.ge [sflag:s13], $0x400  }
0x33: {  	[sflag:s13] =	ssyncset.done $0x0  }
0x34: {  	[sflag:s13] =	ssyncadd.s32 $0xFFFFFC00  }
0x35: {  	_ =	swait.ge [sflag:s13], $0x400  }
0x36: {  	[sflag:s13] =	ssyncset.done $0x0  }
0x37: {  	[sflag:s13] =	ssyncadd.s32 $0xFFFFFC00  }
0x38: {  	_ =	swait.ge [sflag:s13], $0x400  }
0x39: {  	[sflag:s13] =	ssyncset.done $0x0  }
0x3a: {  	[sflag:s13] =	ssyncadd.s32 $0xFFFFFC00  }
0x3b: {  	_ =	swait.ge [sflag:s13], $0x400  }
0x3c: {  	[sflag:s13] =	ssyncset.done $0x0  }
0x3d: {  	[sflag:s13] =	ssyncadd.s32 $0xFFFFFC00  }
0x3e: {  	_ =	swait.ge [sflag:s13], $0x400  }
0x3f: {  	[sflag:s13] =	ssyncset.done $0x0  }
0x40: {  	[sflag:s13] =	ssyncadd.s32 $0xFFFFFC00  }
0x41: {  	_ =	swait.ge [sflag:s13], $0x400  }
0x42: {  	s18 =	simm.s32 $0x2000;
	s16 =	simm.s32 $0x1000;
	[sflag:s13] =	ssyncset.done $0x0  }
.LBB2_2:
0x43: {  	s19 =	sshra.s32 s16, $0x2  }
0x44: {  	[sflag:s13] =	ssyncadd.s32 $0xFFFFFC00;
	s16 =	smov.u32 s18;
	s17 =	sadd.s32 $0x1000, s18  }
0x45: {  	[spmem:s3] =	stream.indirect.scatter.add.f32 [tilespmem:s9], [sflag:$0x1], $0x8, s19, s14, $0xb8;
	[tilespmem:$0x4000] =	vst v63  }
0x46: {  	p0 =	sne.s32 s18, $0x9000;
	s18 =	sadd.s32 $0x80, s19  }
0x47: {  	[spmem:s3] =	stream.indirect.scatter.add.f32 [tilespmem:s9], [sflag:$0x1], $0x8, s18, s14, $0xb8;
	[tilespmem:$0x4000] =	vst v63  }
0x48: {  	s18 =	sadd.s32 $0x100, s19  }
0x49: {  	[spmem:s3] =	stream.indirect.scatter.add.f32 [tilespmem:s9], [sflag:$0x1], $0x8, s18, s14, $0xb8;
	[tilespmem:$0x4000] =	vst v63  }
0x4a: {  	s18 =	sadd.s32 $0x180, s19  }
0x4b: {  	[spmem:s3] =	stream.indirect.scatter.add.f32 [tilespmem:s9], [sflag:$0x1], $0x8, s18, s14, $0xb8;
	[tilespmem:$0x4000] =	vst v63  }
0x4c: {  	s18 =	sadd.s32 $0x200, s19  }
0x4d: {  	[spmem:s3] =	stream.indirect.scatter.add.f32 [tilespmem:s9], [sflag:$0x1], $0x8, s18, s14, $0xb8;
	[tilespmem:$0x4000] =	vst v63  }
0x4e: {  	s18 =	sadd.s32 $0x280, s19  }
0x4f: {  	[spmem:s3] =	stream.indirect.scatter.add.f32 [tilespmem:s9], [sflag:$0x1], $0x8, s18, s14, $0xb8;
	[tilespmem:$0x4000] =	vst v63  }
0x50: {  	s18 =	sadd.s32 $0x300, s19  }
0x51: {  	[spmem:s3] =	stream.indirect.scatter.add.f32 [tilespmem:s9], [sflag:$0x1], $0x8, s18, s14, $0xb8;
	[tilespmem:$0x4000] =	vst v63  }
0x52: {  	s18 =	sadd.s32 $0x380, s19  }
0x53: {  	[spmem:s3] =	stream.indirect.scatter.add.f32 [tilespmem:s9], [sflag:$0x1], $0x8, s18, s14, $0xb8;
	[tilespmem:$0x4000] =	vst v63  }
0x54: {  	_ =	swait.ge [sflag:s13], $0x400  }
0x55: {  	[sflag:s13] =	ssyncset.done $0x0  }
0x56: {  	[sflag:s13] =	ssyncadd.s32 $0xFFFFFC00  }
0x57: {  	_ =	swait.ge [sflag:s13], $0x400  }
0x58: {  	[sflag:s13] =	ssyncset.done $0x0  }
0x59: {  	[sflag:s13] =	ssyncadd.s32 $0xFFFFFC00  }
0x5a: {  	_ =	swait.ge [sflag:s13], $0x400  }
0x5b: {  	[sflag:s13] =	ssyncset.done $0x0  }
0x5c: {  	[sflag:s13] =	ssyncadd.s32 $0xFFFFFC00  }
0x5d: {  	_ =	swait.ge [sflag:s13], $0x400  }
0x5e: {  	[sflag:s13] =	ssyncset.done $0x0  }
0x5f: {  	[sflag:s13] =	ssyncadd.s32 $0xFFFFFC00  }
0x60: {  	_ =	swait.ge [sflag:s13], $0x400  }
0x61: {  	[sflag:s13] =	ssyncset.done $0x0  }
0x62: {  	[sflag:s13] =	ssyncadd.s32 $0xFFFFFC00  }
0x63: {  	_ =	swait.ge [sflag:s13], $0x400  }
0x64: {  	[sflag:s13] =	ssyncset.done $0x0  }
0x65: {  	[sflag:s13] =	ssyncadd.s32 $0xFFFFFC00  }
.Ltmp0:
0x66: {  	_ =	swait.ge [sflag:s13], $0x400;
	(pc) =	sbr.rel @p0 .LBB2_2-.Ltmp0, $4  }
0x67: {  	[sflag:s13] =	ssyncset.done $0x0  }
0x68: {  	[sflag:s13] =	ssyncadd.s32 $0xFFFFFC00  }
0x69: {  	_ =	swait.ge [sflag:s13], $0x400  }
0x6a: {  	s18 =	smov.u32 s17;
	[sflag:s13] =	ssyncset.done $0x0  }
0x6b: {  	s16 =	sshra.s32 s16, $0x2;
	[sflag:s13] =	ssyncadd.s32 $0xFFFFFC00  }
0x6c: {  	[spmem:s3] =	stream.indirect.scatter.add.f32 [tilespmem:s9], [sflag:$0x1], $0x8, s16, s14, $0xb8;
	[tilespmem:$0x4000] =	vst v63  }
0x6d: {  	s17 =	sadd.s32 $0x80, s16  }
0x6e: {  	[spmem:s3] =	stream.indirect.scatter.add.f32 [tilespmem:s9], [sflag:$0x1], $0x8, s17, s14, $0xb8;
	[tilespmem:$0x4000] =	vst v63  }
0x6f: {  	s26 =	sadd.s32 $0x100, s16  }
0x70: {  	[spmem:s3] =	stream.indirect.scatter.add.f32 [tilespmem:s9], [sflag:$0x1], $0x8, s26, s14, $0xb8;
	[tilespmem:$0x4000] =	vst v63  }
0x71: {  	s28 =	sadd.s32 $0x180, s16  }
0x72: {  	[spmem:s3] =	stream.indirect.scatter.add.f32 [tilespmem:s9], [sflag:$0x1], $0x8, s28, s14, $0xb8;
	[tilespmem:$0x4000] =	vst v63  }
0x73: {  	s29 =	sadd.s32 $0x200, s16  }
0x74: {  	[spmem:s3] =	stream.indirect.scatter.add.f32 [tilespmem:s9], [sflag:$0x1], $0x8, s29, s14, $0xb8;
	[tilespmem:$0x4000] =	vst v63  }
0x75: {  	s30 =	sadd.s32 $0x280, s16  }
0x76: {  	[spmem:s3] =	stream.indirect.scatter.add.f32 [tilespmem:s9], [sflag:$0x1], $0x8, s30, s14, $0xb8;
	[tilespmem:$0x4000] =	vst v63  }
0x77: {  	s31 =	sadd.s32 $0x300, s16  }
0x78: {  	[spmem:s3] =	stream.indirect.scatter.add.f32 [tilespmem:s9], [sflag:$0x1], $0x8, s31, s14, $0xb8;
	[tilespmem:$0x4000] =	vst v63  }
0x79: {  	s16 =	sadd.s32 $0x380, s16  }
0x7a: {  	[spmem:s3] =	stream.indirect.scatter.add.f32 [tilespmem:s9], [sflag:$0x1], $0x8, s16, s14, $0xb8;
	[tilespmem:$0x4000] =	vst v63  }
0x7b: {  	_ =	swait.ge [sflag:s13], $0x400  }
0x7c: {  	[sflag:s13] =	ssyncset.done $0x0  }
0x7d: {  	[sflag:s13] =	ssyncadd.s32 $0xFFFFFC00  }
0x7e: {  	_ =	swait.ge [sflag:s13], $0x400  }
0x7f: {  	[sflag:s13] =	ssyncset.done $0x0  }
0x80: {  	[sflag:s13] =	ssyncadd.s32 $0xFFFFFC00  }
0x81: {  	_ =	swait.ge [sflag:s13], $0x400  }
0x82: {  	[sflag:s13] =	ssyncset.done $0x0  }
0x83: {  	[sflag:s13] =	ssyncadd.s32 $0xFFFFFC00  }
0x84: {  	_ =	swait.ge [sflag:s13], $0x400  }
0x85: {  	[sflag:s13] =	ssyncset.done $0x0  }
0x86: {  	[sflag:s13] =	ssyncadd.s32 $0xFFFFFC00  }
0x87: {  	_ =	swait.ge [sflag:s13], $0x400  }
0x88: {  	[sflag:s13] =	ssyncset.done $0x0  }
0x89: {  	[sflag:s13] =	ssyncadd.s32 $0xFFFFFC00  }
0x8a: {  	_ =	swait.ge [sflag:s13], $0x400  }
0x8b: {  	[sflag:s13] =	ssyncset.done $0x0  }
0x8c: {  	[sflag:s13] =	ssyncadd.s32 $0xFFFFFC00  }
0x8d: {  	_ =	swait.ge [sflag:s13], $0x400  }
0x8e: {  	[sflag:s13] =	ssyncset.done $0x0  }
0x8f: {  	[sflag:s13] =	ssyncadd.s32 $0xFFFFFC00  }
0x90: {  	_ =	swait.ge [sflag:s13], $0x400  }
0x91: {  	s15 =	sadd.s32 $0x1, s15;
	[sflag:s13] =	ssyncset.done $0x0  }
0x92: {  	p0 =	sne.s32 s15, s8;
	[sflag:s13] =	ssyncadd.s32 $0xFFFFFC00  }
.Ltmp1:
0x93: {  	[bflag:$0x0] =	sbarrier.arrive $0xFFFF;
	(pc) =	sbr.rel @p0 .LBB2_1-.Ltmp1, $4  }
0x94: {  	[hbm:s7], [sflag:s11] =	dma.local [spmem:s12], $0x280  }
0x95: {  	_ =	swait.ge [sflag:s10], $0x280  }
0x96: {  	[sflag:s10] =	ssyncset.done $0x0  }
0x97: {  	[sflag:s10] =	ssyncadd.s32 $0xFFFFFD80  }
0x98: {  	_ =	sfence.sel $0x180000  }
0x99: {  	[bflag:$0x0] =	sbarrier.arrive $0xFFFF  }
0x9a: {  	p0 =	sne.s32 s0, $0x0;
	_ =	strace $0x90000047  }
0x9b: {  	s0 =	sadd.s32 @!p0 $0x100000, s1;
	[bflag:$0x2] =	sbarrier.arrive $0xFFFF  }
0x9c: {  	[sflag:s0] =	ssyncadd.tile.s32 @!p0 $0x1;
	_ =	shalt  }
.Lfunc_end2:
_tile_overlayer_lowered:
.L_overlay_start_2:
0x9d: {  	(tag) =	ssettag $0x2  }
0x9e: {  	s0 =	rddreg [dreg:$0x0];
	s2 =	stileid.u32  }
0x9f: {  	s1 =	rddreg [dreg:$0x1];
	p0 =	sne.s32 s2, $0x0  }
0xa0: {  	s3 =	rddreg [dreg:$0x2];
	[bflag:$0x3] =	sbarrier.arrive $0xFFFF;
	s2 =	simm.s32 @!p0 $0x1C02  }
0xa1: {  	[timem:s3], [sflag:s2] =	dma.local @!p0 [hbm:s0], s1  }
0xa2: {  	s0 =	simm.s32 @!p0 $0x2  }
0xa3: {  	_ =	swait.ge @!p0 [sflag:s0], s1  }
0xa4: {  	s1 =	ssub.s32 @!p0 $0x0, s1;
	[sflag:s0] =	ssyncset.done @!p0 $0x0  }
0xa5: {  	[sflag:s0] =	ssyncadd.s32 @!p0 s1  }
0xa6: {  	[bflag:$0x3] =	sbarrier.arrive $0xFFFF  }
0xa7: {  	_ =	shalt  }

// kernel: kernel.13.cloned.1.call-start
scs
__scs_entry_jumppad:
0x0: {  	(pc) =	sbr.rel $0x88, $3  }
0x1: {  	(tag) =	ssettag $0x0;
	lr =	simm.s32 $0x1  }
0x2: {  	[smem:$0x3F94] =	sst lr;
	_ =	strace $0xD0000000  }
0x3: {  	_ = 	snop  }
0x4: {  	_ = 	snop  }
0x5: {  	_ = 	snop  }
0x6: {  	_ = 	snop  }
0x7: {  	_ = 	snop  }
__scs_overlays_trampoline_lowered:
0x8: {  	[smem:$0x3FA3] =	sst s0  }
0x9: {  	[smem:$0x3FA4] =	sst s1  }
0xa: {  	[smem:$0x3FA5] =	sst s2  }
0xb: {  	[smem:$0x3FA6] =	sst s3  }
0xc: {  	[smem:$0x3FA7] =	sst s4  }
0xd: {  	[smem:$0x3FA8] =	sst s5  }
0xe: {  	[smem:$0x3FA9] =	sst s6  }
0xf: {  	[smem:$0x3FAA] =	sst s7  }
0x10: {  	[smem:$0x3FAB] =	sst s8  }
0x11: {  	[smem:$0x3FAC] =	sst s9;
	s0 =	simm.s32 @!p0 $0x0  }
0x12: {  	s1 =	sld [smem:$0x3F92];
	s0 =	simm.s32 @p0 $0x1  }
0x13: {  	[smem:$0x3FAD] =	sst s0;
	s0 =	simm.s32 @!p1 $0x0  }
0x14: {  	s2 =	sld [smem:$0x3F91];
	s0 =	simm.s32 @p1 $0x1  }
0x15: {  	[smem:$0x3FAE] =	sst s0;
	s0 =	simm.s32 @!p2 $0x0  }
0x16: {  	s3 =	sld [smem:$0x3FDB];
	s0 =	simm.s32 @p2 $0x1  }
0x17: {  	s4 =	simm.s32 $0x1BF5;
	[smem:$0x3FB0] =	sst s0  }
0x18: {  	s0 =	sld [smem:$0x3F93];
	_ =	swait.ge [sflag:s4], $0x0  }
0x19: {  	s7 =	sld [smem:$0x3F94]  }
0x1a: {  	s8 =	sadd.s32 $0xFFFFE003, lr  }
0x1b: {  	s9 =	sadd.s32 $0xFFFFFEF7, lr;
	s5 =	simm.s32 $0xFFFFFFFF;
	p2 =	slt.u32 s8, $0xFFFFF086  }
0x1c: {  	p1 =	slt.u32 s9, $0xF7A;
	s5 =	simm.s32 @!p2 $0x0  }
0x1d: {  	s5 =	simm.s32 @p1 $0x1;
	p0 =	seq.s32 s7, s2  }
0x1e: {  	s7 =	smul.u32 @!p0 $0xF7A, s2;
	p2 =	seq.s32 @!p0 s5, $0x0  }
0x1f: {  	s9 =	smul.u32 $0xF7A, s1;
	s8 =	simm.s32 @!p0 $0x1BF5;
	p2 =	por !p2, p0  }
0x20: {  	[sflag:s8] =	ssyncset.s32 @!p0 $0xFFFFF086;
	s6 =	sadd.s32 @!p0 s3, s7;
	s7 =	simm.s32 @!p0 $0x108  }
0x21: {  	s3 =	sadd.s32 s3, s9;
	s6 =	sadd.s32 @!p0 $0x88, s6;
	s7 =	simm.s32 @p2 $0x1082  }
0x22: {  	[simem:s7], [sflag:s8] =	dma.local @!p0 [hbm:s6], $0xF7A  }
0x23: {  	s9 =	sor.u32 $0xD0000000, s2;
	s6 =	simm.s32 $0x108;
	_ =	swait.ge @!p0 [sflag:s8], $0x0  }
0x24: {  	s3 =	sadd.s32 $0x88, s3;
	s6 =	simm.s32 @!p1 $0x1082;
	[sflag:s4] =	ssyncset.s32 $0xFFFFF086  }
0x25: {  	[simem:s6], [sflag:s4] =	dma.local [hbm:s3], $0xF7A  }
0x26: {  	[smem:$0x3F94] =	sst s1;
	(tag) =	ssettag s2;
	_ =	strace s9  }
0x27: {  	s1 =	sld [smem:$0x3FA4]  }
0x28: {  	s2 =	sld [smem:$0x3FA5]  }
0x29: {  	s4 =	sld [smem:$0x3FA7]  }
0x2a: {  	p0 =	seq.s32 s5, $0x0;
	s5 =	sld [smem:$0x3FA8]  }
0x2b: {  	s6 =	sld [smem:$0x3FA9]  }
0x2c: {  	s7 =	sld [smem:$0x3FAA]  }
0x2d: {  	s3 =	simm.s32 $0x108;
	s8 =	sld [smem:$0x3FAB]  }
0x2e: {  	s3 =	simm.s32 @!p0 $0x1082;
	s9 =	sld [smem:$0x3FAC]  }
0x2f: {  	lr =	sadd.s32 s0, s3;
	s0 =	sld [smem:$0x3FA3]  }
0x30: {  	s3 =	sld [smem:$0x3FA6]  }
0x31: {  	[smem:$0x3FAF] =	sst s10  }
0x32: {  	s10 =	sld [smem:$0x3FAD];
	_ =	sdelay $0x3  }
0x33: {  	p0 =	seq.s32 s10, $0x1;
	s10 =	sld [smem:$0x3FAF];
	_ =	sdelay $0x3  }
0x34: {  	[smem:$0x3FAF] =	sst s10  }
0x35: {  	s10 =	sld [smem:$0x3FAE];
	_ =	sdelay $0x3  }
0x36: {  	p1 =	seq.s32 s10, $0x1;
	s10 =	sld [smem:$0x3FAF];
	_ =	sdelay $0x3  }
0x37: {  	[smem:$0x3FAF] =	sst s10  }
0x38: {  	s10 =	sld [smem:$0x3FB0]  }
0x39: {  	_ = 	snop;
	(pc) =	sbr.ind lr, $3  }
0x3a: {  	_ = 	snop  }
0x3b: {  	_ = 	snop  }
0x3c: {  	p2 =	seq.s32 s10, $0x1;
	s10 =	sld [smem:$0x3FAF]  }
0x3d: {  	_ =	shalt  }
0x3e: {  	_ =	shalt  }
0x3f: {  	_ =	shalt  }
0x40: {  	_ =	shalt  }
0x41: {  	_ =	shalt  }
0x42: {  	_ =	shalt  }
0x43: {  	_ =	shalt  }
0x44: {  	_ =	shalt  }
0x45: {  	_ =	shalt  }
0x46: {  	_ =	shalt  }
0x47: {  	_ =	shalt  }
0x48: {  	_ =	shalt  }
0x49: {  	_ =	shalt  }
0x4a: {  	_ =	shalt  }
0x4b: {  	_ =	shalt  }
0x4c: {  	_ =	shalt  }
0x4d: {  	_ =	shalt  }
0x4e: {  	_ =	shalt  }
0x4f: {  	_ =	shalt  }
0x50: {  	_ =	shalt  }
0x51: {  	_ =	shalt  }
0x52: {  	_ =	shalt  }
0x53: {  	_ =	shalt  }
0x54: {  	_ =	shalt  }
0x55: {  	_ =	shalt  }
0x56: {  	_ =	shalt  }
0x57: {  	_ =	shalt  }
0x58: {  	_ =	shalt  }
0x59: {  	_ =	shalt  }
0x5a: {  	_ =	shalt  }
0x5b: {  	_ =	shalt  }
0x5c: {  	_ =	shalt  }
0x5d: {  	_ =	shalt  }
0x5e: {  	_ =	shalt  }
0x5f: {  	_ =	shalt  }
0x60: {  	_ =	shalt  }
0x61: {  	_ =	shalt  }
0x62: {  	_ =	shalt  }
0x63: {  	_ =	shalt  }
0x64: {  	_ =	shalt  }
0x65: {  	_ =	shalt  }
0x66: {  	_ =	shalt  }
0x67: {  	_ =	shalt  }
0x68: {  	_ =	shalt  }
0x69: {  	_ =	shalt  }
0x6a: {  	_ =	shalt  }
0x6b: {  	_ =	shalt  }
0x6c: {  	_ =	shalt  }
0x6d: {  	_ =	shalt  }
0x6e: {  	_ =	shalt  }
0x6f: {  	_ =	shalt  }
0x70: {  	_ =	shalt  }
0x71: {  	_ =	shalt  }
0x72: {  	_ =	shalt  }
0x73: {  	_ =	shalt  }
0x74: {  	_ =	shalt  }
0x75: {  	_ =	shalt  }
0x76: {  	_ =	shalt  }
0x77: {  	_ =	shalt  }
0x78: {  	_ =	shalt  }
0x79: {  	_ =	shalt  }
0x7a: {  	_ =	shalt  }
0x7b: {  	_ =	shalt  }
0x7c: {  	_ =	shalt  }
0x7d: {  	_ =	shalt  }
0x7e: {  	_ =	shalt  }
0x7f: {  	_ =	shalt  }
0x80: {  	_ =	shalt  }
0x81: {  	_ =	shalt  }
0x82: {  	_ =	shalt  }
0x83: {  	_ =	shalt  }
0x84: {  	_ =	shalt  }
0x85: {  	_ =	shalt  }
0x86: {  	_ =	shalt  }
0x87: {  	_ =	shalt  }
.Lfunc_end0:
.L_simem_size_0:
called_computation.1_lowered:
.L_overlay_start_0:
0x88: {  	s2 =	sld [smem:$0x3FD9]  }
0x89: {  	s3 =	sld [smem:$0x3FFE];
	_ =	sdelay $0x1  }
0x8a: {  	s1 =	srdreg.scid  }
0x8b: {  	s0 =	sand.u32 $0x1, s1  }
0x8c: {  	s16 =	sshll.u32 s0, $0xA;
	s2 =	sadd.s32 s3, s2  }
0x8d: {  	s2 =	sadd.s32 s2, s16  }
0x8e: {  	[smem:$0x3FBB] =	sst s2  }
0x8f: {  	_ = 	snop  }
0x90: {  	(tm) =	ssettm $0x1  }
0x91: {  	s17 =	sld [smem:$0x3FFB];
	_ =	sdelay $0x3  }
0x92: {  	_ =	strace s17  }
0x93: {  	s2 =	sld [smem:$0x3FFC];
	_ =	sdelay $0x3  }
0x94: {  	_ =	strace s2  }
0x95: {  	s2 =	sld [smem:$0x3FFD];
	_ =	sdelay $0x3  }
0x96: {  	_ =	strace s2  }
0x97: {  	_ =	strace $0x8FFFFFFF  }
0x98: {  	s18 =	sld [smem:$0x3FDB];
	_ =	sdelay $0x1  }
0x99: {  	s19 =	simm.s32 $_scs_section_size  }
0x9a: {  	s4 =	simm.s32 $_size__tile_overlayer_lowered;
	s5 =	simm.s32 $_tile_overlayer_lowered  }
0x9b: {  	s22 =	simm.s32 $0x1BFF;
	s21 =	sshll.u32 s5, $0x1;
	s2 =	sadd.s32 s19, s18  }
0x9c: {  	s6 =	simm.s32 $0x0;
	s20 =	sshll.u32 s4, $0x1;
	s4 =	sadd.s32 s21, s2  }
0x9d: {  	[timem:s6], [sflag:s22] =	dma.local [hbm:s4], s20  }
0x9e: {  	_ =	swait.ge [sflag:s22], s20  }
0x9f: {  	s3 =	ssub.s32 $0x0, s20;
	[sflag:s22] =	ssyncset.done $0x0  }
0xa0: {  	[sflag:s22] =	ssyncadd.s32 s3;
	_ =	sdelay $0x1  }
0xa1: {  	s23 =	simm.s32 $0x1B8B  }
0xa2: {  	_ =	swait.ge [sflag:s23], $0x1  }
0xa3: {  	[sflag:s23] =	ssyncset.done $0x0  }
0xa4: {  	s25 =	simm.s32 $0x1B8E;
	s24 =	sld [smem:$0x3FFE];
	[sflag:s23] =	ssyncadd.s32 $0xFFFFFFFF  }
0xa5: {  	s26 =	simm.s32 $execute0_lowered;
	[smem:$0x3FD2] =	sst s25  }
0xa6: {  	s4 =	sshll.u32 s26, $0x1;
	_ =	strace $0x80000049;
	[dreg:$0x1] =	wrdreg $0xFFFFFFFF  }
0xa7: {  	s28 =	simm.s32 $_size_execute0_lowered;
	s2 =	sadd.s32 s2, s4;
	[dreg:$0x0] =	wrdreg $0x0  }
0xa8: {  	s4 =	sshll.u32 s28, $0x1;
	[dreg:$0x2] =	wrdreg s2  }
0xa9: {  	[dreg:$0x3] =	wrdreg s4  }
0xaa: {  	[dreg:$0x4] =	wrdreg $0xC0  }
0xab: {  	_ =	task [dreg:s6], $0x5FFFF  }
0xac: {  	[dreg:$0x1] =	wrdreg $0xFFFFFFFF  }
0xad: {  	[dreg:$0x0] =	wrdreg $0x60  }
0xae: {  	[dreg:$0x2] =	wrdreg s24  }
0xaf: {  	[dreg:$0x3] =	wrdreg $0x50000  }
0xb0: {  	[dreg:$0x4] =	wrdreg $0x9  }
0xb1: {  	_ =	task.clear_ibuf [dreg:s6], $0x5FFFF;
	_ =	strace $0x90000049  }
0xb2: {  	s29 =	simm.s32 $0x9;
	_ =	strace $0x8000004B  }
0xb3: {  	_ =	swait.ge [sflag:s29], $0x1  }
0xb4: {  	[sflag:s29] =	ssyncadd.s32 $0xFFFFFFFF  }
0xb5: {  	_ =	strace $0x9000004B  }
0xb6: {  	_ =	sfence  }
0xb7: {  	s30 =	sld [smem:$0x0];
	_ =	sdelay $0x2  }
0xb8: {  	s31 =	sshll.u32 s1, $0xD;
	s1 =	sshrl.u32 s1, $0x2  }
0xb9: {  	s3 =	sand.u32 $0x4000, s31;
	s1 =	sadd.s32 s1, s30  }
0xba: {  	s0 =	sor.u32 s3, s0;
	s1 =	sshll.u32 s1, $0x11  }
0xbb: {  	s0 =	sor.u32 s1, s0  }
0xbc: {  	s0 =	sadd.s32 $0x8F2B, s0  }
0xbd: {  	[sflag:s0] =	ssyncadd.remote.s32 $0x1  }
0xbe: {  	_ =	sfence.sel $0xFFFF  }
0xbf: {  	[dreg:$0x0] =	wrdreg $0xFFFFFFFF;
	(pc) =	sbr.abs _section_cstart, $3  }
0xc0: {  	[dreg:$0x1] =	wrdreg $0xFFFFFFFF  }
0xc1: {  	_ =	task.clear_ibuf [dreg:s6], $0x2FFFF;
	_ =	strace $0x9FFFFFFF  }
0xc2: {  	(tm) =	ssettm $0x7FFFFFFF  }
0xc3: {  	_ =	shalt  }
tec
execute0_lowered:
.L_overlay_start_1:
0x0: {  	(tag) =	ssettag $0x1  }
0x1: {  	s0 =	srdreg.scid;
	s3 =	rddreg [dreg:$0x0]  }
0x2: {  	s9 =	stileid.u32;
	s2 =	rddreg [dreg:$0x1]  }
0x3: {  	s4 =	simm.s32 $0x0;
	s14 =	simm.s32 $0x1;
	s15 =	simm.s32 $0x2  }
0x4: {  	s16 =	simm.s32 $0x3;
	s17 =	simm.s32 $0x80;
	s18 =	simm.s32 $0x7800  }
0x5: {  	s19 =	simm.s32 $0x8000;
	s21 =	simm.s32 $0x8800;
	s28 =	simm.s32 $0xA000  }
0x6: {  	s30 =	simm.s32 $0xA800;
	s12 =	simm.s32 $0x5;
	s20 =	simm.s32 $0x6  }
0x7: {  	s22 =	simm.s32 $0x7;
	s29 =	simm.s32 $0xA;
	s31 =	simm.s32 $0xB  }
0x8: {  	s10 =	simm.s32 $0x10;
	s13 =	simm.s32 $0x0;
	s0 =	sand.u32 $0x1, s0  }
0x9: {  	s5 =	smul.u32 $0x2800, s9;
	[smem:$0x7FF] =	sst s4;
	s4 =	sadd.s32 $0x16400, s3  }
0xa: {  	s25 =	sshll.u32 s9, $0x6;
	s1 =	sshll.u32 s0, $0x4;
	s6 =	smul.u32 $0x28000, s0  }
0xb: {  	_ =	strace $0x8000004A;
	s0 =	ssub.s32 $0x2, s0;
	[dreg:$0x5] =	wrdreg s25  }
0xc: {  	s1 =	sor.u32 s9, s1;
	s7 =	sshrl.u32 s5, $0x3;
	s8 =	sshrl.u32 s0, $0x1  }
0xd: {  	s24 =	sadd.s32 s5, s2;
	s9 =	simm.s32 $0xF;
	s1 =	smul.u32 $0x500, s1  }
0xe: {  	s6 =	sadd.s32 s5, s6;
	s7 =	sadd.s32 s7, s3;
	s0 =	ssub.s32 s0, s8  }
0xf: {  	s5 =	sor.u32 $0x1C03, s25;
	s11 =	sshrl.u32 s24, $0x3;
	s25 =	simm.s32 $0x9800  }
0x10: {  	s24 =	simm.s32 $0x8;
	s8 =	simm.s32 $0xE;
	s6 =	sshrl.u32 s6, $0x3  }
0x11: {  	s26 =	sadd.s32 $0x1B400, s7;
	[dreg:$0x7] =	wrdreg s5;
	s0 =	smax.u32 s0, $0x1  }
0x12: {  	s5 =	simm.s32 $0xC;
	[dreg:$0xa] =	wrdreg s11;
	s1 =	sadd.s32 s1, s3  }
.Ltmp0:
0x13: {  	s3 =	sadd.s32 s6, s3;
	[dreg:$0x6] =	wrdreg s26;
	(pc) =	sbr.rel .LBB2_1-.Ltmp0, $4  }
0x14: {  	[dreg:$0x9] =	wrdreg s0;
	s0 =	simm.s32 $0x4;
	s23 =	sadd.s32 $0xC400, s1  }
0x15: {  	s26 =	simm.s32 $0x9;
	s1 =	sadd.s32 $0x2400, s1;
	[dreg:$0x3] =	wrdreg s23  }
0x16: {  	s6 =	simm.s32 $0xD;
	s3 =	sadd.s32 $0x20400, s3;
	[dreg:$0x4] =	wrdreg s1  }
0x17: {  	[dreg:$0x8] =	wrdreg s3;
	s23 =	simm.s32 $0x9000;
	s1 =	simm.s32 $0xB000  }
.LBB2_4:
0x18: {  	_ =	swait.ge [sflag:s29], $0x800  }
0x19: {  	[sflag:s29] =	ssyncset.done $0x0  }
0x1a: {  	[sflag:s29] =	ssyncadd.s32 $0xFFFFF800  }
0x1b: {  	_ =	swait.ge [sflag:s31], $0x800  }
0x1c: {  	[sflag:s31] =	ssyncset.done $0x0  }
0x1d: {  	[sflag:s31] =	ssyncadd.s32 $0xFFFFF800  }
0x1e: {  	_ =	swait.ge [sflag:s5], $0x800  }
0x1f: {  	[sflag:s5] =	ssyncset.done $0x0  }
0x20: {  	[sflag:s5] =	ssyncadd.s32 $0xFFFFF800  }
0x21: {  	_ =	swait.ge [sflag:s6], $0x800  }
0x22: {  	[sflag:s6] =	ssyncset.done $0x0  }
0x23: {  	[sflag:s6] =	ssyncadd.s32 $0xFFFFF800  }
0x24: {  	_ =	swait.ge [sflag:s8], $0x800  }
0x25: {  	[sflag:s8] =	ssyncset.done $0x0  }
0x26: {  	[sflag:s8] =	ssyncadd.s32 $0xFFFFF800  }
0x27: {  	_ =	swait.ge [sflag:s9], $0x800  }
0x28: {  	[sflag:s9] =	ssyncset.done $0x0  }
0x29: {  	[sflag:s9] =	ssyncadd.s32 $0xFFFFF800  }
0x2a: {  	_ =	swait.ge [sflag:s10], $0x800  }
0x2b: {  	[sflag:s10] =	ssyncset.done $0x0  }
0x2c: {  	[sflag:s10] =	ssyncadd.s32 $0xFFFFF800  }
0x2d: {  	[bflag:$0x0] =	sbarrier.arrive $0xFFFF  }
0x2e: {  	s3 =	rddreg [dreg:$0x5]  }
0x2f: {  	s11 =	rddreg [dreg:$0x8]  }
0x30: {  	s7 =	rddreg [dreg:$0xa];
	s3 =	sor.u32 $0x1C11, s3  }
0x31: {  	[hbm:s11], [sflag:s3] =	dma.local [spmem:s7], $0x500  }
0x32: {  	s11 =	smov.u32 s7;
	s7 =	simm.s32 $0x11  }
0x33: {  	_ =	swait.ge [sflag:s7], $0x500  }
0x34: {  	s13 =	rddreg [dreg:$0xb]  }
0x35: {  	s3 =	rddreg [dreg:$0x9];
	s13 =	sadd.s32 $0x1, s13  }
0x36: {  	p0 =	sne.s32 s13, s3  }
.Ltmp1:
0x37: {  	_ = 	snop;
	(pc) =	sbr.rel @!p0 .LBB2_5-.Ltmp1, $3  }
0x38: {  	_ =	sdelay $0x1  }
0x39: {  	[sflag:s7] =	ssyncset.done $0x0  }
0x3a: {  	[sflag:s7] =	ssyncadd.s32 $0xFFFFFB00  }
.LBB2_1:
0x3b: {  	[dreg:$0xb] =	wrdreg s13  }
0x3c: {  	s3 =	simm.s32 $0x0;
	s13 =	rddreg [dreg:$0x3]  }
0x3d: {  	[tilespmem:s3], [sflag:$0x1] =	stream.linear.gather [hbm4b:s13+s3], $0x2800, $0x38;
	[tilespmem:$0xB800] =	vst v63  }
0x3e: {  	s7 =	smov.u32 s11;
	s11 =	rddreg [dreg:$0x4];
	s13 =	simm.s32 $0x2800  }
0x3f: {  	[tilespmem:s13], [sflag:$0x2] =	stream.linear.gather [hbm4b:s11+s3], $0x2800, $0x38;
	[tilespmem:$0xB800] =	vst v63  }
0x40: {  	s11 =	rddreg [dreg:$0x6]  }
0x41: {  	s13 =	rddreg [dreg:$0x7]  }
0x42: {  	[spmem:s7], [sflag:s13] =	dma.local [hbm:s11], $0x500  }
0x43: {  	_ =	swait.ge [sflag:s14], $0x2800  }
0x44: {  	[sflag:s14] =	ssyncset.done $0x0  }
0x45: {  	[sflag:s14] =	ssyncadd.s32 $0xFFFFD800  }
0x46: {  	_ =	swait.ge [sflag:s15], $0x2800  }
0x47: {  	[sflag:s15] =	ssyncset.done $0x0  }
0x48: {  	[sflag:s15] =	ssyncadd.s32 $0xFFFFD800  }
0x49: {  	_ =	swait.ge [sflag:s16], $0x500  }
0x4a: {  	[sflag:s16] =	ssyncset.done $0x0  }
0x4b: {  	[sflag:s16] =	ssyncadd.s32 $0xFFFFFB00  }
0x4c: {  	[bflag:$0x0] =	sbarrier.arrive $0xFFFF  }
0x4d: {  	[tilespmem:s18], [sflag:$0x1] =	stream.indirect.gather [hbm4b:s4+s17], $0x10, s3, s17, $0xb8;
	[tilespmem:$0xB800] =	vst v63  }
0x4e: {  	_ = 	snop  }
0x4f: {  	[tilespmem:s19], [sflag:$0x2] =	stream.indirect.gather [hbm4b:s4+s17], $0x10, s17, s17, $0xb8;
	[tilespmem:$0xB800] =	vst v63  }
0x50: {  	s7 =	simm.s32 $0x100  }
0x51: {  	[tilespmem:s21], [sflag:$0x3] =	stream.indirect.gather [hbm4b:s4+s17], $0x10, s7, s17, $0xb8;
	[tilespmem:$0xB800] =	vst v63  }
0x52: {  	s11 =	simm.s32 $0x180  }
0x53: {  	[tilespmem:s23], [sflag:$0x4] =	stream.indirect.gather [hbm4b:s4+s17], $0x10, s11, s17, $0xb8;
	[tilespmem:$0xB800] =	vst v63  }
0x54: {  	s13 =	simm.s32 $0x200  }
0x55: {  	[tilespmem:s25], [sflag:$0x5] =	stream.indirect.gather [hbm4b:s4+s17], $0x10, s13, s17, $0xb8;
	[tilespmem:$0xB800] =	vst v63  }
0x56: {  	s7 =	simm.s32 $0x280  }
0x57: {  	[tilespmem:s28], [sflag:$0x6] =	stream.indirect.gather [hbm4b:s4+s17], $0x10, s7, s17, $0xb8;
	[tilespmem:$0xB800] =	vst v63  }
0x58: {  	s11 =	simm.s32 $0x300  }
0x59: {  	[tilespmem:s30], [sflag:$0x7] =	stream.indirect.gather [hbm4b:s4+s17], $0x10, s11, s17, $0xb8;
	[tilespmem:$0xB800] =	vst v63  }
0x5a: {  	s3 =	simm.s32 $0x0;
	s13 =	simm.s32 $0x380  }
0x5b: {  	[tilespmem:s1], [sflag:$0x8] =	stream.indirect.gather [hbm4b:s4+s17], $0x10, s13, s17, $0xb8;
	[tilespmem:$0xB800] =	vst v63  }
.LBB2_2:
0x5c: {  	_ =	swait.ge [sflag:s14], $0x800  }
0x5d: {  	s11 =	sshra.s32 s3, $0x2;
	[sflag:s14] =	ssyncset.done $0x0  }
0x5e: {  	s13 =	sadd.s32 $0x2800, s11;
	[sflag:s14] =	ssyncadd.s32 $0xFFFFF800  }
0x5f: {  	[spmem:s2] =	stream.indirect.scatter.add.f32 [tilespmem:s18], [sflag:$0x9], $0x10, s13, s17, $0xb8;
	[tilespmem:$0xB800] =	vst v63  }
0x60: {  	_ =	swait.ge [sflag:s15], $0x800  }
0x61: {  	[sflag:s15] =	ssyncset.done $0x0  }
0x62: {  	s7 =	sadd.s32 $0x2880, s11;
	[sflag:s15] =	ssyncadd.s32 $0xFFFFF800  }
0x63: {  	[spmem:s2] =	stream.indirect.scatter.add.f32 [tilespmem:s19], [sflag:$0xA], $0x10, s7, s17, $0xb8;
	[tilespmem:$0xB800] =	vst v63  }
0x64: {  	_ =	swait.ge [sflag:s16], $0x800  }
0x65: {  	[sflag:s16] =	ssyncset.done $0x0  }
0x66: {  	s7 =	sadd.s32 $0x2900, s11;
	[sflag:s16] =	ssyncadd.s32 $0xFFFFF800  }
0x67: {  	[spmem:s2] =	stream.indirect.scatter.add.f32 [tilespmem:s21], [sflag:$0xB], $0x10, s7, s17, $0xb8;
	[tilespmem:$0xB800] =	vst v63  }
0x68: {  	_ =	swait.ge [sflag:s0], $0x800  }
0x69: {  	[sflag:s0] =	ssyncset.done $0x0  }
0x6a: {  	s7 =	sadd.s32 $0x2980, s11;
	[sflag:s0] =	ssyncadd.s32 $0xFFFFF800  }
0x6b: {  	[spmem:s2] =	stream.indirect.scatter.add.f32 [tilespmem:s23], [sflag:$0xC], $0x10, s7, s17, $0xb8;
	[tilespmem:$0xB800] =	vst v63  }
0x6c: {  	_ =	swait.ge [sflag:s12], $0x800  }
0x6d: {  	[sflag:s12] =	ssyncset.done $0x0  }
0x6e: {  	s7 =	sadd.s32 $0x2A00, s11;
	[sflag:s12] =	ssyncadd.s32 $0xFFFFF800  }
0x6f: {  	[spmem:s2] =	stream.indirect.scatter.add.f32 [tilespmem:s25], [sflag:$0xD], $0x10, s7, s17, $0xb8;
	[tilespmem:$0xB800] =	vst v63  }
0x70: {  	_ =	swait.ge [sflag:s20], $0x800  }
0x71: {  	[sflag:s20] =	ssyncset.done $0x0  }
0x72: {  	s7 =	sadd.s32 $0x2A80, s11;
	[sflag:s20] =	ssyncadd.s32 $0xFFFFF800  }
0x73: {  	[spmem:s2] =	stream.indirect.scatter.add.f32 [tilespmem:s28], [sflag:$0xE], $0x10, s7, s17, $0xb8;
	[tilespmem:$0xB800] =	vst v63  }
0x74: {  	_ =	swait.ge [sflag:s22], $0x800  }
0x75: {  	[sflag:s22] =	ssyncset.done $0x0  }
0x76: {  	s7 =	sadd.s32 $0x2B00, s11;
	[sflag:s22] =	ssyncadd.s32 $0xFFFFF800  }
0x77: {  	[spmem:s2] =	stream.indirect.scatter.add.f32 [tilespmem:s30], [sflag:$0xF], $0x10, s7, s17, $0xb8;
	[tilespmem:$0xB800] =	vst v63  }
0x78: {  	_ =	swait.ge [sflag:s24], $0x800  }
0x79: {  	p0 =	seq.s32 s3, $0x9000;
	[sflag:s24] =	ssyncset.done $0x0  }
.Ltmp2:
0x7a: {  	s7 =	sadd.s32 $0x2B80, s11;
	[sflag:s24] =	ssyncadd.s32 $0xFFFFF800;
	(pc) =	sbr.rel @p0 .LBB2_4-.Ltmp2, $4  }
0x7b: {  	[spmem:s2] =	stream.indirect.scatter.add.f32 [tilespmem:s1], [sflag:$0x10], $0x10, s7, s17, $0xb8;
	[tilespmem:$0xB800] =	vst v63  }
0x7c: {  	_ =	swait.ge [sflag:s26], $0x800  }
0x7d: {  	[sflag:s26] =	ssyncset.done $0x0  }
0x7e: {  	[sflag:s26] =	ssyncadd.s32 $0xFFFFF800  }
0x7f: {  	s13 =	sadd.s32 $0x400, s11  }
0x80: {  	[tilespmem:s18], [sflag:$0x1] =	stream.indirect.gather [hbm4b:s4+s17], $0x10, s13, s17, $0xb8;
	[tilespmem:$0xB800] =	vst v63  }
0x81: {  	_ =	swait.ge [sflag:s29], $0x800  }
0x82: {  	[sflag:s29] =	ssyncset.done $0x0  }
0x83: {  	s7 =	sadd.s32 $0x480, s11;
	[sflag:s29] =	ssyncadd.s32 $0xFFFFF800  }
0x84: {  	[tilespmem:s19], [sflag:$0x2] =	stream.indirect.gather [hbm4b:s4+s17], $0x10, s7, s17, $0xb8;
	[tilespmem:$0xB800] =	vst v63  }
0x85: {  	_ =	swait.ge [sflag:s31], $0x800  }
0x86: {  	[sflag:s31] =	ssyncset.done $0x0  }
0x87: {  	s7 =	sadd.s32 $0x500, s11;
	[sflag:s31] =	ssyncadd.s32 $0xFFFFF800  }
0x88: {  	[tilespmem:s21], [sflag:$0x3] =	stream.indirect.gather [hbm4b:s4+s17], $0x10, s7, s17, $0xb8;
	[tilespmem:$0xB800] =	vst v63  }
0x89: {  	_ =	swait.ge [sflag:s5], $0x800  }
0x8a: {  	[sflag:s5] =	ssyncset.done $0x0  }
0x8b: {  	s7 =	sadd.s32 $0x580, s11;
	[sflag:s5] =	ssyncadd.s32 $0xFFFFF800  }
0x8c: {  	[tilespmem:s23], [sflag:$0x4] =	stream.indirect.gather [hbm4b:s4+s17], $0x10, s7, s17, $0xb8;
	[tilespmem:$0xB800] =	vst v63  }
0x8d: {  	_ =	swait.ge [sflag:s6], $0x800  }
0x8e: {  	[sflag:s6] =	ssyncset.done $0x0  }
0x8f: {  	s7 =	sadd.s32 $0x600, s11;
	[sflag:s6] =	ssyncadd.s32 $0xFFFFF800  }
0x90: {  	[tilespmem:s25], [sflag:$0x5] =	stream.indirect.gather [hbm4b:s4+s17], $0x10, s7, s17, $0xb8;
	[tilespmem:$0xB800] =	vst v63  }
0x91: {  	_ =	swait.ge [sflag:s8], $0x800  }
0x92: {  	[sflag:s8] =	ssyncset.done $0x0  }
0x93: {  	s7 =	sadd.s32 $0x680, s11;
	[sflag:s8] =	ssyncadd.s32 $0xFFFFF800  }
0x94: {  	[tilespmem:s28], [sflag:$0x6] =	stream.indirect.gather [hbm4b:s4+s17], $0x10, s7, s17, $0xb8;
	[tilespmem:$0xB800] =	vst v63  }
0x95: {  	_ =	swait.ge [sflag:s9], $0x800  }
0x96: {  	[sflag:s9] =	ssyncset.done $0x0  }
0x97: {  	s7 =	sadd.s32 $0x700, s11;
	[sflag:s9] =	ssyncadd.s32 $0xFFFFF800  }
0x98: {  	[tilespmem:s30], [sflag:$0x7] =	stream.indirect.gather [hbm4b:s4+s17], $0x10, s7, s17, $0xb8;
	[tilespmem:$0xB800] =	vst v63  }
.Ltmp3:
0x99: {  	_ = 	snop;
	(pc) =	sbr.rel .LBB2_2-.Ltmp3, $4  }
0x9a: {  	_ =	swait.ge [sflag:s10], $0x800  }
0x9b: {  	[sflag:s10] =	ssyncset.done $0x0  }
0x9c: {  	s3 =	sadd.s32 $0x1000, s3;
	s13 =	sadd.s32 $0x780, s11;
	[sflag:s10] =	ssyncadd.s32 $0xFFFFF800  }
0x9d: {  	[tilespmem:s1], [sflag:$0x8] =	stream.indirect.gather [hbm4b:s4+s17], $0x10, s13, s17, $0xb8;
	[tilespmem:$0xB800] =	vst v63  }
.LBB2_5:
0x9e: {  	_ =	sfence.sel $0x180000  }
0x9f: {  	[bflag:$0x0] =	sbarrier.arrive $0xFFFF  }
0xa0: {  	_ =	strace $0x9000004A  }
0xa1: {  	s0 =	stileid.u32;
	[bflag:$0x2] =	sbarrier.arrive $0xFFFF  }
0xa2: {  	p0 =	sne.s32 s0, $0x0;
	s0 =	rddreg [dreg:$0x2]  }
0xa3: {  	s0 =	sadd.s32 @!p0 $0x100000, s0  }
0xa4: {  	[sflag:s0] =	ssyncadd.tile.s32 @!p0 $0x1;
	_ =	shalt  }
.Lfunc_end2:
_tile_overlayer_lowered:
.L_overlay_start_2:
0xa5: {  	(tag) =	ssettag $0x2  }
0xa6: {  	s0 =	rddreg [dreg:$0x0];
	s2 =	stileid.u32  }
0xa7: {  	s1 =	rddreg [dreg:$0x1];
	p0 =	sne.s32 s2, $0x0  }
0xa8: {  	s3 =	rddreg [dreg:$0x2];
	[bflag:$0x3] =	sbarrier.arrive $0xFFFF;
	s2 =	simm.s32 @!p0 $0x1C11  }
0xa9: {  	[timem:s3], [sflag:s2] =	dma.local @!p0 [hbm:s0], s1  }
0xaa: {  	s0 =	simm.s32 @!p0 $0x11  }
0xab: {  	_ =	swait.ge @!p0 [sflag:s0], s1  }
0xac: {  	s1 =	ssub.s32 @!p0 $0x0, s1;
	[sflag:s0] =	ssyncset.done @!p0 $0x0  }
0xad: {  	[sflag:s0] =	ssyncadd.s32 @!p0 s1  }
0xae: {  	[bflag:$0x3] =	sbarrier.arrive $0xFFFF  }
0xaf: {  	_ =	shalt  }

// kernel: kernel.16.cloned.1.call-start
scs
__scs_entry_jumppad:
0x0: {  	(pc) =	sbr.rel $0x88, $3  }
0x1: {  	(tag) =	ssettag $0x0;
	lr =	simm.s32 $0x1  }
0x2: {  	[smem:$0x3F94] =	sst lr;
	_ =	strace $0xD0000000  }
0x3: {  	_ = 	snop  }
0x4: {  	_ = 	snop  }
0x5: {  	_ = 	snop  }
0x6: {  	_ = 	snop  }
0x7: {  	_ = 	snop  }
__scs_overlays_trampoline_lowered:
0x8: {  	[smem:$0x3FA3] =	sst s0  }
0x9: {  	[smem:$0x3FA4] =	sst s1  }
0xa: {  	[smem:$0x3FA5] =	sst s2  }
0xb: {  	[smem:$0x3FA6] =	sst s3  }
0xc: {  	[smem:$0x3FA7] =	sst s4  }
0xd: {  	[smem:$0x3FA8] =	sst s5  }
0xe: {  	[smem:$0x3FA9] =	sst s6  }
0xf: {  	[smem:$0x3FAA] =	sst s7  }
0x10: {  	[smem:$0x3FAB] =	sst s8  }
0x11: {  	[smem:$0x3FAC] =	sst s9;
	s0 =	simm.s32 @!p0 $0x0  }
0x12: {  	s1 =	sld [smem:$0x3F92];
	s0 =	simm.s32 @p0 $0x1  }
0x13: {  	[smem:$0x3FAD] =	sst s0;
	s0 =	simm.s32 @!p1 $0x0  }
0x14: {  	s2 =	sld [smem:$0x3F91];
	s0 =	simm.s32 @p1 $0x1  }
0x15: {  	[smem:$0x3FAE] =	sst s0;
	s0 =	simm.s32 @!p2 $0x0  }
0x16: {  	s3 =	sld [smem:$0x3FDB];
	s0 =	simm.s32 @p2 $0x1  }
0x17: {  	s4 =	simm.s32 $0x1BF5;
	[smem:$0x3FB0] =	sst s0  }
0x18: {  	s0 =	sld [smem:$0x3F93];
	_ =	swait.ge [sflag:s4], $0x0  }
0x19: {  	s7 =	sld [smem:$0x3F94]  }
0x1a: {  	s8 =	sadd.s32 $0xFFFFE003, lr  }
0x1b: {  	s9 =	sadd.s32 $0xFFFFFEF7, lr;
	s5 =	simm.s32 $0xFFFFFFFF;
	p2 =	slt.u32 s8, $0xFFFFF086  }
0x1c: {  	p1 =	slt.u32 s9, $0xF7A;
	s5 =	simm.s32 @!p2 $0x0  }
0x1d: {  	s5 =	simm.s32 @p1 $0x1;
	p0 =	seq.s32 s7, s2  }
0x1e: {  	s7 =	smul.u32 @!p0 $0xF7A, s2;
	p2 =	seq.s32 @!p0 s5, $0x0  }
0x1f: {  	s9 =	smul.u32 $0xF7A, s1;
	s8 =	simm.s32 @!p0 $0x1BF5;
	p2 =	por !p2, p0  }
0x20: {  	[sflag:s8] =	ssyncset.s32 @!p0 $0xFFFFF086;
	s6 =	sadd.s32 @!p0 s3, s7;
	s7 =	simm.s32 @!p0 $0x108  }
0x21: {  	s3 =	sadd.s32 s3, s9;
	s6 =	sadd.s32 @!p0 $0x88, s6;
	s7 =	simm.s32 @p2 $0x1082  }
0x22: {  	[simem:s7], [sflag:s8] =	dma.local @!p0 [hbm:s6], $0xF7A  }
0x23: {  	s9 =	sor.u32 $0xD0000000, s2;
	s6 =	simm.s32 $0x108;
	_ =	swait.ge @!p0 [sflag:s8], $0x0  }
0x24: {  	s3 =	sadd.s32 $0x88, s3;
	s6 =	simm.s32 @!p1 $0x1082;
	[sflag:s4] =	ssyncset.s32 $0xFFFFF086  }
0x25: {  	[simem:s6], [sflag:s4] =	dma.local [hbm:s3], $0xF7A  }
0x26: {  	[smem:$0x3F94] =	sst s1;
	(tag) =	ssettag s2;
	_ =	strace s9  }
0x27: {  	s1 =	sld [smem:$0x3FA4]  }
0x28: {  	s2 =	sld [smem:$0x3FA5]  }
0x29: {  	s4 =	sld [smem:$0x3FA7]  }
0x2a: {  	p0 =	seq.s32 s5, $0x0;
	s5 =	sld [smem:$0x3FA8]  }
0x2b: {  	s6 =	sld [smem:$0x3FA9]  }
0x2c: {  	s7 =	sld [smem:$0x3FAA]  }
0x2d: {  	s3 =	simm.s32 $0x108;
	s8 =	sld [smem:$0x3FAB]  }
0x2e: {  	s3 =	simm.s32 @!p0 $0x1082;
	s9 =	sld [smem:$0x3FAC]  }
0x2f: {  	lr =	sadd.s32 s0, s3;
	s0 =	sld [smem:$0x3FA3]  }
0x30: {  	s3 =	sld [smem:$0x3FA6]  }
0x31: {  	[smem:$0x3FAF] =	sst s10  }
0x32: {  	s10 =	sld [smem:$0x3FAD];
	_ =	sdelay $0x3  }
0x33: {  	p0 =	seq.s32 s10, $0x1;
	s10 =	sld [smem:$0x3FAF];
	_ =	sdelay $0x3  }
0x34: {  	[smem:$0x3FAF] =	sst s10  }
0x35: {  	s10 =	sld [smem:$0x3FAE];
	_ =	sdelay $0x3  }
0x36: {  	p1 =	seq.s32 s10, $0x1;
	s10 =	sld [smem:$0x3FAF];
	_ =	sdelay $0x3  }
0x37: {  	[smem:$0x3FAF] =	sst s10  }
0x38: {  	s10 =	sld [smem:$0x3FB0]  }
0x39: {  	_ = 	snop;
	(pc) =	sbr.ind lr, $3  }
0x3a: {  	_ = 	snop  }
0x3b: {  	_ = 	snop  }
0x3c: {  	p2 =	seq.s32 s10, $0x1;
	s10 =	sld [smem:$0x3FAF]  }
0x3d: {  	_ =	shalt  }
0x3e: {  	_ =	shalt  }
0x3f: {  	_ =	shalt  }
0x40: {  	_ =	shalt  }
0x41: {  	_ =	shalt  }
0x42: {  	_ =	shalt  }
0x43: {  	_ =	shalt  }
0x44: {  	_ =	shalt  }
0x45: {  	_ =	shalt  }
0x46: {  	_ =	shalt  }
0x47: {  	_ =	shalt  }
0x48: {  	_ =	shalt  }
0x49: {  	_ =	shalt  }
0x4a: {  	_ =	shalt  }
0x4b: {  	_ =	shalt  }
0x4c: {  	_ =	shalt  }
0x4d: {  	_ =	shalt  }
0x4e: {  	_ =	shalt  }
0x4f: {  	_ =	shalt  }
0x50: {  	_ =	shalt  }
0x51: {  	_ =	shalt  }
0x52: {  	_ =	shalt  }
0x53: {  	_ =	shalt  }
0x54: {  	_ =	shalt  }
0x55: {  	_ =	shalt  }
0x56: {  	_ =	shalt  }
0x57: {  	_ =	shalt  }
0x58: {  	_ =	shalt  }
0x59: {  	_ =	shalt  }
0x5a: {  	_ =	shalt  }
0x5b: {  	_ =	shalt  }
0x5c: {  	_ =	shalt  }
0x5d: {  	_ =	shalt  }
0x5e: {  	_ =	shalt  }
0x5f: {  	_ =	shalt  }
0x60: {  	_ =	shalt  }
0x61: {  	_ =	shalt  }
0x62: {  	_ =	shalt  }
0x63: {  	_ =	shalt  }
0x64: {  	_ =	shalt  }
0x65: {  	_ =	shalt  }
0x66: {  	_ =	shalt  }
0x67: {  	_ =	shalt  }
0x68: {  	_ =	shalt  }
0x69: {  	_ =	shalt  }
0x6a: {  	_ =	shalt  }
0x6b: {  	_ =	shalt  }
0x6c: {  	_ =	shalt  }
0x6d: {  	_ =	shalt  }
0x6e: {  	_ =	shalt  }
0x6f: {  	_ =	shalt  }
0x70: {  	_ =	shalt  }
0x71: {  	_ =	shalt  }
0x72: {  	_ =	shalt  }
0x73: {  	_ =	shalt  }
0x74: {  	_ =	shalt  }
0x75: {  	_ =	shalt  }
0x76: {  	_ =	shalt  }
0x77: {  	_ =	shalt  }
0x78: {  	_ =	shalt  }
0x79: {  	_ =	shalt  }
0x7a: {  	_ =	shalt  }
0x7b: {  	_ =	shalt  }
0x7c: {  	_ =	shalt  }
0x7d: {  	_ =	shalt  }
0x7e: {  	_ =	shalt  }
0x7f: {  	_ =	shalt  }
0x80: {  	_ =	shalt  }
0x81: {  	_ =	shalt  }
0x82: {  	_ =	shalt  }
0x83: {  	_ =	shalt  }
0x84: {  	_ =	shalt  }
0x85: {  	_ =	shalt  }
0x86: {  	_ =	shalt  }
0x87: {  	_ =	shalt  }
.Lfunc_end0:
.L_simem_size_0:
called_computation.2_lowered:
.L_overlay_start_0:
0x88: {  	s2 =	sld [smem:$0x3FD9]  }
0x89: {  	s3 =	sld [smem:$0x3FFE];
	_ =	sdelay $0x1  }
0x8a: {  	s1 =	srdreg.scid  }
0x8b: {  	s0 =	sand.u32 $0x1, s1  }
0x8c: {  	s16 =	sshll.u32 s0, $0xA;
	s2 =	sadd.s32 s3, s2  }
0x8d: {  	s2 =	sadd.s32 s2, s16  }
0x8e: {  	[smem:$0x3FBB] =	sst s2  }
0x8f: {  	_ = 	snop  }
0x90: {  	(tm) =	ssettm $0x1  }
0x91: {  	s17 =	sld [smem:$0x3FFB];
	_ =	sdelay $0x3  }
0x92: {  	_ =	strace s17  }
0x93: {  	s2 =	sld [smem:$0x3FFC];
	_ =	sdelay $0x3  }
0x94: {  	_ =	strace s2  }
0x95: {  	s2 =	sld [smem:$0x3FFD];
	_ =	sdelay $0x3  }
0x96: {  	_ =	strace s2  }
0x97: {  	_ =	strace $0x8FFFFFFF  }
0x98: {  	s18 =	sld [smem:$0x3FDB];
	_ =	sdelay $0x1  }
0x99: {  	s19 =	simm.s32 $_scs_section_size  }
0x9a: {  	s4 =	simm.s32 $_size__tile_overlayer_lowered;
	s5 =	simm.s32 $_tile_overlayer_lowered  }
0x9b: {  	s22 =	simm.s32 $0x1BFF;
	s21 =	sshll.u32 s5, $0x1;
	s2 =	sadd.s32 s19, s18  }
0x9c: {  	s6 =	simm.s32 $0x0;
	s20 =	sshll.u32 s4, $0x1;
	s4 =	sadd.s32 s21, s2  }
0x9d: {  	[timem:s6], [sflag:s22] =	dma.local [hbm:s4], s20  }
0x9e: {  	_ =	swait.ge [sflag:s22], s20  }
0x9f: {  	s3 =	ssub.s32 $0x0, s20;
	[sflag:s22] =	ssyncset.done $0x0  }
0xa0: {  	[sflag:s22] =	ssyncadd.s32 s3;
	_ =	sdelay $0x1  }
0xa1: {  	s23 =	simm.s32 $0x1B8B  }
0xa2: {  	_ =	swait.ge [sflag:s23], $0x1  }
0xa3: {  	[sflag:s23] =	ssyncset.done $0x0  }
0xa4: {  	s25 =	simm.s32 $0x1B8E;
	s24 =	sld [smem:$0x3FFE];
	[sflag:s23] =	ssyncadd.s32 $0xFFFFFFFF  }
0xa5: {  	s26 =	simm.s32 $execute0_lowered;
	[smem:$0x3FD2] =	sst s25  }
0xa6: {  	s4 =	sshll.u32 s26, $0x1;
	_ =	strace $0x8000004C;
	[dreg:$0x1] =	wrdreg $0xFFFFFFFF  }
0xa7: {  	s28 =	simm.s32 $_size_execute0_lowered;
	s2 =	sadd.s32 s2, s4;
	[dreg:$0x0] =	wrdreg $0x0  }
0xa8: {  	s4 =	sshll.u32 s28, $0x1;
	[dreg:$0x2] =	wrdreg s2  }
0xa9: {  	[dreg:$0x3] =	wrdreg s4  }
0xaa: {  	[dreg:$0x4] =	wrdreg $0xC0  }
0xab: {  	_ =	task [dreg:s6], $0x5FFFF  }
0xac: {  	[dreg:$0x1] =	wrdreg $0xFFFFFFFF  }
0xad: {  	[dreg:$0x0] =	wrdreg $0x60  }
0xae: {  	[dreg:$0x2] =	wrdreg s24  }
0xaf: {  	[dreg:$0x3] =	wrdreg $0x50000  }
0xb0: {  	[dreg:$0x4] =	wrdreg $0x9  }
0xb1: {  	_ =	task.clear_ibuf [dreg:s6], $0x5FFFF;
	_ =	strace $0x9000004C  }
0xb2: {  	s29 =	simm.s32 $0x9;
	_ =	strace $0x8000004E  }
0xb3: {  	_ =	swait.ge [sflag:s29], $0x1  }
0xb4: {  	[sflag:s29] =	ssyncadd.s32 $0xFFFFFFFF  }
0xb5: {  	_ =	strace $0x9000004E  }
0xb6: {  	_ =	sfence  }
0xb7: {  	s30 =	sld [smem:$0x0];
	_ =	sdelay $0x2  }
0xb8: {  	s31 =	sshll.u32 s1, $0xD;
	s1 =	sshrl.u32 s1, $0x2  }
0xb9: {  	s3 =	sand.u32 $0x4000, s31;
	s1 =	sadd.s32 s1, s30  }
0xba: {  	s0 =	sor.u32 s3, s0;
	s1 =	sshll.u32 s1, $0x11  }
0xbb: {  	s0 =	sor.u32 s1, s0  }
0xbc: {  	s0 =	sadd.s32 $0x8F2B, s0  }
0xbd: {  	[sflag:s0] =	ssyncadd.remote.s32 $0x1  }
0xbe: {  	_ =	sfence.sel $0xFFFF  }
0xbf: {  	[dreg:$0x0] =	wrdreg $0xFFFFFFFF;
	(pc) =	sbr.abs _section_cstart, $3  }
0xc0: {  	[dreg:$0x1] =	wrdreg $0xFFFFFFFF  }
0xc1: {  	_ =	task.clear_ibuf [dreg:s6], $0x2FFFF;
	_ =	strace $0x9FFFFFFF  }
0xc2: {  	(tm) =	ssettm $0x7FFFFFFF  }
0xc3: {  	_ =	shalt  }
tec
execute0_lowered:
.L_overlay_start_1:
0x0: {  	(tag) =	ssettag $0x1  }
0x1: {  	s0 =	srdreg.scid;
	s3 =	rddreg [dreg:$0x0]  }
0x2: {  	s9 =	stileid.u32;
	s2 =	rddreg [dreg:$0x1]  }
0x3: {  	s4 =	simm.s32 $0x0;
	s14 =	simm.s32 $0x1;
	s15 =	simm.s32 $0x2  }
0x4: {  	s16 =	simm.s32 $0x3;
	s17 =	simm.s32 $0x80;
	s18 =	simm.s32 $0xF000  }
0x5: {  	s19 =	simm.s32 $0x11000;
	s21 =	simm.s32 $0x13000;
	s28 =	simm.s32 $0x19000  }
0x6: {  	s30 =	simm.s32 $0x1B000;
	s12 =	simm.s32 $0x5;
	s20 =	simm.s32 $0x6  }
0x7: {  	s22 =	simm.s32 $0x7;
	s29 =	simm.s32 $0xA;
	s31 =	simm.s32 $0xB  }
0x8: {  	s10 =	simm.s32 $0x10;
	s13 =	simm.s32 $0x0;
	s0 =	sand.u32 $0x1, s0  }
0x9: {  	s5 =	smul.u32 $0xA000, s9;
	[smem:$0x7FF] =	sst s4;
	s4 =	sadd.s32 $0x16400, s3  }
0xa: {  	s25 =	sshll.u32 s9, $0x6;
	s1 =	sshll.u32 s0, $0x4;
	s6 =	smul.u32 $0xA0000, s0  }
0xb: {  	_ =	strace $0x8000004D;
	s0 =	ssub.s32 $0x2, s0;
	[dreg:$0x5] =	wrdreg s25  }
0xc: {  	s1 =	sor.u32 s9, s1;
	s7 =	sshrl.u32 s5, $0x3;
	s8 =	sshrl.u32 s0, $0x1  }
0xd: {  	s24 =	sadd.s32 s5, s2;
	s9 =	simm.s32 $0xF;
	s1 =	smul.u32 $0x500, s1  }
0xe: {  	s6 =	sadd.s32 s5, s6;
	s7 =	sadd.s32 s7, s3;
	s0 =	ssub.s32 s0, s8  }
0xf: {  	s5 =	sor.u32 $0x1C03, s25;
	s11 =	sshrl.u32 s24, $0x3;
	s25 =	simm.s32 $0x17000  }
0x10: {  	s24 =	simm.s32 $0x8;
	s8 =	simm.s32 $0xE;
	s6 =	sshrl.u32 s6, $0x3  }
0x11: {  	s26 =	sadd.s32 $0x2A400, s7;
	[dreg:$0x7] =	wrdreg s5;
	s0 =	smax.u32 s0, $0x1  }
0x12: {  	s5 =	simm.s32 $0xC;
	[dreg:$0xa] =	wrdreg s11;
	s1 =	sadd.s32 s1, s3  }
.Ltmp0:
0x13: {  	s3 =	sadd.s32 s6, s3;
	[dreg:$0x6] =	wrdreg s26;
	(pc) =	sbr.rel .LBB2_1-.Ltmp0, $4  }
0x14: {  	[dreg:$0x9] =	wrdreg s0;
	s0 =	simm.s32 $0x4;
	s23 =	sadd.s32 $0xC400, s1  }
0x15: {  	s26 =	simm.s32 $0x9;
	s1 =	sadd.s32 $0x2400, s1;
	[dreg:$0x3] =	wrdreg s23  }
0x16: {  	s6 =	simm.s32 $0xD;
	s3 =	sadd.s32 $0x3E400, s3;
	[dreg:$0x4] =	wrdreg s1  }
0x17: {  	[dreg:$0x8] =	wrdreg s3;
	s23 =	simm.s32 $0x15000;
	s1 =	simm.s32 $0x1D000  }
.LBB2_4:
0x18: {  	_ =	swait.ge [sflag:s29], $0x2000  }
0x19: {  	[sflag:s29] =	ssyncset.done $0x0  }
0x1a: {  	[sflag:s29] =	ssyncadd.s32 $0xFFFFE000  }
0x1b: {  	_ =	swait.ge [sflag:s31], $0x2000  }
0x1c: {  	[sflag:s31] =	ssyncset.done $0x0  }
0x1d: {  	[sflag:s31] =	ssyncadd.s32 $0xFFFFE000  }
0x1e: {  	_ =	swait.ge [sflag:s5], $0x2000  }
0x1f: {  	[sflag:s5] =	ssyncset.done $0x0  }
0x20: {  	[sflag:s5] =	ssyncadd.s32 $0xFFFFE000  }
0x21: {  	_ =	swait.ge [sflag:s6], $0x2000  }
0x22: {  	[sflag:s6] =	ssyncset.done $0x0  }
0x23: {  	[sflag:s6] =	ssyncadd.s32 $0xFFFFE000  }
0x24: {  	_ =	swait.ge [sflag:s8], $0x2000  }
0x25: {  	[sflag:s8] =	ssyncset.done $0x0  }
0x26: {  	[sflag:s8] =	ssyncadd.s32 $0xFFFFE000  }
0x27: {  	_ =	swait.ge [sflag:s9], $0x2000  }
0x28: {  	[sflag:s9] =	ssyncset.done $0x0  }
0x29: {  	[sflag:s9] =	ssyncadd.s32 $0xFFFFE000  }
0x2a: {  	_ =	swait.ge [sflag:s10], $0x2000  }
0x2b: {  	[sflag:s10] =	ssyncset.done $0x0  }
0x2c: {  	[sflag:s10] =	ssyncadd.s32 $0xFFFFE000  }
0x2d: {  	[bflag:$0x0] =	sbarrier.arrive $0xFFFF  }
0x2e: {  	s3 =	rddreg [dreg:$0x5]  }
0x2f: {  	s11 =	rddreg [dreg:$0x8]  }
0x30: {  	s7 =	rddreg [dreg:$0xa];
	s3 =	sor.u32 $0x1C11, s3  }
0x31: {  	[hbm:s11], [sflag:s3] =	dma.local [spmem:s7], $0x1400  }
0x32: {  	s11 =	smov.u32 s7;
	s7 =	simm.s32 $0x11  }
0x33: {  	_ =	swait.ge [sflag:s7], $0x1400  }
0x34: {  	s13 =	rddreg [dreg:$0xb]  }
0x35: {  	s3 =	rddreg [dreg:$0x9];
	s13 =	sadd.s32 $0x1, s13  }
0x36: {  	p0 =	sne.s32 s13, s3  }
.Ltmp1:
0x37: {  	_ = 	snop;
	(pc) =	sbr.rel @!p0 .LBB2_5-.Ltmp1, $3  }
0x38: {  	_ =	sdelay $0x1  }
0x39: {  	[sflag:s7] =	ssyncset.done $0x0  }
0x3a: {  	[sflag:s7] =	ssyncadd.s32 $0xFFFFEC00  }
.LBB2_1:
0x3b: {  	[dreg:$0xb] =	wrdreg s13  }
0x3c: {  	s3 =	simm.s32 $0x0;
	s13 =	rddreg [dreg:$0x3]  }
0x3d: {  	[tilespmem:s3], [sflag:$0x1] =	stream.linear.gather [hbm4b:s13+s3], $0x2800, $0x38;
	[tilespmem:$0x1F000] =	vst v63  }
0x3e: {  	s7 =	smov.u32 s11;
	s11 =	rddreg [dreg:$0x4];
	s13 =	simm.s32 $0x2800  }
0x3f: {  	[tilespmem:s13], [sflag:$0x2] =	stream.linear.gather [hbm4b:s11+s3], $0x2800, $0x38;
	[tilespmem:$0x1F000] =	vst v63  }
0x40: {  	s11 =	rddreg [dreg:$0x6]  }
0x41: {  	s13 =	rddreg [dreg:$0x7]  }
0x42: {  	[spmem:s7], [sflag:s13] =	dma.local [hbm:s11], $0x1400  }
0x43: {  	_ =	swait.ge [sflag:s14], $0x2800  }
0x44: {  	[sflag:s14] =	ssyncset.done $0x0  }
0x45: {  	[sflag:s14] =	ssyncadd.s32 $0xFFFFD800  }
0x46: {  	_ =	swait.ge [sflag:s15], $0x2800  }
0x47: {  	[sflag:s15] =	ssyncset.done $0x0  }
0x48: {  	[sflag:s15] =	ssyncadd.s32 $0xFFFFD800  }
0x49: {  	_ =	swait.ge [sflag:s16], $0x1400  }
0x4a: {  	[sflag:s16] =	ssyncset.done $0x0  }
0x4b: {  	[sflag:s16] =	ssyncadd.s32 $0xFFFFEC00  }
0x4c: {  	[bflag:$0x0] =	sbarrier.arrive $0xFFFF  }
0x4d: {  	[tilespmem:s18], [sflag:$0x1] =	stream.indirect.gather [hbm4b:s4+s17], $0x40, s3, s17, $0xb8;
	[tilespmem:$0x1F000] =	vst v63  }
0x4e: {  	_ = 	snop  }
0x4f: {  	[tilespmem:s19], [sflag:$0x2] =	stream.indirect.gather [hbm4b:s4+s17], $0x40, s17, s17, $0xb8;
	[tilespmem:$0x1F000] =	vst v63  }
0x50: {  	s7 =	simm.s32 $0x100  }
0x51: {  	[tilespmem:s21], [sflag:$0x3] =	stream.indirect.gather [hbm4b:s4+s17], $0x40, s7, s17, $0xb8;
	[tilespmem:$0x1F000] =	vst v63  }
0x52: {  	s11 =	simm.s32 $0x180  }
0x53: {  	[tilespmem:s23], [sflag:$0x4] =	stream.indirect.gather [hbm4b:s4+s17], $0x40, s11, s17, $0xb8;
	[tilespmem:$0x1F000] =	vst v63  }
0x54: {  	s13 =	simm.s32 $0x200  }
0x55: {  	[tilespmem:s25], [sflag:$0x5] =	stream.indirect.gather [hbm4b:s4+s17], $0x40, s13, s17, $0xb8;
	[tilespmem:$0x1F000] =	vst v63  }
0x56: {  	s7 =	simm.s32 $0x280  }
0x57: {  	[tilespmem:s28], [sflag:$0x6] =	stream.indirect.gather [hbm4b:s4+s17], $0x40, s7, s17, $0xb8;
	[tilespmem:$0x1F000] =	vst v63  }
0x58: {  	s11 =	simm.s32 $0x300  }
0x59: {  	[tilespmem:s30], [sflag:$0x7] =	stream.indirect.gather [hbm4b:s4+s17], $0x40, s11, s17, $0xb8;
	[tilespmem:$0x1F000] =	vst v63  }
0x5a: {  	s3 =	simm.s32 $0x0;
	s13 =	simm.s32 $0x380  }
0x5b: {  	[tilespmem:s1], [sflag:$0x8] =	stream.indirect.gather [hbm4b:s4+s17], $0x40, s13, s17, $0xb8;
	[tilespmem:$0x1F000] =	vst v63  }
.LBB2_2:
0x5c: {  	_ =	swait.ge [sflag:s14], $0x2000  }
0x5d: {  	s11 =	sshra.s32 s3, $0x2;
	[sflag:s14] =	ssyncset.done $0x0  }
0x5e: {  	s13 =	sadd.s32 $0x2800, s11;
	[sflag:s14] =	ssyncadd.s32 $0xFFFFE000  }
0x5f: {  	[spmem:s2] =	stream.indirect.scatter.add.f32 [tilespmem:s18], [sflag:$0x9], $0x40, s13, s17, $0xb8;
	[tilespmem:$0x1F000] =	vst v63  }
0x60: {  	_ =	swait.ge [sflag:s15], $0x2000  }
0x61: {  	[sflag:s15] =	ssyncset.done $0x0  }
0x62: {  	s7 =	sadd.s32 $0x2880, s11;
	[sflag:s15] =	ssyncadd.s32 $0xFFFFE000  }
0x63: {  	[spmem:s2] =	stream.indirect.scatter.add.f32 [tilespmem:s19], [sflag:$0xA], $0x40, s7, s17, $0xb8;
	[tilespmem:$0x1F000] =	vst v63  }
0x64: {  	_ =	swait.ge [sflag:s16], $0x2000  }
0x65: {  	[sflag:s16] =	ssyncset.done $0x0  }
0x66: {  	s7 =	sadd.s32 $0x2900, s11;
	[sflag:s16] =	ssyncadd.s32 $0xFFFFE000  }
0x67: {  	[spmem:s2] =	stream.indirect.scatter.add.f32 [tilespmem:s21], [sflag:$0xB], $0x40, s7, s17, $0xb8;
	[tilespmem:$0x1F000] =	vst v63  }
0x68: {  	_ =	swait.ge [sflag:s0], $0x2000  }
0x69: {  	[sflag:s0] =	ssyncset.done $0x0  }
0x6a: {  	s7 =	sadd.s32 $0x2980, s11;
	[sflag:s0] =	ssyncadd.s32 $0xFFFFE000  }
0x6b: {  	[spmem:s2] =	stream.indirect.scatter.add.f32 [tilespmem:s23], [sflag:$0xC], $0x40, s7, s17, $0xb8;
	[tilespmem:$0x1F000] =	vst v63  }
0x6c: {  	_ =	swait.ge [sflag:s12], $0x2000  }
0x6d: {  	[sflag:s12] =	ssyncset.done $0x0  }
0x6e: {  	s7 =	sadd.s32 $0x2A00, s11;
	[sflag:s12] =	ssyncadd.s32 $0xFFFFE000  }
0x6f: {  	[spmem:s2] =	stream.indirect.scatter.add.f32 [tilespmem:s25], [sflag:$0xD], $0x40, s7, s17, $0xb8;
	[tilespmem:$0x1F000] =	vst v63  }
0x70: {  	_ =	swait.ge [sflag:s20], $0x2000  }
0x71: {  	[sflag:s20] =	ssyncset.done $0x0  }
0x72: {  	s7 =	sadd.s32 $0x2A80, s11;
	[sflag:s20] =	ssyncadd.s32 $0xFFFFE000  }
0x73: {  	[spmem:s2] =	stream.indirect.scatter.add.f32 [tilespmem:s28], [sflag:$0xE], $0x40, s7, s17, $0xb8;
	[tilespmem:$0x1F000] =	vst v63  }
0x74: {  	_ =	swait.ge [sflag:s22], $0x2000  }
0x75: {  	[sflag:s22] =	ssyncset.done $0x0  }
0x76: {  	s7 =	sadd.s32 $0x2B00, s11;
	[sflag:s22] =	ssyncadd.s32 $0xFFFFE000  }
0x77: {  	[spmem:s2] =	stream.indirect.scatter.add.f32 [tilespmem:s30], [sflag:$0xF], $0x40, s7, s17, $0xb8;
	[tilespmem:$0x1F000] =	vst v63  }
0x78: {  	_ =	swait.ge [sflag:s24], $0x2000  }
0x79: {  	p0 =	seq.s32 s3, $0x9000;
	[sflag:s24] =	ssyncset.done $0x0  }
.Ltmp2:
0x7a: {  	s7 =	sadd.s32 $0x2B80, s11;
	[sflag:s24] =	ssyncadd.s32 $0xFFFFE000;
	(pc) =	sbr.rel @p0 .LBB2_4-.Ltmp2, $4  }
0x7b: {  	[spmem:s2] =	stream.indirect.scatter.add.f32 [tilespmem:s1], [sflag:$0x10], $0x40, s7, s17, $0xb8;
	[tilespmem:$0x1F000] =	vst v63  }
0x7c: {  	_ =	swait.ge [sflag:s26], $0x2000  }
0x7d: {  	[sflag:s26] =	ssyncset.done $0x0  }
0x7e: {  	[sflag:s26] =	ssyncadd.s32 $0xFFFFE000  }
0x7f: {  	s13 =	sadd.s32 $0x400, s11  }
0x80: {  	[tilespmem:s18], [sflag:$0x1] =	stream.indirect.gather [hbm4b:s4+s17], $0x40, s13, s17, $0xb8;
	[tilespmem:$0x1F000] =	vst v63  }
0x81: {  	_ =	swait.ge [sflag:s29], $0x2000  }
0x82: {  	[sflag:s29] =	ssyncset.done $0x0  }
0x83: {  	s7 =	sadd.s32 $0x480, s11;
	[sflag:s29] =	ssyncadd.s32 $0xFFFFE000  }
0x84: {  	[tilespmem:s19], [sflag:$0x2] =	stream.indirect.gather [hbm4b:s4+s17], $0x40, s7, s17, $0xb8;
	[tilespmem:$0x1F000] =	vst v63  }
0x85: {  	_ =	swait.ge [sflag:s31], $0x2000  }
0x86: {  	[sflag:s31] =	ssyncset.done $0x0  }
0x87: {  	s7 =	sadd.s32 $0x500, s11;
	[sflag:s31] =	ssyncadd.s32 $0xFFFFE000  }
0x88: {  	[tilespmem:s21], [sflag:$0x3] =	stream.indirect.gather [hbm4b:s4+s17], $0x40, s7, s17, $0xb8;
	[tilespmem:$0x1F000] =	vst v63  }
0x89: {  	_ =	swait.ge [sflag:s5], $0x2000  }
0x8a: {  	[sflag:s5] =	ssyncset.done $0x0  }
0x8b: {  	s7 =	sadd.s32 $0x580, s11;
	[sflag:s5] =	ssyncadd.s32 $0xFFFFE000  }
0x8c: {  	[tilespmem:s23], [sflag:$0x4] =	stream.indirect.gather [hbm4b:s4+s17], $0x40, s7, s17, $0xb8;
	[tilespmem:$0x1F000] =	vst v63  }
0x8d: {  	_ =	swait.ge [sflag:s6], $0x2000  }
0x8e: {  	[sflag:s6] =	ssyncset.done $0x0  }
0x8f: {  	s7 =	sadd.s32 $0x600, s11;
	[sflag:s6] =	ssyncadd.s32 $0xFFFFE000  }
0x90: {  	[tilespmem:s25], [sflag:$0x5] =	stream.indirect.gather [hbm4b:s4+s17], $0x40, s7, s17, $0xb8;
	[tilespmem:$0x1F000] =	vst v63  }
0x91: {  	_ =	swait.ge [sflag:s8], $0x2000  }
0x92: {  	[sflag:s8] =	ssyncset.done $0x0  }
0x93: {  	s7 =	sadd.s32 $0x680, s11;
	[sflag:s8] =	ssyncadd.s32 $0xFFFFE000  }
0x94: {  	[tilespmem:s28], [sflag:$0x6] =	stream.indirect.gather [hbm4b:s4+s17], $0x40, s7, s17, $0xb8;
	[tilespmem:$0x1F000] =	vst v63  }
0x95: {  	_ =	swait.ge [sflag:s9], $0x2000  }
0x96: {  	[sflag:s9] =	ssyncset.done $0x0  }
0x97: {  	s7 =	sadd.s32 $0x700, s11;
	[sflag:s9] =	ssyncadd.s32 $0xFFFFE000  }
0x98: {  	[tilespmem:s30], [sflag:$0x7] =	stream.indirect.gather [hbm4b:s4+s17], $0x40, s7, s17, $0xb8;
	[tilespmem:$0x1F000] =	vst v63  }
.Ltmp3:
0x99: {  	_ = 	snop;
	(pc) =	sbr.rel .LBB2_2-.Ltmp3, $4  }
0x9a: {  	_ =	swait.ge [sflag:s10], $0x2000  }
0x9b: {  	[sflag:s10] =	ssyncset.done $0x0  }
0x9c: {  	s3 =	sadd.s32 $0x1000, s3;
	s13 =	sadd.s32 $0x780, s11;
	[sflag:s10] =	ssyncadd.s32 $0xFFFFE000  }
0x9d: {  	[tilespmem:s1], [sflag:$0x8] =	stream.indirect.gather [hbm4b:s4+s17], $0x40, s13, s17, $0xb8;
	[tilespmem:$0x1F000] =	vst v63  }
.LBB2_5:
0x9e: {  	_ =	sfence.sel $0x180000  }
0x9f: {  	[bflag:$0x0] =	sbarrier.arrive $0xFFFF  }
0xa0: {  	_ =	strace $0x9000004D  }
0xa1: {  	s0 =	stileid.u32;
	[bflag:$0x2] =	sbarrier.arrive $0xFFFF  }
0xa2: {  	p0 =	sne.s32 s0, $0x0;
	s0 =	rddreg [dreg:$0x2]  }
0xa3: {  	s0 =	sadd.s32 @!p0 $0x100000, s0  }
0xa4: {  	[sflag:s0] =	ssyncadd.tile.s32 @!p0 $0x1;
	_ =	shalt  }
.Lfunc_end2:
_tile_overlayer_lowered:
.L_overlay_start_2:
0xa5: {  	(tag) =	ssettag $0x2  }
0xa6: {  	s0 =	rddreg [dreg:$0x0];
	s2 =	stileid.u32  }
0xa7: {  	s1 =	rddreg [dreg:$0x1];
	p0 =	sne.s32 s2, $0x0  }
0xa8: {  	s3 =	rddreg [dreg:$0x2];
	[bflag:$0x3] =	sbarrier.arrive $0xFFFF;
	s2 =	simm.s32 @!p0 $0x1C11  }
0xa9: {  	[timem:s3], [sflag:s2] =	dma.local @!p0 [hbm:s0], s1  }
0xaa: {  	s0 =	simm.s32 @!p0 $0x11  }
0xab: {  	_ =	swait.ge @!p0 [sflag:s0], s1  }
0xac: {  	s1 =	ssub.s32 @!p0 $0x0, s1;
	[sflag:s0] =	ssyncset.done @!p0 $0x0  }
0xad: {  	[sflag:s0] =	ssyncadd.s32 @!p0 s1  }
0xae: {  	[bflag:$0x3] =	sbarrier.arrive $0xFFFF  }
0xaf: {  	_ =	shalt  }

// kernel: kernel.19.cloned.1.call-start
scs
__scs_entry_jumppad:
0x0: {  	(pc) =	sbr.rel $0x88, $3  }
0x1: {  	(tag) =	ssettag $0x0;
	lr =	simm.s32 $0x1  }
0x2: {  	[smem:$0x3F94] =	sst lr;
	_ =	strace $0xD0000000  }
0x3: {  	_ = 	snop  }
0x4: {  	_ = 	snop  }
0x5: {  	_ = 	snop  }
0x6: {  	_ = 	snop  }
0x7: {  	_ = 	snop  }
__scs_overlays_trampoline_lowered:
0x8: {  	[smem:$0x3FA3] =	sst s0  }
0x9: {  	[smem:$0x3FA4] =	sst s1  }
0xa: {  	[smem:$0x3FA5] =	sst s2  }
0xb: {  	[smem:$0x3FA6] =	sst s3  }
0xc: {  	[smem:$0x3FA7] =	sst s4  }
0xd: {  	[smem:$0x3FA8] =	sst s5  }
0xe: {  	[smem:$0x3FA9] =	sst s6  }
0xf: {  	[smem:$0x3FAA] =	sst s7  }
0x10: {  	[smem:$0x3FAB] =	sst s8  }
0x11: {  	[smem:$0x3FAC] =	sst s9;
	s0 =	simm.s32 @!p0 $0x0  }
0x12: {  	s1 =	sld [smem:$0x3F92];
	s0 =	simm.s32 @p0 $0x1  }
0x13: {  	[smem:$0x3FAD] =	sst s0;
	s0 =	simm.s32 @!p1 $0x0  }
0x14: {  	s2 =	sld [smem:$0x3F91];
	s0 =	simm.s32 @p1 $0x1  }
0x15: {  	[smem:$0x3FAE] =	sst s0;
	s0 =	simm.s32 @!p2 $0x0  }
0x16: {  	s3 =	sld [smem:$0x3FDB];
	s0 =	simm.s32 @p2 $0x1  }
0x17: {  	s4 =	simm.s32 $0x1BF5;
	[smem:$0x3FB0] =	sst s0  }
0x18: {  	s0 =	sld [smem:$0x3F93];
	_ =	swait.ge [sflag:s4], $0x0  }
0x19: {  	s7 =	sld [smem:$0x3F94]  }
0x1a: {  	s8 =	sadd.s32 $0xFFFFE003, lr  }
0x1b: {  	s9 =	sadd.s32 $0xFFFFFEF7, lr;
	s5 =	simm.s32 $0xFFFFFFFF;
	p2 =	slt.u32 s8, $0xFFFFF086  }
0x1c: {  	p1 =	slt.u32 s9, $0xF7A;
	s5 =	simm.s32 @!p2 $0x0  }
0x1d: {  	s5 =	simm.s32 @p1 $0x1;
	p0 =	seq.s32 s7, s2  }
0x1e: {  	s7 =	smul.u32 @!p0 $0xF7A, s2;
	p2 =	seq.s32 @!p0 s5, $0x0  }
0x1f: {  	s9 =	smul.u32 $0xF7A, s1;
	s8 =	simm.s32 @!p0 $0x1BF5;
	p2 =	por !p2, p0  }
0x20: {  	[sflag:s8] =	ssyncset.s32 @!p0 $0xFFFFF086;
	s6 =	sadd.s32 @!p0 s3, s7;
	s7 =	simm.s32 @!p0 $0x108  }
0x21: {  	s3 =	sadd.s32 s3, s9;
	s6 =	sadd.s32 @!p0 $0x88, s6;
	s7 =	simm.s32 @p2 $0x1082  }
0x22: {  	[simem:s7], [sflag:s8] =	dma.local @!p0 [hbm:s6], $0xF7A  }
0x23: {  	s9 =	sor.u32 $0xD0000000, s2;
	s6 =	simm.s32 $0x108;
	_ =	swait.ge @!p0 [sflag:s8], $0x0  }
0x24: {  	s3 =	sadd.s32 $0x88, s3;
	s6 =	simm.s32 @!p1 $0x1082;
	[sflag:s4] =	ssyncset.s32 $0xFFFFF086  }
0x25: {  	[simem:s6], [sflag:s4] =	dma.local [hbm:s3], $0xF7A  }
0x26: {  	[smem:$0x3F94] =	sst s1;
	(tag) =	ssettag s2;
	_ =	strace s9  }
0x27: {  	s1 =	sld [smem:$0x3FA4]  }
0x28: {  	s2 =	sld [smem:$0x3FA5]  }
0x29: {  	s4 =	sld [smem:$0x3FA7]  }
0x2a: {  	p0 =	seq.s32 s5, $0x0;
	s5 =	sld [smem:$0x3FA8]  }
0x2b: {  	s6 =	sld [smem:$0x3FA9]  }
0x2c: {  	s7 =	sld [smem:$0x3FAA]  }
0x2d: {  	s3 =	simm.s32 $0x108;
	s8 =	sld [smem:$0x3FAB]  }
0x2e: {  	s3 =	simm.s32 @!p0 $0x1082;
	s9 =	sld [smem:$0x3FAC]  }
0x2f: {  	lr =	sadd.s32 s0, s3;
	s0 =	sld [smem:$0x3FA3]  }
0x30: {  	s3 =	sld [smem:$0x3FA6]  }
0x31: {  	[smem:$0x3FAF] =	sst s10  }
0x32: {  	s10 =	sld [smem:$0x3FAD];
	_ =	sdelay $0x3  }
0x33: {  	p0 =	seq.s32 s10, $0x1;
	s10 =	sld [smem:$0x3FAF];
	_ =	sdelay $0x3  }
0x34: {  	[smem:$0x3FAF] =	sst s10  }
0x35: {  	s10 =	sld [smem:$0x3FAE];
	_ =	sdelay $0x3  }
0x36: {  	p1 =	seq.s32 s10, $0x1;
	s10 =	sld [smem:$0x3FAF];
	_ =	sdelay $0x3  }
0x37: {  	[smem:$0x3FAF] =	sst s10  }
0x38: {  	s10 =	sld [smem:$0x3FB0]  }
0x39: {  	_ = 	snop;
	(pc) =	sbr.ind lr, $3  }
0x3a: {  	_ = 	snop  }
0x3b: {  	_ = 	snop  }
0x3c: {  	p2 =	seq.s32 s10, $0x1;
	s10 =	sld [smem:$0x3FAF]  }
0x3d: {  	_ =	shalt  }
0x3e: {  	_ =	shalt  }
0x3f: {  	_ =	shalt  }
0x40: {  	_ =	shalt  }
0x41: {  	_ =	shalt  }
0x42: {  	_ =	shalt  }
0x43: {  	_ =	shalt  }
0x44: {  	_ =	shalt  }
0x45: {  	_ =	shalt  }
0x46: {  	_ =	shalt  }
0x47: {  	_ =	shalt  }
0x48: {  	_ =	shalt  }
0x49: {  	_ =	shalt  }
0x4a: {  	_ =	shalt  }
0x4b: {  	_ =	shalt  }
0x4c: {  	_ =	shalt  }
0x4d: {  	_ =	shalt  }
0x4e: {  	_ =	shalt  }
0x4f: {  	_ =	shalt  }
0x50: {  	_ =	shalt  }
0x51: {  	_ =	shalt  }
0x52: {  	_ =	shalt  }
0x53: {  	_ =	shalt  }
0x54: {  	_ =	shalt  }
0x55: {  	_ =	shalt  }
0x56: {  	_ =	shalt  }
0x57: {  	_ =	shalt  }
0x58: {  	_ =	shalt  }
0x59: {  	_ =	shalt  }
0x5a: {  	_ =	shalt  }
0x5b: {  	_ =	shalt  }
0x5c: {  	_ =	shalt  }
0x5d: {  	_ =	shalt  }
0x5e: {  	_ =	shalt  }
0x5f: {  	_ =	shalt  }
0x60: {  	_ =	shalt  }
0x61: {  	_ =	shalt  }
0x62: {  	_ =	shalt  }
0x63: {  	_ =	shalt  }
0x64: {  	_ =	shalt  }
0x65: {  	_ =	shalt  }
0x66: {  	_ =	shalt  }
0x67: {  	_ =	shalt  }
0x68: {  	_ =	shalt  }
0x69: {  	_ =	shalt  }
0x6a: {  	_ =	shalt  }
0x6b: {  	_ =	shalt  }
0x6c: {  	_ =	shalt  }
0x6d: {  	_ =	shalt  }
0x6e: {  	_ =	shalt  }
0x6f: {  	_ =	shalt  }
0x70: {  	_ =	shalt  }
0x71: {  	_ =	shalt  }
0x72: {  	_ =	shalt  }
0x73: {  	_ =	shalt  }
0x74: {  	_ =	shalt  }
0x75: {  	_ =	shalt  }
0x76: {  	_ =	shalt  }
0x77: {  	_ =	shalt  }
0x78: {  	_ =	shalt  }
0x79: {  	_ =	shalt  }
0x7a: {  	_ =	shalt  }
0x7b: {  	_ =	shalt  }
0x7c: {  	_ =	shalt  }
0x7d: {  	_ =	shalt  }
0x7e: {  	_ =	shalt  }
0x7f: {  	_ =	shalt  }
0x80: {  	_ =	shalt  }
0x81: {  	_ =	shalt  }
0x82: {  	_ =	shalt  }
0x83: {  	_ =	shalt  }
0x84: {  	_ =	shalt  }
0x85: {  	_ =	shalt  }
0x86: {  	_ =	shalt  }
0x87: {  	_ =	shalt  }
.Lfunc_end0:
.L_simem_size_0:
called_computation.3_lowered:
.L_overlay_start_0:
0x88: {  	s2 =	sld [smem:$0x3FD9]  }
0x89: {  	s3 =	sld [smem:$0x3FFE];
	_ =	sdelay $0x1  }
0x8a: {  	s1 =	srdreg.scid  }
0x8b: {  	s0 =	sand.u32 $0x1, s1  }
0x8c: {  	s16 =	sshll.u32 s0, $0xA;
	s2 =	sadd.s32 s3, s2  }
0x8d: {  	s2 =	sadd.s32 s2, s16  }
0x8e: {  	[smem:$0x3FBB] =	sst s2  }
0x8f: {  	_ = 	snop  }
0x90: {  	(tm) =	ssettm $0x1  }
0x91: {  	s17 =	sld [smem:$0x3FFB];
	_ =	sdelay $0x3  }
0x92: {  	_ =	strace s17  }
0x93: {  	s2 =	sld [smem:$0x3FFC];
	_ =	sdelay $0x3  }
0x94: {  	_ =	strace s2  }
0x95: {  	s2 =	sld [smem:$0x3FFD];
	_ =	sdelay $0x3  }
0x96: {  	_ =	strace s2  }
0x97: {  	_ =	strace $0x8FFFFFFF  }
0x98: {  	s18 =	sld [smem:$0x3FDB];
	_ =	sdelay $0x1  }
0x99: {  	s19 =	simm.s32 $_scs_section_size  }
0x9a: {  	s4 =	simm.s32 $_size__tile_overlayer_lowered;
	s5 =	simm.s32 $_tile_overlayer_lowered  }
0x9b: {  	s22 =	simm.s32 $0x1BFF;
	s21 =	sshll.u32 s5, $0x1;
	s2 =	sadd.s32 s19, s18  }
0x9c: {  	s6 =	simm.s32 $0x0;
	s20 =	sshll.u32 s4, $0x1;
	s4 =	sadd.s32 s21, s2  }
0x9d: {  	[timem:s6], [sflag:s22] =	dma.local [hbm:s4], s20  }
0x9e: {  	_ =	swait.ge [sflag:s22], s20  }
0x9f: {  	s3 =	ssub.s32 $0x0, s20;
	[sflag:s22] =	ssyncset.done $0x0  }
0xa0: {  	[sflag:s22] =	ssyncadd.s32 s3;
	_ =	sdelay $0x1  }
0xa1: {  	s23 =	simm.s32 $0x1B8B  }
0xa2: {  	_ =	swait.ge [sflag:s23], $0x1  }
0xa3: {  	[sflag:s23] =	ssyncset.done $0x0  }
0xa4: {  	s25 =	simm.s32 $0x1B8E;
	s24 =	sld [smem:$0x3FFE];
	[sflag:s23] =	ssyncadd.s32 $0xFFFFFFFF  }
0xa5: {  	s26 =	simm.s32 $execute0_lowered;
	[smem:$0x3FD2] =	sst s25  }
0xa6: {  	s4 =	sshll.u32 s26, $0x1;
	_ =	strace $0x8000004F;
	[dreg:$0x1] =	wrdreg $0xFFFFFFFF  }
0xa7: {  	s28 =	simm.s32 $_size_execute0_lowered;
	s2 =	sadd.s32 s2, s4;
	[dreg:$0x0] =	wrdreg $0x0  }
0xa8: {  	s4 =	sshll.u32 s28, $0x1;
	[dreg:$0x2] =	wrdreg s2  }
0xa9: {  	[dreg:$0x3] =	wrdreg s4  }
0xaa: {  	[dreg:$0x4] =	wrdreg $0xC0  }
0xab: {  	_ =	task [dreg:s6], $0x5FFFF  }
0xac: {  	[dreg:$0x1] =	wrdreg $0xFFFFFFFF  }
0xad: {  	[dreg:$0x0] =	wrdreg $0x60  }
0xae: {  	[dreg:$0x2] =	wrdreg s24  }
0xaf: {  	[dreg:$0x3] =	wrdreg $0x50000  }
0xb0: {  	[dreg:$0x4] =	wrdreg $0x9  }
0xb1: {  	_ =	task.clear_ibuf [dreg:s6], $0x5FFFF;
	_ =	strace $0x9000004F  }
0xb2: {  	s29 =	simm.s32 $0x9;
	_ =	strace $0x80000051  }
0xb3: {  	_ =	swait.ge [sflag:s29], $0x1  }
0xb4: {  	[sflag:s29] =	ssyncadd.s32 $0xFFFFFFFF  }
0xb5: {  	_ =	strace $0x90000051  }
0xb6: {  	_ =	sfence  }
0xb7: {  	s30 =	sld [smem:$0x0];
	_ =	sdelay $0x2  }
0xb8: {  	s31 =	sshll.u32 s1, $0xD;
	s1 =	sshrl.u32 s1, $0x2  }
0xb9: {  	s3 =	sand.u32 $0x4000, s31;
	s1 =	sadd.s32 s1, s30  }
0xba: {  	s0 =	sor.u32 s3, s0;
	s1 =	sshll.u32 s1, $0x11  }
0xbb: {  	s0 =	sor.u32 s1, s0  }
0xbc: {  	s0 =	sadd.s32 $0x8F2B, s0  }
0xbd: {  	[sflag:s0] =	ssyncadd.remote.s32 $0x1  }
0xbe: {  	_ =	sfence.sel $0xFFFF  }
0xbf: {  	[dreg:$0x0] =	wrdreg $0xFFFFFFFF;
	(pc) =	sbr.abs _section_cstart, $3  }
0xc0: {  	[dreg:$0x1] =	wrdreg $0xFFFFFFFF  }
0xc1: {  	_ =	task.clear_ibuf [dreg:s6], $0x2FFFF;
	_ =	strace $0x9FFFFFFF  }
0xc2: {  	(tm) =	ssettm $0x7FFFFFFF  }
0xc3: {  	_ =	shalt  }
tec
execute0_lowered:
.L_overlay_start_1:
0x0: {  	(tag) =	ssettag $0x1  }
0x1: {  	s0 =	srdreg.scid;
	s3 =	rddreg [dreg:$0x0]  }
0x2: {  	s9 =	stileid.u32;
	s2 =	rddreg [dreg:$0x1]  }
0x3: {  	s4 =	simm.s32 $0x0;
	s14 =	simm.s32 $0x1;
	s15 =	simm.s32 $0x2  }
0x4: {  	s16 =	simm.s32 $0x3;
	s17 =	simm.s32 $0x80;
	s18 =	simm.s32 $0xA000  }
0x5: {  	s19 =	simm.s32 $0xB000;
	s21 =	simm.s32 $0xC000;
	s28 =	simm.s32 $0xF000  }
0x6: {  	s30 =	simm.s32 $0x10000;
	s12 =	simm.s32 $0x5;
	s20 =	simm.s32 $0x6  }
0x7: {  	s22 =	simm.s32 $0x7;
	s29 =	simm.s32 $0xA;
	s31 =	simm.s32 $0xB  }
0x8: {  	s10 =	simm.s32 $0x10;
	s13 =	simm.s32 $0x0;
	s0 =	sand.u32 $0x1, s0  }
0x9: {  	s5 =	smul.u32 $0x5000, s9;
	[smem:$0x7FF] =	sst s4;
	s4 =	sadd.s32 $0x16400, s3  }
0xa: {  	s25 =	sshll.u32 s9, $0x6;
	s1 =	sshll.u32 s0, $0x4;
	s6 =	smul.u32 $0x50000, s0  }
0xb: {  	_ =	strace $0x80000050;
	s0 =	ssub.s32 $0x2, s0;
	[dreg:$0x5] =	wrdreg s25  }
0xc: {  	s1 =	sor.u32 s9, s1;
	s7 =	sshrl.u32 s5, $0x3;
	s8 =	sshrl.u32 s0, $0x1  }
0xd: {  	s24 =	sadd.s32 s5, s2;
	s9 =	simm.s32 $0xF;
	s1 =	smul.u32 $0x500, s1  }
0xe: {  	s6 =	sadd.s32 s5, s6;
	s7 =	sadd.s32 s7, s3;
	s0 =	ssub.s32 s0, s8  }
0xf: {  	s5 =	sor.u32 $0x1C03, s25;
	s11 =	sshrl.u32 s24, $0x3;
	s25 =	simm.s32 $0xE000  }
0x10: {  	s24 =	simm.s32 $0x8;
	s8 =	simm.s32 $0xE;
	s6 =	sshrl.u32 s6, $0x3  }
0x11: {  	s26 =	sadd.s32 $0x20400, s7;
	[dreg:$0x7] =	wrdreg s5;
	s0 =	smax.u32 s0, $0x1  }
0x12: {  	s5 =	simm.s32 $0xC;
	[dreg:$0xa] =	wrdreg s11;
	s1 =	sadd.s32 s1, s3  }
.Ltmp0:
0x13: {  	s3 =	sadd.s32 s6, s3;
	[dreg:$0x6] =	wrdreg s26;
	(pc) =	sbr.rel .LBB2_1-.Ltmp0, $4  }
0x14: {  	[dreg:$0x9] =	wrdreg s0;
	s0 =	simm.s32 $0x4;
	s23 =	sadd.s32 $0xC400, s1  }
0x15: {  	s26 =	simm.s32 $0x9;
	s1 =	sadd.s32 $0x2400, s1;
	[dreg:$0x3] =	wrdreg s23  }
0x16: {  	s6 =	simm.s32 $0xD;
	s3 =	sadd.s32 $0x2A400, s3;
	[dreg:$0x4] =	wrdreg s1  }
0x17: {  	[dreg:$0x8] =	wrdreg s3;
	s23 =	simm.s32 $0xD000;
	s1 =	simm.s32 $0x11000  }
.LBB2_4:
0x18: {  	_ =	swait.ge [sflag:s29], $0x1000  }
0x19: {  	[sflag:s29] =	ssyncset.done $0x0  }
0x1a: {  	[sflag:s29] =	ssyncadd.s32 $0xFFFFF000  }
0x1b: {  	_ =	swait.ge [sflag:s31], $0x1000  }
0x1c: {  	[sflag:s31] =	ssyncset.done $0x0  }
0x1d: {  	[sflag:s31] =	ssyncadd.s32 $0xFFFFF000  }
0x1e: {  	_ =	swait.ge [sflag:s5], $0x1000  }
0x1f: {  	[sflag:s5] =	ssyncset.done $0x0  }
0x20: {  	[sflag:s5] =	ssyncadd.s32 $0xFFFFF000  }
0x21: {  	_ =	swait.ge [sflag:s6], $0x1000  }
0x22: {  	[sflag:s6] =	ssyncset.done $0x0  }
0x23: {  	[sflag:s6] =	ssyncadd.s32 $0xFFFFF000  }
0x24: {  	_ =	swait.ge [sflag:s8], $0x1000  }
0x25: {  	[sflag:s8] =	ssyncset.done $0x0  }
0x26: {  	[sflag:s8] =	ssyncadd.s32 $0xFFFFF000  }
0x27: {  	_ =	swait.ge [sflag:s9], $0x1000  }
0x28: {  	[sflag:s9] =	ssyncset.done $0x0  }
0x29: {  	[sflag:s9] =	ssyncadd.s32 $0xFFFFF000  }
0x2a: {  	_ =	swait.ge [sflag:s10], $0x1000  }
0x2b: {  	[sflag:s10] =	ssyncset.done $0x0  }
0x2c: {  	[sflag:s10] =	ssyncadd.s32 $0xFFFFF000  }
0x2d: {  	[bflag:$0x0] =	sbarrier.arrive $0xFFFF  }
0x2e: {  	s3 =	rddreg [dreg:$0x5]  }
0x2f: {  	s11 =	rddreg [dreg:$0x8]  }
0x30: {  	s7 =	rddreg [dreg:$0xa];
	s3 =	sor.u32 $0x1C11, s3  }
0x31: {  	[hbm:s11], [sflag:s3] =	dma.local [spmem:s7], $0xA00  }
0x32: {  	s11 =	smov.u32 s7;
	s7 =	simm.s32 $0x11  }
0x33: {  	_ =	swait.ge [sflag:s7], $0xA00  }
0x34: {  	s13 =	rddreg [dreg:$0xb]  }
0x35: {  	s3 =	rddreg [dreg:$0x9];
	s13 =	sadd.s32 $0x1, s13  }
0x36: {  	p0 =	sne.s32 s13, s3  }
.Ltmp1:
0x37: {  	_ = 	snop;
	(pc) =	sbr.rel @!p0 .LBB2_5-.Ltmp1, $3  }
0x38: {  	_ =	sdelay $0x1  }
0x39: {  	[sflag:s7] =	ssyncset.done $0x0  }
0x3a: {  	[sflag:s7] =	ssyncadd.s32 $0xFFFFF600  }
.LBB2_1:
0x3b: {  	[dreg:$0xb] =	wrdreg s13  }
0x3c: {  	s3 =	simm.s32 $0x0;
	s13 =	rddreg [dreg:$0x3]  }
0x3d: {  	[tilespmem:s3], [sflag:$0x1] =	stream.linear.gather [hbm4b:s13+s3], $0x2800, $0x38;
	[tilespmem:$0x12000] =	vst v63  }
0x3e: {  	s7 =	smov.u32 s11;
	s11 =	rddreg [dreg:$0x4];
	s13 =	simm.s32 $0x2800  }
0x3f: {  	[tilespmem:s13], [sflag:$0x2] =	stream.linear.gather [hbm4b:s11+s3], $0x2800, $0x38;
	[tilespmem:$0x12000] =	vst v63  }
0x40: {  	s11 =	rddreg [dreg:$0x6]  }
0x41: {  	s13 =	rddreg [dreg:$0x7]  }
0x42: {  	[spmem:s7], [sflag:s13] =	dma.local [hbm:s11], $0xA00  }
0x43: {  	_ =	swait.ge [sflag:s14], $0x2800  }
0x44: {  	[sflag:s14] =	ssyncset.done $0x0  }
0x45: {  	[sflag:s14] =	ssyncadd.s32 $0xFFFFD800  }
0x46: {  	_ =	swait.ge [sflag:s15], $0x2800  }
0x47: {  	[sflag:s15] =	ssyncset.done $0x0  }
0x48: {  	[sflag:s15] =	ssyncadd.s32 $0xFFFFD800  }
0x49: {  	_ =	swait.ge [sflag:s16], $0xA00  }
0x4a: {  	[sflag:s16] =	ssyncset.done $0x0  }
0x4b: {  	[sflag:s16] =	ssyncadd.s32 $0xFFFFF600  }
0x4c: {  	[bflag:$0x0] =	sbarrier.arrive $0xFFFF  }
0x4d: {  	[tilespmem:s18], [sflag:$0x1] =	stream.indirect.gather [hbm4b:s4+s17], $0x20, s3, s17, $0xb8;
	[tilespmem:$0x12000] =	vst v63  }
0x4e: {  	_ = 	snop  }
0x4f: {  	[tilespmem:s19], [sflag:$0x2] =	stream.indirect.gather [hbm4b:s4+s17], $0x20, s17, s17, $0xb8;
	[tilespmem:$0x12000] =	vst v63  }
0x50: {  	s7 =	simm.s32 $0x100  }
0x51: {  	[tilespmem:s21], [sflag:$0x3] =	stream.indirect.gather [hbm4b:s4+s17], $0x20, s7, s17, $0xb8;
	[tilespmem:$0x12000] =	vst v63  }
0x52: {  	s11 =	simm.s32 $0x180  }
0x53: {  	[tilespmem:s23], [sflag:$0x4] =	stream.indirect.gather [hbm4b:s4+s17], $0x20, s11, s17, $0xb8;
	[tilespmem:$0x12000] =	vst v63  }
0x54: {  	s13 =	simm.s32 $0x200  }
0x55: {  	[tilespmem:s25], [sflag:$0x5] =	stream.indirect.gather [hbm4b:s4+s17], $0x20, s13, s17, $0xb8;
	[tilespmem:$0x12000] =	vst v63  }
0x56: {  	s7 =	simm.s32 $0x280  }
0x57: {  	[tilespmem:s28], [sflag:$0x6] =	stream.indirect.gather [hbm4b:s4+s17], $0x20, s7, s17, $0xb8;
	[tilespmem:$0x12000] =	vst v63  }
0x58: {  	s11 =	simm.s32 $0x300  }
0x59: {  	[tilespmem:s30], [sflag:$0x7] =	stream.indirect.gather [hbm4b:s4+s17], $0x20, s11, s17, $0xb8;
	[tilespmem:$0x12000] =	vst v63  }
0x5a: {  	s3 =	simm.s32 $0x0;
	s13 =	simm.s32 $0x380  }
0x5b: {  	[tilespmem:s1], [sflag:$0x8] =	stream.indirect.gather [hbm4b:s4+s17], $0x20, s13, s17, $0xb8;
	[tilespmem:$0x12000] =	vst v63  }
.LBB2_2:
0x5c: {  	_ =	swait.ge [sflag:s14], $0x1000  }
0x5d: {  	s11 =	sshra.s32 s3, $0x2;
	[sflag:s14] =	ssyncset.done $0x0  }
0x5e: {  	s13 =	sadd.s32 $0x2800, s11;
	[sflag:s14] =	ssyncadd.s32 $0xFFFFF000  }
0x5f: {  	[spmem:s2] =	stream.indirect.scatter.add.f32 [tilespmem:s18], [sflag:$0x9], $0x20, s13, s17, $0xb8;
	[tilespmem:$0x12000] =	vst v63  }
0x60: {  	_ =	swait.ge [sflag:s15], $0x1000  }
0x61: {  	[sflag:s15] =	ssyncset.done $0x0  }
0x62: {  	s7 =	sadd.s32 $0x2880, s11;
	[sflag:s15] =	ssyncadd.s32 $0xFFFFF000  }
0x63: {  	[spmem:s2] =	stream.indirect.scatter.add.f32 [tilespmem:s19], [sflag:$0xA], $0x20, s7, s17, $0xb8;
	[tilespmem:$0x12000] =	vst v63  }
0x64: {  	_ =	swait.ge [sflag:s16], $0x1000  }
0x65: {  	[sflag:s16] =	ssyncset.done $0x0  }
0x66: {  	s7 =	sadd.s32 $0x2900, s11;
	[sflag:s16] =	ssyncadd.s32 $0xFFFFF000  }
0x67: {  	[spmem:s2] =	stream.indirect.scatter.add.f32 [tilespmem:s21], [sflag:$0xB], $0x20, s7, s17, $0xb8;
	[tilespmem:$0x12000] =	vst v63  }
0x68: {  	_ =	swait.ge [sflag:s0], $0x1000  }
0x69: {  	[sflag:s0] =	ssyncset.done $0x0  }
0x6a: {  	s7 =	sadd.s32 $0x2980, s11;
	[sflag:s0] =	ssyncadd.s32 $0xFFFFF000  }
0x6b: {  	[spmem:s2] =	stream.indirect.scatter.add.f32 [tilespmem:s23], [sflag:$0xC], $0x20, s7, s17, $0xb8;
	[tilespmem:$0x12000] =	vst v63  }
0x6c: {  	_ =	swait.ge [sflag:s12], $0x1000  }
0x6d: {  	[sflag:s12] =	ssyncset.done $0x0  }
0x6e: {  	s7 =	sadd.s32 $0x2A00, s11;
	[sflag:s12] =	ssyncadd.s32 $0xFFFFF000  }
0x6f: {  	[spmem:s2] =	stream.indirect.scatter.add.f32 [tilespmem:s25], [sflag:$0xD], $0x20, s7, s17, $0xb8;
	[tilespmem:$0x12000] =	vst v63  }
0x70: {  	_ =	swait.ge [sflag:s20], $0x1000  }
0x71: {  	[sflag:s20] =	ssyncset.done $0x0  }
0x72: {  	s7 =	sadd.s32 $0x2A80, s11;
	[sflag:s20] =	ssyncadd.s32 $0xFFFFF000  }
0x73: {  	[spmem:s2] =	stream.indirect.scatter.add.f32 [tilespmem:s28], [sflag:$0xE], $0x20, s7, s17, $0xb8;
	[tilespmem:$0x12000] =	vst v63  }
0x74: {  	_ =	swait.ge [sflag:s22], $0x1000  }
0x75: {  	[sflag:s22] =	ssyncset.done $0x0  }
0x76: {  	s7 =	sadd.s32 $0x2B00, s11;
	[sflag:s22] =	ssyncadd.s32 $0xFFFFF000  }
0x77: {  	[spmem:s2] =	stream.indirect.scatter.add.f32 [tilespmem:s30], [sflag:$0xF], $0x20, s7, s17, $0xb8;
	[tilespmem:$0x12000] =	vst v63  }
0x78: {  	_ =	swait.ge [sflag:s24], $0x1000  }
0x79: {  	p0 =	seq.s32 s3, $0x9000;
	[sflag:s24] =	ssyncset.done $0x0  }
.Ltmp2:
0x7a: {  	s7 =	sadd.s32 $0x2B80, s11;
	[sflag:s24] =	ssyncadd.s32 $0xFFFFF000;
	(pc) =	sbr.rel @p0 .LBB2_4-.Ltmp2, $4  }
0x7b: {  	[spmem:s2] =	stream.indirect.scatter.add.f32 [tilespmem:s1], [sflag:$0x10], $0x20, s7, s17, $0xb8;
	[tilespmem:$0x12000] =	vst v63  }
0x7c: {  	_ =	swait.ge [sflag:s26], $0x1000  }
0x7d: {  	[sflag:s26] =	ssyncset.done $0x0  }
0x7e: {  	[sflag:s26] =	ssyncadd.s32 $0xFFFFF000  }
0x7f: {  	s13 =	sadd.s32 $0x400, s11  }
0x80: {  	[tilespmem:s18], [sflag:$0x1] =	stream.indirect.gather [hbm4b:s4+s17], $0x20, s13, s17, $0xb8;
	[tilespmem:$0x12000] =	vst v63  }
0x81: {  	_ =	swait.ge [sflag:s29], $0x1000  }
0x82: {  	[sflag:s29] =	ssyncset.done $0x0  }
0x83: {  	s7 =	sadd.s32 $0x480, s11;
	[sflag:s29] =	ssyncadd.s32 $0xFFFFF000  }
0x84: {  	[tilespmem:s19], [sflag:$0x2] =	stream.indirect.gather [hbm4b:s4+s17], $0x20, s7, s17, $0xb8;
	[tilespmem:$0x12000] =	vst v63  }
0x85: {  	_ =	swait.ge [sflag:s31], $0x1000  }
0x86: {  	[sflag:s31] =	ssyncset.done $0x0  }
0x87: {  	s7 =	sadd.s32 $0x500, s11;
	[sflag:s31] =	ssyncadd.s32 $0xFFFFF000  }
0x88: {  	[tilespmem:s21], [sflag:$0x3] =	stream.indirect.gather [hbm4b:s4+s17], $0x20, s7, s17, $0xb8;
	[tilespmem:$0x12000] =	vst v63  }
0x89: {  	_ =	swait.ge [sflag:s5], $0x1000  }
0x8a: {  	[sflag:s5] =	ssyncset.done $0x0  }
0x8b: {  	s7 =	sadd.s32 $0x580, s11;
	[sflag:s5] =	ssyncadd.s32 $0xFFFFF000  }
0x8c: {  	[tilespmem:s23], [sflag:$0x4] =	stream.indirect.gather [hbm4b:s4+s17], $0x20, s7, s17, $0xb8;
	[tilespmem:$0x12000] =	vst v63  }
0x8d: {  	_ =	swait.ge [sflag:s6], $0x1000  }
0x8e: {  	[sflag:s6] =	ssyncset.done $0x0  }
0x8f: {  	s7 =	sadd.s32 $0x600, s11;
	[sflag:s6] =	ssyncadd.s32 $0xFFFFF000  }
0x90: {  	[tilespmem:s25], [sflag:$0x5] =	stream.indirect.gather [hbm4b:s4+s17], $0x20, s7, s17, $0xb8;
	[tilespmem:$0x12000] =	vst v63  }
0x91: {  	_ =	swait.ge [sflag:s8], $0x1000  }
0x92: {  	[sflag:s8] =	ssyncset.done $0x0  }
0x93: {  	s7 =	sadd.s32 $0x680, s11;
	[sflag:s8] =	ssyncadd.s32 $0xFFFFF000  }
0x94: {  	[tilespmem:s28], [sflag:$0x6] =	stream.indirect.gather [hbm4b:s4+s17], $0x20, s7, s17, $0xb8;
	[tilespmem:$0x12000] =	vst v63  }
0x95: {  	_ =	swait.ge [sflag:s9], $0x1000  }
0x96: {  	[sflag:s9] =	ssyncset.done $0x0  }
0x97: {  	s7 =	sadd.s32 $0x700, s11;
	[sflag:s9] =	ssyncadd.s32 $0xFFFFF000  }
0x98: {  	[tilespmem:s30], [sflag:$0x7] =	stream.indirect.gather [hbm4b:s4+s17], $0x20, s7, s17, $0xb8;
	[tilespmem:$0x12000] =	vst v63  }
.Ltmp3:
0x99: {  	_ = 	snop;
	(pc) =	sbr.rel .LBB2_2-.Ltmp3, $4  }
0x9a: {  	_ =	swait.ge [sflag:s10], $0x1000  }
0x9b: {  	[sflag:s10] =	ssyncset.done $0x0  }
0x9c: {  	s3 =	sadd.s32 $0x1000, s3;
	s13 =	sadd.s32 $0x780, s11;
	[sflag:s10] =	ssyncadd.s32 $0xFFFFF000  }
0x9d: {  	[tilespmem:s1], [sflag:$0x8] =	stream.indirect.gather [hbm4b:s4+s17], $0x20, s13, s17, $0xb8;
	[tilespmem:$0x12000] =	vst v63  }
.LBB2_5:
0x9e: {  	_ =	sfence.sel $0x180000  }
0x9f: {  	[bflag:$0x0] =	sbarrier.arrive $0xFFFF  }
0xa0: {  	_ =	strace $0x90000050  }
0xa1: {  	s0 =	stileid.u32;
	[bflag:$0x2] =	sbarrier.arrive $0xFFFF  }
0xa2: {  	p0 =	sne.s32 s0, $0x0;
	s0 =	rddreg [dreg:$0x2]  }
0xa3: {  	s0 =	sadd.s32 @!p0 $0x100000, s0  }
0xa4: {  	[sflag:s0] =	ssyncadd.tile.s32 @!p0 $0x1;
	_ =	shalt  }
.Lfunc_end2:
_tile_overlayer_lowered:
.L_overlay_start_2:
0xa5: {  	(tag) =	ssettag $0x2  }
0xa6: {  	s0 =	rddreg [dreg:$0x0];
	s2 =	stileid.u32  }
0xa7: {  	s1 =	rddreg [dreg:$0x1];
	p0 =	sne.s32 s2, $0x0  }
0xa8: {  	s3 =	rddreg [dreg:$0x2];
	[bflag:$0x3] =	sbarrier.arrive $0xFFFF;
	s2 =	simm.s32 @!p0 $0x1C11  }
0xa9: {  	[timem:s3], [sflag:s2] =	dma.local @!p0 [hbm:s0], s1  }
0xaa: {  	s0 =	simm.s32 @!p0 $0x11  }
0xab: {  	_ =	swait.ge @!p0 [sflag:s0], s1  }
0xac: {  	s1 =	ssub.s32 @!p0 $0x0, s1;
	[sflag:s0] =	ssyncset.done @!p0 $0x0  }
0xad: {  	[sflag:s0] =	ssyncadd.s32 @!p0 s1  }
0xae: {  	[bflag:$0x3] =	sbarrier.arrive $0xFFFF  }
0xaf: {  	_ =	shalt  }

</sc_bundles>
